<compile_context>
chip_gen: v7x
topology: tpu7x:2x2x1
jax: 0.10.2.dev20260603
libtpu: 0.0.44.dev20260713+nightly
codegen_flags: <defaults>
</compile_context>

<pallas_src>
import functools

import jax
import jax.numpy as jnp
from jax import lax
from jax.experimental import pallas as pl
from jax.experimental.pallas import tpu as pltpu
from jax.experimental.pallas import tpu_sc as plsc

_N = 10000
_E = 320000
_D = 128
_K = 5

_NC = 2
_NS = 16
_NW = _NC * _NS
_EPW = _E // _NW
_CH = 88
_EPWP = 10032
_NCHUNK = _EPWP // _CH
_CHD = 80
_NCHD = _EPW // _CHD
_RPT = 640
_NPAD = _NS * _RPT
_BR = 1000

_sc_mesh = plsc.VectorSubcoreMesh(core_axis_name="c", subcore_axis_name="s")


@functools.partial(
    pl.kernel,
    out_type=jax.ShapeDtypeStruct((_NC, _NPAD), jnp.float32),
    mesh=_sc_mesh,
    scratch_types=[
        pltpu.VMEM((_NCHD, _CHD), jnp.int32),
        pltpu.VMEM((_CHD,), jnp.float32),
        pltpu.VMEM((_RPT,), jnp.float32),
        pltpu.VMEM_SHARED((_NPAD,), jnp.float32),
    ],
)
def _deg_kernel(dst_hbm, degp_hbm, dst_v, ones_v, zero_v, deg_sh):
    cid = lax.axis_index("c")
    sid = lax.axis_index("s")
    pltpu.sync_copy(dst_hbm.at[cid, sid], dst_v)
    for i in range(_CHD // 16):
        ones_v[pl.ds(i * 16, 16)] = jnp.full((16,), 1.0, jnp.float32)
    for i in range(_RPT // 16):
        zero_v[pl.ds(i * 16, 16)] = jnp.zeros((16,), jnp.float32)
    pltpu.sync_copy(zero_v, deg_sh.at[pl.ds(sid * _RPT, _RPT)])
    plsc.subcore_barrier()

    def body(k, carry):
        pltpu.sync_copy(ones_v, deg_sh.at[dst_v.at[k]], add=True)
        return carry

    lax.fori_loop(0, _NCHD, body, 0)
    plsc.subcore_barrier()
    pltpu.sync_copy(deg_sh.at[pl.ds(sid * _RPT, _RPT)],
                    degp_hbm.at[cid, pl.ds(sid * _RPT, _RPT)])


_NBUF = 2


@functools.partial(
    pl.kernel,
    out_type=jax.ShapeDtypeStruct((_NC, _NPAD, _D), jnp.float32),
    mesh=_sc_mesh,
    scratch_types=[
        pltpu.VMEM((_EPWP,), jnp.int32),
        pltpu.VMEM((_NCHUNK, _CH), jnp.int32),
        [pltpu.VMEM((_CH, _D), jnp.float32) for _ in range(_NBUF)],
        pltpu.VMEM_SHARED((_NPAD, _D), jnp.float32),
        [pltpu.SemaphoreType.DMA for _ in range(_NBUF)],
    ],
)
def _agg_kernel(u_hbm, src_hbm, dst_hbm, aggp_hbm,
                src_v, dst_v, rows_v, agg_sh, sems):
    cid = lax.axis_index("c")
    sid = lax.axis_index("s")
    def zrow(r, c):
        for q in range(_D // 16):
            rows_v[0][r, pl.ds(q * 16, 16)] = jnp.zeros((16,), jnp.float32)
        return c

    lax.fori_loop(0, _CH, zrow, 0)
    for z in range(_RPT // 80):
        pltpu.sync_copy(rows_v[0].at[pl.ds(0, 80)],
                        agg_sh.at[pl.ds(sid * _RPT + z * 80, 80)])
    pltpu.sync_copy(src_hbm.at[cid, sid], src_v)
    pltpu.sync_copy(dst_hbm.at[cid, sid], dst_v)
    plsc.subcore_barrier()

    def gather(k, b):
        pltpu.async_copy(u_hbm.at[cid].at[src_v.at[pl.ds(k * _CH, _CH)]],
                         rows_v[b], sems[b])

    def gather_wait(k, b):
        pltpu.make_async_copy(u_hbm.at[cid].at[src_v.at[pl.ds(k * _CH, _CH)]],
                              rows_v[b], sems[b]).wait()

    for b in range(_NBUF):
        gather(b, b)

    def group(g, carry):
        k0 = g * _NBUF
        for b in range(_NBUF):
            k = k0 + b
            gather_wait(k, b)
            pltpu.sync_copy(rows_v[b], agg_sh.at[dst_v.at[k]], add=True)

            @pl.when(k + _NBUF < _NCHUNK)
            def _():
                gather(k + _NBUF, b)
        return carry

    lax.fori_loop(0, _NCHUNK // _NBUF, group, 0)
    plsc.subcore_barrier()
    pltpu.sync_copy(agg_sh.at[pl.ds(sid * _RPT, _RPT)],
                    aggp_hbm.at[cid, pl.ds(sid * _RPT, _RPT)])


def _dense1_body(x_ref, w_ref, b_ref, o_ref):
    o_ref[...] = jnp.dot(x_ref[...], w_ref[...],
                         preferred_element_type=jnp.float32) + b_ref[...]


def _dinv_body(degp_ref, o_ref):
    deg = degp_ref[0:1, :] + degp_ref[1:2, :] + 1.0
    o_ref[...] = lax.rsqrt(deg)


def _u0_body(dinv_ref, h_ref, o_ref):
    u = dinv_ref[...] * h_ref[...]
    o_ref[0] = u
    o_ref[1] = u


def _combine_body(aggp_ref, u_ref, h_ref, dinv_ref, o_ref):
    dinv = dinv_ref[...]
    s = aggp_ref[0] + aggp_ref[1] + u_ref[0]
    u = 0.5 * dinv * (dinv * s + h_ref[...])
    o_ref[0] = u
    o_ref[1] = u


def _final_body(aggp_ref, u_ref, h_ref, dinv_ref, w_ref, b_ref, o_ref):
    s = aggp_ref[0] + aggp_ref[1] + u_ref[0]
    z = 0.5 * (dinv_ref[...] * s + h_ref[...])
    o_ref[...] = jnp.dot(jax.nn.relu(z), w_ref[...],
                         preferred_element_type=jnp.float32) + b_ref[...]


def _row_specs(extras):
    specs = [
        pl.BlockSpec((_NC, _BR, _D), lambda i: (0, i, 0)),
        pl.BlockSpec((_NC, _BR, _D), lambda i: (0, i, 0)),
        pl.BlockSpec((_BR, _D), lambda i: (i, 0)),
        pl.BlockSpec((_BR, 1), lambda i: (i, 0)),
    ]
    specs += [pl.BlockSpec(s, lambda i: (0, 0)) for s in extras]
    return specs


def kernel(x, edge_index, W1, b1, W2, b2):
    src0 = edge_index[0].astype(jnp.int32).reshape(_NC * _NS, _EPW)
    dst0 = edge_index[1].astype(jnp.int32).reshape(_NC * _NS, _EPW)
    padn = _EPWP - _EPW
    wids = jnp.arange(_NC * _NS, dtype=jnp.int32)[:, None]
    pads = jnp.arange(padn, dtype=jnp.int32)[None, :]
    pad_src = (pads * 17 + wids * 311) % _N
    pad_dst = _N + (pads + wids * 7) % (_NPAD - _N)
    src = jnp.concatenate([src0, pad_src], axis=1).reshape(_NC, _NS, _EPWP)
    dst = jnp.concatenate([dst0, pad_dst], axis=1).reshape(
        _NC, _NS, _NCHUNK, _CH)

    h0 = pl.pallas_call(
        _dense1_body,
        grid=(_N // _BR,),
        in_specs=[
            pl.BlockSpec((_BR, _D), lambda i: (i, 0)),
            pl.BlockSpec((_D, _D), lambda i: (0, 0)),
            pl.BlockSpec((1, _D), lambda i: (0, 0)),
        ],
        out_specs=pl.BlockSpec((_BR, _D), lambda i: (i, 0)),
        out_shape=jax.ShapeDtypeStruct((_N, _D), jnp.float32),
    )(x, W1, b1.reshape(1, _D))

    degp = _deg_kernel(dst0.reshape(_NC, _NS, _NCHD, _CHD))

    dinv_row = pl.pallas_call(
        _dinv_body,
        out_shape=jax.ShapeDtypeStruct((1, _NPAD), jnp.float32),
    )(degp)
    dinv_col = dinv_row.reshape(_NPAD, 1)[:_N]

    u = pl.pallas_call(
        _u0_body,
        grid=(_N // _BR,),
        in_specs=[
            pl.BlockSpec((_BR, 1), lambda i: (i, 0)),
            pl.BlockSpec((_BR, _D), lambda i: (i, 0)),
        ],
        out_specs=pl.BlockSpec((_NC, _BR, _D), lambda i: (0, i, 0)),
        out_shape=jax.ShapeDtypeStruct((_NC, _N, _D), jnp.float32),
    )(dinv_col, h0)

    for _ in range(_K - 1):
        aggp = _agg_kernel(u, src, dst)
        u = pl.pallas_call(
            _combine_body,
            grid=(_N // _BR,),
            in_specs=_row_specs([]),
            out_specs=pl.BlockSpec((_NC, _BR, _D), lambda i: (0, i, 0)),
            out_shape=jax.ShapeDtypeStruct((_NC, _N, _D), jnp.float32),
        )(aggp, u, h0, dinv_col)

    aggp = _agg_kernel(u, src, dst)
    out = pl.pallas_call(
        _final_body,
        grid=(_N // _BR,),
        in_specs=_row_specs([(_D, _D), (1, _D)]),
        out_specs=pl.BlockSpec((_BR, _D), lambda i: (i, 0)),
        out_shape=jax.ShapeDtypeStruct((_N, _D), jnp.float32),
    )(aggp, u, h0, dinv_col, W2, b2.reshape(1, _D))
    return out

# --- scband reference (transcript-rebuilt; emitter-appended) ---
"""Pipeline reference for scband-appnpnet-69002944578215 (READ-ONLY COPY).

The authoritative reference and input builder live on the scoring server;
editing this copy changes nothing except your own understanding.
"""

import jax, jax.numpy as jnp
import numpy as np

N_NODES = 10000
N_EDGES = 320000
D_IN = 128
D_HID = 128
D_OUT = 128
K = 5
ALPHA = 0.5


def setup_inputs(seed: int = 0) -> dict:
    key = jax.random.key(seed)
    ks = jax.random.split(key, 6)
    x = jax.random.normal(ks[0], (N_NODES, D_IN), dtype=jnp.float32)
    edge_index = jax.random.randint(ks[1], (2, N_EDGES), 0, N_NODES, dtype=jnp.int64)
    lim1 = 1.0 / np.sqrt(D_IN)
    W1 = jax.random.uniform(ks[2], (D_IN, D_HID), minval=-lim1, maxval=lim1, dtype=jnp.float32)
    b1 = jax.random.uniform(ks[3], (D_HID,), minval=-lim1, maxval=lim1, dtype=jnp.float32)
    lim2 = 1.0 / np.sqrt(D_HID)
    W2 = jax.random.uniform(ks[4], (D_HID, D_OUT), minval=-lim2, maxval=lim2, dtype=jnp.float32)
    b2 = jax.random.uniform(ks[5], (D_OUT,), minval=-lim2, maxval=lim2, dtype=jnp.float32)
    return {"x": x, "edge_index": edge_index, "W1": W1, "b1": b1, "W2": W2, "b2": b2}


def _appnp_propagate(h, src, dst, norm, n_nodes):
    # z_{t+1} = (1 - alpha) * A_hat z_t + alpha * h0
    h0 = h
    z = h
    for _ in range(K):
        msg = z[src] * norm[:, None]
        agg = jax.ops.segment_sum(msg, dst, num_segments=n_nodes)
        z = (1.0 - ALPHA) * agg + ALPHA * h0
    return z


def reference(x, edge_index, W1, b1, W2, b2):
    n_nodes = x.shape[0]
    # lin1
    h = x @ W1 + b1
    # GCN normalization with self-loops (PyG APPNP default, edge_weight=None -> ones)
    src = edge_index[0]
    dst = edge_index[1]
    loop = jnp.arange(n_nodes, dtype=src.dtype)
    src = jnp.concatenate([src, loop])
    dst = jnp.concatenate([dst, loop])
    w = jnp.ones(src.shape[0], dtype=jnp.float32)
    deg = jax.ops.segment_sum(w, dst, num_segments=n_nodes)
    dinv = jnp.where(deg > 0, deg ** -0.5, 0.0)
    norm = dinv[src] * w * dinv[dst]
    # APPNP propagation (dropout=0 in eval / PyG APPNP default)
    h = _appnp_propagate(h, src, dst, norm, n_nodes)
    # activation + lin2
    h = jax.nn.relu(h)
    out = h @ W2 + b2
    return out

if __name__ == "__main__":
    import jax
    _d = setup_inputs()
    print(jax.jit(kernel)(*tuple(_d.values())))

</pallas_src>

<mosaic_0001>
#map = affine_map<(d0, d1) -> (0, 0, 0)>
#map1 = affine_map<(d0, d1) -> (0, 0, 0, 0)>
module attributes {stable_mosaic.version = 14 : i64} {
  func.func @_agg_kernel(%arg0: i32, %arg1: i32, %arg2: memref<2x10000x128xf32, #tpu.memory_space<hbm>>, %arg3: memref<2x16x10032xi32, #tpu.memory_space<hbm>>, %arg4: memref<2x16x114x88xi32, #tpu.memory_space<hbm>>, %arg5: memref<2x10240x128xf32, #tpu.memory_space<hbm>>, %arg6: memref<10032xi32, #tpu.memory_space<vmem>>, %arg7: memref<114x88xi32, #tpu.memory_space<vmem>>, %arg8: memref<88x128xf32, #tpu.memory_space<vmem>>, %arg9: memref<88x128xf32, #tpu.memory_space<vmem>>, %arg10: memref<10240x128xf32, #tpu.memory_space<vmem_shared>>, %arg11: memref<!tpu.dma_semaphore, #tpu.memory_space<semaphore_mem>>, %arg12: memref<!tpu.dma_semaphore, #tpu.memory_space<semaphore_mem>>) attributes {dimension_semantics = [#tpu.dimension_semantics<core_parallel>, #tpu.dimension_semantics<subcore_parallel>], iteration_bounds = array<i64: 2, 16>, scalar_prefetch = 0 : i64, scratch_operands = 7 : i64, tpu.core_type = #tpu.core_type<sc_vector_subcore>, window_params = [{transform_indices = #map}, {transform_indices = #map}, {transform_indices = #map1}, {transform_indices = #map}]} {
    %scan3A = arith.constant 0 : i32
    %scan3A_0 = arith.constant 0 : i32
    %scan3A_1 = arith.constant 88 : i32
    %scan3A_2 = arith.addi %scan3A_0, %scan3A_1 : i32
    %scan3A_3 = arith.constant 1 : i32
    scf.for %scan3A_63 = %scan3A_0 to %scan3A_2 step %scan3A_3  : i32 {
      %broadcast_in_dim3A = arith.constant 0.000000e+00 : f32
      %broadcast_in_dim3A_64 = vector.broadcast %broadcast_in_dim3A : f32 to vector<16xf32>
      %swap3A = arith.index_cast %scan3A_63 : i32 to index
      %swap3A_65 = arith.constant 0 : index
      %swap3A_66 = tpu.vector_load %arg8[%swap3A, %swap3A_65] {strides = array<i32>} : memref<88x128xf32, #tpu.memory_space<vmem>>, vector<1x16xf32>,
      %swap3A_67 = vector.shape_cast %swap3A_66 : vector<1x16xf32> to vector<16xf32>
      %swap3A_68 = vector.shape_cast %broadcast_in_dim3A_64 : vector<16xf32> to vector<1x16xf32>
      tpu.vector_store %arg8[%swap3A, %swap3A_65], %swap3A_68 {strides = array<i32>} : memref<88x128xf32, #tpu.memory_space<vmem>>, vector<1x16xf32>,
      %broadcast_in_dim3A_69 = arith.constant 0.000000e+00 : f32
      %broadcast_in_dim3A_70 = vector.broadcast %broadcast_in_dim3A_69 : f32 to vector<16xf32>
      %swap3A_71 = arith.index_cast %scan3A_63 : i32 to index
      %swap3A_72 = arith.constant 16 : index
      %swap3A_73 = tpu.vector_load %arg8[%swap3A_71, %swap3A_72] {strides = array<i32>} : memref<88x128xf32, #tpu.memory_space<vmem>>, vector<1x16xf32>,
      %swap3A_74 = vector.shape_cast %swap3A_73 : vector<1x16xf32> to vector<16xf32>
      %swap3A_75 = vector.shape_cast %broadcast_in_dim3A_70 : vector<16xf32> to vector<1x16xf32>
      tpu.vector_store %arg8[%swap3A_71, %swap3A_72], %swap3A_75 {strides = array<i32>} : memref<88x128xf32, #tpu.memory_space<vmem>>, vector<1x16xf32>,
      %broadcast_in_dim3A_76 = arith.constant 0.000000e+00 : f32
      %broadcast_in_dim3A_77 = vector.broadcast %broadcast_in_dim3A_76 : f32 to vector<16xf32>
      %swap3A_78 = arith.index_cast %scan3A_63 : i32 to index
      %swap3A_79 = arith.constant 32 : index
      %swap3A_80 = tpu.vector_load %arg8[%swap3A_78, %swap3A_79] {strides = array<i32>} : memref<88x128xf32, #tpu.memory_space<vmem>>, vector<1x16xf32>,
      %swap3A_81 = vector.shape_cast %swap3A_80 : vector<1x16xf32> to vector<16xf32>
      %swap3A_82 = vector.shape_cast %broadcast_in_dim3A_77 : vector<16xf32> to vector<1x16xf32>
      tpu.vector_store %arg8[%swap3A_78, %swap3A_79], %swap3A_82 {strides = array<i32>} : memref<88x128xf32, #tpu.memory_space<vmem>>, vector<1x16xf32>,
      %broadcast_in_dim3A_83 = arith.constant 0.000000e+00 : f32
      %broadcast_in_dim3A_84 = vector.broadcast %broadcast_in_dim3A_83 : f32 to vector<16xf32>
      %swap3A_85 = arith.index_cast %scan3A_63 : i32 to index
      %swap3A_86 = arith.constant 48 : index
      %swap3A_87 = tpu.vector_load %arg8[%swap3A_85, %swap3A_86] {strides = array<i32>} : memref<88x128xf32, #tpu.memory_space<vmem>>, vector<1x16xf32>,
      %swap3A_88 = vector.shape_cast %swap3A_87 : vector<1x16xf32> to vector<16xf32>
      %swap3A_89 = vector.shape_cast %broadcast_in_dim3A_84 : vector<16xf32> to vector<1x16xf32>
      tpu.vector_store %arg8[%swap3A_85, %swap3A_86], %swap3A_89 {strides = array<i32>} : memref<88x128xf32, #tpu.memory_space<vmem>>, vector<1x16xf32>,
      %broadcast_in_dim3A_90 = arith.constant 0.000000e+00 : f32
      %broadcast_in_dim3A_91 = vector.broadcast %broadcast_in_dim3A_90 : f32 to vector<16xf32>
      %swap3A_92 = arith.index_cast %scan3A_63 : i32 to index
      %swap3A_93 = arith.constant 64 : index
      %swap3A_94 = tpu.vector_load %arg8[%swap3A_92, %swap3A_93] {strides = array<i32>} : memref<88x128xf32, #tpu.memory_space<vmem>>, vector<1x16xf32>,
      %swap3A_95 = vector.shape_cast %swap3A_94 : vector<1x16xf32> to vector<16xf32>
      %swap3A_96 = vector.shape_cast %broadcast_in_dim3A_91 : vector<16xf32> to vector<1x16xf32>
      tpu.vector_store %arg8[%swap3A_92, %swap3A_93], %swap3A_96 {strides = array<i32>} : memref<88x128xf32, #tpu.memory_space<vmem>>, vector<1x16xf32>,
      %broadcast_in_dim3A_97 = arith.constant 0.000000e+00 : f32
      %broadcast_in_dim3A_98 = vector.broadcast %broadcast_in_dim3A_97 : f32 to vector<16xf32>
      %swap3A_99 = arith.index_cast %scan3A_63 : i32 to index
      %swap3A_100 = arith.constant 80 : index
      %swap3A_101 = tpu.vector_load %arg8[%swap3A_99, %swap3A_100] {strides = array<i32>} : memref<88x128xf32, #tpu.memory_space<vmem>>, vector<1x16xf32>,
      %swap3A_102 = vector.shape_cast %swap3A_101 : vector<1x16xf32> to vector<16xf32>
      %swap3A_103 = vector.shape_cast %broadcast_in_dim3A_98 : vector<16xf32> to vector<1x16xf32>
      tpu.vector_store %arg8[%swap3A_99, %swap3A_100], %swap3A_103 {strides = array<i32>} : memref<88x128xf32, #tpu.memory_space<vmem>>, vector<1x16xf32>,
      %broadcast_in_dim3A_104 = arith.constant 0.000000e+00 : f32
      %broadcast_in_dim3A_105 = vector.broadcast %broadcast_in_dim3A_104 : f32 to vector<16xf32>
      %swap3A_106 = arith.index_cast %scan3A_63 : i32 to index
      %swap3A_107 = arith.constant 96 : index
      %swap3A_108 = tpu.vector_load %arg8[%swap3A_106, %swap3A_107] {strides = array<i32>} : memref<88x128xf32, #tpu.memory_space<vmem>>, vector<1x16xf32>,
      %swap3A_109 = vector.shape_cast %swap3A_108 : vector<1x16xf32> to vector<16xf32>
      %swap3A_110 = vector.shape_cast %broadcast_in_dim3A_105 : vector<16xf32> to vector<1x16xf32>
      tpu.vector_store %arg8[%swap3A_106, %swap3A_107], %swap3A_110 {strides = array<i32>} : memref<88x128xf32, #tpu.memory_space<vmem>>, vector<1x16xf32>,
      %broadcast_in_dim3A_111 = arith.constant 0.000000e+00 : f32
      %broadcast_in_dim3A_112 = vector.broadcast %broadcast_in_dim3A_111 : f32 to vector<16xf32>
      %swap3A_113 = arith.index_cast %scan3A_63 : i32 to index
      %swap3A_114 = arith.constant 112 : index
      %swap3A_115 = tpu.vector_load %arg8[%swap3A_113, %swap3A_114] {strides = array<i32>} : memref<88x128xf32, #tpu.memory_space<vmem>>, vector<1x16xf32>,
      %swap3A_116 = vector.shape_cast %swap3A_115 : vector<1x16xf32> to vector<16xf32>
      %swap3A_117 = vector.shape_cast %broadcast_in_dim3A_112 : vector<16xf32> to vector<1x16xf32>
      tpu.vector_store %arg8[%swap3A_113, %swap3A_114], %swap3A_117 {strides = array<i32>} : memref<88x128xf32, #tpu.memory_space<vmem>>, vector<1x16xf32>,
    }
    %scan3A_4 = arith.constant 88 : i32
    %mul3A = arith.constant 640 : i32
    %mul3A_5 = arith.muli %arg1, %mul3A : i32
    %add3A = arith.constant 0 : i32
    %add3A_6 = arith.addi %mul3A_5, %add3A : i32
    "tpu.region"() ({
      %run_scoped3A = tpu.sem_alloc : memref<!tpu.dma_semaphore, #tpu.memory_space<semaphore_mem>>
      %dma_start3A_63 = arith.constant 0 : i32
      %dma_start3A_64 = arith.constant 0 : i32
      %dma_start3A_65 = tpu.memref_slice %arg8[%dma_start3A_63, %dma_start3A_64] : memref<88x128xf32, #tpu.memory_space<vmem>> -> memref<80x128xf32, #tpu.memory_space<vmem>>
      %dma_start3A_66 = arith.constant 0 : i32
      %dma_start3A_67 = tpu.memref_slice %arg10[%add3A_6, %dma_start3A_66] : memref<10240x128xf32, #tpu.memory_space<vmem_shared>> -> memref<80x128xf32, #tpu.memory_space<vmem_shared>>
      %dma_start3A_68 = arith.constant 0 : i32
      %dma_start3A_69 = tpu.memref_slice %arg10[%add3A_6, %dma_start3A_68] : memref<10240x128xf32, #tpu.memory_space<vmem_shared>> -> memref<80x128xf32, #tpu.memory_space<vmem_shared>>
      %dma_start3A_70 = arith.constant 0 : i32
      %dma_start3A_71 = arith.constant 0 : i32
      %dma_start3A_72 = tpu.memref_slice %arg8[%dma_start3A_70, %dma_start3A_71] : memref<88x128xf32, #tpu.memory_space<vmem>> -> memref<80x128xf32, #tpu.memory_space<vmem>>
      tpu.enqueue_dma source(%dma_start3A_72 : memref<80x128xf32, #tpu.memory_space<vmem>>) target(%dma_start3A_69 : memref<80x128xf32, #tpu.memory_space<vmem_shared>>) target_semaphore(%run_scoped3A : memref<!tpu.dma_semaphore, #tpu.memory_space<semaphore_mem>>)
      %dma_wait3A = arith.constant 0 : i32
      %dma_wait3A_73 = arith.constant 0 : i32
      %dma_wait3A_74 = tpu.memref_slice %arg8[%dma_wait3A, %dma_wait3A_73] : memref<88x128xf32, #tpu.memory_space<vmem>> -> memref<80x128xf32, #tpu.memory_space<vmem>>
      %dma_wait3A_75 = arith.constant 0 : i32
      %dma_wait3A_76 = tpu.memref_slice %arg10[%add3A_6, %dma_wait3A_75] : memref<10240x128xf32, #tpu.memory_space<vmem_shared>> -> memref<80x128xf32, #tpu.memory_space<vmem_shared>>
      %dma_wait3A_77 = arith.constant 0 : i32
      %dma_wait3A_78 = tpu.memref_slice %arg10[%add3A_6, %dma_wait3A_77] : memref<10240x128xf32, #tpu.memory_space<vmem_shared>> -> memref<80x128xf32, #tpu.memory_space<vmem_shared>>
      %dma_wait3A_79 = arith.constant 0 : i32
      %dma_wait3A_80 = arith.constant 0 : i32
      %dma_wait3A_81 = tpu.memref_slice %arg8[%dma_wait3A_79, %dma_wait3A_80] : memref<88x128xf32, #tpu.memory_space<vmem>> -> memref<80x128xf32, #tpu.memory_space<vmem>>
      tpu.wait_dma2 semaphore(%run_scoped3A : memref<!tpu.dma_semaphore, #tpu.memory_space<semaphore_mem>>) src(%dma_wait3A_81 : memref<80x128xf32, #tpu.memory_space<vmem>>) dst(%dma_wait3A_78 : memref<80x128xf32, #tpu.memory_space<vmem_shared>>)
      tpu.yield
    }) : () -> ()
    %mul3A_7 = arith.constant 640 : i32
    %mul3A_8 = arith.muli %arg1, %mul3A_7 : i32
    %add3A_9 = arith.constant 80 : i32
    %add3A_10 = arith.addi %mul3A_8, %add3A_9 : i32
    "tpu.region"() ({
      %run_scoped3A = tpu.sem_alloc : memref<!tpu.dma_semaphore, #tpu.memory_space<semaphore_mem>>
      %dma_start3A_63 = arith.constant 0 : i32
      %dma_start3A_64 = arith.constant 0 : i32
      %dma_start3A_65 = tpu.memref_slice %arg8[%dma_start3A_63, %dma_start3A_64] : memref<88x128xf32, #tpu.memory_space<vmem>> -> memref<80x128xf32, #tpu.memory_space<vmem>>
      %dma_start3A_66 = arith.constant 0 : i32
      %dma_start3A_67 = tpu.memref_slice %arg10[%add3A_10, %dma_start3A_66] : memref<10240x128xf32, #tpu.memory_space<vmem_shared>> -> memref<80x128xf32, #tpu.memory_space<vmem_shared>>
      %dma_start3A_68 = arith.constant 0 : i32
      %dma_start3A_69 = tpu.memref_slice %arg10[%add3A_10, %dma_start3A_68] : memref<10240x128xf32, #tpu.memory_space<vmem_shared>> -> memref<80x128xf32, #tpu.memory_space<vmem_shared>>
      %dma_start3A_70 = arith.constant 0 : i32
      %dma_start3A_71 = arith.constant 0 : i32
      %dma_start3A_72 = tpu.memref_slice %arg8[%dma_start3A_70, %dma_start3A_71] : memref<88x128xf32, #tpu.memory_space<vmem>> -> memref<80x128xf32, #tpu.memory_space<vmem>>
      tpu.enqueue_dma source(%dma_start3A_72 : memref<80x128xf32, #tpu.memory_space<vmem>>) target(%dma_start3A_69 : memref<80x128xf32, #tpu.memory_space<vmem_shared>>) target_semaphore(%run_scoped3A : memref<!tpu.dma_semaphore, #tpu.memory_space<semaphore_mem>>)
      %dma_wait3A = arith.constant 0 : i32
      %dma_wait3A_73 = arith.constant 0 : i32
      %dma_wait3A_74 = tpu.memref_slice %arg8[%dma_wait3A, %dma_wait3A_73] : memref<88x128xf32, #tpu.memory_space<vmem>> -> memref<80x128xf32, #tpu.memory_space<vmem>>
      %dma_wait3A_75 = arith.constant 0 : i32
      %dma_wait3A_76 = tpu.memref_slice %arg10[%add3A_10, %dma_wait3A_75] : memref<10240x128xf32, #tpu.memory_space<vmem_shared>> -> memref<80x128xf32, #tpu.memory_space<vmem_shared>>
      %dma_wait3A_77 = arith.constant 0 : i32
      %dma_wait3A_78 = tpu.memref_slice %arg10[%add3A_10, %dma_wait3A_77] : memref<10240x128xf32, #tpu.memory_space<vmem_shared>> -> memref<80x128xf32, #tpu.memory_space<vmem_shared>>
      %dma_wait3A_79 = arith.constant 0 : i32
      %dma_wait3A_80 = arith.constant 0 : i32
      %dma_wait3A_81 = tpu.memref_slice %arg8[%dma_wait3A_79, %dma_wait3A_80] : memref<88x128xf32, #tpu.memory_space<vmem>> -> memref<80x128xf32, #tpu.memory_space<vmem>>
      tpu.wait_dma2 semaphore(%run_scoped3A : memref<!tpu.dma_semaphore, #tpu.memory_space<semaphore_mem>>) src(%dma_wait3A_81 : memref<80x128xf32, #tpu.memory_space<vmem>>) dst(%dma_wait3A_78 : memref<80x128xf32, #tpu.memory_space<vmem_shared>>)
      tpu.yield
    }) : () -> ()
    %mul3A_11 = arith.constant 640 : i32
    %mul3A_12 = arith.muli %arg1, %mul3A_11 : i32
    %add3A_13 = arith.constant 160 : i32
    %add3A_14 = arith.addi %mul3A_12, %add3A_13 : i32
    "tpu.region"() ({
      %run_scoped3A = tpu.sem_alloc : memref<!tpu.dma_semaphore, #tpu.memory_space<semaphore_mem>>
      %dma_start3A_63 = arith.constant 0 : i32
      %dma_start3A_64 = arith.constant 0 : i32
      %dma_start3A_65 = tpu.memref_slice %arg8[%dma_start3A_63, %dma_start3A_64] : memref<88x128xf32, #tpu.memory_space<vmem>> -> memref<80x128xf32, #tpu.memory_space<vmem>>
      %dma_start3A_66 = arith.constant 0 : i32
      %dma_start3A_67 = tpu.memref_slice %arg10[%add3A_14, %dma_start3A_66] : memref<10240x128xf32, #tpu.memory_space<vmem_shared>> -> memref<80x128xf32, #tpu.memory_space<vmem_shared>>
      %dma_start3A_68 = arith.constant 0 : i32
      %dma_start3A_69 = tpu.memref_slice %arg10[%add3A_14, %dma_start3A_68] : memref<10240x128xf32, #tpu.memory_space<vmem_shared>> -> memref<80x128xf32, #tpu.memory_space<vmem_shared>>
      %dma_start3A_70 = arith.constant 0 : i32
      %dma_start3A_71 = arith.constant 0 : i32
      %dma_start3A_72 = tpu.memref_slice %arg8[%dma_start3A_70, %dma_start3A_71] : memref<88x128xf32, #tpu.memory_space<vmem>> -> memref<80x128xf32, #tpu.memory_space<vmem>>
      tpu.enqueue_dma source(%dma_start3A_72 : memref<80x128xf32, #tpu.memory_space<vmem>>) target(%dma_start3A_69 : memref<80x128xf32, #tpu.memory_space<vmem_shared>>) target_semaphore(%run_scoped3A : memref<!tpu.dma_semaphore, #tpu.memory_space<semaphore_mem>>)
      %dma_wait3A = arith.constant 0 : i32
      %dma_wait3A_73 = arith.constant 0 : i32
      %dma_wait3A_74 = tpu.memref_slice %arg8[%dma_wait3A, %dma_wait3A_73] : memref<88x128xf32, #tpu.memory_space<vmem>> -> memref<80x128xf32, #tpu.memory_space<vmem>>
      %dma_wait3A_75 = arith.constant 0 : i32
      %dma_wait3A_76 = tpu.memref_slice %arg10[%add3A_14, %dma_wait3A_75] : memref<10240x128xf32, #tpu.memory_space<vmem_shared>> -> memref<80x128xf32, #tpu.memory_space<vmem_shared>>
      %dma_wait3A_77 = arith.constant 0 : i32
      %dma_wait3A_78 = tpu.memref_slice %arg10[%add3A_14, %dma_wait3A_77] : memref<10240x128xf32, #tpu.memory_space<vmem_shared>> -> memref<80x128xf32, #tpu.memory_space<vmem_shared>>
      %dma_wait3A_79 = arith.constant 0 : i32
      %dma_wait3A_80 = arith.constant 0 : i32
      %dma_wait3A_81 = tpu.memref_slice %arg8[%dma_wait3A_79, %dma_wait3A_80] : memref<88x128xf32, #tpu.memory_space<vmem>> -> memref<80x128xf32, #tpu.memory_space<vmem>>
      tpu.wait_dma2 semaphore(%run_scoped3A : memref<!tpu.dma_semaphore, #tpu.memory_space<semaphore_mem>>) src(%dma_wait3A_81 : memref<80x128xf32, #tpu.memory_space<vmem>>) dst(%dma_wait3A_78 : memref<80x128xf32, #tpu.memory_space<vmem_shared>>)
      tpu.yield
    }) : () -> ()
    %mul3A_15 = arith.constant 640 : i32
    %mul3A_16 = arith.muli %arg1, %mul3A_15 : i32
    %add3A_17 = arith.constant 240 : i32
    %add3A_18 = arith.addi %mul3A_16, %add3A_17 : i32
    "tpu.region"() ({
      %run_scoped3A = tpu.sem_alloc : memref<!tpu.dma_semaphore, #tpu.memory_space<semaphore_mem>>
      %dma_start3A_63 = arith.constant 0 : i32
      %dma_start3A_64 = arith.constant 0 : i32
      %dma_start3A_65 = tpu.memref_slice %arg8[%dma_start3A_63, %dma_start3A_64] : memref<88x128xf32, #tpu.memory_space<vmem>> -> memref<80x128xf32, #tpu.memory_space<vmem>>
      %dma_start3A_66 = arith.constant 0 : i32
      %dma_start3A_67 = tpu.memref_slice %arg10[%add3A_18, %dma_start3A_66] : memref<10240x128xf32, #tpu.memory_space<vmem_shared>> -> memref<80x128xf32, #tpu.memory_space<vmem_shared>>
      %dma_start3A_68 = arith.constant 0 : i32
      %dma_start3A_69 = tpu.memref_slice %arg10[%add3A_18, %dma_start3A_68] : memref<10240x128xf32, #tpu.memory_space<vmem_shared>> -> memref<80x128xf32, #tpu.memory_space<vmem_shared>>
      %dma_start3A_70 = arith.constant 0 : i32
      %dma_start3A_71 = arith.constant 0 : i32
      %dma_start3A_72 = tpu.memref_slice %arg8[%dma_start3A_70, %dma_start3A_71] : memref<88x128xf32, #tpu.memory_space<vmem>> -> memref<80x128xf32, #tpu.memory_space<vmem>>
      tpu.enqueue_dma source(%dma_start3A_72 : memref<80x128xf32, #tpu.memory_space<vmem>>) target(%dma_start3A_69 : memref<80x128xf32, #tpu.memory_space<vmem_shared>>) target_semaphore(%run_scoped3A : memref<!tpu.dma_semaphore, #tpu.memory_space<semaphore_mem>>)
      %dma_wait3A = arith.constant 0 : i32
      %dma_wait3A_73 = arith.constant 0 : i32
      %dma_wait3A_74 = tpu.memref_slice %arg8[%dma_wait3A, %dma_wait3A_73] : memref<88x128xf32, #tpu.memory_space<vmem>> -> memref<80x128xf32, #tpu.memory_space<vmem>>
      %dma_wait3A_75 = arith.constant 0 : i32
      %dma_wait3A_76 = tpu.memref_slice %arg10[%add3A_18, %dma_wait3A_75] : memref<10240x128xf32, #tpu.memory_space<vmem_shared>> -> memref<80x128xf32, #tpu.memory_space<vmem_shared>>
      %dma_wait3A_77 = arith.constant 0 : i32
      %dma_wait3A_78 = tpu.memref_slice %arg10[%add3A_18, %dma_wait3A_77] : memref<10240x128xf32, #tpu.memory_space<vmem_shared>> -> memref<80x128xf32, #tpu.memory_space<vmem_shared>>
      %dma_wait3A_79 = arith.constant 0 : i32
      %dma_wait3A_80 = arith.constant 0 : i32
      %dma_wait3A_81 = tpu.memref_slice %arg8[%dma_wait3A_79, %dma_wait3A_80] : memref<88x128xf32, #tpu.memory_space<vmem>> -> memref<80x128xf32, #tpu.memory_space<vmem>>
      tpu.wait_dma2 semaphore(%run_scoped3A : memref<!tpu.dma_semaphore, #tpu.memory_space<semaphore_mem>>) src(%dma_wait3A_81 : memref<80x128xf32, #tpu.memory_space<vmem>>) dst(%dma_wait3A_78 : memref<80x128xf32, #tpu.memory_space<vmem_shared>>)
      tpu.yield
    }) : () -> ()
    %mul3A_19 = arith.constant 640 : i32
    %mul3A_20 = arith.muli %arg1, %mul3A_19 : i32
    %add3A_21 = arith.constant 320 : i32
    %add3A_22 = arith.addi %mul3A_20, %add3A_21 : i32
    "tpu.region"() ({
      %run_scoped3A = tpu.sem_alloc : memref<!tpu.dma_semaphore, #tpu.memory_space<semaphore_mem>>
      %dma_start3A_63 = arith.constant 0 : i32
      %dma_start3A_64 = arith.constant 0 : i32
      %dma_start3A_65 = tpu.memref_slice %arg8[%dma_start3A_63, %dma_start3A_64] : memref<88x128xf32, #tpu.memory_space<vmem>> -> memref<80x128xf32, #tpu.memory_space<vmem>>
      %dma_start3A_66 = arith.constant 0 : i32
      %dma_start3A_67 = tpu.memref_slice %arg10[%add3A_22, %dma_start3A_66] : memref<10240x128xf32, #tpu.memory_space<vmem_shared>> -> memref<80x128xf32, #tpu.memory_space<vmem_shared>>
      %dma_start3A_68 = arith.constant 0 : i32
      %dma_start3A_69 = tpu.memref_slice %arg10[%add3A_22, %dma_start3A_68] : memref<10240x128xf32, #tpu.memory_space<vmem_shared>> -> memref<80x128xf32, #tpu.memory_space<vmem_shared>>
      %dma_start3A_70 = arith.constant 0 : i32
      %dma_start3A_71 = arith.constant 0 : i32
      %dma_start3A_72 = tpu.memref_slice %arg8[%dma_start3A_70, %dma_start3A_71] : memref<88x128xf32, #tpu.memory_space<vmem>> -> memref<80x128xf32, #tpu.memory_space<vmem>>
      tpu.enqueue_dma source(%dma_start3A_72 : memref<80x128xf32, #tpu.memory_space<vmem>>) target(%dma_start3A_69 : memref<80x128xf32, #tpu.memory_space<vmem_shared>>) target_semaphore(%run_scoped3A : memref<!tpu.dma_semaphore, #tpu.memory_space<semaphore_mem>>)
      %dma_wait3A = arith.constant 0 : i32
      %dma_wait3A_73 = arith.constant 0 : i32
      %dma_wait3A_74 = tpu.memref_slice %arg8[%dma_wait3A, %dma_wait3A_73] : memref<88x128xf32, #tpu.memory_space<vmem>> -> memref<80x128xf32, #tpu.memory_space<vmem>>
      %dma_wait3A_75 = arith.constant 0 : i32
      %dma_wait3A_76 = tpu.memref_slice %arg10[%add3A_22, %dma_wait3A_75] : memref<10240x128xf32, #tpu.memory_space<vmem_shared>> -> memref<80x128xf32, #tpu.memory_space<vmem_shared>>
      %dma_wait3A_77 = arith.constant 0 : i32
      %dma_wait3A_78 = tpu.memref_slice %arg10[%add3A_22, %dma_wait3A_77] : memref<10240x128xf32, #tpu.memory_space<vmem_shared>> -> memref<80x128xf32, #tpu.memory_space<vmem_shared>>
      %dma_wait3A_79 = arith.constant 0 : i32
      %dma_wait3A_80 = arith.constant 0 : i32
      %dma_wait3A_81 = tpu.memref_slice %arg8[%dma_wait3A_79, %dma_wait3A_80] : memref<88x128xf32, #tpu.memory_space<vmem>> -> memref<80x128xf32, #tpu.memory_space<vmem>>
      tpu.wait_dma2 semaphore(%run_scoped3A : memref<!tpu.dma_semaphore, #tpu.memory_space<semaphore_mem>>) src(%dma_wait3A_81 : memref<80x128xf32, #tpu.memory_space<vmem>>) dst(%dma_wait3A_78 : memref<80x128xf32, #tpu.memory_space<vmem_shared>>)
      tpu.yield
    }) : () -> ()
    %mul3A_23 = arith.constant 640 : i32
    %mul3A_24 = arith.muli %arg1, %mul3A_23 : i32
    %add3A_25 = arith.constant 400 : i32
    %add3A_26 = arith.addi %mul3A_24, %add3A_25 : i32
    "tpu.region"() ({
      %run_scoped3A = tpu.sem_alloc : memref<!tpu.dma_semaphore, #tpu.memory_space<semaphore_mem>>
      %dma_start3A_63 = arith.constant 0 : i32
      %dma_start3A_64 = arith.constant 0 : i32
      %dma_start3A_65 = tpu.memref_slice %arg8[%dma_start3A_63, %dma_start3A_64] : memref<88x128xf32, #tpu.memory_space<vmem>> -> memref<80x128xf32, #tpu.memory_space<vmem>>
      %dma_start3A_66 = arith.constant 0 : i32
      %dma_start3A_67 = tpu.memref_slice %arg10[%add3A_26, %dma_start3A_66] : memref<10240x128xf32, #tpu.memory_space<vmem_shared>> -> memref<80x128xf32, #tpu.memory_space<vmem_shared>>
      %dma_start3A_68 = arith.constant 0 : i32
      %dma_start3A_69 = tpu.memref_slice %arg10[%add3A_26, %dma_start3A_68] : memref<10240x128xf32, #tpu.memory_space<vmem_shared>> -> memref<80x128xf32, #tpu.memory_space<vmem_shared>>
      %dma_start3A_70 = arith.constant 0 : i32
      %dma_start3A_71 = arith.constant 0 : i32
      %dma_start3A_72 = tpu.memref_slice %arg8[%dma_start3A_70, %dma_start3A_71] : memref<88x128xf32, #tpu.memory_space<vmem>> -> memref<80x128xf32, #tpu.memory_space<vmem>>
      tpu.enqueue_dma source(%dma_start3A_72 : memref<80x128xf32, #tpu.memory_space<vmem>>) target(%dma_start3A_69 : memref<80x128xf32, #tpu.memory_space<vmem_shared>>) target_semaphore(%run_scoped3A : memref<!tpu.dma_semaphore, #tpu.memory_space<semaphore_mem>>)
      %dma_wait3A = arith.constant 0 : i32
      %dma_wait3A_73 = arith.constant 0 : i32
      %dma_wait3A_74 = tpu.memref_slice %arg8[%dma_wait3A, %dma_wait3A_73] : memref<88x128xf32, #tpu.memory_space<vmem>> -> memref<80x128xf32, #tpu.memory_space<vmem>>
      %dma_wait3A_75 = arith.constant 0 : i32
      %dma_wait3A_76 = tpu.memref_slice %arg10[%add3A_26, %dma_wait3A_75] : memref<10240x128xf32, #tpu.memory_space<vmem_shared>> -> memref<80x128xf32, #tpu.memory_space<vmem_shared>>
      %dma_wait3A_77 = arith.constant 0 : i32
      %dma_wait3A_78 = tpu.memref_slice %arg10[%add3A_26, %dma_wait3A_77] : memref<10240x128xf32, #tpu.memory_space<vmem_shared>> -> memref<80x128xf32, #tpu.memory_space<vmem_shared>>
      %dma_wait3A_79 = arith.constant 0 : i32
      %dma_wait3A_80 = arith.constant 0 : i32
      %dma_wait3A_81 = tpu.memref_slice %arg8[%dma_wait3A_79, %dma_wait3A_80] : memref<88x128xf32, #tpu.memory_space<vmem>> -> memref<80x128xf32, #tpu.memory_space<vmem>>
      tpu.wait_dma2 semaphore(%run_scoped3A : memref<!tpu.dma_semaphore, #tpu.memory_space<semaphore_mem>>) src(%dma_wait3A_81 : memref<80x128xf32, #tpu.memory_space<vmem>>) dst(%dma_wait3A_78 : memref<80x128xf32, #tpu.memory_space<vmem_shared>>)
      tpu.yield
    }) : () -> ()
    %mul3A_27 = arith.constant 640 : i32
    %mul3A_28 = arith.muli %arg1, %mul3A_27 : i32
    %add3A_29 = arith.constant 480 : i32
    %add3A_30 = arith.addi %mul3A_28, %add3A_29 : i32
    "tpu.region"() ({
      %run_scoped3A = tpu.sem_alloc : memref<!tpu.dma_semaphore, #tpu.memory_space<semaphore_mem>>
      %dma_start3A_63 = arith.constant 0 : i32
      %dma_start3A_64 = arith.constant 0 : i32
      %dma_start3A_65 = tpu.memref_slice %arg8[%dma_start3A_63, %dma_start3A_64] : memref<88x128xf32, #tpu.memory_space<vmem>> -> memref<80x128xf32, #tpu.memory_space<vmem>>
      %dma_start3A_66 = arith.constant 0 : i32
      %dma_start3A_67 = tpu.memref_slice %arg10[%add3A_30, %dma_start3A_66] : memref<10240x128xf32, #tpu.memory_space<vmem_shared>> -> memref<80x128xf32, #tpu.memory_space<vmem_shared>>
      %dma_start3A_68 = arith.constant 0 : i32
      %dma_start3A_69 = tpu.memref_slice %arg10[%add3A_30, %dma_start3A_68] : memref<10240x128xf32, #tpu.memory_space<vmem_shared>> -> memref<80x128xf32, #tpu.memory_space<vmem_shared>>
      %dma_start3A_70 = arith.constant 0 : i32
      %dma_start3A_71 = arith.constant 0 : i32
      %dma_start3A_72 = tpu.memref_slice %arg8[%dma_start3A_70, %dma_start3A_71] : memref<88x128xf32, #tpu.memory_space<vmem>> -> memref<80x128xf32, #tpu.memory_space<vmem>>
      tpu.enqueue_dma source(%dma_start3A_72 : memref<80x128xf32, #tpu.memory_space<vmem>>) target(%dma_start3A_69 : memref<80x128xf32, #tpu.memory_space<vmem_shared>>) target_semaphore(%run_scoped3A : memref<!tpu.dma_semaphore, #tpu.memory_space<semaphore_mem>>)
      %dma_wait3A = arith.constant 0 : i32
      %dma_wait3A_73 = arith.constant 0 : i32
      %dma_wait3A_74 = tpu.memref_slice %arg8[%dma_wait3A, %dma_wait3A_73] : memref<88x128xf32, #tpu.memory_space<vmem>> -> memref<80x128xf32, #tpu.memory_space<vmem>>
      %dma_wait3A_75 = arith.constant 0 : i32
      %dma_wait3A_76 = tpu.memref_slice %arg10[%add3A_30, %dma_wait3A_75] : memref<10240x128xf32, #tpu.memory_space<vmem_shared>> -> memref<80x128xf32, #tpu.memory_space<vmem_shared>>
      %dma_wait3A_77 = arith.constant 0 : i32
      %dma_wait3A_78 = tpu.memref_slice %arg10[%add3A_30, %dma_wait3A_77] : memref<10240x128xf32, #tpu.memory_space<vmem_shared>> -> memref<80x128xf32, #tpu.memory_space<vmem_shared>>
      %dma_wait3A_79 = arith.constant 0 : i32
      %dma_wait3A_80 = arith.constant 0 : i32
      %dma_wait3A_81 = tpu.memref_slice %arg8[%dma_wait3A_79, %dma_wait3A_80] : memref<88x128xf32, #tpu.memory_space<vmem>> -> memref<80x128xf32, #tpu.memory_space<vmem>>
      tpu.wait_dma2 semaphore(%run_scoped3A : memref<!tpu.dma_semaphore, #tpu.memory_space<semaphore_mem>>) src(%dma_wait3A_81 : memref<80x128xf32, #tpu.memory_space<vmem>>) dst(%dma_wait3A_78 : memref<80x128xf32, #tpu.memory_space<vmem_shared>>)
      tpu.yield
    }) : () -> ()
    %mul3A_31 = arith.constant 640 : i32
    %mul3A_32 = arith.muli %arg1, %mul3A_31 : i32
    %add3A_33 = arith.constant 560 : i32
    %add3A_34 = arith.addi %mul3A_32, %add3A_33 : i32
    "tpu.region"() ({
      %run_scoped3A = tpu.sem_alloc : memref<!tpu.dma_semaphore, #tpu.memory_space<semaphore_mem>>
      %dma_start3A_63 = arith.constant 0 : i32
      %dma_start3A_64 = arith.constant 0 : i32
      %dma_start3A_65 = tpu.memref_slice %arg8[%dma_start3A_63, %dma_start3A_64] : memref<88x128xf32, #tpu.memory_space<vmem>> -> memref<80x128xf32, #tpu.memory_space<vmem>>
      %dma_start3A_66 = arith.constant 0 : i32
      %dma_start3A_67 = tpu.memref_slice %arg10[%add3A_34, %dma_start3A_66] : memref<10240x128xf32, #tpu.memory_space<vmem_shared>> -> memref<80x128xf32, #tpu.memory_space<vmem_shared>>
      %dma_start3A_68 = arith.constant 0 : i32
      %dma_start3A_69 = tpu.memref_slice %arg10[%add3A_34, %dma_start3A_68] : memref<10240x128xf32, #tpu.memory_space<vmem_shared>> -> memref<80x128xf32, #tpu.memory_space<vmem_shared>>
      %dma_start3A_70 = arith.constant 0 : i32
      %dma_start3A_71 = arith.constant 0 : i32
      %dma_start3A_72 = tpu.memref_slice %arg8[%dma_start3A_70, %dma_start3A_71] : memref<88x128xf32, #tpu.memory_space<vmem>> -> memref<80x128xf32, #tpu.memory_space<vmem>>
      tpu.enqueue_dma source(%dma_start3A_72 : memref<80x128xf32, #tpu.memory_space<vmem>>) target(%dma_start3A_69 : memref<80x128xf32, #tpu.memory_space<vmem_shared>>) target_semaphore(%run_scoped3A : memref<!tpu.dma_semaphore, #tpu.memory_space<semaphore_mem>>)
      %dma_wait3A = arith.constant 0 : i32
      %dma_wait3A_73 = arith.constant 0 : i32
      %dma_wait3A_74 = tpu.memref_slice %arg8[%dma_wait3A, %dma_wait3A_73] : memref<88x128xf32, #tpu.memory_space<vmem>> -> memref<80x128xf32, #tpu.memory_space<vmem>>
      %dma_wait3A_75 = arith.constant 0 : i32
      %dma_wait3A_76 = tpu.memref_slice %arg10[%add3A_34, %dma_wait3A_75] : memref<10240x128xf32, #tpu.memory_space<vmem_shared>> -> memref<80x128xf32, #tpu.memory_space<vmem_shared>>
      %dma_wait3A_77 = arith.constant 0 : i32
      %dma_wait3A_78 = tpu.memref_slice %arg10[%add3A_34, %dma_wait3A_77] : memref<10240x128xf32, #tpu.memory_space<vmem_shared>> -> memref<80x128xf32, #tpu.memory_space<vmem_shared>>
      %dma_wait3A_79 = arith.constant 0 : i32
      %dma_wait3A_80 = arith.constant 0 : i32
      %dma_wait3A_81 = tpu.memref_slice %arg8[%dma_wait3A_79, %dma_wait3A_80] : memref<88x128xf32, #tpu.memory_space<vmem>> -> memref<80x128xf32, #tpu.memory_space<vmem>>
      tpu.wait_dma2 semaphore(%run_scoped3A : memref<!tpu.dma_semaphore, #tpu.memory_space<semaphore_mem>>) src(%dma_wait3A_81 : memref<80x128xf32, #tpu.memory_space<vmem>>) dst(%dma_wait3A_78 : memref<80x128xf32, #tpu.memory_space<vmem_shared>>)
      tpu.yield
    }) : () -> ()
    "tpu.region"() ({
      %run_scoped3A = tpu.sem_alloc : memref<!tpu.dma_semaphore, #tpu.memory_space<semaphore_mem>>
      %dma_start3A_63 = arith.constant 0 : i32
      %dma_start3A_64 = tpu.memref_slice %arg3[%arg0, %arg1, %dma_start3A_63] : memref<2x16x10032xi32, #tpu.memory_space<hbm>> -> memref<1x1x10032xi32, #tpu.memory_space<hbm>>
      %dma_start3A_65 = tpu.memref_squeeze %dma_start3A_64 : memref<1x1x10032xi32, #tpu.memory_space<hbm>> -> memref<10032xi32, #tpu.memory_space<hbm>>
      %dma_start3A_66 = arith.constant 0 : i32
      %dma_start3A_67 = tpu.memref_slice %arg3[%arg0, %arg1, %dma_start3A_66] : memref<2x16x10032xi32, #tpu.memory_space<hbm>> -> memref<1x1x10032xi32, #tpu.memory_space<hbm>>
      %dma_start3A_68 = tpu.memref_squeeze %dma_start3A_67 : memref<1x1x10032xi32, #tpu.memory_space<hbm>> -> memref<10032xi32, #tpu.memory_space<hbm>>
      tpu.enqueue_dma source(%dma_start3A_68 : memref<10032xi32, #tpu.memory_space<hbm>>) target(%arg6 : memref<10032xi32, #tpu.memory_space<vmem>>) target_semaphore(%run_scoped3A : memref<!tpu.dma_semaphore, #tpu.memory_space<semaphore_mem>>)
      %dma_wait3A = arith.constant 0 : i32
      %dma_wait3A_69 = tpu.memref_slice %arg3[%arg0, %arg1, %dma_wait3A] : memref<2x16x10032xi32, #tpu.memory_space<hbm>> -> memref<1x1x10032xi32, #tpu.memory_space<hbm>>
      %dma_wait3A_70 = tpu.memref_squeeze %dma_wait3A_69 : memref<1x1x10032xi32, #tpu.memory_space<hbm>> -> memref<10032xi32, #tpu.memory_space<hbm>>
      %dma_wait3A_71 = arith.constant 0 : i32
      %dma_wait3A_72 = tpu.memref_slice %arg3[%arg0, %arg1, %dma_wait3A_71] : memref<2x16x10032xi32, #tpu.memory_space<hbm>> -> memref<1x1x10032xi32, #tpu.memory_space<hbm>>
      %dma_wait3A_73 = tpu.memref_squeeze %dma_wait3A_72 : memref<1x1x10032xi32, #tpu.memory_space<hbm>> -> memref<10032xi32, #tpu.memory_space<hbm>>
      tpu.wait_dma2 semaphore(%run_scoped3A : memref<!tpu.dma_semaphore, #tpu.memory_space<semaphore_mem>>) src(%dma_wait3A_73 : memref<10032xi32, #tpu.memory_space<hbm>>) dst(%arg6 : memref<10032xi32, #tpu.memory_space<vmem>>)
      tpu.yield
    }) : () -> ()
    "tpu.region"() ({
      %run_scoped3A = tpu.sem_alloc : memref<!tpu.dma_semaphore, #tpu.memory_space<semaphore_mem>>
      %dma_start3A_63 = arith.constant 0 : i32
      %dma_start3A_64 = arith.constant 0 : i32
      %dma_start3A_65 = tpu.memref_slice %arg4[%arg0, %arg1, %dma_start3A_63, %dma_start3A_64] : memref<2x16x114x88xi32, #tpu.memory_space<hbm>> -> memref<1x1x114x88xi32, #tpu.memory_space<hbm>>
      %dma_start3A_66 = tpu.memref_squeeze %dma_start3A_65 : memref<1x1x114x88xi32, #tpu.memory_space<hbm>> -> memref<114x88xi32, #tpu.memory_space<hbm>>
      %dma_start3A_67 = arith.constant 0 : i32
      %dma_start3A_68 = arith.constant 0 : i32
      %dma_start3A_69 = tpu.memref_slice %arg4[%arg0, %arg1, %dma_start3A_67, %dma_start3A_68] : memref<2x16x114x88xi32, #tpu.memory_space<hbm>> -> memref<1x1x114x88xi32, #tpu.memory_space<hbm>>
      %dma_start3A_70 = tpu.memref_squeeze %dma_start3A_69 : memref<1x1x114x88xi32, #tpu.memory_space<hbm>> -> memref<114x88xi32, #tpu.memory_space<hbm>>
      tpu.enqueue_dma source(%dma_start3A_70 : memref<114x88xi32, #tpu.memory_space<hbm>>) target(%arg7 : memref<114x88xi32, #tpu.memory_space<vmem>>) target_semaphore(%run_scoped3A : memref<!tpu.dma_semaphore, #tpu.memory_space<semaphore_mem>>)
      %dma_wait3A = arith.constant 0 : i32
      %dma_wait3A_71 = arith.constant 0 : i32
      %dma_wait3A_72 = tpu.memref_slice %arg4[%arg0, %arg1, %dma_wait3A, %dma_wait3A_71] : memref<2x16x114x88xi32, #tpu.memory_space<hbm>> -> memref<1x1x114x88xi32, #tpu.memory_space<hbm>>
      %dma_wait3A_73 = tpu.memref_squeeze %dma_wait3A_72 : memref<1x1x114x88xi32, #tpu.memory_space<hbm>> -> memref<114x88xi32, #tpu.memory_space<hbm>>
      %dma_wait3A_74 = arith.constant 0 : i32
      %dma_wait3A_75 = arith.constant 0 : i32
      %dma_wait3A_76 = tpu.memref_slice %arg4[%arg0, %arg1, %dma_wait3A_74, %dma_wait3A_75] : memref<2x16x114x88xi32, #tpu.memory_space<hbm>> -> memref<1x1x114x88xi32, #tpu.memory_space<hbm>>
      %dma_wait3A_77 = tpu.memref_squeeze %dma_wait3A_76 : memref<1x1x114x88xi32, #tpu.memory_space<hbm>> -> memref<114x88xi32, #tpu.memory_space<hbm>>
      tpu.wait_dma2 semaphore(%run_scoped3A : memref<!tpu.dma_semaphore, #tpu.memory_space<semaphore_mem>>) src(%dma_wait3A_77 : memref<114x88xi32, #tpu.memory_space<hbm>>) dst(%arg7 : memref<114x88xi32, #tpu.memory_space<vmem>>)
      tpu.yield
    }) : () -> ()
    %barrier3A = arith.constant 0 : index
    tpu.barrier barrier_id(%barrier3A)
    %dma_start3A = arith.constant 0 : i32
    %dma_start3A_35 = tpu.memref_slice %arg6[%dma_start3A] : memref<10032xi32, #tpu.memory_space<vmem>> -> memref<88xi32, #tpu.memory_space<vmem>>
    %dma_start3A_36 = arith.constant 0 : i32
    %dma_start3A_37 = arith.constant 0 : i32
    %dma_start3A_38 = tpu.memref_slice %arg2[%arg0, %dma_start3A_36, %dma_start3A_37] : memref<2x10000x128xf32, #tpu.memory_space<hbm>> -> memref<1x10000x128xf32, #tpu.memory_space<hbm>>
    %dma_start3A_39 = tpu.memref_squeeze %dma_start3A_38 : memref<1x10000x128xf32, #tpu.memory_space<hbm>> -> memref<10000x128xf32, #tpu.memory_space<hbm>>
    %dma_start3A_40 = arith.constant 0 : i32
    %dma_start3A_41 = arith.constant 0 : i32
    %dma_start3A_42 = tpu.memref_slice %dma_start3A_39[%dma_start3A_40, %dma_start3A_41] : memref<10000x128xf32, #tpu.memory_space<hbm>> -> memref<10000x128xf32, #tpu.memory_space<hbm>>
    tpu.enqueue_indirect_dma source(%dma_start3A_42 : memref<10000x128xf32, #tpu.memory_space<hbm>>) target(%arg8 : memref<88x128xf32, #tpu.memory_space<vmem>>) offsets(%dma_start3A_35 : memref<88xi32, #tpu.memory_space<vmem>>) semaphore(%arg11 : memref<!tpu.dma_semaphore, #tpu.memory_space<semaphore_mem>>)
    %dma_start3A_43 = arith.constant 88 : i32
    %dma_start3A_44 = tpu.memref_slice %arg6[%dma_start3A_43] : memref<10032xi32, #tpu.memory_space<vmem>> -> memref<88xi32, #tpu.memory_space<vmem>>
    %dma_start3A_45 = arith.constant 0 : i32
    %dma_start3A_46 = arith.constant 0 : i32
    %dma_start3A_47 = tpu.memref_slice %arg2[%arg0, %dma_start3A_45, %dma_start3A_46] : memref<2x10000x128xf32, #tpu.memory_space<hbm>> -> memref<1x10000x128xf32, #tpu.memory_space<hbm>>
    %dma_start3A_48 = tpu.memref_squeeze %dma_start3A_47 : memref<1x10000x128xf32, #tpu.memory_space<hbm>> -> memref<10000x128xf32, #tpu.memory_space<hbm>>
    %dma_start3A_49 = arith.constant 0 : i32
    %dma_start3A_50 = arith.constant 0 : i32
    %dma_start3A_51 = tpu.memref_slice %dma_start3A_48[%dma_start3A_49, %dma_start3A_50] : memref<10000x128xf32, #tpu.memory_space<hbm>> -> memref<10000x128xf32, #tpu.memory_space<hbm>>
    tpu.enqueue_indirect_dma source(%dma_start3A_51 : memref<10000x128xf32, #tpu.memory_space<hbm>>) target(%arg9 : memref<88x128xf32, #tpu.memory_space<vmem>>) offsets(%dma_start3A_44 : memref<88xi32, #tpu.memory_space<vmem>>) semaphore(%arg12 : memref<!tpu.dma_semaphore, #tpu.memory_space<semaphore_mem>>)
    %scan3A_52 = arith.constant 0 : i32
    %scan3A_53 = arith.constant 0 : i32
    %scan3A_54 = arith.constant 57 : i32
    %scan3A_55 = arith.addi %scan3A_53, %scan3A_54 : i32
    %scan3A_56 = arith.constant 1 : i32
    scf.for %scan3A_63 = %scan3A_53 to %scan3A_55 step %scan3A_56  : i32 {
      %mul3A_64 = arith.constant 2 : i32
      %mul3A_65 = arith.muli %scan3A_63, %mul3A_64 : i32
      %add3A_66 = arith.constant 0 : i32
      %add3A_67 = arith.addi %mul3A_65, %add3A_66 : i32
      %mul3A_68 = arith.constant 88 : i32
      %mul3A_69 = arith.muli %add3A_67, %mul3A_68 : i32
      %dma_wait3A = tpu.memref_slice %arg6[%mul3A_69] : memref<10032xi32, #tpu.memory_space<vmem>> -> memref<88xi32, #tpu.memory_space<vmem>>
      %dma_wait3A_70 = arith.constant 0 : i32
      %dma_wait3A_71 = arith.constant 0 : i32
      %dma_wait3A_72 = tpu.memref_slice %arg2[%arg0, %dma_wait3A_70, %dma_wait3A_71] : memref<2x10000x128xf32, #tpu.memory_space<hbm>> -> memref<1x10000x128xf32, #tpu.memory_space<hbm>>
      %dma_wait3A_73 = tpu.memref_squeeze %dma_wait3A_72 : memref<1x10000x128xf32, #tpu.memory_space<hbm>> -> memref<10000x128xf32, #tpu.memory_space<hbm>>
      %dma_wait3A_74 = arith.constant 0 : i32
      %dma_wait3A_75 = arith.constant 0 : i32
      %dma_wait3A_76 = tpu.memref_slice %dma_wait3A_73[%dma_wait3A_74, %dma_wait3A_75] : memref<10000x128xf32, #tpu.memory_space<hbm>> -> memref<10000x128xf32, #tpu.memory_space<hbm>>
      tpu.wait_indirect_dma semaphore(%arg11 : memref<!tpu.dma_semaphore, #tpu.memory_space<semaphore_mem>>) src(%dma_wait3A_76 : memref<10000x128xf32, #tpu.memory_space<hbm>>) dst(%arg8 : memref<88x128xf32, #tpu.memory_space<vmem>>)
      "tpu.region"() ({
        %run_scoped3A = tpu.sem_alloc : memref<!tpu.dma_semaphore, #tpu.memory_space<semaphore_mem>>
        %dma_start3A_100 = arith.constant 0 : i32
        %dma_start3A_101 = tpu.memref_slice %arg7[%add3A_67, %dma_start3A_100] : memref<114x88xi32, #tpu.memory_space<vmem>> -> memref<1x88xi32, #tpu.memory_space<vmem>>
        %dma_start3A_102 = tpu.memref_squeeze %dma_start3A_101 : memref<1x88xi32, #tpu.memory_space<vmem>> -> memref<88xi32, #tpu.memory_space<vmem>>
        %dma_start3A_103 = arith.constant 0 : i32
        %dma_start3A_104 = arith.constant 0 : i32
        %dma_start3A_105 = tpu.memref_slice %arg10[%dma_start3A_103, %dma_start3A_104] : memref<10240x128xf32, #tpu.memory_space<vmem_shared>> -> memref<10240x128xf32, #tpu.memory_space<vmem_shared>>
        tpu.enqueue_indirect_dma source(%arg8 : memref<88x128xf32, #tpu.memory_space<vmem>>) target(%dma_start3A_105 : memref<10240x128xf32, #tpu.memory_space<vmem_shared>>) offsets(%dma_start3A_102 : memref<88xi32, #tpu.memory_space<vmem>>) semaphore(%run_scoped3A : memref<!tpu.dma_semaphore, #tpu.memory_space<semaphore_mem>>) {add = true}
        %dma_wait3A_106 = arith.constant 0 : i32
        %dma_wait3A_107 = tpu.memref_slice %arg7[%add3A_67, %dma_wait3A_106] : memref<114x88xi32, #tpu.memory_space<vmem>> -> memref<1x88xi32, #tpu.memory_space<vmem>>
        %dma_wait3A_108 = tpu.memref_squeeze %dma_wait3A_107 : memref<1x88xi32, #tpu.memory_space<vmem>> -> memref<88xi32, #tpu.memory_space<vmem>>
        %dma_wait3A_109 = arith.constant 0 : i32
        %dma_wait3A_110 = arith.constant 0 : i32
        %dma_wait3A_111 = tpu.memref_slice %arg10[%dma_wait3A_109, %dma_wait3A_110] : memref<10240x128xf32, #tpu.memory_space<vmem_shared>> -> memref<10240x128xf32, #tpu.memory_space<vmem_shared>>
        tpu.wait_indirect_dma semaphore(%run_scoped3A : memref<!tpu.dma_semaphore, #tpu.memory_space<semaphore_mem>>) src(%arg8 : memref<88x128xf32, #tpu.memory_space<vmem>>) dst(%dma_wait3A_111 : memref<10240x128xf32, #tpu.memory_space<vmem_shared>>)
        tpu.yield
      }) : () -> ()
      %add3A_77 = arith.constant 2 : i32
      %add3A_78 = arith.addi %add3A_67, %add3A_77 : i32
      %lt3A = arith.constant 114 : i32
      %lt3A_79 = arith.cmpi slt, %add3A_78, %lt3A : i32
      %convert_element_type3A = arith.extui %lt3A_79 : i1 to i32
      %cond3A = arith.constant 0 : i32
      %cond3A_80 = arith.cmpi ne, %convert_element_type3A, %cond3A : i32
      scf.if %cond3A_80 {
        %add3A_100 = arith.constant 2 : i32
        %add3A_101 = arith.addi %add3A_67, %add3A_100 : i32
        %mul3A_102 = arith.constant 88 : i32
        %mul3A_103 = arith.muli %add3A_101, %mul3A_102 : i32
        %dma_start3A_104 = tpu.memref_slice %arg6[%mul3A_103] : memref<10032xi32, #tpu.memory_space<vmem>> -> memref<88xi32, #tpu.memory_space<vmem>>
        %dma_start3A_105 = arith.constant 0 : i32
        %dma_start3A_106 = arith.constant 0 : i32
        %dma_start3A_107 = tpu.memref_slice %arg2[%arg0, %dma_start3A_105, %dma_start3A_106] : memref<2x10000x128xf32, #tpu.memory_space<hbm>> -> memref<1x10000x128xf32, #tpu.memory_space<hbm>>
        %dma_start3A_108 = tpu.memref_squeeze %dma_start3A_107 : memref<1x10000x128xf32, #tpu.memory_space<hbm>> -> memref<10000x128xf32, #tpu.memory_space<hbm>>
        %dma_start3A_109 = arith.constant 0 : i32
        %dma_start3A_110 = arith.constant 0 : i32
        %dma_start3A_111 = tpu.memref_slice %dma_start3A_108[%dma_start3A_109, %dma_start3A_110] : memref<10000x128xf32, #tpu.memory_space<hbm>> -> memref<10000x128xf32, #tpu.memory_space<hbm>>
        tpu.enqueue_indirect_dma source(%dma_start3A_111 : memref<10000x128xf32, #tpu.memory_space<hbm>>) target(%arg8 : memref<88x128xf32, #tpu.memory_space<vmem>>) offsets(%dma_start3A_104 : memref<88xi32, #tpu.memory_space<vmem>>) semaphore(%arg11 : memref<!tpu.dma_semaphore, #tpu.memory_space<semaphore_mem>>)
      } else {
      }
      %add3A_81 = arith.constant 1 : i32
      %add3A_82 = arith.addi %mul3A_65, %add3A_81 : i32
      %mul3A_83 = arith.constant 88 : i32
      %mul3A_84 = arith.muli %add3A_82, %mul3A_83 : i32
      %dma_wait3A_85 = tpu.memref_slice %arg6[%mul3A_84] : memref<10032xi32, #tpu.memory_space<vmem>> -> memref<88xi32, #tpu.memory_space<vmem>>
      %dma_wait3A_86 = arith.constant 0 : i32
      %dma_wait3A_87 = arith.constant 0 : i32
      %dma_wait3A_88 = tpu.memref_slice %arg2[%arg0, %dma_wait3A_86, %dma_wait3A_87] : memref<2x10000x128xf32, #tpu.memory_space<hbm>> -> memref<1x10000x128xf32, #tpu.memory_space<hbm>>
      %dma_wait3A_89 = tpu.memref_squeeze %dma_wait3A_88 : memref<1x10000x128xf32, #tpu.memory_space<hbm>> -> memref<10000x128xf32, #tpu.memory_space<hbm>>
      %dma_wait3A_90 = arith.constant 0 : i32
      %dma_wait3A_91 = arith.constant 0 : i32
      %dma_wait3A_92 = tpu.memref_slice %dma_wait3A_89[%dma_wait3A_90, %dma_wait3A_91] : memref<10000x128xf32, #tpu.memory_space<hbm>> -> memref<10000x128xf32, #tpu.memory_space<hbm>>
      tpu.wait_indirect_dma semaphore(%arg12 : memref<!tpu.dma_semaphore, #tpu.memory_space<semaphore_mem>>) src(%dma_wait3A_92 : memref<10000x128xf32, #tpu.memory_space<hbm>>) dst(%arg9 : memref<88x128xf32, #tpu.memory_space<vmem>>)
      "tpu.region"() ({
        %run_scoped3A = tpu.sem_alloc : memref<!tpu.dma_semaphore, #tpu.memory_space<semaphore_mem>>
        %dma_start3A_100 = arith.constant 0 : i32
        %dma_start3A_101 = tpu.memref_slice %arg7[%add3A_82, %dma_start3A_100] : memref<114x88xi32, #tpu.memory_space<vmem>> -> memref<1x88xi32, #tpu.memory_space<vmem>>
        %dma_start3A_102 = tpu.memref_squeeze %dma_start3A_101 : memref<1x88xi32, #tpu.memory_space<vmem>> -> memref<88xi32, #tpu.memory_space<vmem>>
        %dma_start3A_103 = arith.constant 0 : i32
        %dma_start3A_104 = arith.constant 0 : i32
        %dma_start3A_105 = tpu.memref_slice %arg10[%dma_start3A_103, %dma_start3A_104] : memref<10240x128xf32, #tpu.memory_space<vmem_shared>> -> memref<10240x128xf32, #tpu.memory_space<vmem_shared>>
        tpu.enqueue_indirect_dma source(%arg9 : memref<88x128xf32, #tpu.memory_space<vmem>>) target(%dma_start3A_105 : memref<10240x128xf32, #tpu.memory_space<vmem_shared>>) offsets(%dma_start3A_102 : memref<88xi32, #tpu.memory_space<vmem>>) semaphore(%run_scoped3A : memref<!tpu.dma_semaphore, #tpu.memory_space<semaphore_mem>>) {add = true}
        %dma_wait3A_106 = arith.constant 0 : i32
        %dma_wait3A_107 = tpu.memref_slice %arg7[%add3A_82, %dma_wait3A_106] : memref<114x88xi32, #tpu.memory_space<vmem>> -> memref<1x88xi32, #tpu.memory_space<vmem>>
        %dma_wait3A_108 = tpu.memref_squeeze %dma_wait3A_107 : memref<1x88xi32, #tpu.memory_space<vmem>> -> memref<88xi32, #tpu.memory_space<vmem>>
        %dma_wait3A_109 = arith.constant 0 : i32
        %dma_wait3A_110 = arith.constant 0 : i32
        %dma_wait3A_111 = tpu.memref_slice %arg10[%dma_wait3A_109, %dma_wait3A_110] : memref<10240x128xf32, #tpu.memory_space<vmem_shared>> -> memref<10240x128xf32, #tpu.memory_space<vmem_shared>>
        tpu.wait_indirect_dma semaphore(%run_scoped3A : memref<!tpu.dma_semaphore, #tpu.memory_space<semaphore_mem>>) src(%arg9 : memref<88x128xf32, #tpu.memory_space<vmem>>) dst(%dma_wait3A_111 : memref<10240x128xf32, #tpu.memory_space<vmem_shared>>)
        tpu.yield
      }) : () -> ()
      %add3A_93 = arith.constant 2 : i32
      %add3A_94 = arith.addi %add3A_82, %add3A_93 : i32
      %lt3A_95 = arith.constant 114 : i32
      %lt3A_96 = arith.cmpi slt, %add3A_94, %lt3A_95 : i32
      %convert_element_type3A_97 = arith.extui %lt3A_96 : i1 to i32
      %cond3A_98 = arith.constant 0 : i32
      %cond3A_99 = arith.cmpi ne, %convert_element_type3A_97, %cond3A_98 : i32
      scf.if %cond3A_99 {
        %add3A_100 = arith.constant 2 : i32
        %add3A_101 = arith.addi %add3A_82, %add3A_100 : i32
        %mul3A_102 = arith.constant 88 : i32
        %mul3A_103 = arith.muli %add3A_101, %mul3A_102 : i32
        %dma_start3A_104 = tpu.memref_slice %arg6[%mul3A_103] : memref<10032xi32, #tpu.memory_space<vmem>> -> memref<88xi32, #tpu.memory_space<vmem>>
        %dma_start3A_105 = arith.constant 0 : i32
        %dma_start3A_106 = arith.constant 0 : i32
        %dma_start3A_107 = tpu.memref_slice %arg2[%arg0, %dma_start3A_105, %dma_start3A_106] : memref<2x10000x128xf32, #tpu.memory_space<hbm>> -> memref<1x10000x128xf32, #tpu.memory_space<hbm>>
        %dma_start3A_108 = tpu.memref_squeeze %dma_start3A_107 : memref<1x10000x128xf32, #tpu.memory_space<hbm>> -> memref<10000x128xf32, #tpu.memory_space<hbm>>
        %dma_start3A_109 = arith.constant 0 : i32
        %dma_start3A_110 = arith.constant 0 : i32
        %dma_start3A_111 = tpu.memref_slice %dma_start3A_108[%dma_start3A_109, %dma_start3A_110] : memref<10000x128xf32, #tpu.memory_space<hbm>> -> memref<10000x128xf32, #tpu.memory_space<hbm>>
        tpu.enqueue_indirect_dma source(%dma_start3A_111 : memref<10000x128xf32, #tpu.memory_space<hbm>>) target(%arg9 : memref<88x128xf32, #tpu.memory_space<vmem>>) offsets(%dma_start3A_104 : memref<88xi32, #tpu.memory_space<vmem>>) semaphore(%arg12 : memref<!tpu.dma_semaphore, #tpu.memory_space<semaphore_mem>>)
      } else {
      }
    }
    %scan3A_57 = arith.constant 57 : i32
    %barrier3A_58 = arith.constant 0 : index
    tpu.barrier barrier_id(%barrier3A_58)
    %mul3A_59 = arith.constant 640 : i32
    %mul3A_60 = arith.muli %arg1, %mul3A_59 : i32
    %mul3A_61 = arith.constant 640 : i32
    %mul3A_62 = arith.muli %arg1, %mul3A_61 : i32
    "tpu.region"() ({
      %run_scoped3A = tpu.sem_alloc : memref<!tpu.dma_semaphore, #tpu.memory_space<semaphore_mem>>
      %dma_start3A_63 = arith.constant 0 : i32
      %dma_start3A_64 = tpu.memref_slice %arg5[%arg0, %mul3A_62, %dma_start3A_63] : memref<2x10240x128xf32, #tpu.memory_space<hbm>> -> memref<1x640x128xf32, #tpu.memory_space<hbm>>
      %dma_start3A_65 = tpu.memref_squeeze %dma_start3A_64 : memref<1x640x128xf32, #tpu.memory_space<hbm>> -> memref<640x128xf32, #tpu.memory_space<hbm>>
      %dma_start3A_66 = arith.constant 0 : i32
      %dma_start3A_67 = tpu.memref_slice %arg10[%mul3A_60, %dma_start3A_66] : memref<10240x128xf32, #tpu.memory_space<vmem_shared>> -> memref<640x128xf32, #tpu.memory_space<vmem_shared>>
      tpu.enqueue_dma source(%dma_start3A_67 : memref<640x128xf32, #tpu.memory_space<vmem_shared>>) target(%dma_start3A_65 : memref<640x128xf32, #tpu.memory_space<hbm>>) target_semaphore(%run_scoped3A : memref<!tpu.dma_semaphore, #tpu.memory_space<semaphore_mem>>)
      %dma_wait3A = arith.constant 0 : i32
      %dma_wait3A_68 = tpu.memref_slice %arg5[%arg0, %mul3A_62, %dma_wait3A] : memref<2x10240x128xf32, #tpu.memory_space<hbm>> -> memref<1x640x128xf32, #tpu.memory_space<hbm>>
      %dma_wait3A_69 = tpu.memref_squeeze %dma_wait3A_68 : memref<1x640x128xf32, #tpu.memory_space<hbm>> -> memref<640x128xf32, #tpu.memory_space<hbm>>
      %dma_wait3A_70 = arith.constant 0 : i32
      %dma_wait3A_71 = tpu.memref_slice %arg10[%mul3A_60, %dma_wait3A_70] : memref<10240x128xf32, #tpu.memory_space<vmem_shared>> -> memref<640x128xf32, #tpu.memory_space<vmem_shared>>
      tpu.wait_dma2 semaphore(%run_scoped3A : memref<!tpu.dma_semaphore, #tpu.memory_space<semaphore_mem>>) src(%dma_wait3A_71 : memref<640x128xf32, #tpu.memory_space<vmem_shared>>) dst(%dma_wait3A_69 : memref<640x128xf32, #tpu.memory_space<hbm>>)
      tpu.yield
    }) : () -> ()
    return
  }
}

#map = affine_map<(d0, d1) -> (0, 0, 0)>
#map1 = affine_map<(d0, d1) -> (0, 0, 0, 0)>
module attributes {stable_mosaic.version = 14 : i64} {
  func.func @_agg_kernel(%arg0: i32, %arg1: i32, %arg2: memref<2x10000x128xf32, #tpu.memory_space<hbm>>, %arg3: memref<2x16x10032xi32, #tpu.memory_space<hbm>>, %arg4: memref<2x16x114x88xi32, #tpu.memory_space<hbm>>, %arg5: memref<2x10240x128xf32, #tpu.memory_space<hbm>>, %arg6: memref<10032xi32, #tpu.memory_space<vmem>>, %arg7: memref<114x88xi32, #tpu.memory_space<vmem>>, %arg8: memref<88x128xf32, #tpu.memory_space<vmem>>, %arg9: memref<88x128xf32, #tpu.memory_space<vmem>>, %arg10: memref<10240x128xf32, #tpu.memory_space<vmem_shared>>, %arg11: memref<!tpu.dma_semaphore, #tpu.memory_space<semaphore_mem>>, %arg12: memref<!tpu.dma_semaphore, #tpu.memory_space<semaphore_mem>>) attributes {dimension_semantics = [#tpu.dimension_semantics<core_parallel>, #tpu.dimension_semantics<subcore_parallel>], iteration_bounds = array<i64: 2, 16>, scalar_prefetch = 0 : i64, scratch_operands = 7 : i64, tpu.core_type = #tpu.core_type<sc_vector_subcore>, window_params = [{transform_indices = #map}, {transform_indices = #map}, {transform_indices = #map1}, {transform_indices = #map}]} {
    %scan3A = arith.constant 0 : i32
    %scan3A_0 = arith.constant 0 : i32
    %scan3A_1 = arith.constant 88 : i32
    %scan3A_2 = arith.addi %scan3A_0, %scan3A_1 : i32
    %scan3A_3 = arith.constant 1 : i32
    scf.for %scan3A_63 = %scan3A_0 to %scan3A_2 step %scan3A_3  : i32 {
      %broadcast_in_dim3A = arith.constant 0.000000e+00 : f32
      %broadcast_in_dim3A_64 = vector.broadcast %broadcast_in_dim3A : f32 to vector<16xf32>
      %swap3A = arith.index_cast %scan3A_63 : i32 to index
      %swap3A_65 = arith.constant 0 : index
      %swap3A_66 = tpu.vector_load %arg8[%swap3A, %swap3A_65] {strides = array<i32>} : memref<88x128xf32, #tpu.memory_space<vmem>>, vector<1x16xf32>,
      %swap3A_67 = vector.shape_cast %swap3A_66 : vector<1x16xf32> to vector<16xf32>
      %swap3A_68 = vector.shape_cast %broadcast_in_dim3A_64 : vector<16xf32> to vector<1x16xf32>
      tpu.vector_store %arg8[%swap3A, %swap3A_65], %swap3A_68 {strides = array<i32>} : memref<88x128xf32, #tpu.memory_space<vmem>>, vector<1x16xf32>,
      %broadcast_in_dim3A_69 = arith.constant 0.000000e+00 : f32
      %broadcast_in_dim3A_70 = vector.broadcast %broadcast_in_dim3A_69 : f32 to vector<16xf32>
      %swap3A_71 = arith.index_cast %scan3A_63 : i32 to index
      %swap3A_72 = arith.constant 16 : index
      %swap3A_73 = tpu.vector_load %arg8[%swap3A_71, %swap3A_72] {strides = array<i32>} : memref<88x128xf32, #tpu.memory_space<vmem>>, vector<1x16xf32>,
      %swap3A_74 = vector.shape_cast %swap3A_73 : vector<1x16xf32> to vector<16xf32>
      %swap3A_75 = vector.shape_cast %broadcast_in_dim3A_70 : vector<16xf32> to vector<1x16xf32>
      tpu.vector_store %arg8[%swap3A_71, %swap3A_72], %swap3A_75 {strides = array<i32>} : memref<88x128xf32, #tpu.memory_space<vmem>>, vector<1x16xf32>,
      %broadcast_in_dim3A_76 = arith.constant 0.000000e+00 : f32
      %broadcast_in_dim3A_77 = vector.broadcast %broadcast_in_dim3A_76 : f32 to vector<16xf32>
      %swap3A_78 = arith.index_cast %scan3A_63 : i32 to index
      %swap3A_79 = arith.constant 32 : index
      %swap3A_80 = tpu.vector_load %arg8[%swap3A_78, %swap3A_79] {strides = array<i32>} : memref<88x128xf32, #tpu.memory_space<vmem>>, vector<1x16xf32>,
      %swap3A_81 = vector.shape_cast %swap3A_80 : vector<1x16xf32> to vector<16xf32>
      %swap3A_82 = vector.shape_cast %broadcast_in_dim3A_77 : vector<16xf32> to vector<1x16xf32>
      tpu.vector_store %arg8[%swap3A_78, %swap3A_79], %swap3A_82 {strides = array<i32>} : memref<88x128xf32, #tpu.memory_space<vmem>>, vector<1x16xf32>,
      %broadcast_in_dim3A_83 = arith.constant 0.000000e+00 : f32
      %broadcast_in_dim3A_84 = vector.broadcast %broadcast_in_dim3A_83 : f32 to vector<16xf32>
      %swap3A_85 = arith.index_cast %scan3A_63 : i32 to index
      %swap3A_86 = arith.constant 48 : index
      %swap3A_87 = tpu.vector_load %arg8[%swap3A_85, %swap3A_86] {strides = array<i32>} : memref<88x128xf32, #tpu.memory_space<vmem>>, vector<1x16xf32>,
      %swap3A_88 = vector.shape_cast %swap3A_87 : vector<1x16xf32> to vector<16xf32>
      %swap3A_89 = vector.shape_cast %broadcast_in_dim3A_84 : vector<16xf32> to vector<1x16xf32>
      tpu.vector_store %arg8[%swap3A_85, %swap3A_86], %swap3A_89 {strides = array<i32>} : memref<88x128xf32, #tpu.memory_space<vmem>>, vector<1x16xf32>,
      %broadcast_in_dim3A_90 = arith.constant 0.000000e+00 : f32
      %broadcast_in_dim3A_91 = vector.broadcast %broadcast_in_dim3A_90 : f32 to vector<16xf32>
      %swap3A_92 = arith.index_cast %scan3A_63 : i32 to index
      %swap3A_93 = arith.constant 64 : index
      %swap3A_94 = tpu.vector_load %arg8[%swap3A_92, %swap3A_93] {strides = array<i32>} : memref<88x128xf32, #tpu.memory_space<vmem>>, vector<1x16xf32>,
      %swap3A_95 = vector.shape_cast %swap3A_94 : vector<1x16xf32> to vector<16xf32>
      %swap3A_96 = vector.shape_cast %broadcast_in_dim3A_91 : vector<16xf32> to vector<1x16xf32>
      tpu.vector_store %arg8[%swap3A_92, %swap3A_93], %swap3A_96 {strides = array<i32>} : memref<88x128xf32, #tpu.memory_space<vmem>>, vector<1x16xf32>,
      %broadcast_in_dim3A_97 = arith.constant 0.000000e+00 : f32
      %broadcast_in_dim3A_98 = vector.broadcast %broadcast_in_dim3A_97 : f32 to vector<16xf32>
      %swap3A_99 = arith.index_cast %scan3A_63 : i32 to index
      %swap3A_100 = arith.constant 80 : index
      %swap3A_101 = tpu.vector_load %arg8[%swap3A_99, %swap3A_100] {strides = array<i32>} : memref<88x128xf32, #tpu.memory_space<vmem>>, vector<1x16xf32>,
      %swap3A_102 = vector.shape_cast %swap3A_101 : vector<1x16xf32> to vector<16xf32>
      %swap3A_103 = vector.shape_cast %broadcast_in_dim3A_98 : vector<16xf32> to vector<1x16xf32>
      tpu.vector_store %arg8[%swap3A_99, %swap3A_100], %swap3A_103 {strides = array<i32>} : memref<88x128xf32, #tpu.memory_space<vmem>>, vector<1x16xf32>,
      %broadcast_in_dim3A_104 = arith.constant 0.000000e+00 : f32
      %broadcast_in_dim3A_105 = vector.broadcast %broadcast_in_dim3A_104 : f32 to vector<16xf32>
      %swap3A_106 = arith.index_cast %scan3A_63 : i32 to index
      %swap3A_107 = arith.constant 96 : index
      %swap3A_108 = tpu.vector_load %arg8[%swap3A_106, %swap3A_107] {strides = array<i32>} : memref<88x128xf32, #tpu.memory_space<vmem>>, vector<1x16xf32>,
      %swap3A_109 = vector.shape_cast %swap3A_108 : vector<1x16xf32> to vector<16xf32>
      %swap3A_110 = vector.shape_cast %broadcast_in_dim3A_105 : vector<16xf32> to vector<1x16xf32>
      tpu.vector_store %arg8[%swap3A_106, %swap3A_107], %swap3A_110 {strides = array<i32>} : memref<88x128xf32, #tpu.memory_space<vmem>>, vector<1x16xf32>,
      %broadcast_in_dim3A_111 = arith.constant 0.000000e+00 : f32
      %broadcast_in_dim3A_112 = vector.broadcast %broadcast_in_dim3A_111 : f32 to vector<16xf32>
      %swap3A_113 = arith.index_cast %scan3A_63 : i32 to index
      %swap3A_114 = arith.constant 112 : index
      %swap3A_115 = tpu.vector_load %arg8[%swap3A_113, %swap3A_114] {strides = array<i32>} : memref<88x128xf32, #tpu.memory_space<vmem>>, vector<1x16xf32>,
      %swap3A_116 = vector.shape_cast %swap3A_115 : vector<1x16xf32> to vector<16xf32>
      %swap3A_117 = vector.shape_cast %broadcast_in_dim3A_112 : vector<16xf32> to vector<1x16xf32>
      tpu.vector_store %arg8[%swap3A_113, %swap3A_114], %swap3A_117 {strides = array<i32>} : memref<88x128xf32, #tpu.memory_space<vmem>>, vector<1x16xf32>,
    }
    %scan3A_4 = arith.constant 88 : i32
    %mul3A = arith.constant 640 : i32
    %mul3A_5 = arith.muli %arg1, %mul3A : i32
    %add3A = arith.constant 0 : i32
    %add3A_6 = arith.addi %mul3A_5, %add3A : i32
    "tpu.region"() ({
      %run_scoped3A = tpu.sem_alloc : memref<!tpu.dma_semaphore, #tpu.memory_space<semaphore_mem>>
      %dma_start3A_63 = arith.constant 0 : i32
      %dma_start3A_64 = arith.constant 0 : i32
      %dma_start3A_65 = tpu.memref_slice %arg8[%dma_start3A_63, %dma_start3A_64] : memref<88x128xf32, #tpu.memory_space<vmem>> -> memref<80x128xf32, #tpu.memory_space<vmem>>
      %dma_start3A_66 = arith.constant 0 : i32
      %dma_start3A_67 = tpu.memref_slice %arg10[%add3A_6, %dma_start3A_66] : memref<10240x128xf32, #tpu.memory_space<vmem_shared>> -> memref<80x128xf32, #tpu.memory_space<vmem_shared>>
      %dma_start3A_68 = arith.constant 0 : i32
      %dma_start3A_69 = tpu.memref_slice %arg10[%add3A_6, %dma_start3A_68] : memref<10240x128xf32, #tpu.memory_space<vmem_shared>> -> memref<80x128xf32, #tpu.memory_space<vmem_shared>>
      %dma_start3A_70 = arith.constant 0 : i32
      %dma_start3A_71 = arith.constant 0 : i32
      %dma_start3A_72 = tpu.memref_slice %arg8[%dma_start3A_70, %dma_start3A_71] : memref<88x128xf32, #tpu.memory_space<vmem>> -> memref<80x128xf32, #tpu.memory_space<vmem>>
      tpu.enqueue_dma source(%dma_start3A_72 : memref<80x128xf32, #tpu.memory_space<vmem>>) target(%dma_start3A_69 : memref<80x128xf32, #tpu.memory_space<vmem_shared>>) target_semaphore(%run_scoped3A : memref<!tpu.dma_semaphore, #tpu.memory_space<semaphore_mem>>)
      %dma_wait3A = arith.constant 0 : i32
      %dma_wait3A_73 = arith.constant 0 : i32
      %dma_wait3A_74 = tpu.memref_slice %arg8[%dma_wait3A, %dma_wait3A_73] : memref<88x128xf32, #tpu.memory_space<vmem>> -> memref<80x128xf32, #tpu.memory_space<vmem>>
      %dma_wait3A_75 = arith.constant 0 : i32
      %dma_wait3A_76 = tpu.memref_slice %arg10[%add3A_6, %dma_wait3A_75] : memref<10240x128xf32, #tpu.memory_space<vmem_shared>> -> memref<80x128xf32, #tpu.memory_space<vmem_shared>>
      %dma_wait3A_77 = arith.constant 0 : i32
      %dma_wait3A_78 = tpu.memref_slice %arg10[%add3A_6, %dma_wait3A_77] : memref<10240x128xf32, #tpu.memory_space<vmem_shared>> -> memref<80x128xf32, #tpu.memory_space<vmem_shared>>
      %dma_wait3A_79 = arith.constant 0 : i32
      %dma_wait3A_80 = arith.constant 0 : i32
      %dma_wait3A_81 = tpu.memref_slice %arg8[%dma_wait3A_79, %dma_wait3A_80] : memref<88x128xf32, #tpu.memory_space<vmem>> -> memref<80x128xf32, #tpu.memory_space<vmem>>
      tpu.wait_dma2 semaphore(%run_scoped3A : memref<!tpu.dma_semaphore, #tpu.memory_space<semaphore_mem>>) src(%dma_wait3A_81 : memref<80x128xf32, #tpu.memory_space<vmem>>) dst(%dma_wait3A_78 : memref<80x128xf32, #tpu.memory_space<vmem_shared>>)
      tpu.yield
    }) : () -> ()
    %mul3A_7 = arith.constant 640 : i32
    %mul3A_8 = arith.muli %arg1, %mul3A_7 : i32
    %add3A_9 = arith.constant 80 : i32
    %add3A_10 = arith.addi %mul3A_8, %add3A_9 : i32
    "tpu.region"() ({
      %run_scoped3A = tpu.sem_alloc : memref<!tpu.dma_semaphore, #tpu.memory_space<semaphore_mem>>
      %dma_start3A_63 = arith.constant 0 : i32
      %dma_start3A_64 = arith.constant 0 : i32
      %dma_start3A_65 = tpu.memref_slice %arg8[%dma_start3A_63, %dma_start3A_64] : memref<88x128xf32, #tpu.memory_space<vmem>> -> memref<80x128xf32, #tpu.memory_space<vmem>>
      %dma_start3A_66 = arith.constant 0 : i32
      %dma_start3A_67 = tpu.memref_slice %arg10[%add3A_10, %dma_start3A_66] : memref<10240x128xf32, #tpu.memory_space<vmem_shared>> -> memref<80x128xf32, #tpu.memory_space<vmem_shared>>
      %dma_start3A_68 = arith.constant 0 : i32
      %dma_start3A_69 = tpu.memref_slice %arg10[%add3A_10, %dma_start3A_68] : memref<10240x128xf32, #tpu.memory_space<vmem_shared>> -> memref<80x128xf32, #tpu.memory_space<vmem_shared>>
      %dma_start3A_70 = arith.constant 0 : i32
      %dma_start3A_71 = arith.constant 0 : i32
      %dma_start3A_72 = tpu.memref_slice %arg8[%dma_start3A_70, %dma_start3A_71] : memref<88x128xf32, #tpu.memory_space<vmem>> -> memref<80x128xf32, #tpu.memory_space<vmem>>
      tpu.enqueue_dma source(%dma_start3A_72 : memref<80x128xf32, #tpu.memory_space<vmem>>) target(%dma_start3A_69 : memref<80x128xf32, #tpu.memory_space<vmem_shared>>) target_semaphore(%run_scoped3A : memref<!tpu.dma_semaphore, #tpu.memory_space<semaphore_mem>>)
      %dma_wait3A = arith.constant 0 : i32
      %dma_wait3A_73 = arith.constant 0 : i32
      %dma_wait3A_74 = tpu.memref_slice %arg8[%dma_wait3A, %dma_wait3A_73] : memref<88x128xf32, #tpu.memory_space<vmem>> -> memref<80x128xf32, #tpu.memory_space<vmem>>
      %dma_wait3A_75 = arith.constant 0 : i32
      %dma_wait3A_76 = tpu.memref_slice %arg10[%add3A_10, %dma_wait3A_75] : memref<10240x128xf32, #tpu.memory_space<vmem_shared>> -> memref<80x128xf32, #tpu.memory_space<vmem_shared>>
      %dma_wait3A_77 = arith.constant 0 : i32
      %dma_wait3A_78 = tpu.memref_slice %arg10[%add3A_10, %dma_wait3A_77] : memref<10240x128xf32, #tpu.memory_space<vmem_shared>> -> memref<80x128xf32, #tpu.memory_space<vmem_shared>>
      %dma_wait3A_79 = arith.constant 0 : i32
      %dma_wait3A_80 = arith.constant 0 : i32
      %dma_wait3A_81 = tpu.memref_slice %arg8[%dma_wait3A_79, %dma_wait3A_80] : memref<88x128xf32, #tpu.memory_space<vmem>> -> memref<80x128xf32, #tpu.memory_space<vmem>>
      tpu.wait_dma2 semaphore(%run_scoped3A : memref<!tpu.dma_semaphore, #tpu.memory_space<semaphore_mem>>) src(%dma_wait3A_81 : memref<80x128xf32, #tpu.memory_space<vmem>>) dst(%dma_wait3A_78 : memref<80x128xf32, #tpu.memory_space<vmem_shared>>)
      tpu.yield
    }) : () -> ()
    %mul3A_11 = arith.constant 640 : i32
    %mul3A_12 = arith.muli %arg1, %mul3A_11 : i32
    %add3A_13 = arith.constant 160 : i32
    %add3A_14 = arith.addi %mul3A_12, %add3A_13 : i32
    "tpu.region"() ({
      %run_scoped3A = tpu.sem_alloc : memref<!tpu.dma_semaphore, #tpu.memory_space<semaphore_mem>>
      %dma_start3A_63 = arith.constant 0 : i32
      %dma_start3A_64 = arith.constant 0 : i32
      %dma_start3A_65 = tpu.memref_slice %arg8[%dma_start3A_63, %dma_start3A_64] : memref<88x128xf32, #tpu.memory_space<vmem>> -> memref<80x128xf32, #tpu.memory_space<vmem>>
      %dma_start3A_66 = arith.constant 0 : i32
      %dma_start3A_67 = tpu.memref_slice %arg10[%add3A_14, %dma_start3A_66] : memref<10240x128xf32, #tpu.memory_space<vmem_shared>> -> memref<80x128xf32, #tpu.memory_space<vmem_shared>>
      %dma_start3A_68 = arith.constant 0 : i32
      %dma_start3A_69 = tpu.memref_slice %arg10[%add3A_14, %dma_start3A_68] : memref<10240x128xf32, #tpu.memory_space<vmem_shared>> -> memref<80x128xf32, #tpu.memory_space<vmem_shared>>
      %dma_start3A_70 = arith.constant 0 : i32
      %dma_start3A_71 = arith.constant 0 : i32
      %dma_start3A_72 = tpu.memref_slice %arg8[%dma_start3A_70, %dma_start3A_71] : memref<88x128xf32, #tpu.memory_space<vmem>> -> memref<80x128xf32, #tpu.memory_space<vmem>>
      tpu.enqueue_dma source(%dma_start3A_72 : memref<80x128xf32, #tpu.memory_space<vmem>>) target(%dma_start3A_69 : memref<80x128xf32, #tpu.memory_space<vmem_shared>>) target_semaphore(%run_scoped3A : memref<!tpu.dma_semaphore, #tpu.memory_space<semaphore_mem>>)
      %dma_wait3A = arith.constant 0 : i32
      %dma_wait3A_73 = arith.constant 0 : i32
      %dma_wait3A_74 = tpu.memref_slice %arg8[%dma_wait3A, %dma_wait3A_73] : memref<88x128xf32, #tpu.memory_space<vmem>> -> memref<80x128xf32, #tpu.memory_space<vmem>>
      %dma_wait3A_75 = arith.constant 0 : i32
      %dma_wait3A_76 = tpu.memref_slice %arg10[%add3A_14, %dma_wait3A_75] : memref<10240x128xf32, #tpu.memory_space<vmem_shared>> -> memref<80x128xf32, #tpu.memory_space<vmem_shared>>
      %dma_wait3A_77 = arith.constant 0 : i32
      %dma_wait3A_78 = tpu.memref_slice %arg10[%add3A_14, %dma_wait3A_77] : memref<10240x128xf32, #tpu.memory_space<vmem_shared>> -> memref<80x128xf32, #tpu.memory_space<vmem_shared>>
      %dma_wait3A_79 = arith.constant 0 : i32
      %dma_wait3A_80 = arith.constant 0 : i32
      %dma_wait3A_81 = tpu.memref_slice %arg8[%dma_wait3A_79, %dma_wait3A_80] : memref<88x128xf32, #tpu.memory_space<vmem>> -> memref<80x128xf32, #tpu.memory_space<vmem>>
      tpu.wait_dma2 semaphore(%run_scoped3A : memref<!tpu.dma_semaphore, #tpu.memory_space<semaphore_mem>>) src(%dma_wait3A_81 : memref<80x128xf32, #tpu.memory_space<vmem>>) dst(%dma_wait3A_78 : memref<80x128xf32, #tpu.memory_space<vmem_shared>>)
      tpu.yield
    }) : () -> ()
    %mul3A_15 = arith.constant 640 : i32
    %mul3A_16 = arith.muli %arg1, %mul3A_15 : i32
    %add3A_17 = arith.constant 240 : i32
    %add3A_18 = arith.addi %mul3A_16, %add3A_17 : i32
    "tpu.region"() ({
      %run_scoped3A = tpu.sem_alloc : memref<!tpu.dma_semaphore, #tpu.memory_space<semaphore_mem>>
      %dma_start3A_63 = arith.constant 0 : i32
      %dma_start3A_64 = arith.constant 0 : i32
      %dma_start3A_65 = tpu.memref_slice %arg8[%dma_start3A_63, %dma_start3A_64] : memref<88x128xf32, #tpu.memory_space<vmem>> -> memref<80x128xf32, #tpu.memory_space<vmem>>
      %dma_start3A_66 = arith.constant 0 : i32
      %dma_start3A_67 = tpu.memref_slice %arg10[%add3A_18, %dma_start3A_66] : memref<10240x128xf32, #tpu.memory_space<vmem_shared>> -> memref<80x128xf32, #tpu.memory_space<vmem_shared>>
      %dma_start3A_68 = arith.constant 0 : i32
      %dma_start3A_69 = tpu.memref_slice %arg10[%add3A_18, %dma_start3A_68] : memref<10240x128xf32, #tpu.memory_space<vmem_shared>> -> memref<80x128xf32, #tpu.memory_space<vmem_shared>>
      %dma_start3A_70 = arith.constant 0 : i32
      %dma_start3A_71 = arith.constant 0 : i32
      %dma_start3A_72 = tpu.memref_slice %arg8[%dma_start3A_70, %dma_start3A_71] : memref<88x128xf32, #tpu.memory_space<vmem>> -> memref<80x128xf32, #tpu.memory_space<vmem>>
      tpu.enqueue_dma source(%dma_start3A_72 : memref<80x128xf32, #tpu.memory_space<vmem>>) target(%dma_start3A_69 : memref<80x128xf32, #tpu.memory_space<vmem_shared>>) target_semaphore(%run_scoped3A : memref<!tpu.dma_semaphore, #tpu.memory_space<semaphore_mem>>)
      %dma_wait3A = arith.constant 0 : i32
      %dma_wait3A_73 = arith.constant 0 : i32
      %dma_wait3A_74 = tpu.memref_slice %arg8[%dma_wait3A, %dma_wait3A_73] : memref<88x128xf32, #tpu.memory_space<vmem>> -> memref<80x128xf32, #tpu.memory_space<vmem>>
      %dma_wait3A_75 = arith.constant 0 : i32
      %dma_wait3A_76 = tpu.memref_slice %arg10[%add3A_18, %dma_wait3A_75] : memref<10240x128xf32, #tpu.memory_space<vmem_shared>> -> memref<80x128xf32, #tpu.memory_space<vmem_shared>>
      %dma_wait3A_77 = arith.constant 0 : i32
      %dma_wait3A_78 = tpu.memref_slice %arg10[%add3A_18, %dma_wait3A_77] : memref<10240x128xf32, #tpu.memory_space<vmem_shared>> -> memref<80x128xf32, #tpu.memory_space<vmem_shared>>
      %dma_wait3A_79 = arith.constant 0 : i32
      %dma_wait3A_80 = arith.constant 0 : i32
      %dma_wait3A_81 = tpu.memref_slice %arg8[%dma_wait3A_79, %dma_wait3A_80] : memref<88x128xf32, #tpu.memory_space<vmem>> -> memref<80x128xf32, #tpu.memory_space<vmem>>
      tpu.wait_dma2 semaphore(%run_scoped3A : memref<!tpu.dma_semaphore, #tpu.memory_space<semaphore_mem>>) src(%dma_wait3A_81 : memref<80x128xf32, #tpu.memory_space<vmem>>) dst(%dma_wait3A_78 : memref<80x128xf32, #tpu.memory_space<vmem_shared>>)
      tpu.yield
    }) : () -> ()
    %mul3A_19 = arith.constant 640 : i32
    %mul3A_20 = arith.muli %arg1, %mul3A_19 : i32
    %add3A_21 = arith.constant 320 : i32
    %add3A_22 = arith.addi %mul3A_20, %add3A_21 : i32
    "tpu.region"() ({
      %run_scoped3A = tpu.sem_alloc : memref<!tpu.dma_semaphore, #tpu.memory_space<semaphore_mem>>
      %dma_start3A_63 = arith.constant 0 : i32
      %dma_start3A_64 = arith.constant 0 : i32
      %dma_start3A_65 = tpu.memref_slice %arg8[%dma_start3A_63, %dma_start3A_64] : memref<88x128xf32, #tpu.memory_space<vmem>> -> memref<80x128xf32, #tpu.memory_space<vmem>>
      %dma_start3A_66 = arith.constant 0 : i32
      %dma_start3A_67 = tpu.memref_slice %arg10[%add3A_22, %dma_start3A_66] : memref<10240x128xf32, #tpu.memory_space<vmem_shared>> -> memref<80x128xf32, #tpu.memory_space<vmem_shared>>
      %dma_start3A_68 = arith.constant 0 : i32
      %dma_start3A_69 = tpu.memref_slice %arg10[%add3A_22, %dma_start3A_68] : memref<10240x128xf32, #tpu.memory_space<vmem_shared>> -> memref<80x128xf32, #tpu.memory_space<vmem_shared>>
      %dma_start3A_70 = arith.constant 0 : i32
      %dma_start3A_71 = arith.constant 0 : i32
      %dma_start3A_72 = tpu.memref_slice %arg8[%dma_start3A_70, %dma_start3A_71] : memref<88x128xf32, #tpu.memory_space<vmem>> -> memref<80x128xf32, #tpu.memory_space<vmem>>
      tpu.enqueue_dma source(%dma_start3A_72 : memref<80x128xf32, #tpu.memory_space<vmem>>) target(%dma_start3A_69 : memref<80x128xf32, #tpu.memory_space<vmem_shared>>) target_semaphore(%run_scoped3A : memref<!tpu.dma_semaphore, #tpu.memory_space<semaphore_mem>>)
      %dma_wait3A = arith.constant 0 : i32
      %dma_wait3A_73 = arith.constant 0 : i32
      %dma_wait3A_74 = tpu.memref_slice %arg8[%dma_wait3A, %dma_wait3A_73] : memref<88x128xf32, #tpu.memory_space<vmem>> -> memref<80x128xf32, #tpu.memory_space<vmem>>
      %dma_wait3A_75 = arith.constant 0 : i32
      %dma_wait3A_76 = tpu.memref_slice %arg10[%add3A_22, %dma_wait3A_75] : memref<10240x128xf32, #tpu.memory_space<vmem_shared>> -> memref<80x128xf32, #tpu.memory_space<vmem_shared>>
      %dma_wait3A_77 = arith.constant 0 : i32
      %dma_wait3A_78 = tpu.memref_slice %arg10[%add3A_22, %dma_wait3A_77] : memref<10240x128xf32, #tpu.memory_space<vmem_shared>> -> memref<80x128xf32, #tpu.memory_space<vmem_shared>>
      %dma_wait3A_79 = arith.constant 0 : i32
      %dma_wait3A_80 = arith.constant 0 : i32
      %dma_wait3A_81 = tpu.memref_slice %arg8[%dma_wait3A_79, %dma_wait3A_80] : memref<88x128xf32, #tpu.memory_space<vmem>> -> memref<80x128xf32, #tpu.memory_space<vmem>>
      tpu.wait_dma2 semaphore(%run_scoped3A : memref<!tpu.dma_semaphore, #tpu.memory_space<semaphore_mem>>) src(%dma_wait3A_81 : memref<80x128xf32, #tpu.memory_space<vmem>>) dst(%dma_wait3A_78 : memref<80x128xf32, #tpu.memory_space<vmem_shared>>)
      tpu.yield
    }) : () -> ()
    %mul3A_23 = arith.constant 640 : i32
    %mul3A_24 = arith.muli %arg1, %mul3A_23 : i32
    %add3A_25 = arith.constant 400 : i32
    %add3A_26 = arith.addi %mul3A_24, %add3A_25 : i32
    "tpu.region"() ({
      %run_scoped3A = tpu.sem_alloc : memref<!tpu.dma_semaphore, #tpu.memory_space<semaphore_mem>>
      %dma_start3A_63 = arith.constant 0 : i32
      %dma_start3A_64 = arith.constant 0 : i32
      %dma_start3A_65 = tpu.memref_slice %arg8[%dma_start3A_63, %dma_start3A_64] : memref<88x128xf32, #tpu.memory_space<vmem>> -> memref<80x128xf32, #tpu.memory_space<vmem>>
      %dma_start3A_66 = arith.constant 0 : i32
      %dma_start3A_67 = tpu.memref_slice %arg10[%add3A_26, %dma_start3A_66] : memref<10240x128xf32, #tpu.memory_space<vmem_shared>> -> memref<80x128xf32, #tpu.memory_space<vmem_shared>>
      %dma_start3A_68 = arith.constant 0 : i32
      %dma_start3A_69 = tpu.memref_slice %arg10[%add3A_26, %dma_start3A_68] : memref<10240x128xf32, #tpu.memory_space<vmem_shared>> -> memref<80x128xf32, #tpu.memory_space<vmem_shared>>
      %dma_start3A_70 = arith.constant 0 : i32
      %dma_start3A_71 = arith.constant 0 : i32
      %dma_start3A_72 = tpu.memref_slice %arg8[%dma_start3A_70, %dma_start3A_71] : memref<88x128xf32, #tpu.memory_space<vmem>> -> memref<80x128xf32, #tpu.memory_space<vmem>>
      tpu.enqueue_dma source(%dma_start3A_72 : memref<80x128xf32, #tpu.memory_space<vmem>>) target(%dma_start3A_69 : memref<80x128xf32, #tpu.memory_space<vmem_shared>>) target_semaphore(%run_scoped3A : memref<!tpu.dma_semaphore, #tpu.memory_space<semaphore_mem>>)
      %dma_wait3A = arith.constant 0 : i32
      %dma_wait3A_73 = arith.constant 0 : i32
      %dma_wait3A_74 = tpu.memref_slice %arg8[%dma_wait3A, %dma_wait3A_73] : memref<88x128xf32, #tpu.memory_space<vmem>> -> memref<80x128xf32, #tpu.memory_space<vmem>>
      %dma_wait3A_75 = arith.constant 0 : i32
      %dma_wait3A_76 = tpu.memref_slice %arg10[%add3A_26, %dma_wait3A_75] : memref<10240x128xf32, #tpu.memory_space<vmem_shared>> -> memref<80x128xf32, #tpu.memory_space<vmem_shared>>
      %dma_wait3A_77 = arith.constant 0 : i32
      %dma_wait3A_78 = tpu.memref_slice %arg10[%add3A_26, %dma_wait3A_77] : memref<10240x128xf32, #tpu.memory_space<vmem_shared>> -> memref<80x128xf32, #tpu.memory_space<vmem_shared>>
      %dma_wait3A_79 = arith.constant 0 : i32
      %dma_wait3A_80 = arith.constant 0 : i32
      %dma_wait3A_81 = tpu.memref_slice %arg8[%dma_wait3A_79, %dma_wait3A_80] : memref<88x128xf32, #tpu.memory_space<vmem>> -> memref<80x128xf32, #tpu.memory_space<vmem>>
      tpu.wait_dma2 semaphore(%run_scoped3A : memref<!tpu.dma_semaphore, #tpu.memory_space<semaphore_mem>>) src(%dma_wait3A_81 : memref<80x128xf32, #tpu.memory_space<vmem>>) dst(%dma_wait3A_78 : memref<80x128xf32, #tpu.memory_space<vmem_shared>>)
      tpu.yield
    }) : () -> ()
    %mul3A_27 = arith.constant 640 : i32
    %mul3A_28 = arith.muli %arg1, %mul3A_27 : i32
    %add3A_29 = arith.constant 480 : i32
    %add3A_30 = arith.addi %mul3A_28, %add3A_29 : i32
    "tpu.region"() ({
      %run_scoped3A = tpu.sem_alloc : memref<!tpu.dma_semaphore, #tpu.memory_space<semaphore_mem>>
      %dma_start3A_63 = arith.constant 0 : i32
      %dma_start3A_64 = arith.constant 0 : i32
      %dma_start3A_65 = tpu.memref_slice %arg8[%dma_start3A_63, %dma_start3A_64] : memref<88x128xf32, #tpu.memory_space<vmem>> -> memref<80x128xf32, #tpu.memory_space<vmem>>
      %dma_start3A_66 = arith.constant 0 : i32
      %dma_start3A_67 = tpu.memref_slice %arg10[%add3A_30, %dma_start3A_66] : memref<10240x128xf32, #tpu.memory_space<vmem_shared>> -> memref<80x128xf32, #tpu.memory_space<vmem_shared>>
      %dma_start3A_68 = arith.constant 0 : i32
      %dma_start3A_69 = tpu.memref_slice %arg10[%add3A_30, %dma_start3A_68] : memref<10240x128xf32, #tpu.memory_space<vmem_shared>> -> memref<80x128xf32, #tpu.memory_space<vmem_shared>>
      %dma_start3A_70 = arith.constant 0 : i32
      %dma_start3A_71 = arith.constant 0 : i32
      %dma_start3A_72 = tpu.memref_slice %arg8[%dma_start3A_70, %dma_start3A_71] : memref<88x128xf32, #tpu.memory_space<vmem>> -> memref<80x128xf32, #tpu.memory_space<vmem>>
      tpu.enqueue_dma source(%dma_start3A_72 : memref<80x128xf32, #tpu.memory_space<vmem>>) target(%dma_start3A_69 : memref<80x128xf32, #tpu.memory_space<vmem_shared>>) target_semaphore(%run_scoped3A : memref<!tpu.dma_semaphore, #tpu.memory_space<semaphore_mem>>)
      %dma_wait3A = arith.constant 0 : i32
      %dma_wait3A_73 = arith.constant 0 : i32
      %dma_wait3A_74 = tpu.memref_slice %arg8[%dma_wait3A, %dma_wait3A_73] : memref<88x128xf32, #tpu.memory_space<vmem>> -> memref<80x128xf32, #tpu.memory_space<vmem>>
      %dma_wait3A_75 = arith.constant 0 : i32
      %dma_wait3A_76 = tpu.memref_slice %arg10[%add3A_30, %dma_wait3A_75] : memref<10240x128xf32, #tpu.memory_space<vmem_shared>> -> memref<80x128xf32, #tpu.memory_space<vmem_shared>>
      %dma_wait3A_77 = arith.constant 0 : i32
      %dma_wait3A_78 = tpu.memref_slice %arg10[%add3A_30, %dma_wait3A_77] : memref<10240x128xf32, #tpu.memory_space<vmem_shared>> -> memref<80x128xf32, #tpu.memory_space<vmem_shared>>
      %dma_wait3A_79 = arith.constant 0 : i32
      %dma_wait3A_80 = arith.constant 0 : i32
      %dma_wait3A_81 = tpu.memref_slice %arg8[%dma_wait3A_79, %dma_wait3A_80] : memref<88x128xf32, #tpu.memory_space<vmem>> -> memref<80x128xf32, #tpu.memory_space<vmem>>
      tpu.wait_dma2 semaphore(%run_scoped3A : memref<!tpu.dma_semaphore, #tpu.memory_space<semaphore_mem>>) src(%dma_wait3A_81 : memref<80x128xf32, #tpu.memory_space<vmem>>) dst(%dma_wait3A_78 : memref<80x128xf32, #tpu.memory_space<vmem_shared>>)
      tpu.yield
    }) : () -> ()
    %mul3A_31 = arith.constant 640 : i32
    %mul3A_32 = arith.muli %arg1, %mul3A_31 : i32
    %add3A_33 = arith.constant 560 : i32
    %add3A_34 = arith.addi %mul3A_32, %add3A_33 : i32
    "tpu.region"() ({
      %run_scoped3A = tpu.sem_alloc : memref<!tpu.dma_semaphore, #tpu.memory_space<semaphore_mem>>
      %dma_start3A_63 = arith.constant 0 : i32
      %dma_start3A_64 = arith.constant 0 : i32
      %dma_start3A_65 = tpu.memref_slice %arg8[%dma_start3A_63, %dma_start3A_64] : memref<88x128xf32, #tpu.memory_space<vmem>> -> memref<80x128xf32, #tpu.memory_space<vmem>>
      %dma_start3A_66 = arith.constant 0 : i32
      %dma_start3A_67 = tpu.memref_slice %arg10[%add3A_34, %dma_start3A_66] : memref<10240x128xf32, #tpu.memory_space<vmem_shared>> -> memref<80x128xf32, #tpu.memory_space<vmem_shared>>
      %dma_start3A_68 = arith.constant 0 : i32
      %dma_start3A_69 = tpu.memref_slice %arg10[%add3A_34, %dma_start3A_68] : memref<10240x128xf32, #tpu.memory_space<vmem_shared>> -> memref<80x128xf32, #tpu.memory_space<vmem_shared>>
      %dma_start3A_70 = arith.constant 0 : i32
      %dma_start3A_71 = arith.constant 0 : i32
      %dma_start3A_72 = tpu.memref_slice %arg8[%dma_start3A_70, %dma_start3A_71] : memref<88x128xf32, #tpu.memory_space<vmem>> -> memref<80x128xf32, #tpu.memory_space<vmem>>
      tpu.enqueue_dma source(%dma_start3A_72 : memref<80x128xf32, #tpu.memory_space<vmem>>) target(%dma_start3A_69 : memref<80x128xf32, #tpu.memory_space<vmem_shared>>) target_semaphore(%run_scoped3A : memref<!tpu.dma_semaphore, #tpu.memory_space<semaphore_mem>>)
      %dma_wait3A = arith.constant 0 : i32
      %dma_wait3A_73 = arith.constant 0 : i32
      %dma_wait3A_74 = tpu.memref_slice %arg8[%dma_wait3A, %dma_wait3A_73] : memref<88x128xf32, #tpu.memory_space<vmem>> -> memref<80x128xf32, #tpu.memory_space<vmem>>
      %dma_wait3A_75 = arith.constant 0 : i32
      %dma_wait3A_76 = tpu.memref_slice %arg10[%add3A_34, %dma_wait3A_75] : memref<10240x128xf32, #tpu.memory_space<vmem_shared>> -> memref<80x128xf32, #tpu.memory_space<vmem_shared>>
      %dma_wait3A_77 = arith.constant 0 : i32
      %dma_wait3A_78 = tpu.memref_slice %arg10[%add3A_34, %dma_wait3A_77] : memref<10240x128xf32, #tpu.memory_space<vmem_shared>> -> memref<80x128xf32, #tpu.memory_space<vmem_shared>>
      %dma_wait3A_79 = arith.constant 0 : i32
      %dma_wait3A_80 = arith.constant 0 : i32
      %dma_wait3A_81 = tpu.memref_slice %arg8[%dma_wait3A_79, %dma_wait3A_80] : memref<88x128xf32, #tpu.memory_space<vmem>> -> memref<80x128xf32, #tpu.memory_space<vmem>>
      tpu.wait_dma2 semaphore(%run_scoped3A : memref<!tpu.dma_semaphore, #tpu.memory_space<semaphore_mem>>) src(%dma_wait3A_81 : memref<80x128xf32, #tpu.memory_space<vmem>>) dst(%dma_wait3A_78 : memref<80x128xf32, #tpu.memory_space<vmem_shared>>)
      tpu.yield
    }) : () -> ()
    "tpu.region"() ({
      %run_scoped3A = tpu.sem_alloc : memref<!tpu.dma_semaphore, #tpu.memory_space<semaphore_mem>>
      %dma_start3A_63 = arith.constant 0 : i32
      %dma_start3A_64 = tpu.memref_slice %arg3[%arg0, %arg1, %dma_start3A_63] : memref<2x16x10032xi32, #tpu.memory_space<hbm>> -> memref<1x1x10032xi32, #tpu.memory_space<hbm>>
      %dma_start3A_65 = tpu.memref_squeeze %dma_start3A_64 : memref<1x1x10032xi32, #tpu.memory_space<hbm>> -> memref<10032xi32, #tpu.memory_space<hbm>>
      %dma_start3A_66 = arith.constant 0 : i32
      %dma_start3A_67 = tpu.memref_slice %arg3[%arg0, %arg1, %dma_start3A_66] : memref<2x16x10032xi32, #tpu.memory_space<hbm>> -> memref<1x1x10032xi32, #tpu.memory_space<hbm>>
      %dma_start3A_68 = tpu.memref_squeeze %dma_start3A_67 : memref<1x1x10032xi32, #tpu.memory_space<hbm>> -> memref<10032xi32, #tpu.memory_space<hbm>>
      tpu.enqueue_dma source(%dma_start3A_68 : memref<10032xi32, #tpu.memory_space<hbm>>) target(%arg6 : memref<10032xi32, #tpu.memory_space<vmem>>) target_semaphore(%run_scoped3A : memref<!tpu.dma_semaphore, #tpu.memory_space<semaphore_mem>>)
      %dma_wait3A = arith.constant 0 : i32
      %dma_wait3A_69 = tpu.memref_slice %arg3[%arg0, %arg1, %dma_wait3A] : memref<2x16x10032xi32, #tpu.memory_space<hbm>> -> memref<1x1x10032xi32, #tpu.memory_space<hbm>>
      %dma_wait3A_70 = tpu.memref_squeeze %dma_wait3A_69 : memref<1x1x10032xi32, #tpu.memory_space<hbm>> -> memref<10032xi32, #tpu.memory_space<hbm>>
      %dma_wait3A_71 = arith.constant 0 : i32
      %dma_wait3A_72 = tpu.memref_slice %arg3[%arg0, %arg1, %dma_wait3A_71] : memref<2x16x10032xi32, #tpu.memory_space<hbm>> -> memref<1x1x10032xi32, #tpu.memory_space<hbm>>
      %dma_wait3A_73 = tpu.memref_squeeze %dma_wait3A_72 : memref<1x1x10032xi32, #tpu.memory_space<hbm>> -> memref<10032xi32, #tpu.memory_space<hbm>>
      tpu.wait_dma2 semaphore(%run_scoped3A : memref<!tpu.dma_semaphore, #tpu.memory_space<semaphore_mem>>) src(%dma_wait3A_73 : memref<10032xi32, #tpu.memory_space<hbm>>) dst(%arg6 : memref<10032xi32, #tpu.memory_space<vmem>>)
      tpu.yield
    }) : () -> ()
    "tpu.region"() ({
      %run_scoped3A = tpu.sem_alloc : memref<!tpu.dma_semaphore, #tpu.memory_space<semaphore_mem>>
      %dma_start3A_63 = arith.constant 0 : i32
      %dma_start3A_64 = arith.constant 0 : i32
      %dma_start3A_65 = tpu.memref_slice %arg4[%arg0, %arg1, %dma_start3A_63, %dma_start3A_64] : memref<2x16x114x88xi32, #tpu.memory_space<hbm>> -> memref<1x1x114x88xi32, #tpu.memory_space<hbm>>
      %dma_start3A_66 = tpu.memref_squeeze %dma_start3A_65 : memref<1x1x114x88xi32, #tpu.memory_space<hbm>> -> memref<114x88xi32, #tpu.memory_space<hbm>>
      %dma_start3A_67 = arith.constant 0 : i32
      %dma_start3A_68 = arith.constant 0 : i32
      %dma_start3A_69 = tpu.memref_slice %arg4[%arg0, %arg1, %dma_start3A_67, %dma_start3A_68] : memref<2x16x114x88xi32, #tpu.memory_space<hbm>> -> memref<1x1x114x88xi32, #tpu.memory_space<hbm>>
      %dma_start3A_70 = tpu.memref_squeeze %dma_start3A_69 : memref<1x1x114x88xi32, #tpu.memory_space<hbm>> -> memref<114x88xi32, #tpu.memory_space<hbm>>
      tpu.enqueue_dma source(%dma_start3A_70 : memref<114x88xi32, #tpu.memory_space<hbm>>) target(%arg7 : memref<114x88xi32, #tpu.memory_space<vmem>>) target_semaphore(%run_scoped3A : memref<!tpu.dma_semaphore, #tpu.memory_space<semaphore_mem>>)
      %dma_wait3A = arith.constant 0 : i32
      %dma_wait3A_71 = arith.constant 0 : i32
      %dma_wait3A_72 = tpu.memref_slice %arg4[%arg0, %arg1, %dma_wait3A, %dma_wait3A_71] : memref<2x16x114x88xi32, #tpu.memory_space<hbm>> -> memref<1x1x114x88xi32, #tpu.memory_space<hbm>>
      %dma_wait3A_73 = tpu.memref_squeeze %dma_wait3A_72 : memref<1x1x114x88xi32, #tpu.memory_space<hbm>> -> memref<114x88xi32, #tpu.memory_space<hbm>>
      %dma_wait3A_74 = arith.constant 0 : i32
      %dma_wait3A_75 = arith.constant 0 : i32
      %dma_wait3A_76 = tpu.memref_slice %arg4[%arg0, %arg1, %dma_wait3A_74, %dma_wait3A_75] : memref<2x16x114x88xi32, #tpu.memory_space<hbm>> -> memref<1x1x114x88xi32, #tpu.memory_space<hbm>>
      %dma_wait3A_77 = tpu.memref_squeeze %dma_wait3A_76 : memref<1x1x114x88xi32, #tpu.memory_space<hbm>> -> memref<114x88xi32, #tpu.memory_space<hbm>>
      tpu.wait_dma2 semaphore(%run_scoped3A : memref<!tpu.dma_semaphore, #tpu.memory_space<semaphore_mem>>) src(%dma_wait3A_77 : memref<114x88xi32, #tpu.memory_space<hbm>>) dst(%arg7 : memref<114x88xi32, #tpu.memory_space<vmem>>)
      tpu.yield
    }) : () -> ()
    %barrier3A = arith.constant 0 : index
    tpu.barrier barrier_id(%barrier3A)
    %dma_start3A = arith.constant 0 : i32
    %dma_start3A_35 = tpu.memref_slice %arg6[%dma_start3A] : memref<10032xi32, #tpu.memory_space<vmem>> -> memref<88xi32, #tpu.memory_space<vmem>>
    %dma_start3A_36 = arith.constant 0 : i32
    %dma_start3A_37 = arith.constant 0 : i32
    %dma_start3A_38 = tpu.memref_slice %arg2[%arg0, %dma_start3A_36, %dma_start3A_37] : memref<2x10000x128xf32, #tpu.memory_space<hbm>> -> memref<1x10000x128xf32, #tpu.memory_space<hbm>>
    %dma_start3A_39 = tpu.memref_squeeze %dma_start3A_38 : memref<1x10000x128xf32, #tpu.memory_space<hbm>> -> memref<10000x128xf32, #tpu.memory_space<hbm>>
    %dma_start3A_40 = arith.constant 0 : i32
    %dma_start3A_41 = arith.constant 0 : i32
    %dma_start3A_42 = tpu.memref_slice %dma_start3A_39[%dma_start3A_40, %dma_start3A_41] : memref<10000x128xf32, #tpu.memory_space<hbm>> -> memref<10000x128xf32, #tpu.memory_space<hbm>>
    tpu.enqueue_indirect_dma source(%dma_start3A_42 : memref<10000x128xf32, #tpu.memory_space<hbm>>) target(%arg8 : memref<88x128xf32, #tpu.memory_space<vmem>>) offsets(%dma_start3A_35 : memref<88xi32, #tpu.memory_space<vmem>>) semaphore(%arg11 : memref<!tpu.dma_semaphore, #tpu.memory_space<semaphore_mem>>)
    %dma_start3A_43 = arith.constant 88 : i32
    %dma_start3A_44 = tpu.memref_slice %arg6[%dma_start3A_43] : memref<10032xi32, #tpu.memory_space<vmem>> -> memref<88xi32, #tpu.memory_space<vmem>>
    %dma_start3A_45 = arith.constant 0 : i32
    %dma_start3A_46 = arith.constant 0 : i32
    %dma_start3A_47 = tpu.memref_slice %arg2[%arg0, %dma_start3A_45, %dma_start3A_46] : memref<2x10000x128xf32, #tpu.memory_space<hbm>> -> memref<1x10000x128xf32, #tpu.memory_space<hbm>>
    %dma_start3A_48 = tpu.memref_squeeze %dma_start3A_47 : memref<1x10000x128xf32, #tpu.memory_space<hbm>> -> memref<10000x128xf32, #tpu.memory_space<hbm>>
    %dma_start3A_49 = arith.constant 0 : i32
    %dma_start3A_50 = arith.constant 0 : i32
    %dma_start3A_51 = tpu.memref_slice %dma_start3A_48[%dma_start3A_49, %dma_start3A_50] : memref<10000x128xf32, #tpu.memory_space<hbm>> -> memref<10000x128xf32, #tpu.memory_space<hbm>>
    tpu.enqueue_indirect_dma source(%dma_start3A_51 : memref<10000x128xf32, #tpu.memory_space<hbm>>) target(%arg9 : memref<88x128xf32, #tpu.memory_space<vmem>>) offsets(%dma_start3A_44 : memref<88xi32, #tpu.memory_space<vmem>>) semaphore(%arg12 : memref<!tpu.dma_semaphore, #tpu.memory_space<semaphore_mem>>)
    %scan3A_52 = arith.constant 0 : i32
    %scan3A_53 = arith.constant 0 : i32
    %scan3A_54 = arith.constant 57 : i32
    %scan3A_55 = arith.addi %scan3A_53, %scan3A_54 : i32
    %scan3A_56 = arith.constant 1 : i32
    scf.for %scan3A_63 = %scan3A_53 to %scan3A_55 step %scan3A_56  : i32 {
      %mul3A_64 = arith.constant 2 : i32
      %mul3A_65 = arith.muli %scan3A_63, %mul3A_64 : i32
      %add3A_66 = arith.constant 0 : i32
      %add3A_67 = arith.addi %mul3A_65, %add3A_66 : i32
      %mul3A_68 = arith.constant 88 : i32
      %mul3A_69 = arith.muli %add3A_67, %mul3A_68 : i32
      %dma_wait3A = tpu.memref_slice %arg6[%mul3A_69] : memref<10032xi32, #tpu.memory_space<vmem>> -> memref<88xi32, #tpu.memory_space<vmem>>
      %dma_wait3A_70 = arith.constant 0 : i32
      %dma_wait3A_71 = arith.constant 0 : i32
      %dma_wait3A_72 = tpu.memref_slice %arg2[%arg0, %dma_wait3A_70, %dma_wait3A_71] : memref<2x10000x128xf32, #tpu.memory_space<hbm>> -> memref<1x10000x128xf32, #tpu.memory_space<hbm>>
      %dma_wait3A_73 = tpu.memref_squeeze %dma_wait3A_72 : memref<1x10000x128xf32, #tpu.memory_space<hbm>> -> memref<10000x128xf32, #tpu.memory_space<hbm>>
      %dma_wait3A_74 = arith.constant 0 : i32
      %dma_wait3A_75 = arith.constant 0 : i32
      %dma_wait3A_76 = tpu.memref_slice %dma_wait3A_73[%dma_wait3A_74, %dma_wait3A_75] : memref<10000x128xf32, #tpu.memory_space<hbm>> -> memref<10000x128xf32, #tpu.memory_space<hbm>>
      tpu.wait_indirect_dma semaphore(%arg11 : memref<!tpu.dma_semaphore, #tpu.memory_space<semaphore_mem>>) src(%dma_wait3A_76 : memref<10000x128xf32, #tpu.memory_space<hbm>>) dst(%arg8 : memref<88x128xf32, #tpu.memory_space<vmem>>)
      "tpu.region"() ({
        %run_scoped3A = tpu.sem_alloc : memref<!tpu.dma_semaphore, #tpu.memory_space<semaphore_mem>>
        %dma_start3A_100 = arith.constant 0 : i32
        %dma_start3A_101 = tpu.memref_slice %arg7[%add3A_67, %dma_start3A_100] : memref<114x88xi32, #tpu.memory_space<vmem>> -> memref<1x88xi32, #tpu.memory_space<vmem>>
        %dma_start3A_102 = tpu.memref_squeeze %dma_start3A_101 : memref<1x88xi32, #tpu.memory_space<vmem>> -> memref<88xi32, #tpu.memory_space<vmem>>
        %dma_start3A_103 = arith.constant 0 : i32
        %dma_start3A_104 = arith.constant 0 : i32
        %dma_start3A_105 = tpu.memref_slice %arg10[%dma_start3A_103, %dma_start3A_104] : memref<10240x128xf32, #tpu.memory_space<vmem_shared>> -> memref<10240x128xf32, #tpu.memory_space<vmem_shared>>
        tpu.enqueue_indirect_dma source(%arg8 : memref<88x128xf32, #tpu.memory_space<vmem>>) target(%dma_start3A_105 : memref<10240x128xf32, #tpu.memory_space<vmem_shared>>) offsets(%dma_start3A_102 : memref<88xi32, #tpu.memory_space<vmem>>) semaphore(%run_scoped3A : memref<!tpu.dma_semaphore, #tpu.memory_space<semaphore_mem>>) {add = true}
        %dma_wait3A_106 = arith.constant 0 : i32
        %dma_wait3A_107 = tpu.memref_slice %arg7[%add3A_67, %dma_wait3A_106] : memref<114x88xi32, #tpu.memory_space<vmem>> -> memref<1x88xi32, #tpu.memory_space<vmem>>
        %dma_wait3A_108 = tpu.memref_squeeze %dma_wait3A_107 : memref<1x88xi32, #tpu.memory_space<vmem>> -> memref<88xi32, #tpu.memory_space<vmem>>
        %dma_wait3A_109 = arith.constant 0 : i32
        %dma_wait3A_110 = arith.constant 0 : i32
        %dma_wait3A_111 = tpu.memref_slice %arg10[%dma_wait3A_109, %dma_wait3A_110] : memref<10240x128xf32, #tpu.memory_space<vmem_shared>> -> memref<10240x128xf32, #tpu.memory_space<vmem_shared>>
        tpu.wait_indirect_dma semaphore(%run_scoped3A : memref<!tpu.dma_semaphore, #tpu.memory_space<semaphore_mem>>) src(%arg8 : memref<88x128xf32, #tpu.memory_space<vmem>>) dst(%dma_wait3A_111 : memref<10240x128xf32, #tpu.memory_space<vmem_shared>>)
        tpu.yield
      }) : () -> ()
      %add3A_77 = arith.constant 2 : i32
      %add3A_78 = arith.addi %add3A_67, %add3A_77 : i32
      %lt3A = arith.constant 114 : i32
      %lt3A_79 = arith.cmpi slt, %add3A_78, %lt3A : i32
      %convert_element_type3A = arith.extui %lt3A_79 : i1 to i32
      %cond3A = arith.constant 0 : i32
      %cond3A_80 = arith.cmpi ne, %convert_element_type3A, %cond3A : i32
      scf.if %cond3A_80 {
        %add3A_100 = arith.constant 2 : i32
        %add3A_101 = arith.addi %add3A_67, %add3A_100 : i32
        %mul3A_102 = arith.constant 88 : i32
        %mul3A_103 = arith.muli %add3A_101, %mul3A_102 : i32
        %dma_start3A_104 = tpu.memref_slice %arg6[%mul3A_103] : memref<10032xi32, #tpu.memory_space<vmem>> -> memref<88xi32, #tpu.memory_space<vmem>>
        %dma_start3A_105 = arith.constant 0 : i32
        %dma_start3A_106 = arith.constant 0 : i32
        %dma_start3A_107 = tpu.memref_slice %arg2[%arg0, %dma_start3A_105, %dma_start3A_106] : memref<2x10000x128xf32, #tpu.memory_space<hbm>> -> memref<1x10000x128xf32, #tpu.memory_space<hbm>>
        %dma_start3A_108 = tpu.memref_squeeze %dma_start3A_107 : memref<1x10000x128xf32, #tpu.memory_space<hbm>> -> memref<10000x128xf32, #tpu.memory_space<hbm>>
        %dma_start3A_109 = arith.constant 0 : i32
        %dma_start3A_110 = arith.constant 0 : i32
        %dma_start3A_111 = tpu.memref_slice %dma_start3A_108[%dma_start3A_109, %dma_start3A_110] : memref<10000x128xf32, #tpu.memory_space<hbm>> -> memref<10000x128xf32, #tpu.memory_space<hbm>>
        tpu.enqueue_indirect_dma source(%dma_start3A_111 : memref<10000x128xf32, #tpu.memory_space<hbm>>) target(%arg8 : memref<88x128xf32, #tpu.memory_space<vmem>>) offsets(%dma_start3A_104 : memref<88xi32, #tpu.memory_space<vmem>>) semaphore(%arg11 : memref<!tpu.dma_semaphore, #tpu.memory_space<semaphore_mem>>)
      } else {
      }
      %add3A_81 = arith.constant 1 : i32
      %add3A_82 = arith.addi %mul3A_65, %add3A_81 : i32
      %mul3A_83 = arith.constant 88 : i32
      %mul3A_84 = arith.muli %add3A_82, %mul3A_83 : i32
      %dma_wait3A_85 = tpu.memref_slice %arg6[%mul3A_84] : memref<10032xi32, #tpu.memory_space<vmem>> -> memref<88xi32, #tpu.memory_space<vmem>>
      %dma_wait3A_86 = arith.constant 0 : i32
      %dma_wait3A_87 = arith.constant 0 : i32
      %dma_wait3A_88 = tpu.memref_slice %arg2[%arg0, %dma_wait3A_86, %dma_wait3A_87] : memref<2x10000x128xf32, #tpu.memory_space<hbm>> -> memref<1x10000x128xf32, #tpu.memory_space<hbm>>
      %dma_wait3A_89 = tpu.memref_squeeze %dma_wait3A_88 : memref<1x10000x128xf32, #tpu.memory_space<hbm>> -> memref<10000x128xf32, #tpu.memory_space<hbm>>
      %dma_wait3A_90 = arith.constant 0 : i32
      %dma_wait3A_91 = arith.constant 0 : i32
      %dma_wait3A_92 = tpu.memref_slice %dma_wait3A_89[%dma_wait3A_90, %dma_wait3A_91] : memref<10000x128xf32, #tpu.memory_space<hbm>> -> memref<10000x128xf32, #tpu.memory_space<hbm>>
      tpu.wait_indirect_dma semaphore(%arg12 : memref<!tpu.dma_semaphore, #tpu.memory_space<semaphore_mem>>) src(%dma_wait3A_92 : memref<10000x128xf32, #tpu.memory_space<hbm>>) dst(%arg9 : memref<88x128xf32, #tpu.memory_space<vmem>>)
      "tpu.region"() ({
        %run_scoped3A = tpu.sem_alloc : memref<!tpu.dma_semaphore, #tpu.memory_space<semaphore_mem>>
        %dma_start3A_100 = arith.constant 0 : i32
        %dma_start3A_101 = tpu.memref_slice %arg7[%add3A_82, %dma_start3A_100] : memref<114x88xi32, #tpu.memory_space<vmem>> -> memref<1x88xi32, #tpu.memory_space<vmem>>
        %dma_start3A_102 = tpu.memref_squeeze %dma_start3A_101 : memref<1x88xi32, #tpu.memory_space<vmem>> -> memref<88xi32, #tpu.memory_space<vmem>>
        %dma_start3A_103 = arith.constant 0 : i32
        %dma_start3A_104 = arith.constant 0 : i32
        %dma_start3A_105 = tpu.memref_slice %arg10[%dma_start3A_103, %dma_start3A_104] : memref<10240x128xf32, #tpu.memory_space<vmem_shared>> -> memref<10240x128xf32, #tpu.memory_space<vmem_shared>>
        tpu.enqueue_indirect_dma source(%arg9 : memref<88x128xf32, #tpu.memory_space<vmem>>) target(%dma_start3A_105 : memref<10240x128xf32, #tpu.memory_space<vmem_shared>>) offsets(%dma_start3A_102 : memref<88xi32, #tpu.memory_space<vmem>>) semaphore(%run_scoped3A : memref<!tpu.dma_semaphore, #tpu.memory_space<semaphore_mem>>) {add = true}
        %dma_wait3A_106 = arith.constant 0 : i32
        %dma_wait3A_107 = tpu.memref_slice %arg7[%add3A_82, %dma_wait3A_106] : memref<114x88xi32, #tpu.memory_space<vmem>> -> memref<1x88xi32, #tpu.memory_space<vmem>>
        %dma_wait3A_108 = tpu.memref_squeeze %dma_wait3A_107 : memref<1x88xi32, #tpu.memory_space<vmem>> -> memref<88xi32, #tpu.memory_space<vmem>>
        %dma_wait3A_109 = arith.constant 0 : i32
        %dma_wait3A_110 = arith.constant 0 : i32
        %dma_wait3A_111 = tpu.memref_slice %arg10[%dma_wait3A_109, %dma_wait3A_110] : memref<10240x128xf32, #tpu.memory_space<vmem_shared>> -> memref<10240x128xf32, #tpu.memory_space<vmem_shared>>
        tpu.wait_indirect_dma semaphore(%run_scoped3A : memref<!tpu.dma_semaphore, #tpu.memory_space<semaphore_mem>>) src(%arg9 : memref<88x128xf32, #tpu.memory_space<vmem>>) dst(%dma_wait3A_111 : memref<10240x128xf32, #tpu.memory_space<vmem_shared>>)
        tpu.yield
      }) : () -> ()
      %add3A_93 = arith.constant 2 : i32
      %add3A_94 = arith.addi %add3A_82, %add3A_93 : i32
      %lt3A_95 = arith.constant 114 : i32
      %lt3A_96 = arith.cmpi slt, %add3A_94, %lt3A_95 : i32
      %convert_element_type3A_97 = arith.extui %lt3A_96 : i1 to i32
      %cond3A_98 = arith.constant 0 : i32
      %cond3A_99 = arith.cmpi ne, %convert_element_type3A_97, %cond3A_98 : i32
      scf.if %cond3A_99 {
        %add3A_100 = arith.constant 2 : i32
        %add3A_101 = arith.addi %add3A_82, %add3A_100 : i32
        %mul3A_102 = arith.constant 88 : i32
        %mul3A_103 = arith.muli %add3A_101, %mul3A_102 : i32
        %dma_start3A_104 = tpu.memref_slice %arg6[%mul3A_103] : memref<10032xi32, #tpu.memory_space<vmem>> -> memref<88xi32, #tpu.memory_space<vmem>>
        %dma_start3A_105 = arith.constant 0 : i32
        %dma_start3A_106 = arith.constant 0 : i32
        %dma_start3A_107 = tpu.memref_slice %arg2[%arg0, %dma_start3A_105, %dma_start3A_106] : memref<2x10000x128xf32, #tpu.memory_space<hbm>> -> memref<1x10000x128xf32, #tpu.memory_space<hbm>>
        %dma_start3A_108 = tpu.memref_squeeze %dma_start3A_107 : memref<1x10000x128xf32, #tpu.memory_space<hbm>> -> memref<10000x128xf32, #tpu.memory_space<hbm>>
        %dma_start3A_109 = arith.constant 0 : i32
        %dma_start3A_110 = arith.constant 0 : i32
        %dma_start3A_111 = tpu.memref_slice %dma_start3A_108[%dma_start3A_109, %dma_start3A_110] : memref<10000x128xf32, #tpu.memory_space<hbm>> -> memref<10000x128xf32, #tpu.memory_space<hbm>>
        tpu.enqueue_indirect_dma source(%dma_start3A_111 : memref<10000x128xf32, #tpu.memory_space<hbm>>) target(%arg9 : memref<88x128xf32, #tpu.memory_space<vmem>>) offsets(%dma_start3A_104 : memref<88xi32, #tpu.memory_space<vmem>>) semaphore(%arg12 : memref<!tpu.dma_semaphore, #tpu.memory_space<semaphore_mem>>)
      } else {
      }
    }
    %scan3A_57 = arith.constant 57 : i32
    %barrier3A_58 = arith.constant 0 : index
    tpu.barrier barrier_id(%barrier3A_58)
    %mul3A_59 = arith.constant 640 : i32
    %mul3A_60 = arith.muli %arg1, %mul3A_59 : i32
    %mul3A_61 = arith.constant 640 : i32
    %mul3A_62 = arith.muli %arg1, %mul3A_61 : i32
    "tpu.region"() ({
      %run_scoped3A = tpu.sem_alloc : memref<!tpu.dma_semaphore, #tpu.memory_space<semaphore_mem>>
      %dma_start3A_63 = arith.constant 0 : i32
      %dma_start3A_64 = tpu.memref_slice %arg5[%arg0, %mul3A_62, %dma_start3A_63] : memref<2x10240x128xf32, #tpu.memory_space<hbm>> -> memref<1x640x128xf32, #tpu.memory_space<hbm>>
      %dma_start3A_65 = tpu.memref_squeeze %dma_start3A_64 : memref<1x640x128xf32, #tpu.memory_space<hbm>> -> memref<640x128xf32, #tpu.memory_space<hbm>>
      %dma_start3A_66 = arith.constant 0 : i32
      %dma_start3A_67 = tpu.memref_slice %arg10[%mul3A_60, %dma_start3A_66] : memref<10240x128xf32, #tpu.memory_space<vmem_shared>> -> memref<640x128xf32, #tpu.memory_space<vmem_shared>>
      tpu.enqueue_dma source(%dma_start3A_67 : memref<640x128xf32, #tpu.memory_space<vmem_shared>>) target(%dma_start3A_65 : memref<640x128xf32, #tpu.memory_space<hbm>>) target_semaphore(%run_scoped3A : memref<!tpu.dma_semaphore, #tpu.memory_space<semaphore_mem>>)
      %dma_wait3A = arith.constant 0 : i32
      %dma_wait3A_68 = tpu.memref_slice %arg5[%arg0, %mul3A_62, %dma_wait3A] : memref<2x10240x128xf32, #tpu.memory_space<hbm>> -> memref<1x640x128xf32, #tpu.memory_space<hbm>>
      %dma_wait3A_69 = tpu.memref_squeeze %dma_wait3A_68 : memref<1x640x128xf32, #tpu.memory_space<hbm>> -> memref<640x128xf32, #tpu.memory_space<hbm>>
      %dma_wait3A_70 = arith.constant 0 : i32
      %dma_wait3A_71 = tpu.memref_slice %arg10[%mul3A_60, %dma_wait3A_70] : memref<10240x128xf32, #tpu.memory_space<vmem_shared>> -> memref<640x128xf32, #tpu.memory_space<vmem_shared>>
      tpu.wait_dma2 semaphore(%run_scoped3A : memref<!tpu.dma_semaphore, #tpu.memory_space<semaphore_mem>>) src(%dma_wait3A_71 : memref<640x128xf32, #tpu.memory_space<vmem_shared>>) dst(%dma_wait3A_69 : memref<640x128xf32, #tpu.memory_space<hbm>>)
      tpu.yield
    }) : () -> ()
    return
  }
}

#map = affine_map<(d0, d1) -> (0, 0, 0, 0)>
#map1 = affine_map<(d0, d1) -> (0, 0)>
module attributes {stable_mosaic.version = 14 : i64} {
  func.func @_deg_kernel(%arg0: i32, %arg1: i32, %arg2: memref<2x16x125x80xi32, #tpu.memory_space<hbm>>, %arg3: memref<2x10240xf32, #tpu.memory_space<hbm>>, %arg4: memref<125x80xi32, #tpu.memory_space<vmem>>, %arg5: memref<80xf32, #tpu.memory_space<vmem>>, %arg6: memref<640xf32, #tpu.memory_space<vmem>>, %arg7: memref<10240xf32, #tpu.memory_space<vmem_shared>>) attributes {dimension_semantics = [#tpu.dimension_semantics<core_parallel>, #tpu.dimension_semantics<subcore_parallel>], iteration_bounds = array<i64: 2, 16>, scalar_prefetch = 0 : i64, scratch_operands = 4 : i64, tpu.core_type = #tpu.core_type<sc_vector_subcore>, window_params = [{transform_indices = #map}, {transform_indices = #map1}]} {
    "tpu.region"() ({
      %run_scoped3A = tpu.sem_alloc : memref<!tpu.dma_semaphore, #tpu.memory_space<semaphore_mem>>
      %dma_start3A = arith.constant 0 : i32
      %dma_start3A_279 = arith.constant 0 : i32
      %dma_start3A_280 = tpu.memref_slice %arg2[%arg0, %arg1, %dma_start3A, %dma_start3A_279] : memref<2x16x125x80xi32, #tpu.memory_space<hbm>> -> memref<1x1x125x80xi32, #tpu.memory_space<hbm>>
      %dma_start3A_281 = tpu.memref_squeeze %dma_start3A_280 : memref<1x1x125x80xi32, #tpu.memory_space<hbm>> -> memref<125x80xi32, #tpu.memory_space<hbm>>
      %dma_start3A_282 = arith.constant 0 : i32
      %dma_start3A_283 = arith.constant 0 : i32
      %dma_start3A_284 = tpu.memref_slice %arg2[%arg0, %arg1, %dma_start3A_282, %dma_start3A_283] : memref<2x16x125x80xi32, #tpu.memory_space<hbm>> -> memref<1x1x125x80xi32, #tpu.memory_space<hbm>>
      %dma_start3A_285 = tpu.memref_squeeze %dma_start3A_284 : memref<1x1x125x80xi32, #tpu.memory_space<hbm>> -> memref<125x80xi32, #tpu.memory_space<hbm>>
      tpu.enqueue_dma source(%dma_start3A_285 : memref<125x80xi32, #tpu.memory_space<hbm>>) target(%arg4 : memref<125x80xi32, #tpu.memory_space<vmem>>) target_semaphore(%run_scoped3A : memref<!tpu.dma_semaphore, #tpu.memory_space<semaphore_mem>>)
      %dma_wait3A = arith.constant 0 : i32
      %dma_wait3A_286 = arith.constant 0 : i32
      %dma_wait3A_287 = tpu.memref_slice %arg2[%arg0, %arg1, %dma_wait3A, %dma_wait3A_286] : memref<2x16x125x80xi32, #tpu.memory_space<hbm>> -> memref<1x1x125x80xi32, #tpu.memory_space<hbm>>
      %dma_wait3A_288 = tpu.memref_squeeze %dma_wait3A_287 : memref<1x1x125x80xi32, #tpu.memory_space<hbm>> -> memref<125x80xi32, #tpu.memory_space<hbm>>
      %dma_wait3A_289 = arith.constant 0 : i32
      %dma_wait3A_290 = arith.constant 0 : i32
      %dma_wait3A_291 = tpu.memref_slice %arg2[%arg0, %arg1, %dma_wait3A_289, %dma_wait3A_290] : memref<2x16x125x80xi32, #tpu.memory_space<hbm>> -> memref<1x1x125x80xi32, #tpu.memory_space<hbm>>
      %dma_wait3A_292 = tpu.memref_squeeze %dma_wait3A_291 : memref<1x1x125x80xi32, #tpu.memory_space<hbm>> -> memref<125x80xi32, #tpu.memory_space<hbm>>
      tpu.wait_dma2 semaphore(%run_scoped3A : memref<!tpu.dma_semaphore, #tpu.memory_space<semaphore_mem>>) src(%dma_wait3A_292 : memref<125x80xi32, #tpu.memory_space<hbm>>) dst(%arg4 : memref<125x80xi32, #tpu.memory_space<vmem>>)
      tpu.yield
    }) : () -> ()
    %broadcast_in_dim3A = arith.constant 1.000000e+00 : f32
    %broadcast_in_dim3A_0 = vector.broadcast %broadcast_in_dim3A : f32 to vector<16xf32>
    %swap3A = arith.constant 0 : index
    %swap3A_1 = tpu.vector_load %arg5[%swap3A] {strides = array<i32>} : memref<80xf32, #tpu.memory_space<vmem>>, vector<16xf32>,
    %swap3A_2 = vector.shape_cast %swap3A_1 : vector<16xf32> to vector<16xf32>
    %swap3A_3 = vector.shape_cast %broadcast_in_dim3A_0 : vector<16xf32> to vector<16xf32>
    tpu.vector_store %arg5[%swap3A], %swap3A_3 {strides = array<i32>} : memref<80xf32, #tpu.memory_space<vmem>>, vector<16xf32>,
    %broadcast_in_dim3A_4 = arith.constant 1.000000e+00 : f32
    %broadcast_in_dim3A_5 = vector.broadcast %broadcast_in_dim3A_4 : f32 to vector<16xf32>
    %swap3A_6 = arith.constant 16 : index
    %swap3A_7 = tpu.vector_load %arg5[%swap3A_6] {strides = array<i32>} : memref<80xf32, #tpu.memory_space<vmem>>, vector<16xf32>,
    %swap3A_8 = vector.shape_cast %swap3A_7 : vector<16xf32> to vector<16xf32>
    %swap3A_9 = vector.shape_cast %broadcast_in_dim3A_5 : vector<16xf32> to vector<16xf32>
    tpu.vector_store %arg5[%swap3A_6], %swap3A_9 {strides = array<i32>} : memref<80xf32, #tpu.memory_space<vmem>>, vector<16xf32>,
    %broadcast_in_dim3A_10 = arith.constant 1.000000e+00 : f32
    %broadcast_in_dim3A_11 = vector.broadcast %broadcast_in_dim3A_10 : f32 to vector<16xf32>
    %swap3A_12 = arith.constant 32 : index
    %swap3A_13 = tpu.vector_load %arg5[%swap3A_12] {strides = array<i32>} : memref<80xf32, #tpu.memory_space<vmem>>, vector<16xf32>,
    %swap3A_14 = vector.shape_cast %swap3A_13 : vector<16xf32> to vector<16xf32>
    %swap3A_15 = vector.shape_cast %broadcast_in_dim3A_11 : vector<16xf32> to vector<16xf32>
    tpu.vector_store %arg5[%swap3A_12], %swap3A_15 {strides = array<i32>} : memref<80xf32, #tpu.memory_space<vmem>>, vector<16xf32>,
    %broadcast_in_dim3A_16 = arith.constant 1.000000e+00 : f32
    %broadcast_in_dim3A_17 = vector.broadcast %broadcast_in_dim3A_16 : f32 to vector<16xf32>
    %swap3A_18 = arith.constant 48 : index
    %swap3A_19 = tpu.vector_load %arg5[%swap3A_18] {strides = array<i32>} : memref<80xf32, #tpu.memory_space<vmem>>, vector<16xf32>,
    %swap3A_20 = vector.shape_cast %swap3A_19 : vector<16xf32> to vector<16xf32>
    %swap3A_21 = vector.shape_cast %broadcast_in_dim3A_17 : vector<16xf32> to vector<16xf32>
    tpu.vector_store %arg5[%swap3A_18], %swap3A_21 {strides = array<i32>} : memref<80xf32, #tpu.memory_space<vmem>>, vector<16xf32>,
    %broadcast_in_dim3A_22 = arith.constant 1.000000e+00 : f32
    %broadcast_in_dim3A_23 = vector.broadcast %broadcast_in_dim3A_22 : f32 to vector<16xf32>
    %swap3A_24 = arith.constant 64 : index
    %swap3A_25 = tpu.vector_load %arg5[%swap3A_24] {strides = array<i32>} : memref<80xf32, #tpu.memory_space<vmem>>, vector<16xf32>,
    %swap3A_26 = vector.shape_cast %swap3A_25 : vector<16xf32> to vector<16xf32>
    %swap3A_27 = vector.shape_cast %broadcast_in_dim3A_23 : vector<16xf32> to vector<16xf32>
    tpu.vector_store %arg5[%swap3A_24], %swap3A_27 {strides = array<i32>} : memref<80xf32, #tpu.memory_space<vmem>>, vector<16xf32>,
    %broadcast_in_dim3A_28 = arith.constant 0.000000e+00 : f32
    %broadcast_in_dim3A_29 = vector.broadcast %broadcast_in_dim3A_28 : f32 to vector<16xf32>
    %swap3A_30 = arith.constant 0 : index
    %swap3A_31 = tpu.vector_load %arg6[%swap3A_30] {strides = array<i32>} : memref<640xf32, #tpu.memory_space<vmem>>, vector<16xf32>,
    %swap3A_32 = vector.shape_cast %swap3A_31 : vector<16xf32> to vector<16xf32>
    %swap3A_33 = vector.shape_cast %broadcast_in_dim3A_29 : vector<16xf32> to vector<16xf32>
    tpu.vector_store %arg6[%swap3A_30], %swap3A_33 {strides = array<i32>} : memref<640xf32, #tpu.memory_space<vmem>>, vector<16xf32>,
    %broadcast_in_dim3A_34 = arith.constant 0.000000e+00 : f32
    %broadcast_in_dim3A_35 = vector.broadcast %broadcast_in_dim3A_34 : f32 to vector<16xf32>
    %swap3A_36 = arith.constant 16 : index
    %swap3A_37 = tpu.vector_load %arg6[%swap3A_36] {strides = array<i32>} : memref<640xf32, #tpu.memory_space<vmem>>, vector<16xf32>,
    %swap3A_38 = vector.shape_cast %swap3A_37 : vector<16xf32> to vector<16xf32>
    %swap3A_39 = vector.shape_cast %broadcast_in_dim3A_35 : vector<16xf32> to vector<16xf32>
    tpu.vector_store %arg6[%swap3A_36], %swap3A_39 {strides = array<i32>} : memref<640xf32, #tpu.memory_space<vmem>>, vector<16xf32>,
    %broadcast_in_dim3A_40 = arith.constant 0.000000e+00 : f32
    %broadcast_in_dim3A_41 = vector.broadcast %broadcast_in_dim3A_40 : f32 to vector<16xf32>
    %swap3A_42 = arith.constant 32 : index
    %swap3A_43 = tpu.vector_load %arg6[%swap3A_42] {strides = array<i32>} : memref<640xf32, #tpu.memory_space<vmem>>, vector<16xf32>,
    %swap3A_44 = vector.shape_cast %swap3A_43 : vector<16xf32> to vector<16xf32>
    %swap3A_45 = vector.shape_cast %broadcast_in_dim3A_41 : vector<16xf32> to vector<16xf32>
    tpu.vector_store %arg6[%swap3A_42], %swap3A_45 {strides = array<i32>} : memref<640xf32, #tpu.memory_space<vmem>>, vector<16xf32>,
    %broadcast_in_dim3A_46 = arith.constant 0.000000e+00 : f32
    %broadcast_in_dim3A_47 = vector.broadcast %broadcast_in_dim3A_46 : f32 to vector<16xf32>
    %swap3A_48 = arith.constant 48 : index
    %swap3A_49 = tpu.vector_load %arg6[%swap3A_48] {strides = array<i32>} : memref<640xf32, #tpu.memory_space<vmem>>, vector<16xf32>,
    %swap3A_50 = vector.shape_cast %swap3A_49 : vector<16xf32> to vector<16xf32>
    %swap3A_51 = vector.shape_cast %broadcast_in_dim3A_47 : vector<16xf32> to vector<16xf32>
    tpu.vector_store %arg6[%swap3A_48], %swap3A_51 {strides = array<i32>} : memref<640xf32, #tpu.memory_space<vmem>>, vector<16xf32>,
    %broadcast_in_dim3A_52 = arith.constant 0.000000e+00 : f32
    %broadcast_in_dim3A_53 = vector.broadcast %broadcast_in_dim3A_52 : f32 to vector<16xf32>
    %swap3A_54 = arith.constant 64 : index
    %swap3A_55 = tpu.vector_load %arg6[%swap3A_54] {strides = array<i32>} : memref<640xf32, #tpu.memory_space<vmem>>, vector<16xf32>,
    %swap3A_56 = vector.shape_cast %swap3A_55 : vector<16xf32> to vector<16xf32>
    %swap3A_57 = vector.shape_cast %broadcast_in_dim3A_53 : vector<16xf32> to vector<16xf32>
    tpu.vector_store %arg6[%swap3A_54], %swap3A_57 {strides = array<i32>} : memref<640xf32, #tpu.memory_space<vmem>>, vector<16xf32>,
    %broadcast_in_dim3A_58 = arith.constant 0.000000e+00 : f32
    %broadcast_in_dim3A_59 = vector.broadcast %broadcast_in_dim3A_58 : f32 to vector<16xf32>
    %swap3A_60 = arith.constant 80 : index
    %swap3A_61 = tpu.vector_load %arg6[%swap3A_60] {strides = array<i32>} : memref<640xf32, #tpu.memory_space<vmem>>, vector<16xf32>,
    %swap3A_62 = vector.shape_cast %swap3A_61 : vector<16xf32> to vector<16xf32>
    %swap3A_63 = vector.shape_cast %broadcast_in_dim3A_59 : vector<16xf32> to vector<16xf32>
    tpu.vector_store %arg6[%swap3A_60], %swap3A_63 {strides = array<i32>} : memref<640xf32, #tpu.memory_space<vmem>>, vector<16xf32>,
    %broadcast_in_dim3A_64 = arith.constant 0.000000e+00 : f32
    %broadcast_in_dim3A_65 = vector.broadcast %broadcast_in_dim3A_64 : f32 to vector<16xf32>
    %swap3A_66 = arith.constant 96 : index
    %swap3A_67 = tpu.vector_load %arg6[%swap3A_66] {strides = array<i32>} : memref<640xf32, #tpu.memory_space<vmem>>, vector<16xf32>,
    %swap3A_68 = vector.shape_cast %swap3A_67 : vector<16xf32> to vector<16xf32>
    %swap3A_69 = vector.shape_cast %broadcast_in_dim3A_65 : vector<16xf32> to vector<16xf32>
    tpu.vector_store %arg6[%swap3A_66], %swap3A_69 {strides = array<i32>} : memref<640xf32, #tpu.memory_space<vmem>>, vector<16xf32>,
    %broadcast_in_dim3A_70 = arith.constant 0.000000e+00 : f32
    %broadcast_in_dim3A_71 = vector.broadcast %broadcast_in_dim3A_70 : f32 to vector<16xf32>
    %swap3A_72 = arith.constant 112 : index
    %swap3A_73 = tpu.vector_load %arg6[%swap3A_72] {strides = array<i32>} : memref<640xf32, #tpu.memory_space<vmem>>, vector<16xf32>,
    %swap3A_74 = vector.shape_cast %swap3A_73 : vector<16xf32> to vector<16xf32>
    %swap3A_75 = vector.shape_cast %broadcast_in_dim3A_71 : vector<16xf32> to vector<16xf32>
    tpu.vector_store %arg6[%swap3A_72], %swap3A_75 {strides = array<i32>} : memref<640xf32, #tpu.memory_space<vmem>>, vector<16xf32>,
    %broadcast_in_dim3A_76 = arith.constant 0.000000e+00 : f32
    %broadcast_in_dim3A_77 = vector.broadcast %broadcast_in_dim3A_76 : f32 to vector<16xf32>
    %swap3A_78 = arith.constant 128 : index
    %swap3A_79 = tpu.vector_load %arg6[%swap3A_78] {strides = array<i32>} : memref<640xf32, #tpu.memory_space<vmem>>, vector<16xf32>,
    %swap3A_80 = vector.shape_cast %swap3A_79 : vector<16xf32> to vector<16xf32>
    %swap3A_81 = vector.shape_cast %broadcast_in_dim3A_77 : vector<16xf32> to vector<16xf32>
    tpu.vector_store %arg6[%swap3A_78], %swap3A_81 {strides = array<i32>} : memref<640xf32, #tpu.memory_space<vmem>>, vector<16xf32>,
    %broadcast_in_dim3A_82 = arith.constant 0.000000e+00 : f32
    %broadcast_in_dim3A_83 = vector.broadcast %broadcast_in_dim3A_82 : f32 to vector<16xf32>
    %swap3A_84 = arith.constant 144 : index
    %swap3A_85 = tpu.vector_load %arg6[%swap3A_84] {strides = array<i32>} : memref<640xf32, #tpu.memory_space<vmem>>, vector<16xf32>,
    %swap3A_86 = vector.shape_cast %swap3A_85 : vector<16xf32> to vector<16xf32>
    %swap3A_87 = vector.shape_cast %broadcast_in_dim3A_83 : vector<16xf32> to vector<16xf32>
    tpu.vector_store %arg6[%swap3A_84], %swap3A_87 {strides = array<i32>} : memref<640xf32, #tpu.memory_space<vmem>>, vector<16xf32>,
    %broadcast_in_dim3A_88 = arith.constant 0.000000e+00 : f32
    %broadcast_in_dim3A_89 = vector.broadcast %broadcast_in_dim3A_88 : f32 to vector<16xf32>
    %swap3A_90 = arith.constant 160 : index
    %swap3A_91 = tpu.vector_load %arg6[%swap3A_90] {strides = array<i32>} : memref<640xf32, #tpu.memory_space<vmem>>, vector<16xf32>,
    %swap3A_92 = vector.shape_cast %swap3A_91 : vector<16xf32> to vector<16xf32>
    %swap3A_93 = vector.shape_cast %broadcast_in_dim3A_89 : vector<16xf32> to vector<16xf32>
    tpu.vector_store %arg6[%swap3A_90], %swap3A_93 {strides = array<i32>} : memref<640xf32, #tpu.memory_space<vmem>>, vector<16xf32>,
    %broadcast_in_dim3A_94 = arith.constant 0.000000e+00 : f32
    %broadcast_in_dim3A_95 = vector.broadcast %broadcast_in_dim3A_94 : f32 to vector<16xf32>
    %swap3A_96 = arith.constant 176 : index
    %swap3A_97 = tpu.vector_load %arg6[%swap3A_96] {strides = array<i32>} : memref<640xf32, #tpu.memory_space<vmem>>, vector<16xf32>,
    %swap3A_98 = vector.shape_cast %swap3A_97 : vector<16xf32> to vector<16xf32>
    %swap3A_99 = vector.shape_cast %broadcast_in_dim3A_95 : vector<16xf32> to vector<16xf32>
    tpu.vector_store %arg6[%swap3A_96], %swap3A_99 {strides = array<i32>} : memref<640xf32, #tpu.memory_space<vmem>>, vector<16xf32>,
    %broadcast_in_dim3A_100 = arith.constant 0.000000e+00 : f32
    %broadcast_in_dim3A_101 = vector.broadcast %broadcast_in_dim3A_100 : f32 to vector<16xf32>
    %swap3A_102 = arith.constant 192 : index
    %swap3A_103 = tpu.vector_load %arg6[%swap3A_102] {strides = array<i32>} : memref<640xf32, #tpu.memory_space<vmem>>, vector<16xf32>,
    %swap3A_104 = vector.shape_cast %swap3A_103 : vector<16xf32> to vector<16xf32>
    %swap3A_105 = vector.shape_cast %broadcast_in_dim3A_101 : vector<16xf32> to vector<16xf32>
    tpu.vector_store %arg6[%swap3A_102], %swap3A_105 {strides = array<i32>} : memref<640xf32, #tpu.memory_space<vmem>>, vector<16xf32>,
    %broadcast_in_dim3A_106 = arith.constant 0.000000e+00 : f32
    %broadcast_in_dim3A_107 = vector.broadcast %broadcast_in_dim3A_106 : f32 to vector<16xf32>
    %swap3A_108 = arith.constant 208 : index
    %swap3A_109 = tpu.vector_load %arg6[%swap3A_108] {strides = array<i32>} : memref<640xf32, #tpu.memory_space<vmem>>, vector<16xf32>,
    %swap3A_110 = vector.shape_cast %swap3A_109 : vector<16xf32> to vector<16xf32>
    %swap3A_111 = vector.shape_cast %broadcast_in_dim3A_107 : vector<16xf32> to vector<16xf32>
    tpu.vector_store %arg6[%swap3A_108], %swap3A_111 {strides = array<i32>} : memref<640xf32, #tpu.memory_space<vmem>>, vector<16xf32>,
    %broadcast_in_dim3A_112 = arith.constant 0.000000e+00 : f32
    %broadcast_in_dim3A_113 = vector.broadcast %broadcast_in_dim3A_112 : f32 to vector<16xf32>
    %swap3A_114 = arith.constant 224 : index
    %swap3A_115 = tpu.vector_load %arg6[%swap3A_114] {strides = array<i32>} : memref<640xf32, #tpu.memory_space<vmem>>, vector<16xf32>,
    %swap3A_116 = vector.shape_cast %swap3A_115 : vector<16xf32> to vector<16xf32>
    %swap3A_117 = vector.shape_cast %broadcast_in_dim3A_113 : vector<16xf32> to vector<16xf32>
    tpu.vector_store %arg6[%swap3A_114], %swap3A_117 {strides = array<i32>} : memref<640xf32, #tpu.memory_space<vmem>>, vector<16xf32>,
    %broadcast_in_dim3A_118 = arith.constant 0.000000e+00 : f32
    %broadcast_in_dim3A_119 = vector.broadcast %broadcast_in_dim3A_118 : f32 to vector<16xf32>
    %swap3A_120 = arith.constant 240 : index
    %swap3A_121 = tpu.vector_load %arg6[%swap3A_120] {strides = array<i32>} : memref<640xf32, #tpu.memory_space<vmem>>, vector<16xf32>,
    %swap3A_122 = vector.shape_cast %swap3A_121 : vector<16xf32> to vector<16xf32>
    %swap3A_123 = vector.shape_cast %broadcast_in_dim3A_119 : vector<16xf32> to vector<16xf32>
    tpu.vector_store %arg6[%swap3A_120], %swap3A_123 {strides = array<i32>} : memref<640xf32, #tpu.memory_space<vmem>>, vector<16xf32>,
    %broadcast_in_dim3A_124 = arith.constant 0.000000e+00 : f32
    %broadcast_in_dim3A_125 = vector.broadcast %broadcast_in_dim3A_124 : f32 to vector<16xf32>
    %swap3A_126 = arith.constant 256 : index
    %swap3A_127 = tpu.vector_load %arg6[%swap3A_126] {strides = array<i32>} : memref<640xf32, #tpu.memory_space<vmem>>, vector<16xf32>,
    %swap3A_128 = vector.shape_cast %swap3A_127 : vector<16xf32> to vector<16xf32>
    %swap3A_129 = vector.shape_cast %broadcast_in_dim3A_125 : vector<16xf32> to vector<16xf32>
    tpu.vector_store %arg6[%swap3A_126], %swap3A_129 {strides = array<i32>} : memref<640xf32, #tpu.memory_space<vmem>>, vector<16xf32>,
    %broadcast_in_dim3A_130 = arith.constant 0.000000e+00 : f32
    %broadcast_in_dim3A_131 = vector.broadcast %broadcast_in_dim3A_130 : f32 to vector<16xf32>
    %swap3A_132 = arith.constant 272 : index
    %swap3A_133 = tpu.vector_load %arg6[%swap3A_132] {strides = array<i32>} : memref<640xf32, #tpu.memory_space<vmem>>, vector<16xf32>,
    %swap3A_134 = vector.shape_cast %swap3A_133 : vector<16xf32> to vector<16xf32>
    %swap3A_135 = vector.shape_cast %broadcast_in_dim3A_131 : vector<16xf32> to vector<16xf32>
    tpu.vector_store %arg6[%swap3A_132], %swap3A_135 {strides = array<i32>} : memref<640xf32, #tpu.memory_space<vmem>>, vector<16xf32>,
    %broadcast_in_dim3A_136 = arith.constant 0.000000e+00 : f32
    %broadcast_in_dim3A_137 = vector.broadcast %broadcast_in_dim3A_136 : f32 to vector<16xf32>
    %swap3A_138 = arith.constant 288 : index
    %swap3A_139 = tpu.vector_load %arg6[%swap3A_138] {strides = array<i32>} : memref<640xf32, #tpu.memory_space<vmem>>, vector<16xf32>,
    %swap3A_140 = vector.shape_cast %swap3A_139 : vector<16xf32> to vector<16xf32>
    %swap3A_141 = vector.shape_cast %broadcast_in_dim3A_137 : vector<16xf32> to vector<16xf32>
    tpu.vector_store %arg6[%swap3A_138], %swap3A_141 {strides = array<i32>} : memref<640xf32, #tpu.memory_space<vmem>>, vector<16xf32>,
    %broadcast_in_dim3A_142 = arith.constant 0.000000e+00 : f32
    %broadcast_in_dim3A_143 = vector.broadcast %broadcast_in_dim3A_142 : f32 to vector<16xf32>
    %swap3A_144 = arith.constant 304 : index
    %swap3A_145 = tpu.vector_load %arg6[%swap3A_144] {strides = array<i32>} : memref<640xf32, #tpu.memory_space<vmem>>, vector<16xf32>,
    %swap3A_146 = vector.shape_cast %swap3A_145 : vector<16xf32> to vector<16xf32>
    %swap3A_147 = vector.shape_cast %broadcast_in_dim3A_143 : vector<16xf32> to vector<16xf32>
    tpu.vector_store %arg6[%swap3A_144], %swap3A_147 {strides = array<i32>} : memref<640xf32, #tpu.memory_space<vmem>>, vector<16xf32>,
    %broadcast_in_dim3A_148 = arith.constant 0.000000e+00 : f32
    %broadcast_in_dim3A_149 = vector.broadcast %broadcast_in_dim3A_148 : f32 to vector<16xf32>
    %swap3A_150 = arith.constant 320 : index
    %swap3A_151 = tpu.vector_load %arg6[%swap3A_150] {strides = array<i32>} : memref<640xf32, #tpu.memory_space<vmem>>, vector<16xf32>,
    %swap3A_152 = vector.shape_cast %swap3A_151 : vector<16xf32> to vector<16xf32>
    %swap3A_153 = vector.shape_cast %broadcast_in_dim3A_149 : vector<16xf32> to vector<16xf32>
    tpu.vector_store %arg6[%swap3A_150], %swap3A_153 {strides = array<i32>} : memref<640xf32, #tpu.memory_space<vmem>>, vector<16xf32>,
    %broadcast_in_dim3A_154 = arith.constant 0.000000e+00 : f32
    %broadcast_in_dim3A_155 = vector.broadcast %broadcast_in_dim3A_154 : f32 to vector<16xf32>
    %swap3A_156 = arith.constant 336 : index
    %swap3A_157 = tpu.vector_load %arg6[%swap3A_156] {strides = array<i32>} : memref<640xf32, #tpu.memory_space<vmem>>, vector<16xf32>,
    %swap3A_158 = vector.shape_cast %swap3A_157 : vector<16xf32> to vector<16xf32>
    %swap3A_159 = vector.shape_cast %broadcast_in_dim3A_155 : vector<16xf32> to vector<16xf32>
    tpu.vector_store %arg6[%swap3A_156], %swap3A_159 {strides = array<i32>} : memref<640xf32, #tpu.memory_space<vmem>>, vector<16xf32>,
    %broadcast_in_dim3A_160 = arith.constant 0.000000e+00 : f32
    %broadcast_in_dim3A_161 = vector.broadcast %broadcast_in_dim3A_160 : f32 to vector<16xf32>
    %swap3A_162 = arith.constant 352 : index
    %swap3A_163 = tpu.vector_load %arg6[%swap3A_162] {strides = array<i32>} : memref<640xf32, #tpu.memory_space<vmem>>, vector<16xf32>,
    %swap3A_164 = vector.shape_cast %swap3A_163 : vector<16xf32> to vector<16xf32>
    %swap3A_165 = vector.shape_cast %broadcast_in_dim3A_161 : vector<16xf32> to vector<16xf32>
    tpu.vector_store %arg6[%swap3A_162], %swap3A_165 {strides = array<i32>} : memref<640xf32, #tpu.memory_space<vmem>>, vector<16xf32>,
    %broadcast_in_dim3A_166 = arith.constant 0.000000e+00 : f32
    %broadcast_in_dim3A_167 = vector.broadcast %broadcast_in_dim3A_166 : f32 to vector<16xf32>
    %swap3A_168 = arith.constant 368 : index
    %swap3A_169 = tpu.vector_load %arg6[%swap3A_168] {strides = array<i32>} : memref<640xf32, #tpu.memory_space<vmem>>, vector<16xf32>,
    %swap3A_170 = vector.shape_cast %swap3A_169 : vector<16xf32> to vector<16xf32>
    %swap3A_171 = vector.shape_cast %broadcast_in_dim3A_167 : vector<16xf32> to vector<16xf32>
    tpu.vector_store %arg6[%swap3A_168], %swap3A_171 {strides = array<i32>} : memref<640xf32, #tpu.memory_space<vmem>>, vector<16xf32>,
    %broadcast_in_dim3A_172 = arith.constant 0.000000e+00 : f32
    %broadcast_in_dim3A_173 = vector.broadcast %broadcast_in_dim3A_172 : f32 to vector<16xf32>
    %swap3A_174 = arith.constant 384 : index
    %swap3A_175 = tpu.vector_load %arg6[%swap3A_174] {strides = array<i32>} : memref<640xf32, #tpu.memory_space<vmem>>, vector<16xf32>,
    %swap3A_176 = vector.shape_cast %swap3A_175 : vector<16xf32> to vector<16xf32>
    %swap3A_177 = vector.shape_cast %broadcast_in_dim3A_173 : vector<16xf32> to vector<16xf32>
    tpu.vector_store %arg6[%swap3A_174], %swap3A_177 {strides = array<i32>} : memref<640xf32, #tpu.memory_space<vmem>>, vector<16xf32>,
    %broadcast_in_dim3A_178 = arith.constant 0.000000e+00 : f32
    %broadcast_in_dim3A_179 = vector.broadcast %broadcast_in_dim3A_178 : f32 to vector<16xf32>
    %swap3A_180 = arith.constant 400 : index
    %swap3A_181 = tpu.vector_load %arg6[%swap3A_180] {strides = array<i32>} : memref<640xf32, #tpu.memory_space<vmem>>, vector<16xf32>,
    %swap3A_182 = vector.shape_cast %swap3A_181 : vector<16xf32> to vector<16xf32>
    %swap3A_183 = vector.shape_cast %broadcast_in_dim3A_179 : vector<16xf32> to vector<16xf32>
    tpu.vector_store %arg6[%swap3A_180], %swap3A_183 {strides = array<i32>} : memref<640xf32, #tpu.memory_space<vmem>>, vector<16xf32>,
    %broadcast_in_dim3A_184 = arith.constant 0.000000e+00 : f32
    %broadcast_in_dim3A_185 = vector.broadcast %broadcast_in_dim3A_184 : f32 to vector<16xf32>
    %swap3A_186 = arith.constant 416 : index
    %swap3A_187 = tpu.vector_load %arg6[%swap3A_186] {strides = array<i32>} : memref<640xf32, #tpu.memory_space<vmem>>, vector<16xf32>,
    %swap3A_188 = vector.shape_cast %swap3A_187 : vector<16xf32> to vector<16xf32>
    %swap3A_189 = vector.shape_cast %broadcast_in_dim3A_185 : vector<16xf32> to vector<16xf32>
    tpu.vector_store %arg6[%swap3A_186], %swap3A_189 {strides = array<i32>} : memref<640xf32, #tpu.memory_space<vmem>>, vector<16xf32>,
    %broadcast_in_dim3A_190 = arith.constant 0.000000e+00 : f32
    %broadcast_in_dim3A_191 = vector.broadcast %broadcast_in_dim3A_190 : f32 to vector<16xf32>
    %swap3A_192 = arith.constant 432 : index
    %swap3A_193 = tpu.vector_load %arg6[%swap3A_192] {strides = array<i32>} : memref<640xf32, #tpu.memory_space<vmem>>, vector<16xf32>,
    %swap3A_194 = vector.shape_cast %swap3A_193 : vector<16xf32> to vector<16xf32>
    %swap3A_195 = vector.shape_cast %broadcast_in_dim3A_191 : vector<16xf32> to vector<16xf32>
    tpu.vector_store %arg6[%swap3A_192], %swap3A_195 {strides = array<i32>} : memref<640xf32, #tpu.memory_space<vmem>>, vector<16xf32>,
    %broadcast_in_dim3A_196 = arith.constant 0.000000e+00 : f32
    %broadcast_in_dim3A_197 = vector.broadcast %broadcast_in_dim3A_196 : f32 to vector<16xf32>
    %swap3A_198 = arith.constant 448 : index
    %swap3A_199 = tpu.vector_load %arg6[%swap3A_198] {strides = array<i32>} : memref<640xf32, #tpu.memory_space<vmem>>, vector<16xf32>,
    %swap3A_200 = vector.shape_cast %swap3A_199 : vector<16xf32> to vector<16xf32>
    %swap3A_201 = vector.shape_cast %broadcast_in_dim3A_197 : vector<16xf32> to vector<16xf32>
    tpu.vector_store %arg6[%swap3A_198], %swap3A_201 {strides = array<i32>} : memref<640xf32, #tpu.memory_space<vmem>>, vector<16xf32>,
    %broadcast_in_dim3A_202 = arith.constant 0.000000e+00 : f32
    %broadcast_in_dim3A_203 = vector.broadcast %broadcast_in_dim3A_202 : f32 to vector<16xf32>
    %swap3A_204 = arith.constant 464 : index
    %swap3A_205 = tpu.vector_load %arg6[%swap3A_204] {strides = array<i32>} : memref<640xf32, #tpu.memory_space<vmem>>, vector<16xf32>,
    %swap3A_206 = vector.shape_cast %swap3A_205 : vector<16xf32> to vector<16xf32>
    %swap3A_207 = vector.shape_cast %broadcast_in_dim3A_203 : vector<16xf32> to vector<16xf32>
    tpu.vector_store %arg6[%swap3A_204], %swap3A_207 {strides = array<i32>} : memref<640xf32, #tpu.memory_space<vmem>>, vector<16xf32>,
    %broadcast_in_dim3A_208 = arith.constant 0.000000e+00 : f32
    %broadcast_in_dim3A_209 = vector.broadcast %broadcast_in_dim3A_208 : f32 to vector<16xf32>
    %swap3A_210 = arith.constant 480 : index
    %swap3A_211 = tpu.vector_load %arg6[%swap3A_210] {strides = array<i32>} : memref<640xf32, #tpu.memory_space<vmem>>, vector<16xf32>,
    %swap3A_212 = vector.shape_cast %swap3A_211 : vector<16xf32> to vector<16xf32>
    %swap3A_213 = vector.shape_cast %broadcast_in_dim3A_209 : vector<16xf32> to vector<16xf32>
    tpu.vector_store %arg6[%swap3A_210], %swap3A_213 {strides = array<i32>} : memref<640xf32, #tpu.memory_space<vmem>>, vector<16xf32>,
    %broadcast_in_dim3A_214 = arith.constant 0.000000e+00 : f32
    %broadcast_in_dim3A_215 = vector.broadcast %broadcast_in_dim3A_214 : f32 to vector<16xf32>
    %swap3A_216 = arith.constant 496 : index
    %swap3A_217 = tpu.vector_load %arg6[%swap3A_216] {strides = array<i32>} : memref<640xf32, #tpu.memory_space<vmem>>, vector<16xf32>,
    %swap3A_218 = vector.shape_cast %swap3A_217 : vector<16xf32> to vector<16xf32>
    %swap3A_219 = vector.shape_cast %broadcast_in_dim3A_215 : vector<16xf32> to vector<16xf32>
    tpu.vector_store %arg6[%swap3A_216], %swap3A_219 {strides = array<i32>} : memref<640xf32, #tpu.memory_space<vmem>>, vector<16xf32>,
    %broadcast_in_dim3A_220 = arith.constant 0.000000e+00 : f32
    %broadcast_in_dim3A_221 = vector.broadcast %broadcast_in_dim3A_220 : f32 to vector<16xf32>
    %swap3A_222 = arith.constant 512 : index
    %swap3A_223 = tpu.vector_load %arg6[%swap3A_222] {strides = array<i32>} : memref<640xf32, #tpu.memory_space<vmem>>, vector<16xf32>,
    %swap3A_224 = vector.shape_cast %swap3A_223 : vector<16xf32> to vector<16xf32>
    %swap3A_225 = vector.shape_cast %broadcast_in_dim3A_221 : vector<16xf32> to vector<16xf32>
    tpu.vector_store %arg6[%swap3A_222], %swap3A_225 {strides = array<i32>} : memref<640xf32, #tpu.memory_space<vmem>>, vector<16xf32>,
    %broadcast_in_dim3A_226 = arith.constant 0.000000e+00 : f32
    %broadcast_in_dim3A_227 = vector.broadcast %broadcast_in_dim3A_226 : f32 to vector<16xf32>
    %swap3A_228 = arith.constant 528 : index
    %swap3A_229 = tpu.vector_load %arg6[%swap3A_228] {strides = array<i32>} : memref<640xf32, #tpu.memory_space<vmem>>, vector<16xf32>,
    %swap3A_230 = vector.shape_cast %swap3A_229 : vector<16xf32> to vector<16xf32>
    %swap3A_231 = vector.shape_cast %broadcast_in_dim3A_227 : vector<16xf32> to vector<16xf32>
    tpu.vector_store %arg6[%swap3A_228], %swap3A_231 {strides = array<i32>} : memref<640xf32, #tpu.memory_space<vmem>>, vector<16xf32>,
    %broadcast_in_dim3A_232 = arith.constant 0.000000e+00 : f32
    %broadcast_in_dim3A_233 = vector.broadcast %broadcast_in_dim3A_232 : f32 to vector<16xf32>
    %swap3A_234 = arith.constant 544 : index
    %swap3A_235 = tpu.vector_load %arg6[%swap3A_234] {strides = array<i32>} : memref<640xf32, #tpu.memory_space<vmem>>, vector<16xf32>,
    %swap3A_236 = vector.shape_cast %swap3A_235 : vector<16xf32> to vector<16xf32>
    %swap3A_237 = vector.shape_cast %broadcast_in_dim3A_233 : vector<16xf32> to vector<16xf32>
    tpu.vector_store %arg6[%swap3A_234], %swap3A_237 {strides = array<i32>} : memref<640xf32, #tpu.memory_space<vmem>>, vector<16xf32>,
    %broadcast_in_dim3A_238 = arith.constant 0.000000e+00 : f32
    %broadcast_in_dim3A_239 = vector.broadcast %broadcast_in_dim3A_238 : f32 to vector<16xf32>
    %swap3A_240 = arith.constant 560 : index
    %swap3A_241 = tpu.vector_load %arg6[%swap3A_240] {strides = array<i32>} : memref<640xf32, #tpu.memory_space<vmem>>, vector<16xf32>,
    %swap3A_242 = vector.shape_cast %swap3A_241 : vector<16xf32> to vector<16xf32>
    %swap3A_243 = vector.shape_cast %broadcast_in_dim3A_239 : vector<16xf32> to vector<16xf32>
    tpu.vector_store %arg6[%swap3A_240], %swap3A_243 {strides = array<i32>} : memref<640xf32, #tpu.memory_space<vmem>>, vector<16xf32>,
    %broadcast_in_dim3A_244 = arith.constant 0.000000e+00 : f32
    %broadcast_in_dim3A_245 = vector.broadcast %broadcast_in_dim3A_244 : f32 to vector<16xf32>
    %swap3A_246 = arith.constant 576 : index
    %swap3A_247 = tpu.vector_load %arg6[%swap3A_246] {strides = array<i32>} : memref<640xf32, #tpu.memory_space<vmem>>, vector<16xf32>,
    %swap3A_248 = vector.shape_cast %swap3A_247 : vector<16xf32> to vector<16xf32>
    %swap3A_249 = vector.shape_cast %broadcast_in_dim3A_245 : vector<16xf32> to vector<16xf32>
    tpu.vector_store %arg6[%swap3A_246], %swap3A_249 {strides = array<i32>} : memref<640xf32, #tpu.memory_space<vmem>>, vector<16xf32>,
    %broadcast_in_dim3A_250 = arith.constant 0.000000e+00 : f32
    %broadcast_in_dim3A_251 = vector.broadcast %broadcast_in_dim3A_250 : f32 to vector<16xf32>
    %swap3A_252 = arith.constant 592 : index
    %swap3A_253 = tpu.vector_load %arg6[%swap3A_252] {strides = array<i32>} : memref<640xf32, #tpu.memory_space<vmem>>, vector<16xf32>,
    %swap3A_254 = vector.shape_cast %swap3A_253 : vector<16xf32> to vector<16xf32>
    %swap3A_255 = vector.shape_cast %broadcast_in_dim3A_251 : vector<16xf32> to vector<16xf32>
    tpu.vector_store %arg6[%swap3A_252], %swap3A_255 {strides = array<i32>} : memref<640xf32, #tpu.memory_space<vmem>>, vector<16xf32>,
    %broadcast_in_dim3A_256 = arith.constant 0.000000e+00 : f32
    %broadcast_in_dim3A_257 = vector.broadcast %broadcast_in_dim3A_256 : f32 to vector<16xf32>
    %swap3A_258 = arith.constant 608 : index
    %swap3A_259 = tpu.vector_load %arg6[%swap3A_258] {strides = array<i32>} : memref<640xf32, #tpu.memory_space<vmem>>, vector<16xf32>,
    %swap3A_260 = vector.shape_cast %swap3A_259 : vector<16xf32> to vector<16xf32>
    %swap3A_261 = vector.shape_cast %broadcast_in_dim3A_257 : vector<16xf32> to vector<16xf32>
    tpu.vector_store %arg6[%swap3A_258], %swap3A_261 {strides = array<i32>} : memref<640xf32, #tpu.memory_space<vmem>>, vector<16xf32>,
    %broadcast_in_dim3A_262 = arith.constant 0.000000e+00 : f32
    %broadcast_in_dim3A_263 = vector.broadcast %broadcast_in_dim3A_262 : f32 to vector<16xf32>
    %swap3A_264 = arith.constant 624 : index
    %swap3A_265 = tpu.vector_load %arg6[%swap3A_264] {strides = array<i32>} : memref<640xf32, #tpu.memory_space<vmem>>, vector<16xf32>,
    %swap3A_266 = vector.shape_cast %swap3A_265 : vector<16xf32> to vector<16xf32>
    %swap3A_267 = vector.shape_cast %broadcast_in_dim3A_263 : vector<16xf32> to vector<16xf32>
    tpu.vector_store %arg6[%swap3A_264], %swap3A_267 {strides = array<i32>} : memref<640xf32, #tpu.memory_space<vmem>>, vector<16xf32>,
    %mul3A = arith.constant 640 : i32
    %mul3A_268 = arith.muli %arg1, %mul3A : i32
    "tpu.region"() ({
      %run_scoped3A = tpu.sem_alloc : memref<!tpu.dma_semaphore, #tpu.memory_space<semaphore_mem>>
      %dma_start3A = tpu.memref_slice %arg7[%mul3A_268] : memref<10240xf32, #tpu.memory_space<vmem_shared>> -> memref<640xf32, #tpu.memory_space<vmem_shared>>
      %dma_start3A_279 = tpu.memref_slice %arg7[%mul3A_268] : memref<10240xf32, #tpu.memory_space<vmem_shared>> -> memref<640xf32, #tpu.memory_space<vmem_shared>>
      tpu.enqueue_dma source(%arg6 : memref<640xf32, #tpu.memory_space<vmem>>) target(%dma_start3A_279 : memref<640xf32, #tpu.memory_space<vmem_shared>>) target_semaphore(%run_scoped3A : memref<!tpu.dma_semaphore, #tpu.memory_space<semaphore_mem>>)
      %dma_wait3A = tpu.memref_slice %arg7[%mul3A_268] : memref<10240xf32, #tpu.memory_space<vmem_shared>> -> memref<640xf32, #tpu.memory_space<vmem_shared>>
      %dma_wait3A_280 = tpu.memref_slice %arg7[%mul3A_268] : memref<10240xf32, #tpu.memory_space<vmem_shared>> -> memref<640xf32, #tpu.memory_space<vmem_shared>>
      tpu.wait_dma2 semaphore(%run_scoped3A : memref<!tpu.dma_semaphore, #tpu.memory_space<semaphore_mem>>) src(%arg6 : memref<640xf32, #tpu.memory_space<vmem>>) dst(%dma_wait3A_280 : memref<640xf32, #tpu.memory_space<vmem_shared>>)
      tpu.yield
    }) : () -> ()
    %barrier3A = arith.constant 0 : index
    tpu.barrier barrier_id(%barrier3A)
    %scan3A = arith.constant 0 : i32
    %scan3A_269 = arith.constant 0 : i32
    %scan3A_270 = arith.constant 125 : i32
    %scan3A_271 = arith.addi %scan3A_269, %scan3A_270 : i32
    %scan3A_272 = arith.constant 1 : i32
    scf.for %scan3A_279 = %scan3A_269 to %scan3A_271 step %scan3A_272  : i32 {
      "tpu.region"() ({
        %run_scoped3A = tpu.sem_alloc : memref<!tpu.dma_semaphore, #tpu.memory_space<semaphore_mem>>
        %dma_start3A = arith.constant 0 : i32
        %dma_start3A_280 = tpu.memref_slice %arg4[%scan3A_279, %dma_start3A] : memref<125x80xi32, #tpu.memory_space<vmem>> -> memref<1x80xi32, #tpu.memory_space<vmem>>
        %dma_start3A_281 = tpu.memref_squeeze %dma_start3A_280 : memref<1x80xi32, #tpu.memory_space<vmem>> -> memref<80xi32, #tpu.memory_space<vmem>>
        %dma_start3A_282 = arith.constant 0 : i32
        %dma_start3A_283 = tpu.memref_slice %arg7[%dma_start3A_282] : memref<10240xf32, #tpu.memory_space<vmem_shared>> -> memref<10240xf32, #tpu.memory_space<vmem_shared>>
        tpu.enqueue_indirect_dma source(%arg5 : memref<80xf32, #tpu.memory_space<vmem>>) target(%dma_start3A_283 : memref<10240xf32, #tpu.memory_space<vmem_shared>>) offsets(%dma_start3A_281 : memref<80xi32, #tpu.memory_space<vmem>>) semaphore(%run_scoped3A : memref<!tpu.dma_semaphore, #tpu.memory_space<semaphore_mem>>) {add = true}
        %dma_wait3A = arith.constant 0 : i32
        %dma_wait3A_284 = tpu.memref_slice %arg4[%scan3A_279, %dma_wait3A] : memref<125x80xi32, #tpu.memory_space<vmem>> -> memref<1x80xi32, #tpu.memory_space<vmem>>
        %dma_wait3A_285 = tpu.memref_squeeze %dma_wait3A_284 : memref<1x80xi32, #tpu.memory_space<vmem>> -> memref<80xi32, #tpu.memory_space<vmem>>
        %dma_wait3A_286 = arith.constant 0 : i32
        %dma_wait3A_287 = tpu.memref_slice %arg7[%dma_wait3A_286] : memref<10240xf32, #tpu.memory_space<vmem_shared>> -> memref<10240xf32, #tpu.memory_space<vmem_shared>>
        tpu.wait_indirect_dma semaphore(%run_scoped3A : memref<!tpu.dma_semaphore, #tpu.memory_space<semaphore_mem>>) src(%arg5 : memref<80xf32, #tpu.memory_space<vmem>>) dst(%dma_wait3A_287 : memref<10240xf32, #tpu.memory_space<vmem_shared>>)
        tpu.yield
      }) : () -> ()
    }
    %scan3A_273 = arith.constant 125 : i32
    %barrier3A_274 = arith.constant 0 : index
    tpu.barrier barrier_id(%barrier3A_274)
    %mul3A_275 = arith.constant 640 : i32
    %mul3A_276 = arith.muli %arg1, %mul3A_275 : i32
    %mul3A_277 = arith.constant 640 : i32
    %mul3A_278 = arith.muli %arg1, %mul3A_277 : i32
    "tpu.region"() ({
      %run_scoped3A = tpu.sem_alloc : memref<!tpu.dma_semaphore, #tpu.memory_space<semaphore_mem>>
      %dma_start3A = tpu.memref_slice %arg3[%arg0, %mul3A_278] : memref<2x10240xf32, #tpu.memory_space<hbm>> -> memref<1x640xf32, #tpu.memory_space<hbm>>
      %dma_start3A_279 = tpu.memref_squeeze %dma_start3A : memref<1x640xf32, #tpu.memory_space<hbm>> -> memref<640xf32, #tpu.memory_space<hbm>>
      %dma_start3A_280 = tpu.memref_slice %arg7[%mul3A_276] : memref<10240xf32, #tpu.memory_space<vmem_shared>> -> memref<640xf32, #tpu.memory_space<vmem_shared>>
      tpu.enqueue_dma source(%dma_start3A_280 : memref<640xf32, #tpu.memory_space<vmem_shared>>) target(%dma_start3A_279 : memref<640xf32, #tpu.memory_space<hbm>>) target_semaphore(%run_scoped3A : memref<!tpu.dma_semaphore, #tpu.memory_space<semaphore_mem>>)
      %dma_wait3A = tpu.memref_slice %arg3[%arg0, %mul3A_278] : memref<2x10240xf32, #tpu.memory_space<hbm>> -> memref<1x640xf32, #tpu.memory_space<hbm>>
      %dma_wait3A_281 = tpu.memref_squeeze %dma_wait3A : memref<1x640xf32, #tpu.memory_space<hbm>> -> memref<640xf32, #tpu.memory_space<hbm>>
      %dma_wait3A_282 = tpu.memref_slice %arg7[%mul3A_276] : memref<10240xf32, #tpu.memory_space<vmem_shared>> -> memref<640xf32, #tpu.memory_space<vmem_shared>>
      tpu.wait_dma2 semaphore(%run_scoped3A : memref<!tpu.dma_semaphore, #tpu.memory_space<semaphore_mem>>) src(%dma_wait3A_282 : memref<640xf32, #tpu.memory_space<vmem_shared>>) dst(%dma_wait3A_281 : memref<640xf32, #tpu.memory_space<hbm>>)
      tpu.yield
    }) : () -> ()
    return
  }
}

#map = affine_map<(d0, d1) -> (0, 0, 0)>
#map1 = affine_map<(d0, d1) -> (0, 0, 0, 0)>
module attributes {stable_mosaic.version = 14 : i64} {
  func.func @_agg_kernel(%arg0: i32, %arg1: i32, %arg2: memref<2x10000x128xf32, #tpu.memory_space<hbm>>, %arg3: memref<2x16x10032xi32, #tpu.memory_space<hbm>>, %arg4: memref<2x16x114x88xi32, #tpu.memory_space<hbm>>, %arg5: memref<2x10240x128xf32, #tpu.memory_space<hbm>>, %arg6: memref<10032xi32, #tpu.memory_space<vmem>>, %arg7: memref<114x88xi32, #tpu.memory_space<vmem>>, %arg8: memref<88x128xf32, #tpu.memory_space<vmem>>, %arg9: memref<88x128xf32, #tpu.memory_space<vmem>>, %arg10: memref<10240x128xf32, #tpu.memory_space<vmem_shared>>, %arg11: memref<!tpu.dma_semaphore, #tpu.memory_space<semaphore_mem>>, %arg12: memref<!tpu.dma_semaphore, #tpu.memory_space<semaphore_mem>>) attributes {dimension_semantics = [#tpu.dimension_semantics<core_parallel>, #tpu.dimension_semantics<subcore_parallel>], iteration_bounds = array<i64: 2, 16>, scalar_prefetch = 0 : i64, scratch_operands = 7 : i64, tpu.core_type = #tpu.core_type<sc_vector_subcore>, window_params = [{transform_indices = #map}, {transform_indices = #map}, {transform_indices = #map1}, {transform_indices = #map}]} {
    %scan3A = arith.constant 0 : i32
    %scan3A_0 = arith.constant 0 : i32
    %scan3A_1 = arith.constant 88 : i32
    %scan3A_2 = arith.addi %scan3A_0, %scan3A_1 : i32
    %scan3A_3 = arith.constant 1 : i32
    scf.for %scan3A_63 = %scan3A_0 to %scan3A_2 step %scan3A_3  : i32 {
      %broadcast_in_dim3A = arith.constant 0.000000e+00 : f32
      %broadcast_in_dim3A_64 = vector.broadcast %broadcast_in_dim3A : f32 to vector<16xf32>
      %swap3A = arith.index_cast %scan3A_63 : i32 to index
      %swap3A_65 = arith.constant 0 : index
      %swap3A_66 = tpu.vector_load %arg8[%swap3A, %swap3A_65] {strides = array<i32>} : memref<88x128xf32, #tpu.memory_space<vmem>>, vector<1x16xf32>,
      %swap3A_67 = vector.shape_cast %swap3A_66 : vector<1x16xf32> to vector<16xf32>
      %swap3A_68 = vector.shape_cast %broadcast_in_dim3A_64 : vector<16xf32> to vector<1x16xf32>
      tpu.vector_store %arg8[%swap3A, %swap3A_65], %swap3A_68 {strides = array<i32>} : memref<88x128xf32, #tpu.memory_space<vmem>>, vector<1x16xf32>,
      %broadcast_in_dim3A_69 = arith.constant 0.000000e+00 : f32
      %broadcast_in_dim3A_70 = vector.broadcast %broadcast_in_dim3A_69 : f32 to vector<16xf32>
      %swap3A_71 = arith.index_cast %scan3A_63 : i32 to index
      %swap3A_72 = arith.constant 16 : index
      %swap3A_73 = tpu.vector_load %arg8[%swap3A_71, %swap3A_72] {strides = array<i32>} : memref<88x128xf32, #tpu.memory_space<vmem>>, vector<1x16xf32>,
      %swap3A_74 = vector.shape_cast %swap3A_73 : vector<1x16xf32> to vector<16xf32>
      %swap3A_75 = vector.shape_cast %broadcast_in_dim3A_70 : vector<16xf32> to vector<1x16xf32>
      tpu.vector_store %arg8[%swap3A_71, %swap3A_72], %swap3A_75 {strides = array<i32>} : memref<88x128xf32, #tpu.memory_space<vmem>>, vector<1x16xf32>,
      %broadcast_in_dim3A_76 = arith.constant 0.000000e+00 : f32
      %broadcast_in_dim3A_77 = vector.broadcast %broadcast_in_dim3A_76 : f32 to vector<16xf32>
      %swap3A_78 = arith.index_cast %scan3A_63 : i32 to index
      %swap3A_79 = arith.constant 32 : index
      %swap3A_80 = tpu.vector_load %arg8[%swap3A_78, %swap3A_79] {strides = array<i32>} : memref<88x128xf32, #tpu.memory_space<vmem>>, vector<1x16xf32>,
      %swap3A_81 = vector.shape_cast %swap3A_80 : vector<1x16xf32> to vector<16xf32>
      %swap3A_82 = vector.shape_cast %broadcast_in_dim3A_77 : vector<16xf32> to vector<1x16xf32>
      tpu.vector_store %arg8[%swap3A_78, %swap3A_79], %swap3A_82 {strides = array<i32>} : memref<88x128xf32, #tpu.memory_space<vmem>>, vector<1x16xf32>,
      %broadcast_in_dim3A_83 = arith.constant 0.000000e+00 : f32
      %broadcast_in_dim3A_84 = vector.broadcast %broadcast_in_dim3A_83 : f32 to vector<16xf32>
      %swap3A_85 = arith.index_cast %scan3A_63 : i32 to index
      %swap3A_86 = arith.constant 48 : index
      %swap3A_87 = tpu.vector_load %arg8[%swap3A_85, %swap3A_86] {strides = array<i32>} : memref<88x128xf32, #tpu.memory_space<vmem>>, vector<1x16xf32>,
      %swap3A_88 = vector.shape_cast %swap3A_87 : vector<1x16xf32> to vector<16xf32>
      %swap3A_89 = vector.shape_cast %broadcast_in_dim3A_84 : vector<16xf32> to vector<1x16xf32>
      tpu.vector_store %arg8[%swap3A_85, %swap3A_86], %swap3A_89 {strides = array<i32>} : memref<88x128xf32, #tpu.memory_space<vmem>>, vector<1x16xf32>,
      %broadcast_in_dim3A_90 = arith.constant 0.000000e+00 : f32
      %broadcast_in_dim3A_91 = vector.broadcast %broadcast_in_dim3A_90 : f32 to vector<16xf32>
      %swap3A_92 = arith.index_cast %scan3A_63 : i32 to index
      %swap3A_93 = arith.constant 64 : index
      %swap3A_94 = tpu.vector_load %arg8[%swap3A_92, %swap3A_93] {strides = array<i32>} : memref<88x128xf32, #tpu.memory_space<vmem>>, vector<1x16xf32>,
      %swap3A_95 = vector.shape_cast %swap3A_94 : vector<1x16xf32> to vector<16xf32>
      %swap3A_96 = vector.shape_cast %broadcast_in_dim3A_91 : vector<16xf32> to vector<1x16xf32>
      tpu.vector_store %arg8[%swap3A_92, %swap3A_93], %swap3A_96 {strides = array<i32>} : memref<88x128xf32, #tpu.memory_space<vmem>>, vector<1x16xf32>,
      %broadcast_in_dim3A_97 = arith.constant 0.000000e+00 : f32
      %broadcast_in_dim3A_98 = vector.broadcast %broadcast_in_dim3A_97 : f32 to vector<16xf32>
      %swap3A_99 = arith.index_cast %scan3A_63 : i32 to index
      %swap3A_100 = arith.constant 80 : index
      %swap3A_101 = tpu.vector_load %arg8[%swap3A_99, %swap3A_100] {strides = array<i32>} : memref<88x128xf32, #tpu.memory_space<vmem>>, vector<1x16xf32>,
      %swap3A_102 = vector.shape_cast %swap3A_101 : vector<1x16xf32> to vector<16xf32>
      %swap3A_103 = vector.shape_cast %broadcast_in_dim3A_98 : vector<16xf32> to vector<1x16xf32>
      tpu.vector_store %arg8[%swap3A_99, %swap3A_100], %swap3A_103 {strides = array<i32>} : memref<88x128xf32, #tpu.memory_space<vmem>>, vector<1x16xf32>,
      %broadcast_in_dim3A_104 = arith.constant 0.000000e+00 : f32
      %broadcast_in_dim3A_105 = vector.broadcast %broadcast_in_dim3A_104 : f32 to vector<16xf32>
      %swap3A_106 = arith.index_cast %scan3A_63 : i32 to index
      %swap3A_107 = arith.constant 96 : index
      %swap3A_108 = tpu.vector_load %arg8[%swap3A_106, %swap3A_107] {strides = array<i32>} : memref<88x128xf32, #tpu.memory_space<vmem>>, vector<1x16xf32>,
      %swap3A_109 = vector.shape_cast %swap3A_108 : vector<1x16xf32> to vector<16xf32>
      %swap3A_110 = vector.shape_cast %broadcast_in_dim3A_105 : vector<16xf32> to vector<1x16xf32>
      tpu.vector_store %arg8[%swap3A_106, %swap3A_107], %swap3A_110 {strides = array<i32>} : memref<88x128xf32, #tpu.memory_space<vmem>>, vector<1x16xf32>,
      %broadcast_in_dim3A_111 = arith.constant 0.000000e+00 : f32
      %broadcast_in_dim3A_112 = vector.broadcast %broadcast_in_dim3A_111 : f32 to vector<16xf32>
      %swap3A_113 = arith.index_cast %scan3A_63 : i32 to index
      %swap3A_114 = arith.constant 112 : index
      %swap3A_115 = tpu.vector_load %arg8[%swap3A_113, %swap3A_114] {strides = array<i32>} : memref<88x128xf32, #tpu.memory_space<vmem>>, vector<1x16xf32>,
      %swap3A_116 = vector.shape_cast %swap3A_115 : vector<1x16xf32> to vector<16xf32>
      %swap3A_117 = vector.shape_cast %broadcast_in_dim3A_112 : vector<16xf32> to vector<1x16xf32>
      tpu.vector_store %arg8[%swap3A_113, %swap3A_114], %swap3A_117 {strides = array<i32>} : memref<88x128xf32, #tpu.memory_space<vmem>>, vector<1x16xf32>,
    }
    %scan3A_4 = arith.constant 88 : i32
    %mul3A = arith.constant 640 : i32
    %mul3A_5 = arith.muli %arg1, %mul3A : i32
    %add3A = arith.constant 0 : i32
    %add3A_6 = arith.addi %mul3A_5, %add3A : i32
    "tpu.region"() ({
      %run_scoped3A = tpu.sem_alloc : memref<!tpu.dma_semaphore, #tpu.memory_space<semaphore_mem>>
      %dma_start3A_63 = arith.constant 0 : i32
      %dma_start3A_64 = arith.constant 0 : i32
      %dma_start3A_65 = tpu.memref_slice %arg8[%dma_start3A_63, %dma_start3A_64] : memref<88x128xf32, #tpu.memory_space<vmem>> -> memref<80x128xf32, #tpu.memory_space<vmem>>
      %dma_start3A_66 = arith.constant 0 : i32
      %dma_start3A_67 = tpu.memref_slice %arg10[%add3A_6, %dma_start3A_66] : memref<10240x128xf32, #tpu.memory_space<vmem_shared>> -> memref<80x128xf32, #tpu.memory_space<vmem_shared>>
      %dma_start3A_68 = arith.constant 0 : i32
      %dma_start3A_69 = tpu.memref_slice %arg10[%add3A_6, %dma_start3A_68] : memref<10240x128xf32, #tpu.memory_space<vmem_shared>> -> memref<80x128xf32, #tpu.memory_space<vmem_shared>>
      %dma_start3A_70 = arith.constant 0 : i32
      %dma_start3A_71 = arith.constant 0 : i32
      %dma_start3A_72 = tpu.memref_slice %arg8[%dma_start3A_70, %dma_start3A_71] : memref<88x128xf32, #tpu.memory_space<vmem>> -> memref<80x128xf32, #tpu.memory_space<vmem>>
      tpu.enqueue_dma source(%dma_start3A_72 : memref<80x128xf32, #tpu.memory_space<vmem>>) target(%dma_start3A_69 : memref<80x128xf32, #tpu.memory_space<vmem_shared>>) target_semaphore(%run_scoped3A : memref<!tpu.dma_semaphore, #tpu.memory_space<semaphore_mem>>)
      %dma_wait3A = arith.constant 0 : i32
      %dma_wait3A_73 = arith.constant 0 : i32
      %dma_wait3A_74 = tpu.memref_slice %arg8[%dma_wait3A, %dma_wait3A_73] : memref<88x128xf32, #tpu.memory_space<vmem>> -> memref<80x128xf32, #tpu.memory_space<vmem>>
      %dma_wait3A_75 = arith.constant 0 : i32
      %dma_wait3A_76 = tpu.memref_slice %arg10[%add3A_6, %dma_wait3A_75] : memref<10240x128xf32, #tpu.memory_space<vmem_shared>> -> memref<80x128xf32, #tpu.memory_space<vmem_shared>>
      %dma_wait3A_77 = arith.constant 0 : i32
      %dma_wait3A_78 = tpu.memref_slice %arg10[%add3A_6, %dma_wait3A_77] : memref<10240x128xf32, #tpu.memory_space<vmem_shared>> -> memref<80x128xf32, #tpu.memory_space<vmem_shared>>
      %dma_wait3A_79 = arith.constant 0 : i32
      %dma_wait3A_80 = arith.constant 0 : i32
      %dma_wait3A_81 = tpu.memref_slice %arg8[%dma_wait3A_79, %dma_wait3A_80] : memref<88x128xf32, #tpu.memory_space<vmem>> -> memref<80x128xf32, #tpu.memory_space<vmem>>
      tpu.wait_dma2 semaphore(%run_scoped3A : memref<!tpu.dma_semaphore, #tpu.memory_space<semaphore_mem>>) src(%dma_wait3A_81 : memref<80x128xf32, #tpu.memory_space<vmem>>) dst(%dma_wait3A_78 : memref<80x128xf32, #tpu.memory_space<vmem_shared>>)
      tpu.yield
    }) : () -> ()
    %mul3A_7 = arith.constant 640 : i32
    %mul3A_8 = arith.muli %arg1, %mul3A_7 : i32
    %add3A_9 = arith.constant 80 : i32
    %add3A_10 = arith.addi %mul3A_8, %add3A_9 : i32
    "tpu.region"() ({
      %run_scoped3A = tpu.sem_alloc : memref<!tpu.dma_semaphore, #tpu.memory_space<semaphore_mem>>
      %dma_start3A_63 = arith.constant 0 : i32
      %dma_start3A_64 = arith.constant 0 : i32
      %dma_start3A_65 = tpu.memref_slice %arg8[%dma_start3A_63, %dma_start3A_64] : memref<88x128xf32, #tpu.memory_space<vmem>> -> memref<80x128xf32, #tpu.memory_space<vmem>>
      %dma_start3A_66 = arith.constant 0 : i32
      %dma_start3A_67 = tpu.memref_slice %arg10[%add3A_10, %dma_start3A_66] : memref<10240x128xf32, #tpu.memory_space<vmem_shared>> -> memref<80x128xf32, #tpu.memory_space<vmem_shared>>
      %dma_start3A_68 = arith.constant 0 : i32
      %dma_start3A_69 = tpu.memref_slice %arg10[%add3A_10, %dma_start3A_68] : memref<10240x128xf32, #tpu.memory_space<vmem_shared>> -> memref<80x128xf32, #tpu.memory_space<vmem_shared>>
      %dma_start3A_70 = arith.constant 0 : i32
      %dma_start3A_71 = arith.constant 0 : i32
      %dma_start3A_72 = tpu.memref_slice %arg8[%dma_start3A_70, %dma_start3A_71] : memref<88x128xf32, #tpu.memory_space<vmem>> -> memref<80x128xf32, #tpu.memory_space<vmem>>
      tpu.enqueue_dma source(%dma_start3A_72 : memref<80x128xf32, #tpu.memory_space<vmem>>) target(%dma_start3A_69 : memref<80x128xf32, #tpu.memory_space<vmem_shared>>) target_semaphore(%run_scoped3A : memref<!tpu.dma_semaphore, #tpu.memory_space<semaphore_mem>>)
      %dma_wait3A = arith.constant 0 : i32
      %dma_wait3A_73 = arith.constant 0 : i32
      %dma_wait3A_74 = tpu.memref_slice %arg8[%dma_wait3A, %dma_wait3A_73] : memref<88x128xf32, #tpu.memory_space<vmem>> -> memref<80x128xf32, #tpu.memory_space<vmem>>
      %dma_wait3A_75 = arith.constant 0 : i32
      %dma_wait3A_76 = tpu.memref_slice %arg10[%add3A_10, %dma_wait3A_75] : memref<10240x128xf32, #tpu.memory_space<vmem_shared>> -> memref<80x128xf32, #tpu.memory_space<vmem_shared>>
      %dma_wait3A_77 = arith.constant 0 : i32
      %dma_wait3A_78 = tpu.memref_slice %arg10[%add3A_10, %dma_wait3A_77] : memref<10240x128xf32, #tpu.memory_space<vmem_shared>> -> memref<80x128xf32, #tpu.memory_space<vmem_shared>>
      %dma_wait3A_79 = arith.constant 0 : i32
      %dma_wait3A_80 = arith.constant 0 : i32
      %dma_wait3A_81 = tpu.memref_slice %arg8[%dma_wait3A_79, %dma_wait3A_80] : memref<88x128xf32, #tpu.memory_space<vmem>> -> memref<80x128xf32, #tpu.memory_space<vmem>>
      tpu.wait_dma2 semaphore(%run_scoped3A : memref<!tpu.dma_semaphore, #tpu.memory_space<semaphore_mem>>) src(%dma_wait3A_81 : memref<80x128xf32, #tpu.memory_space<vmem>>) dst(%dma_wait3A_78 : memref<80x128xf32, #tpu.memory_space<vmem_shared>>)
      tpu.yield
    }) : () -> ()
    %mul3A_11 = arith.constant 640 : i32
    %mul3A_12 = arith.muli %arg1, %mul3A_11 : i32
    %add3A_13 = arith.constant 160 : i32
    %add3A_14 = arith.addi %mul3A_12, %add3A_13 : i32
    "tpu.region"() ({
      %run_scoped3A = tpu.sem_alloc : memref<!tpu.dma_semaphore, #tpu.memory_space<semaphore_mem>>
      %dma_start3A_63 = arith.constant 0 : i32
      %dma_start3A_64 = arith.constant 0 : i32
      %dma_start3A_65 = tpu.memref_slice %arg8[%dma_start3A_63, %dma_start3A_64] : memref<88x128xf32, #tpu.memory_space<vmem>> -> memref<80x128xf32, #tpu.memory_space<vmem>>
      %dma_start3A_66 = arith.constant 0 : i32
      %dma_start3A_67 = tpu.memref_slice %arg10[%add3A_14, %dma_start3A_66] : memref<10240x128xf32, #tpu.memory_space<vmem_shared>> -> memref<80x128xf32, #tpu.memory_space<vmem_shared>>
      %dma_start3A_68 = arith.constant 0 : i32
      %dma_start3A_69 = tpu.memref_slice %arg10[%add3A_14, %dma_start3A_68] : memref<10240x128xf32, #tpu.memory_space<vmem_shared>> -> memref<80x128xf32, #tpu.memory_space<vmem_shared>>
      %dma_start3A_70 = arith.constant 0 : i32
      %dma_start3A_71 = arith.constant 0 : i32
      %dma_start3A_72 = tpu.memref_slice %arg8[%dma_start3A_70, %dma_start3A_71] : memref<88x128xf32, #tpu.memory_space<vmem>> -> memref<80x128xf32, #tpu.memory_space<vmem>>
      tpu.enqueue_dma source(%dma_start3A_72 : memref<80x128xf32, #tpu.memory_space<vmem>>) target(%dma_start3A_69 : memref<80x128xf32, #tpu.memory_space<vmem_shared>>) target_semaphore(%run_scoped3A : memref<!tpu.dma_semaphore, #tpu.memory_space<semaphore_mem>>)
      %dma_wait3A = arith.constant 0 : i32
      %dma_wait3A_73 = arith.constant 0 : i32
      %dma_wait3A_74 = tpu.memref_slice %arg8[%dma_wait3A, %dma_wait3A_73] : memref<88x128xf32, #tpu.memory_space<vmem>> -> memref<80x128xf32, #tpu.memory_space<vmem>>
      %dma_wait3A_75 = arith.constant 0 : i32
      %dma_wait3A_76 = tpu.memref_slice %arg10[%add3A_14, %dma_wait3A_75] : memref<10240x128xf32, #tpu.memory_space<vmem_shared>> -> memref<80x128xf32, #tpu.memory_space<vmem_shared>>
      %dma_wait3A_77 = arith.constant 0 : i32
      %dma_wait3A_78 = tpu.memref_slice %arg10[%add3A_14, %dma_wait3A_77] : memref<10240x128xf32, #tpu.memory_space<vmem_shared>> -> memref<80x128xf32, #tpu.memory_space<vmem_shared>>
      %dma_wait3A_79 = arith.constant 0 : i32
      %dma_wait3A_80 = arith.constant 0 : i32
      %dma_wait3A_81 = tpu.memref_slice %arg8[%dma_wait3A_79, %dma_wait3A_80] : memref<88x128xf32, #tpu.memory_space<vmem>> -> memref<80x128xf32, #tpu.memory_space<vmem>>
      tpu.wait_dma2 semaphore(%run_scoped3A : memref<!tpu.dma_semaphore, #tpu.memory_space<semaphore_mem>>) src(%dma_wait3A_81 : memref<80x128xf32, #tpu.memory_space<vmem>>) dst(%dma_wait3A_78 : memref<80x128xf32, #tpu.memory_space<vmem_shared>>)
      tpu.yield
    }) : () -> ()
    %mul3A_15 = arith.constant 640 : i32
    %mul3A_16 = arith.muli %arg1, %mul3A_15 : i32
    %add3A_17 = arith.constant 240 : i32
    %add3A_18 = arith.addi %mul3A_16, %add3A_17 : i32
    "tpu.region"() ({
      %run_scoped3A = tpu.sem_alloc : memref<!tpu.dma_semaphore, #tpu.memory_space<semaphore_mem>>
      %dma_start3A_63 = arith.constant 0 : i32
      %dma_start3A_64 = arith.constant 0 : i32
      %dma_start3A_65 = tpu.memref_slice %arg8[%dma_start3A_63, %dma_start3A_64] : memref<88x128xf32, #tpu.memory_space<vmem>> -> memref<80x128xf32, #tpu.memory_space<vmem>>
      %dma_start3A_66 = arith.constant 0 : i32
      %dma_start3A_67 = tpu.memref_slice %arg10[%add3A_18, %dma_start3A_66] : memref<10240x128xf32, #tpu.memory_space<vmem_shared>> -> memref<80x128xf32, #tpu.memory_space<vmem_shared>>
      %dma_start3A_68 = arith.constant 0 : i32
      %dma_start3A_69 = tpu.memref_slice %arg10[%add3A_18, %dma_start3A_68] : memref<10240x128xf32, #tpu.memory_space<vmem_shared>> -> memref<80x128xf32, #tpu.memory_space<vmem_shared>>
      %dma_start3A_70 = arith.constant 0 : i32
      %dma_start3A_71 = arith.constant 0 : i32
      %dma_start3A_72 = tpu.memref_slice %arg8[%dma_start3A_70, %dma_start3A_71] : memref<88x128xf32, #tpu.memory_space<vmem>> -> memref<80x128xf32, #tpu.memory_space<vmem>>
      tpu.enqueue_dma source(%dma_start3A_72 : memref<80x128xf32, #tpu.memory_space<vmem>>) target(%dma_start3A_69 : memref<80x128xf32, #tpu.memory_space<vmem_shared>>) target_semaphore(%run_scoped3A : memref<!tpu.dma_semaphore, #tpu.memory_space<semaphore_mem>>)
      %dma_wait3A = arith.constant 0 : i32
      %dma_wait3A_73 = arith.constant 0 : i32
      %dma_wait3A_74 = tpu.memref_slice %arg8[%dma_wait3A, %dma_wait3A_73] : memref<88x128xf32, #tpu.memory_space<vmem>> -> memref<80x128xf32, #tpu.memory_space<vmem>>
      %dma_wait3A_75 = arith.constant 0 : i32
      %dma_wait3A_76 = tpu.memref_slice %arg10[%add3A_18, %dma_wait3A_75] : memref<10240x128xf32, #tpu.memory_space<vmem_shared>> -> memref<80x128xf32, #tpu.memory_space<vmem_shared>>
      %dma_wait3A_77 = arith.constant 0 : i32
      %dma_wait3A_78 = tpu.memref_slice %arg10[%add3A_18, %dma_wait3A_77] : memref<10240x128xf32, #tpu.memory_space<vmem_shared>> -> memref<80x128xf32, #tpu.memory_space<vmem_shared>>
      %dma_wait3A_79 = arith.constant 0 : i32
      %dma_wait3A_80 = arith.constant 0 : i32
      %dma_wait3A_81 = tpu.memref_slice %arg8[%dma_wait3A_79, %dma_wait3A_80] : memref<88x128xf32, #tpu.memory_space<vmem>> -> memref<80x128xf32, #tpu.memory_space<vmem>>
      tpu.wait_dma2 semaphore(%run_scoped3A : memref<!tpu.dma_semaphore, #tpu.memory_space<semaphore_mem>>) src(%dma_wait3A_81 : memref<80x128xf32, #tpu.memory_space<vmem>>) dst(%dma_wait3A_78 : memref<80x128xf32, #tpu.memory_space<vmem_shared>>)
      tpu.yield
    }) : () -> ()
    %mul3A_19 = arith.constant 640 : i32
    %mul3A_20 = arith.muli %arg1, %mul3A_19 : i32
    %add3A_21 = arith.constant 320 : i32
    %add3A_22 = arith.addi %mul3A_20, %add3A_21 : i32
    "tpu.region"() ({
      %run_scoped3A = tpu.sem_alloc : memref<!tpu.dma_semaphore, #tpu.memory_space<semaphore_mem>>
      %dma_start3A_63 = arith.constant 0 : i32
      %dma_start3A_64 = arith.constant 0 : i32
      %dma_start3A_65 = tpu.memref_slice %arg8[%dma_start3A_63, %dma_start3A_64] : memref<88x128xf32, #tpu.memory_space<vmem>> -> memref<80x128xf32, #tpu.memory_space<vmem>>
      %dma_start3A_66 = arith.constant 0 : i32
      %dma_start3A_67 = tpu.memref_slice %arg10[%add3A_22, %dma_start3A_66] : memref<10240x128xf32, #tpu.memory_space<vmem_shared>> -> memref<80x128xf32, #tpu.memory_space<vmem_shared>>
      %dma_start3A_68 = arith.constant 0 : i32
      %dma_start3A_69 = tpu.memref_slice %arg10[%add3A_22, %dma_start3A_68] : memref<10240x128xf32, #tpu.memory_space<vmem_shared>> -> memref<80x128xf32, #tpu.memory_space<vmem_shared>>
      %dma_start3A_70 = arith.constant 0 : i32
      %dma_start3A_71 = arith.constant 0 : i32
      %dma_start3A_72 = tpu.memref_slice %arg8[%dma_start3A_70, %dma_start3A_71] : memref<88x128xf32, #tpu.memory_space<vmem>> -> memref<80x128xf32, #tpu.memory_space<vmem>>
      tpu.enqueue_dma source(%dma_start3A_72 : memref<80x128xf32, #tpu.memory_space<vmem>>) target(%dma_start3A_69 : memref<80x128xf32, #tpu.memory_space<vmem_shared>>) target_semaphore(%run_scoped3A : memref<!tpu.dma_semaphore, #tpu.memory_space<semaphore_mem>>)
      %dma_wait3A = arith.constant 0 : i32
      %dma_wait3A_73 = arith.constant 0 : i32
      %dma_wait3A_74 = tpu.memref_slice %arg8[%dma_wait3A, %dma_wait3A_73] : memref<88x128xf32, #tpu.memory_space<vmem>> -> memref<80x128xf32, #tpu.memory_space<vmem>>
      %dma_wait3A_75 = arith.constant 0 : i32
      %dma_wait3A_76 = tpu.memref_slice %arg10[%add3A_22, %dma_wait3A_75] : memref<10240x128xf32, #tpu.memory_space<vmem_shared>> -> memref<80x128xf32, #tpu.memory_space<vmem_shared>>
      %dma_wait3A_77 = arith.constant 0 : i32
      %dma_wait3A_78 = tpu.memref_slice %arg10[%add3A_22, %dma_wait3A_77] : memref<10240x128xf32, #tpu.memory_space<vmem_shared>> -> memref<80x128xf32, #tpu.memory_space<vmem_shared>>
      %dma_wait3A_79 = arith.constant 0 : i32
      %dma_wait3A_80 = arith.constant 0 : i32
      %dma_wait3A_81 = tpu.memref_slice %arg8[%dma_wait3A_79, %dma_wait3A_80] : memref<88x128xf32, #tpu.memory_space<vmem>> -> memref<80x128xf32, #tpu.memory_space<vmem>>
      tpu.wait_dma2 semaphore(%run_scoped3A : memref<!tpu.dma_semaphore, #tpu.memory_space<semaphore_mem>>) src(%dma_wait3A_81 : memref<80x128xf32, #tpu.memory_space<vmem>>) dst(%dma_wait3A_78 : memref<80x128xf32, #tpu.memory_space<vmem_shared>>)
      tpu.yield
    }) : () -> ()
    %mul3A_23 = arith.constant 640 : i32
    %mul3A_24 = arith.muli %arg1, %mul3A_23 : i32
    %add3A_25 = arith.constant 400 : i32
    %add3A_26 = arith.addi %mul3A_24, %add3A_25 : i32
    "tpu.region"() ({
      %run_scoped3A = tpu.sem_alloc : memref<!tpu.dma_semaphore, #tpu.memory_space<semaphore_mem>>
      %dma_start3A_63 = arith.constant 0 : i32
      %dma_start3A_64 = arith.constant 0 : i32
      %dma_start3A_65 = tpu.memref_slice %arg8[%dma_start3A_63, %dma_start3A_64] : memref<88x128xf32, #tpu.memory_space<vmem>> -> memref<80x128xf32, #tpu.memory_space<vmem>>
      %dma_start3A_66 = arith.constant 0 : i32
      %dma_start3A_67 = tpu.memref_slice %arg10[%add3A_26, %dma_start3A_66] : memref<10240x128xf32, #tpu.memory_space<vmem_shared>> -> memref<80x128xf32, #tpu.memory_space<vmem_shared>>
      %dma_start3A_68 = arith.constant 0 : i32
      %dma_start3A_69 = tpu.memref_slice %arg10[%add3A_26, %dma_start3A_68] : memref<10240x128xf32, #tpu.memory_space<vmem_shared>> -> memref<80x128xf32, #tpu.memory_space<vmem_shared>>
      %dma_start3A_70 = arith.constant 0 : i32
      %dma_start3A_71 = arith.constant 0 : i32
      %dma_start3A_72 = tpu.memref_slice %arg8[%dma_start3A_70, %dma_start3A_71] : memref<88x128xf32, #tpu.memory_space<vmem>> -> memref<80x128xf32, #tpu.memory_space<vmem>>
      tpu.enqueue_dma source(%dma_start3A_72 : memref<80x128xf32, #tpu.memory_space<vmem>>) target(%dma_start3A_69 : memref<80x128xf32, #tpu.memory_space<vmem_shared>>) target_semaphore(%run_scoped3A : memref<!tpu.dma_semaphore, #tpu.memory_space<semaphore_mem>>)
      %dma_wait3A = arith.constant 0 : i32
      %dma_wait3A_73 = arith.constant 0 : i32
      %dma_wait3A_74 = tpu.memref_slice %arg8[%dma_wait3A, %dma_wait3A_73] : memref<88x128xf32, #tpu.memory_space<vmem>> -> memref<80x128xf32, #tpu.memory_space<vmem>>
      %dma_wait3A_75 = arith.constant 0 : i32
      %dma_wait3A_76 = tpu.memref_slice %arg10[%add3A_26, %dma_wait3A_75] : memref<10240x128xf32, #tpu.memory_space<vmem_shared>> -> memref<80x128xf32, #tpu.memory_space<vmem_shared>>
      %dma_wait3A_77 = arith.constant 0 : i32
      %dma_wait3A_78 = tpu.memref_slice %arg10[%add3A_26, %dma_wait3A_77] : memref<10240x128xf32, #tpu.memory_space<vmem_shared>> -> memref<80x128xf32, #tpu.memory_space<vmem_shared>>
      %dma_wait3A_79 = arith.constant 0 : i32
      %dma_wait3A_80 = arith.constant 0 : i32
      %dma_wait3A_81 = tpu.memref_slice %arg8[%dma_wait3A_79, %dma_wait3A_80] : memref<88x128xf32, #tpu.memory_space<vmem>> -> memref<80x128xf32, #tpu.memory_space<vmem>>
      tpu.wait_dma2 semaphore(%run_scoped3A : memref<!tpu.dma_semaphore, #tpu.memory_space<semaphore_mem>>) src(%dma_wait3A_81 : memref<80x128xf32, #tpu.memory_space<vmem>>) dst(%dma_wait3A_78 : memref<80x128xf32, #tpu.memory_space<vmem_shared>>)
      tpu.yield
    }) : () -> ()
    %mul3A_27 = arith.constant 640 : i32
    %mul3A_28 = arith.muli %arg1, %mul3A_27 : i32
    %add3A_29 = arith.constant 480 : i32
    %add3A_30 = arith.addi %mul3A_28, %add3A_29 : i32
    "tpu.region"() ({
      %run_scoped3A = tpu.sem_alloc : memref<!tpu.dma_semaphore, #tpu.memory_space<semaphore_mem>>
      %dma_start3A_63 = arith.constant 0 : i32
      %dma_start3A_64 = arith.constant 0 : i32
      %dma_start3A_65 = tpu.memref_slice %arg8[%dma_start3A_63, %dma_start3A_64] : memref<88x128xf32, #tpu.memory_space<vmem>> -> memref<80x128xf32, #tpu.memory_space<vmem>>
      %dma_start3A_66 = arith.constant 0 : i32
      %dma_start3A_67 = tpu.memref_slice %arg10[%add3A_30, %dma_start3A_66] : memref<10240x128xf32, #tpu.memory_space<vmem_shared>> -> memref<80x128xf32, #tpu.memory_space<vmem_shared>>
      %dma_start3A_68 = arith.constant 0 : i32
      %dma_start3A_69 = tpu.memref_slice %arg10[%add3A_30, %dma_start3A_68] : memref<10240x128xf32, #tpu.memory_space<vmem_shared>> -> memref<80x128xf32, #tpu.memory_space<vmem_shared>>
      %dma_start3A_70 = arith.constant 0 : i32
      %dma_start3A_71 = arith.constant 0 : i32
      %dma_start3A_72 = tpu.memref_slice %arg8[%dma_start3A_70, %dma_start3A_71] : memref<88x128xf32, #tpu.memory_space<vmem>> -> memref<80x128xf32, #tpu.memory_space<vmem>>
      tpu.enqueue_dma source(%dma_start3A_72 : memref<80x128xf32, #tpu.memory_space<vmem>>) target(%dma_start3A_69 : memref<80x128xf32, #tpu.memory_space<vmem_shared>>) target_semaphore(%run_scoped3A : memref<!tpu.dma_semaphore, #tpu.memory_space<semaphore_mem>>)
      %dma_wait3A = arith.constant 0 : i32
      %dma_wait3A_73 = arith.constant 0 : i32
      %dma_wait3A_74 = tpu.memref_slice %arg8[%dma_wait3A, %dma_wait3A_73] : memref<88x128xf32, #tpu.memory_space<vmem>> -> memref<80x128xf32, #tpu.memory_space<vmem>>
      %dma_wait3A_75 = arith.constant 0 : i32
      %dma_wait3A_76 = tpu.memref_slice %arg10[%add3A_30, %dma_wait3A_75] : memref<10240x128xf32, #tpu.memory_space<vmem_shared>> -> memref<80x128xf32, #tpu.memory_space<vmem_shared>>
      %dma_wait3A_77 = arith.constant 0 : i32
      %dma_wait3A_78 = tpu.memref_slice %arg10[%add3A_30, %dma_wait3A_77] : memref<10240x128xf32, #tpu.memory_space<vmem_shared>> -> memref<80x128xf32, #tpu.memory_space<vmem_shared>>
      %dma_wait3A_79 = arith.constant 0 : i32
      %dma_wait3A_80 = arith.constant 0 : i32
      %dma_wait3A_81 = tpu.memref_slice %arg8[%dma_wait3A_79, %dma_wait3A_80] : memref<88x128xf32, #tpu.memory_space<vmem>> -> memref<80x128xf32, #tpu.memory_space<vmem>>
      tpu.wait_dma2 semaphore(%run_scoped3A : memref<!tpu.dma_semaphore, #tpu.memory_space<semaphore_mem>>) src(%dma_wait3A_81 : memref<80x128xf32, #tpu.memory_space<vmem>>) dst(%dma_wait3A_78 : memref<80x128xf32, #tpu.memory_space<vmem_shared>>)
      tpu.yield
    }) : () -> ()
    %mul3A_31 = arith.constant 640 : i32
    %mul3A_32 = arith.muli %arg1, %mul3A_31 : i32
    %add3A_33 = arith.constant 560 : i32
    %add3A_34 = arith.addi %mul3A_32, %add3A_33 : i32
    "tpu.region"() ({
      %run_scoped3A = tpu.sem_alloc : memref<!tpu.dma_semaphore, #tpu.memory_space<semaphore_mem>>
      %dma_start3A_63 = arith.constant 0 : i32
      %dma_start3A_64 = arith.constant 0 : i32
      %dma_start3A_65 = tpu.memref_slice %arg8[%dma_start3A_63, %dma_start3A_64] : memref<88x128xf32, #tpu.memory_space<vmem>> -> memref<80x128xf32, #tpu.memory_space<vmem>>
      %dma_start3A_66 = arith.constant 0 : i32
      %dma_start3A_67 = tpu.memref_slice %arg10[%add3A_34, %dma_start3A_66] : memref<10240x128xf32, #tpu.memory_space<vmem_shared>> -> memref<80x128xf32, #tpu.memory_space<vmem_shared>>
      %dma_start3A_68 = arith.constant 0 : i32
      %dma_start3A_69 = tpu.memref_slice %arg10[%add3A_34, %dma_start3A_68] : memref<10240x128xf32, #tpu.memory_space<vmem_shared>> -> memref<80x128xf32, #tpu.memory_space<vmem_shared>>
      %dma_start3A_70 = arith.constant 0 : i32
      %dma_start3A_71 = arith.constant 0 : i32
      %dma_start3A_72 = tpu.memref_slice %arg8[%dma_start3A_70, %dma_start3A_71] : memref<88x128xf32, #tpu.memory_space<vmem>> -> memref<80x128xf32, #tpu.memory_space<vmem>>
      tpu.enqueue_dma source(%dma_start3A_72 : memref<80x128xf32, #tpu.memory_space<vmem>>) target(%dma_start3A_69 : memref<80x128xf32, #tpu.memory_space<vmem_shared>>) target_semaphore(%run_scoped3A : memref<!tpu.dma_semaphore, #tpu.memory_space<semaphore_mem>>)
      %dma_wait3A = arith.constant 0 : i32
      %dma_wait3A_73 = arith.constant 0 : i32
      %dma_wait3A_74 = tpu.memref_slice %arg8[%dma_wait3A, %dma_wait3A_73] : memref<88x128xf32, #tpu.memory_space<vmem>> -> memref<80x128xf32, #tpu.memory_space<vmem>>
      %dma_wait3A_75 = arith.constant 0 : i32
      %dma_wait3A_76 = tpu.memref_slice %arg10[%add3A_34, %dma_wait3A_75] : memref<10240x128xf32, #tpu.memory_space<vmem_shared>> -> memref<80x128xf32, #tpu.memory_space<vmem_shared>>
      %dma_wait3A_77 = arith.constant 0 : i32
      %dma_wait3A_78 = tpu.memref_slice %arg10[%add3A_34, %dma_wait3A_77] : memref<10240x128xf32, #tpu.memory_space<vmem_shared>> -> memref<80x128xf32, #tpu.memory_space<vmem_shared>>
      %dma_wait3A_79 = arith.constant 0 : i32
      %dma_wait3A_80 = arith.constant 0 : i32
      %dma_wait3A_81 = tpu.memref_slice %arg8[%dma_wait3A_79, %dma_wait3A_80] : memref<88x128xf32, #tpu.memory_space<vmem>> -> memref<80x128xf32, #tpu.memory_space<vmem>>
      tpu.wait_dma2 semaphore(%run_scoped3A : memref<!tpu.dma_semaphore, #tpu.memory_space<semaphore_mem>>) src(%dma_wait3A_81 : memref<80x128xf32, #tpu.memory_space<vmem>>) dst(%dma_wait3A_78 : memref<80x128xf32, #tpu.memory_space<vmem_shared>>)
      tpu.yield
    }) : () -> ()
    "tpu.region"() ({
      %run_scoped3A = tpu.sem_alloc : memref<!tpu.dma_semaphore, #tpu.memory_space<semaphore_mem>>
      %dma_start3A_63 = arith.constant 0 : i32
      %dma_start3A_64 = tpu.memref_slice %arg3[%arg0, %arg1, %dma_start3A_63] : memref<2x16x10032xi32, #tpu.memory_space<hbm>> -> memref<1x1x10032xi32, #tpu.memory_space<hbm>>
      %dma_start3A_65 = tpu.memref_squeeze %dma_start3A_64 : memref<1x1x10032xi32, #tpu.memory_space<hbm>> -> memref<10032xi32, #tpu.memory_space<hbm>>
      %dma_start3A_66 = arith.constant 0 : i32
      %dma_start3A_67 = tpu.memref_slice %arg3[%arg0, %arg1, %dma_start3A_66] : memref<2x16x10032xi32, #tpu.memory_space<hbm>> -> memref<1x1x10032xi32, #tpu.memory_space<hbm>>
      %dma_start3A_68 = tpu.memref_squeeze %dma_start3A_67 : memref<1x1x10032xi32, #tpu.memory_space<hbm>> -> memref<10032xi32, #tpu.memory_space<hbm>>
      tpu.enqueue_dma source(%dma_start3A_68 : memref<10032xi32, #tpu.memory_space<hbm>>) target(%arg6 : memref<10032xi32, #tpu.memory_space<vmem>>) target_semaphore(%run_scoped3A : memref<!tpu.dma_semaphore, #tpu.memory_space<semaphore_mem>>)
      %dma_wait3A = arith.constant 0 : i32
      %dma_wait3A_69 = tpu.memref_slice %arg3[%arg0, %arg1, %dma_wait3A] : memref<2x16x10032xi32, #tpu.memory_space<hbm>> -> memref<1x1x10032xi32, #tpu.memory_space<hbm>>
      %dma_wait3A_70 = tpu.memref_squeeze %dma_wait3A_69 : memref<1x1x10032xi32, #tpu.memory_space<hbm>> -> memref<10032xi32, #tpu.memory_space<hbm>>
      %dma_wait3A_71 = arith.constant 0 : i32
      %dma_wait3A_72 = tpu.memref_slice %arg3[%arg0, %arg1, %dma_wait3A_71] : memref<2x16x10032xi32, #tpu.memory_space<hbm>> -> memref<1x1x10032xi32, #tpu.memory_space<hbm>>
      %dma_wait3A_73 = tpu.memref_squeeze %dma_wait3A_72 : memref<1x1x10032xi32, #tpu.memory_space<hbm>> -> memref<10032xi32, #tpu.memory_space<hbm>>
      tpu.wait_dma2 semaphore(%run_scoped3A : memref<!tpu.dma_semaphore, #tpu.memory_space<semaphore_mem>>) src(%dma_wait3A_73 : memref<10032xi32, #tpu.memory_space<hbm>>) dst(%arg6 : memref<10032xi32, #tpu.memory_space<vmem>>)
      tpu.yield
    }) : () -> ()
    "tpu.region"() ({
      %run_scoped3A = tpu.sem_alloc : memref<!tpu.dma_semaphore, #tpu.memory_space<semaphore_mem>>
      %dma_start3A_63 = arith.constant 0 : i32
      %dma_start3A_64 = arith.constant 0 : i32
      %dma_start3A_65 = tpu.memref_slice %arg4[%arg0, %arg1, %dma_start3A_63, %dma_start3A_64] : memref<2x16x114x88xi32, #tpu.memory_space<hbm>> -> memref<1x1x114x88xi32, #tpu.memory_space<hbm>>
      %dma_start3A_66 = tpu.memref_squeeze %dma_start3A_65 : memref<1x1x114x88xi32, #tpu.memory_space<hbm>> -> memref<114x88xi32, #tpu.memory_space<hbm>>
      %dma_start3A_67 = arith.constant 0 : i32
      %dma_start3A_68 = arith.constant 0 : i32
      %dma_start3A_69 = tpu.memref_slice %arg4[%arg0, %arg1, %dma_start3A_67, %dma_start3A_68] : memref<2x16x114x88xi32, #tpu.memory_space<hbm>> -> memref<1x1x114x88xi32, #tpu.memory_space<hbm>>
      %dma_start3A_70 = tpu.memref_squeeze %dma_start3A_69 : memref<1x1x114x88xi32, #tpu.memory_space<hbm>> -> memref<114x88xi32, #tpu.memory_space<hbm>>
      tpu.enqueue_dma source(%dma_start3A_70 : memref<114x88xi32, #tpu.memory_space<hbm>>) target(%arg7 : memref<114x88xi32, #tpu.memory_space<vmem>>) target_semaphore(%run_scoped3A : memref<!tpu.dma_semaphore, #tpu.memory_space<semaphore_mem>>)
      %dma_wait3A = arith.constant 0 : i32
      %dma_wait3A_71 = arith.constant 0 : i32
      %dma_wait3A_72 = tpu.memref_slice %arg4[%arg0, %arg1, %dma_wait3A, %dma_wait3A_71] : memref<2x16x114x88xi32, #tpu.memory_space<hbm>> -> memref<1x1x114x88xi32, #tpu.memory_space<hbm>>
      %dma_wait3A_73 = tpu.memref_squeeze %dma_wait3A_72 : memref<1x1x114x88xi32, #tpu.memory_space<hbm>> -> memref<114x88xi32, #tpu.memory_space<hbm>>
      %dma_wait3A_74 = arith.constant 0 : i32
      %dma_wait3A_75 = arith.constant 0 : i32
      %dma_wait3A_76 = tpu.memref_slice %arg4[%arg0, %arg1, %dma_wait3A_74, %dma_wait3A_75] : memref<2x16x114x88xi32, #tpu.memory_space<hbm>> -> memref<1x1x114x88xi32, #tpu.memory_space<hbm>>
      %dma_wait3A_77 = tpu.memref_squeeze %dma_wait3A_76 : memref<1x1x114x88xi32, #tpu.memory_space<hbm>> -> memref<114x88xi32, #tpu.memory_space<hbm>>
      tpu.wait_dma2 semaphore(%run_scoped3A : memref<!tpu.dma_semaphore, #tpu.memory_space<semaphore_mem>>) src(%dma_wait3A_77 : memref<114x88xi32, #tpu.memory_space<hbm>>) dst(%arg7 : memref<114x88xi32, #tpu.memory_space<vmem>>)
      tpu.yield
    }) : () -> ()
    %barrier3A = arith.constant 0 : index
    tpu.barrier barrier_id(%barrier3A)
    %dma_start3A = arith.constant 0 : i32
    %dma_start3A_35 = tpu.memref_slice %arg6[%dma_start3A] : memref<10032xi32, #tpu.memory_space<vmem>> -> memref<88xi32, #tpu.memory_space<vmem>>
    %dma_start3A_36 = arith.constant 0 : i32
    %dma_start3A_37 = arith.constant 0 : i32
    %dma_start3A_38 = tpu.memref_slice %arg2[%arg0, %dma_start3A_36, %dma_start3A_37] : memref<2x10000x128xf32, #tpu.memory_space<hbm>> -> memref<1x10000x128xf32, #tpu.memory_space<hbm>>
    %dma_start3A_39 = tpu.memref_squeeze %dma_start3A_38 : memref<1x10000x128xf32, #tpu.memory_space<hbm>> -> memref<10000x128xf32, #tpu.memory_space<hbm>>
    %dma_start3A_40 = arith.constant 0 : i32
    %dma_start3A_41 = arith.constant 0 : i32
    %dma_start3A_42 = tpu.memref_slice %dma_start3A_39[%dma_start3A_40, %dma_start3A_41] : memref<10000x128xf32, #tpu.memory_space<hbm>> -> memref<10000x128xf32, #tpu.memory_space<hbm>>
    tpu.enqueue_indirect_dma source(%dma_start3A_42 : memref<10000x128xf32, #tpu.memory_space<hbm>>) target(%arg8 : memref<88x128xf32, #tpu.memory_space<vmem>>) offsets(%dma_start3A_35 : memref<88xi32, #tpu.memory_space<vmem>>) semaphore(%arg11 : memref<!tpu.dma_semaphore, #tpu.memory_space<semaphore_mem>>)
    %dma_start3A_43 = arith.constant 88 : i32
    %dma_start3A_44 = tpu.memref_slice %arg6[%dma_start3A_43] : memref<10032xi32, #tpu.memory_space<vmem>> -> memref<88xi32, #tpu.memory_space<vmem>>
    %dma_start3A_45 = arith.constant 0 : i32
    %dma_start3A_46 = arith.constant 0 : i32
    %dma_start3A_47 = tpu.memref_slice %arg2[%arg0, %dma_start3A_45, %dma_start3A_46] : memref<2x10000x128xf32, #tpu.memory_space<hbm>> -> memref<1x10000x128xf32, #tpu.memory_space<hbm>>
    %dma_start3A_48 = tpu.memref_squeeze %dma_start3A_47 : memref<1x10000x128xf32, #tpu.memory_space<hbm>> -> memref<10000x128xf32, #tpu.memory_space<hbm>>
    %dma_start3A_49 = arith.constant 0 : i32
    %dma_start3A_50 = arith.constant 0 : i32
    %dma_start3A_51 = tpu.memref_slice %dma_start3A_48[%dma_start3A_49, %dma_start3A_50] : memref<10000x128xf32, #tpu.memory_space<hbm>> -> memref<10000x128xf32, #tpu.memory_space<hbm>>
    tpu.enqueue_indirect_dma source(%dma_start3A_51 : memref<10000x128xf32, #tpu.memory_space<hbm>>) target(%arg9 : memref<88x128xf32, #tpu.memory_space<vmem>>) offsets(%dma_start3A_44 : memref<88xi32, #tpu.memory_space<vmem>>) semaphore(%arg12 : memref<!tpu.dma_semaphore, #tpu.memory_space<semaphore_mem>>)
    %scan3A_52 = arith.constant 0 : i32
    %scan3A_53 = arith.constant 0 : i32
    %scan3A_54 = arith.constant 57 : i32
    %scan3A_55 = arith.addi %scan3A_53, %scan3A_54 : i32
    %scan3A_56 = arith.constant 1 : i32
    scf.for %scan3A_63 = %scan3A_53 to %scan3A_55 step %scan3A_56  : i32 {
      %mul3A_64 = arith.constant 2 : i32
      %mul3A_65 = arith.muli %scan3A_63, %mul3A_64 : i32
      %add3A_66 = arith.constant 0 : i32
      %add3A_67 = arith.addi %mul3A_65, %add3A_66 : i32
      %mul3A_68 = arith.constant 88 : i32
      %mul3A_69 = arith.muli %add3A_67, %mul3A_68 : i32
      %dma_wait3A = tpu.memref_slice %arg6[%mul3A_69] : memref<10032xi32, #tpu.memory_space<vmem>> -> memref<88xi32, #tpu.memory_space<vmem>>
      %dma_wait3A_70 = arith.constant 0 : i32
      %dma_wait3A_71 = arith.constant 0 : i32
      %dma_wait3A_72 = tpu.memref_slice %arg2[%arg0, %dma_wait3A_70, %dma_wait3A_71] : memref<2x10000x128xf32, #tpu.memory_space<hbm>> -> memref<1x10000x128xf32, #tpu.memory_space<hbm>>
      %dma_wait3A_73 = tpu.memref_squeeze %dma_wait3A_72 : memref<1x10000x128xf32, #tpu.memory_space<hbm>> -> memref<10000x128xf32, #tpu.memory_space<hbm>>
      %dma_wait3A_74 = arith.constant 0 : i32
      %dma_wait3A_75 = arith.constant 0 : i32
      %dma_wait3A_76 = tpu.memref_slice %dma_wait3A_73[%dma_wait3A_74, %dma_wait3A_75] : memref<10000x128xf32, #tpu.memory_space<hbm>> -> memref<10000x128xf32, #tpu.memory_space<hbm>>
      tpu.wait_indirect_dma semaphore(%arg11 : memref<!tpu.dma_semaphore, #tpu.memory_space<semaphore_mem>>) src(%dma_wait3A_76 : memref<10000x128xf32, #tpu.memory_space<hbm>>) dst(%arg8 : memref<88x128xf32, #tpu.memory_space<vmem>>)
      "tpu.region"() ({
        %run_scoped3A = tpu.sem_alloc : memref<!tpu.dma_semaphore, #tpu.memory_space<semaphore_mem>>
        %dma_start3A_100 = arith.constant 0 : i32
        %dma_start3A_101 = tpu.memref_slice %arg7[%add3A_67, %dma_start3A_100] : memref<114x88xi32, #tpu.memory_space<vmem>> -> memref<1x88xi32, #tpu.memory_space<vmem>>
        %dma_start3A_102 = tpu.memref_squeeze %dma_start3A_101 : memref<1x88xi32, #tpu.memory_space<vmem>> -> memref<88xi32, #tpu.memory_space<vmem>>
        %dma_start3A_103 = arith.constant 0 : i32
        %dma_start3A_104 = arith.constant 0 : i32
        %dma_start3A_105 = tpu.memref_slice %arg10[%dma_start3A_103, %dma_start3A_104] : memref<10240x128xf32, #tpu.memory_space<vmem_shared>> -> memref<10240x128xf32, #tpu.memory_space<vmem_shared>>
        tpu.enqueue_indirect_dma source(%arg8 : memref<88x128xf32, #tpu.memory_space<vmem>>) target(%dma_start3A_105 : memref<10240x128xf32, #tpu.memory_space<vmem_shared>>) offsets(%dma_start3A_102 : memref<88xi32, #tpu.memory_space<vmem>>) semaphore(%run_scoped3A : memref<!tpu.dma_semaphore, #tpu.memory_space<semaphore_mem>>) {add = true}
        %dma_wait3A_106 = arith.constant 0 : i32
        %dma_wait3A_107 = tpu.memref_slice %arg7[%add3A_67, %dma_wait3A_106] : memref<114x88xi32, #tpu.memory_space<vmem>> -> memref<1x88xi32, #tpu.memory_space<vmem>>
        %dma_wait3A_108 = tpu.memref_squeeze %dma_wait3A_107 : memref<1x88xi32, #tpu.memory_space<vmem>> -> memref<88xi32, #tpu.memory_space<vmem>>
        %dma_wait3A_109 = arith.constant 0 : i32
        %dma_wait3A_110 = arith.constant 0 : i32
        %dma_wait3A_111 = tpu.memref_slice %arg10[%dma_wait3A_109, %dma_wait3A_110] : memref<10240x128xf32, #tpu.memory_space<vmem_shared>> -> memref<10240x128xf32, #tpu.memory_space<vmem_shared>>
        tpu.wait_indirect_dma semaphore(%run_scoped3A : memref<!tpu.dma_semaphore, #tpu.memory_space<semaphore_mem>>) src(%arg8 : memref<88x128xf32, #tpu.memory_space<vmem>>) dst(%dma_wait3A_111 : memref<10240x128xf32, #tpu.memory_space<vmem_shared>>)
        tpu.yield
      }) : () -> ()
      %add3A_77 = arith.constant 2 : i32
      %add3A_78 = arith.addi %add3A_67, %add3A_77 : i32
      %lt3A = arith.constant 114 : i32
      %lt3A_79 = arith.cmpi slt, %add3A_78, %lt3A : i32
      %convert_element_type3A = arith.extui %lt3A_79 : i1 to i32
      %cond3A = arith.constant 0 : i32
      %cond3A_80 = arith.cmpi ne, %convert_element_type3A, %cond3A : i32
      scf.if %cond3A_80 {
        %add3A_100 = arith.constant 2 : i32
        %add3A_101 = arith.addi %add3A_67, %add3A_100 : i32
        %mul3A_102 = arith.constant 88 : i32
        %mul3A_103 = arith.muli %add3A_101, %mul3A_102 : i32
        %dma_start3A_104 = tpu.memref_slice %arg6[%mul3A_103] : memref<10032xi32, #tpu.memory_space<vmem>> -> memref<88xi32, #tpu.memory_space<vmem>>
        %dma_start3A_105 = arith.constant 0 : i32
        %dma_start3A_106 = arith.constant 0 : i32
        %dma_start3A_107 = tpu.memref_slice %arg2[%arg0, %dma_start3A_105, %dma_start3A_106] : memref<2x10000x128xf32, #tpu.memory_space<hbm>> -> memref<1x10000x128xf32, #tpu.memory_space<hbm>>
        %dma_start3A_108 = tpu.memref_squeeze %dma_start3A_107 : memref<1x10000x128xf32, #tpu.memory_space<hbm>> -> memref<10000x128xf32, #tpu.memory_space<hbm>>
        %dma_start3A_109 = arith.constant 0 : i32
        %dma_start3A_110 = arith.constant 0 : i32
        %dma_start3A_111 = tpu.memref_slice %dma_start3A_108[%dma_start3A_109, %dma_start3A_110] : memref<10000x128xf32, #tpu.memory_space<hbm>> -> memref<10000x128xf32, #tpu.memory_space<hbm>>
        tpu.enqueue_indirect_dma source(%dma_start3A_111 : memref<10000x128xf32, #tpu.memory_space<hbm>>) target(%arg8 : memref<88x128xf32, #tpu.memory_space<vmem>>) offsets(%dma_start3A_104 : memref<88xi32, #tpu.memory_space<vmem>>) semaphore(%arg11 : memref<!tpu.dma_semaphore, #tpu.memory_space<semaphore_mem>>)
      } else {
      }
      %add3A_81 = arith.constant 1 : i32
      %add3A_82 = arith.addi %mul3A_65, %add3A_81 : i32
      %mul3A_83 = arith.constant 88 : i32
      %mul3A_84 = arith.muli %add3A_82, %mul3A_83 : i32
      %dma_wait3A_85 = tpu.memref_slice %arg6[%mul3A_84] : memref<10032xi32, #tpu.memory_space<vmem>> -> memref<88xi32, #tpu.memory_space<vmem>>
      %dma_wait3A_86 = arith.constant 0 : i32
      %dma_wait3A_87 = arith.constant 0 : i32
      %dma_wait3A_88 = tpu.memref_slice %arg2[%arg0, %dma_wait3A_86, %dma_wait3A_87] : memref<2x10000x128xf32, #tpu.memory_space<hbm>> -> memref<1x10000x128xf32, #tpu.memory_space<hbm>>
      %dma_wait3A_89 = tpu.memref_squeeze %dma_wait3A_88 : memref<1x10000x128xf32, #tpu.memory_space<hbm>> -> memref<10000x128xf32, #tpu.memory_space<hbm>>
      %dma_wait3A_90 = arith.constant 0 : i32
      %dma_wait3A_91 = arith.constant 0 : i32
      %dma_wait3A_92 = tpu.memref_slice %dma_wait3A_89[%dma_wait3A_90, %dma_wait3A_91] : memref<10000x128xf32, #tpu.memory_space<hbm>> -> memref<10000x128xf32, #tpu.memory_space<hbm>>
      tpu.wait_indirect_dma semaphore(%arg12 : memref<!tpu.dma_semaphore, #tpu.memory_space<semaphore_mem>>) src(%dma_wait3A_92 : memref<10000x128xf32, #tpu.memory_space<hbm>>) dst(%arg9 : memref<88x128xf32, #tpu.memory_space<vmem>>)
      "tpu.region"() ({
        %run_scoped3A = tpu.sem_alloc : memref<!tpu.dma_semaphore, #tpu.memory_space<semaphore_mem>>
        %dma_start3A_100 = arith.constant 0 : i32
        %dma_start3A_101 = tpu.memref_slice %arg7[%add3A_82, %dma_start3A_100] : memref<114x88xi32, #tpu.memory_space<vmem>> -> memref<1x88xi32, #tpu.memory_space<vmem>>
        %dma_start3A_102 = tpu.memref_squeeze %dma_start3A_101 : memref<1x88xi32, #tpu.memory_space<vmem>> -> memref<88xi32, #tpu.memory_space<vmem>>
        %dma_start3A_103 = arith.constant 0 : i32
        %dma_start3A_104 = arith.constant 0 : i32
        %dma_start3A_105 = tpu.memref_slice %arg10[%dma_start3A_103, %dma_start3A_104] : memref<10240x128xf32, #tpu.memory_space<vmem_shared>> -> memref<10240x128xf32, #tpu.memory_space<vmem_shared>>
        tpu.enqueue_indirect_dma source(%arg9 : memref<88x128xf32, #tpu.memory_space<vmem>>) target(%dma_start3A_105 : memref<10240x128xf32, #tpu.memory_space<vmem_shared>>) offsets(%dma_start3A_102 : memref<88xi32, #tpu.memory_space<vmem>>) semaphore(%run_scoped3A : memref<!tpu.dma_semaphore, #tpu.memory_space<semaphore_mem>>) {add = true}
        %dma_wait3A_106 = arith.constant 0 : i32
        %dma_wait3A_107 = tpu.memref_slice %arg7[%add3A_82, %dma_wait3A_106] : memref<114x88xi32, #tpu.memory_space<vmem>> -> memref<1x88xi32, #tpu.memory_space<vmem>>
        %dma_wait3A_108 = tpu.memref_squeeze %dma_wait3A_107 : memref<1x88xi32, #tpu.memory_space<vmem>> -> memref<88xi32, #tpu.memory_space<vmem>>
        %dma_wait3A_109 = arith.constant 0 : i32
        %dma_wait3A_110 = arith.constant 0 : i32
        %dma_wait3A_111 = tpu.memref_slice %arg10[%dma_wait3A_109, %dma_wait3A_110] : memref<10240x128xf32, #tpu.memory_space<vmem_shared>> -> memref<10240x128xf32, #tpu.memory_space<vmem_shared>>
        tpu.wait_indirect_dma semaphore(%run_scoped3A : memref<!tpu.dma_semaphore, #tpu.memory_space<semaphore_mem>>) src(%arg9 : memref<88x128xf32, #tpu.memory_space<vmem>>) dst(%dma_wait3A_111 : memref<10240x128xf32, #tpu.memory_space<vmem_shared>>)
        tpu.yield
      }) : () -> ()
      %add3A_93 = arith.constant 2 : i32
      %add3A_94 = arith.addi %add3A_82, %add3A_93 : i32
      %lt3A_95 = arith.constant 114 : i32
      %lt3A_96 = arith.cmpi slt, %add3A_94, %lt3A_95 : i32
      %convert_element_type3A_97 = arith.extui %lt3A_96 : i1 to i32
      %cond3A_98 = arith.constant 0 : i32
      %cond3A_99 = arith.cmpi ne, %convert_element_type3A_97, %cond3A_98 : i32
      scf.if %cond3A_99 {
        %add3A_100 = arith.constant 2 : i32
        %add3A_101 = arith.addi %add3A_82, %add3A_100 : i32
        %mul3A_102 = arith.constant 88 : i32
        %mul3A_103 = arith.muli %add3A_101, %mul3A_102 : i32
        %dma_start3A_104 = tpu.memref_slice %arg6[%mul3A_103] : memref<10032xi32, #tpu.memory_space<vmem>> -> memref<88xi32, #tpu.memory_space<vmem>>
        %dma_start3A_105 = arith.constant 0 : i32
        %dma_start3A_106 = arith.constant 0 : i32
        %dma_start3A_107 = tpu.memref_slice %arg2[%arg0, %dma_start3A_105, %dma_start3A_106] : memref<2x10000x128xf32, #tpu.memory_space<hbm>> -> memref<1x10000x128xf32, #tpu.memory_space<hbm>>
        %dma_start3A_108 = tpu.memref_squeeze %dma_start3A_107 : memref<1x10000x128xf32, #tpu.memory_space<hbm>> -> memref<10000x128xf32, #tpu.memory_space<hbm>>
        %dma_start3A_109 = arith.constant 0 : i32
        %dma_start3A_110 = arith.constant 0 : i32
        %dma_start3A_111 = tpu.memref_slice %dma_start3A_108[%dma_start3A_109, %dma_start3A_110] : memref<10000x128xf32, #tpu.memory_space<hbm>> -> memref<10000x128xf32, #tpu.memory_space<hbm>>
        tpu.enqueue_indirect_dma source(%dma_start3A_111 : memref<10000x128xf32, #tpu.memory_space<hbm>>) target(%arg9 : memref<88x128xf32, #tpu.memory_space<vmem>>) offsets(%dma_start3A_104 : memref<88xi32, #tpu.memory_space<vmem>>) semaphore(%arg12 : memref<!tpu.dma_semaphore, #tpu.memory_space<semaphore_mem>>)
      } else {
      }
    }
    %scan3A_57 = arith.constant 57 : i32
    %barrier3A_58 = arith.constant 0 : index
    tpu.barrier barrier_id(%barrier3A_58)
    %mul3A_59 = arith.constant 640 : i32
    %mul3A_60 = arith.muli %arg1, %mul3A_59 : i32
    %mul3A_61 = arith.constant 640 : i32
    %mul3A_62 = arith.muli %arg1, %mul3A_61 : i32
    "tpu.region"() ({
      %run_scoped3A = tpu.sem_alloc : memref<!tpu.dma_semaphore, #tpu.memory_space<semaphore_mem>>
      %dma_start3A_63 = arith.constant 0 : i32
      %dma_start3A_64 = tpu.memref_slice %arg5[%arg0, %mul3A_62, %dma_start3A_63] : memref<2x10240x128xf32, #tpu.memory_space<hbm>> -> memref<1x640x128xf32, #tpu.memory_space<hbm>>
      %dma_start3A_65 = tpu.memref_squeeze %dma_start3A_64 : memref<1x640x128xf32, #tpu.memory_space<hbm>> -> memref<640x128xf32, #tpu.memory_space<hbm>>
      %dma_start3A_66 = arith.constant 0 : i32
      %dma_start3A_67 = tpu.memref_slice %arg10[%mul3A_60, %dma_start3A_66] : memref<10240x128xf32, #tpu.memory_space<vmem_shared>> -> memref<640x128xf32, #tpu.memory_space<vmem_shared>>
      tpu.enqueue_dma source(%dma_start3A_67 : memref<640x128xf32, #tpu.memory_space<vmem_shared>>) target(%dma_start3A_65 : memref<640x128xf32, #tpu.memory_space<hbm>>) target_semaphore(%run_scoped3A : memref<!tpu.dma_semaphore, #tpu.memory_space<semaphore_mem>>)
      %dma_wait3A = arith.constant 0 : i32
      %dma_wait3A_68 = tpu.memref_slice %arg5[%arg0, %mul3A_62, %dma_wait3A] : memref<2x10240x128xf32, #tpu.memory_space<hbm>> -> memref<1x640x128xf32, #tpu.memory_space<hbm>>
      %dma_wait3A_69 = tpu.memref_squeeze %dma_wait3A_68 : memref<1x640x128xf32, #tpu.memory_space<hbm>> -> memref<640x128xf32, #tpu.memory_space<hbm>>
      %dma_wait3A_70 = arith.constant 0 : i32
      %dma_wait3A_71 = tpu.memref_slice %arg10[%mul3A_60, %dma_wait3A_70] : memref<10240x128xf32, #tpu.memory_space<vmem_shared>> -> memref<640x128xf32, #tpu.memory_space<vmem_shared>>
      tpu.wait_dma2 semaphore(%run_scoped3A : memref<!tpu.dma_semaphore, #tpu.memory_space<semaphore_mem>>) src(%dma_wait3A_71 : memref<640x128xf32, #tpu.memory_space<vmem_shared>>) dst(%dma_wait3A_69 : memref<640x128xf32, #tpu.memory_space<hbm>>)
      tpu.yield
    }) : () -> ()
    return
  }
}

#map = affine_map<(d0, d1) -> (0, 0, 0)>
#map1 = affine_map<(d0, d1) -> (0, 0, 0, 0)>
module attributes {stable_mosaic.version = 14 : i64} {
  func.func @_agg_kernel(%arg0: i32, %arg1: i32, %arg2: memref<2x10000x128xf32, #tpu.memory_space<hbm>>, %arg3: memref<2x16x10032xi32, #tpu.memory_space<hbm>>, %arg4: memref<2x16x114x88xi32, #tpu.memory_space<hbm>>, %arg5: memref<2x10240x128xf32, #tpu.memory_space<hbm>>, %arg6: memref<10032xi32, #tpu.memory_space<vmem>>, %arg7: memref<114x88xi32, #tpu.memory_space<vmem>>, %arg8: memref<88x128xf32, #tpu.memory_space<vmem>>, %arg9: memref<88x128xf32, #tpu.memory_space<vmem>>, %arg10: memref<10240x128xf32, #tpu.memory_space<vmem_shared>>, %arg11: memref<!tpu.dma_semaphore, #tpu.memory_space<semaphore_mem>>, %arg12: memref<!tpu.dma_semaphore, #tpu.memory_space<semaphore_mem>>) attributes {dimension_semantics = [#tpu.dimension_semantics<core_parallel>, #tpu.dimension_semantics<subcore_parallel>], iteration_bounds = array<i64: 2, 16>, scalar_prefetch = 0 : i64, scratch_operands = 7 : i64, tpu.core_type = #tpu.core_type<sc_vector_subcore>, window_params = [{transform_indices = #map}, {transform_indices = #map}, {transform_indices = #map1}, {transform_indices = #map}]} {
    %scan3A = arith.constant 0 : i32
    %scan3A_0 = arith.constant 0 : i32
    %scan3A_1 = arith.constant 88 : i32
    %scan3A_2 = arith.addi %scan3A_0, %scan3A_1 : i32
    %scan3A_3 = arith.constant 1 : i32
    scf.for %scan3A_63 = %scan3A_0 to %scan3A_2 step %scan3A_3  : i32 {
      %broadcast_in_dim3A = arith.constant 0.000000e+00 : f32
      %broadcast_in_dim3A_64 = vector.broadcast %broadcast_in_dim3A : f32 to vector<16xf32>
      %swap3A = arith.index_cast %scan3A_63 : i32 to index
      %swap3A_65 = arith.constant 0 : index
      %swap3A_66 = tpu.vector_load %arg8[%swap3A, %swap3A_65] {strides = array<i32>} : memref<88x128xf32, #tpu.memory_space<vmem>>, vector<1x16xf32>,
      %swap3A_67 = vector.shape_cast %swap3A_66 : vector<1x16xf32> to vector<16xf32>
      %swap3A_68 = vector.shape_cast %broadcast_in_dim3A_64 : vector<16xf32> to vector<1x16xf32>
      tpu.vector_store %arg8[%swap3A, %swap3A_65], %swap3A_68 {strides = array<i32>} : memref<88x128xf32, #tpu.memory_space<vmem>>, vector<1x16xf32>,
      %broadcast_in_dim3A_69 = arith.constant 0.000000e+00 : f32
      %broadcast_in_dim3A_70 = vector.broadcast %broadcast_in_dim3A_69 : f32 to vector<16xf32>
      %swap3A_71 = arith.index_cast %scan3A_63 : i32 to index
      %swap3A_72 = arith.constant 16 : index
      %swap3A_73 = tpu.vector_load %arg8[%swap3A_71, %swap3A_72] {strides = array<i32>} : memref<88x128xf32, #tpu.memory_space<vmem>>, vector<1x16xf32>,
      %swap3A_74 = vector.shape_cast %swap3A_73 : vector<1x16xf32> to vector<16xf32>
      %swap3A_75 = vector.shape_cast %broadcast_in_dim3A_70 : vector<16xf32> to vector<1x16xf32>
      tpu.vector_store %arg8[%swap3A_71, %swap3A_72], %swap3A_75 {strides = array<i32>} : memref<88x128xf32, #tpu.memory_space<vmem>>, vector<1x16xf32>,
      %broadcast_in_dim3A_76 = arith.constant 0.000000e+00 : f32
      %broadcast_in_dim3A_77 = vector.broadcast %broadcast_in_dim3A_76 : f32 to vector<16xf32>
      %swap3A_78 = arith.index_cast %scan3A_63 : i32 to index
      %swap3A_79 = arith.constant 32 : index
      %swap3A_80 = tpu.vector_load %arg8[%swap3A_78, %swap3A_79] {strides = array<i32>} : memref<88x128xf32, #tpu.memory_space<vmem>>, vector<1x16xf32>,
      %swap3A_81 = vector.shape_cast %swap3A_80 : vector<1x16xf32> to vector<16xf32>
      %swap3A_82 = vector.shape_cast %broadcast_in_dim3A_77 : vector<16xf32> to vector<1x16xf32>
      tpu.vector_store %arg8[%swap3A_78, %swap3A_79], %swap3A_82 {strides = array<i32>} : memref<88x128xf32, #tpu.memory_space<vmem>>, vector<1x16xf32>,
      %broadcast_in_dim3A_83 = arith.constant 0.000000e+00 : f32
      %broadcast_in_dim3A_84 = vector.broadcast %broadcast_in_dim3A_83 : f32 to vector<16xf32>
      %swap3A_85 = arith.index_cast %scan3A_63 : i32 to index
      %swap3A_86 = arith.constant 48 : index
      %swap3A_87 = tpu.vector_load %arg8[%swap3A_85, %swap3A_86] {strides = array<i32>} : memref<88x128xf32, #tpu.memory_space<vmem>>, vector<1x16xf32>,
      %swap3A_88 = vector.shape_cast %swap3A_87 : vector<1x16xf32> to vector<16xf32>
      %swap3A_89 = vector.shape_cast %broadcast_in_dim3A_84 : vector<16xf32> to vector<1x16xf32>
      tpu.vector_store %arg8[%swap3A_85, %swap3A_86], %swap3A_89 {strides = array<i32>} : memref<88x128xf32, #tpu.memory_space<vmem>>, vector<1x16xf32>,
      %broadcast_in_dim3A_90 = arith.constant 0.000000e+00 : f32
      %broadcast_in_dim3A_91 = vector.broadcast %broadcast_in_dim3A_90 : f32 to vector<16xf32>
      %swap3A_92 = arith.index_cast %scan3A_63 : i32 to index
      %swap3A_93 = arith.constant 64 : index
      %swap3A_94 = tpu.vector_load %arg8[%swap3A_92, %swap3A_93] {strides = array<i32>} : memref<88x128xf32, #tpu.memory_space<vmem>>, vector<1x16xf32>,
      %swap3A_95 = vector.shape_cast %swap3A_94 : vector<1x16xf32> to vector<16xf32>
      %swap3A_96 = vector.shape_cast %broadcast_in_dim3A_91 : vector<16xf32> to vector<1x16xf32>
      tpu.vector_store %arg8[%swap3A_92, %swap3A_93], %swap3A_96 {strides = array<i32>} : memref<88x128xf32, #tpu.memory_space<vmem>>, vector<1x16xf32>,
      %broadcast_in_dim3A_97 = arith.constant 0.000000e+00 : f32
      %broadcast_in_dim3A_98 = vector.broadcast %broadcast_in_dim3A_97 : f32 to vector<16xf32>
      %swap3A_99 = arith.index_cast %scan3A_63 : i32 to index
      %swap3A_100 = arith.constant 80 : index
      %swap3A_101 = tpu.vector_load %arg8[%swap3A_99, %swap3A_100] {strides = array<i32>} : memref<88x128xf32, #tpu.memory_space<vmem>>, vector<1x16xf32>,
      %swap3A_102 = vector.shape_cast %swap3A_101 : vector<1x16xf32> to vector<16xf32>
      %swap3A_103 = vector.shape_cast %broadcast_in_dim3A_98 : vector<16xf32> to vector<1x16xf32>
      tpu.vector_store %arg8[%swap3A_99, %swap3A_100], %swap3A_103 {strides = array<i32>} : memref<88x128xf32, #tpu.memory_space<vmem>>, vector<1x16xf32>,
      %broadcast_in_dim3A_104 = arith.constant 0.000000e+00 : f32
      %broadcast_in_dim3A_105 = vector.broadcast %broadcast_in_dim3A_104 : f32 to vector<16xf32>
      %swap3A_106 = arith.index_cast %scan3A_63 : i32 to index
      %swap3A_107 = arith.constant 96 : index
      %swap3A_108 = tpu.vector_load %arg8[%swap3A_106, %swap3A_107] {strides = array<i32>} : memref<88x128xf32, #tpu.memory_space<vmem>>, vector<1x16xf32>,
      %swap3A_109 = vector.shape_cast %swap3A_108 : vector<1x16xf32> to vector<16xf32>
      %swap3A_110 = vector.shape_cast %broadcast_in_dim3A_105 : vector<16xf32> to vector<1x16xf32>
      tpu.vector_store %arg8[%swap3A_106, %swap3A_107], %swap3A_110 {strides = array<i32>} : memref<88x128xf32, #tpu.memory_space<vmem>>, vector<1x16xf32>,
      %broadcast_in_dim3A_111 = arith.constant 0.000000e+00 : f32
      %broadcast_in_dim3A_112 = vector.broadcast %broadcast_in_dim3A_111 : f32 to vector<16xf32>
      %swap3A_113 = arith.index_cast %scan3A_63 : i32 to index
      %swap3A_114 = arith.constant 112 : index
      %swap3A_115 = tpu.vector_load %arg8[%swap3A_113, %swap3A_114] {strides = array<i32>} : memref<88x128xf32, #tpu.memory_space<vmem>>, vector<1x16xf32>,
      %swap3A_116 = vector.shape_cast %swap3A_115 : vector<1x16xf32> to vector<16xf32>
      %swap3A_117 = vector.shape_cast %broadcast_in_dim3A_112 : vector<16xf32> to vector<1x16xf32>
      tpu.vector_store %arg8[%swap3A_113, %swap3A_114], %swap3A_117 {strides = array<i32>} : memref<88x128xf32, #tpu.memory_space<vmem>>, vector<1x16xf32>,
    }
    %scan3A_4 = arith.constant 88 : i32
    %mul3A = arith.constant 640 : i32
    %mul3A_5 = arith.muli %arg1, %mul3A : i32
    %add3A = arith.constant 0 : i32
    %add3A_6 = arith.addi %mul3A_5, %add3A : i32
    "tpu.region"() ({
      %run_scoped3A = tpu.sem_alloc : memref<!tpu.dma_semaphore, #tpu.memory_space<semaphore_mem>>
      %dma_start3A_63 = arith.constant 0 : i32
      %dma_start3A_64 = arith.constant 0 : i32
      %dma_start3A_65 = tpu.memref_slice %arg8[%dma_start3A_63, %dma_start3A_64] : memref<88x128xf32, #tpu.memory_space<vmem>> -> memref<80x128xf32, #tpu.memory_space<vmem>>
      %dma_start3A_66 = arith.constant 0 : i32
      %dma_start3A_67 = tpu.memref_slice %arg10[%add3A_6, %dma_start3A_66] : memref<10240x128xf32, #tpu.memory_space<vmem_shared>> -> memref<80x128xf32, #tpu.memory_space<vmem_shared>>
      %dma_start3A_68 = arith.constant 0 : i32
      %dma_start3A_69 = tpu.memref_slice %arg10[%add3A_6, %dma_start3A_68] : memref<10240x128xf32, #tpu.memory_space<vmem_shared>> -> memref<80x128xf32, #tpu.memory_space<vmem_shared>>
      %dma_start3A_70 = arith.constant 0 : i32
      %dma_start3A_71 = arith.constant 0 : i32
      %dma_start3A_72 = tpu.memref_slice %arg8[%dma_start3A_70, %dma_start3A_71] : memref<88x128xf32, #tpu.memory_space<vmem>> -> memref<80x128xf32, #tpu.memory_space<vmem>>
      tpu.enqueue_dma source(%dma_start3A_72 : memref<80x128xf32, #tpu.memory_space<vmem>>) target(%dma_start3A_69 : memref<80x128xf32, #tpu.memory_space<vmem_shared>>) target_semaphore(%run_scoped3A : memref<!tpu.dma_semaphore, #tpu.memory_space<semaphore_mem>>)
      %dma_wait3A = arith.constant 0 : i32
      %dma_wait3A_73 = arith.constant 0 : i32
      %dma_wait3A_74 = tpu.memref_slice %arg8[%dma_wait3A, %dma_wait3A_73] : memref<88x128xf32, #tpu.memory_space<vmem>> -> memref<80x128xf32, #tpu.memory_space<vmem>>
      %dma_wait3A_75 = arith.constant 0 : i32
      %dma_wait3A_76 = tpu.memref_slice %arg10[%add3A_6, %dma_wait3A_75] : memref<10240x128xf32, #tpu.memory_space<vmem_shared>> -> memref<80x128xf32, #tpu.memory_space<vmem_shared>>
      %dma_wait3A_77 = arith.constant 0 : i32
      %dma_wait3A_78 = tpu.memref_slice %arg10[%add3A_6, %dma_wait3A_77] : memref<10240x128xf32, #tpu.memory_space<vmem_shared>> -> memref<80x128xf32, #tpu.memory_space<vmem_shared>>
      %dma_wait3A_79 = arith.constant 0 : i32
      %dma_wait3A_80 = arith.constant 0 : i32
      %dma_wait3A_81 = tpu.memref_slice %arg8[%dma_wait3A_79, %dma_wait3A_80] : memref<88x128xf32, #tpu.memory_space<vmem>> -> memref<80x128xf32, #tpu.memory_space<vmem>>
      tpu.wait_dma2 semaphore(%run_scoped3A : memref<!tpu.dma_semaphore, #tpu.memory_space<semaphore_mem>>) src(%dma_wait3A_81 : memref<80x128xf32, #tpu.memory_space<vmem>>) dst(%dma_wait3A_78 : memref<80x128xf32, #tpu.memory_space<vmem_shared>>)
      tpu.yield
    }) : () -> ()
    %mul3A_7 = arith.constant 640 : i32
    %mul3A_8 = arith.muli %arg1, %mul3A_7 : i32
    %add3A_9 = arith.constant 80 : i32
    %add3A_10 = arith.addi %mul3A_8, %add3A_9 : i32
    "tpu.region"() ({
      %run_scoped3A = tpu.sem_alloc : memref<!tpu.dma_semaphore, #tpu.memory_space<semaphore_mem>>
      %dma_start3A_63 = arith.constant 0 : i32
      %dma_start3A_64 = arith.constant 0 : i32
      %dma_start3A_65 = tpu.memref_slice %arg8[%dma_start3A_63, %dma_start3A_64] : memref<88x128xf32, #tpu.memory_space<vmem>> -> memref<80x128xf32, #tpu.memory_space<vmem>>
      %dma_start3A_66 = arith.constant 0 : i32
      %dma_start3A_67 = tpu.memref_slice %arg10[%add3A_10, %dma_start3A_66] : memref<10240x128xf32, #tpu.memory_space<vmem_shared>> -> memref<80x128xf32, #tpu.memory_space<vmem_shared>>
      %dma_start3A_68 = arith.constant 0 : i32
      %dma_start3A_69 = tpu.memref_slice %arg10[%add3A_10, %dma_start3A_68] : memref<10240x128xf32, #tpu.memory_space<vmem_shared>> -> memref<80x128xf32, #tpu.memory_space<vmem_shared>>
      %dma_start3A_70 = arith.constant 0 : i32
      %dma_start3A_71 = arith.constant 0 : i32
      %dma_start3A_72 = tpu.memref_slice %arg8[%dma_start3A_70, %dma_start3A_71] : memref<88x128xf32, #tpu.memory_space<vmem>> -> memref<80x128xf32, #tpu.memory_space<vmem>>
      tpu.enqueue_dma source(%dma_start3A_72 : memref<80x128xf32, #tpu.memory_space<vmem>>) target(%dma_start3A_69 : memref<80x128xf32, #tpu.memory_space<vmem_shared>>) target_semaphore(%run_scoped3A : memref<!tpu.dma_semaphore, #tpu.memory_space<semaphore_mem>>)
      %dma_wait3A = arith.constant 0 : i32
      %dma_wait3A_73 = arith.constant 0 : i32
      %dma_wait3A_74 = tpu.memref_slice %arg8[%dma_wait3A, %dma_wait3A_73] : memref<88x128xf32, #tpu.memory_space<vmem>> -> memref<80x128xf32, #tpu.memory_space<vmem>>
      %dma_wait3A_75 = arith.constant 0 : i32
      %dma_wait3A_76 = tpu.memref_slice %arg10[%add3A_10, %dma_wait3A_75] : memref<10240x128xf32, #tpu.memory_space<vmem_shared>> -> memref<80x128xf32, #tpu.memory_space<vmem_shared>>
      %dma_wait3A_77 = arith.constant 0 : i32
      %dma_wait3A_78 = tpu.memref_slice %arg10[%add3A_10, %dma_wait3A_77] : memref<10240x128xf32, #tpu.memory_space<vmem_shared>> -> memref<80x128xf32, #tpu.memory_space<vmem_shared>>
      %dma_wait3A_79 = arith.constant 0 : i32
      %dma_wait3A_80 = arith.constant 0 : i32
      %dma_wait3A_81 = tpu.memref_slice %arg8[%dma_wait3A_79, %dma_wait3A_80] : memref<88x128xf32, #tpu.memory_space<vmem>> -> memref<80x128xf32, #tpu.memory_space<vmem>>
      tpu.wait_dma2 semaphore(%run_scoped3A : memref<!tpu.dma_semaphore, #tpu.memory_space<semaphore_mem>>) src(%dma_wait3A_81 : memref<80x128xf32, #tpu.memory_space<vmem>>) dst(%dma_wait3A_78 : memref<80x128xf32, #tpu.memory_space<vmem_shared>>)
      tpu.yield
    }) : () -> ()
    %mul3A_11 = arith.constant 640 : i32
    %mul3A_12 = arith.muli %arg1, %mul3A_11 : i32
    %add3A_13 = arith.constant 160 : i32
    %add3A_14 = arith.addi %mul3A_12, %add3A_13 : i32
    "tpu.region"() ({
      %run_scoped3A = tpu.sem_alloc : memref<!tpu.dma_semaphore, #tpu.memory_space<semaphore_mem>>
      %dma_start3A_63 = arith.constant 0 : i32
      %dma_start3A_64 = arith.constant 0 : i32
      %dma_start3A_65 = tpu.memref_slice %arg8[%dma_start3A_63, %dma_start3A_64] : memref<88x128xf32, #tpu.memory_space<vmem>> -> memref<80x128xf32, #tpu.memory_space<vmem>>
      %dma_start3A_66 = arith.constant 0 : i32
      %dma_start3A_67 = tpu.memref_slice %arg10[%add3A_14, %dma_start3A_66] : memref<10240x128xf32, #tpu.memory_space<vmem_shared>> -> memref<80x128xf32, #tpu.memory_space<vmem_shared>>
      %dma_start3A_68 = arith.constant 0 : i32
      %dma_start3A_69 = tpu.memref_slice %arg10[%add3A_14, %dma_start3A_68] : memref<10240x128xf32, #tpu.memory_space<vmem_shared>> -> memref<80x128xf32, #tpu.memory_space<vmem_shared>>
      %dma_start3A_70 = arith.constant 0 : i32
      %dma_start3A_71 = arith.constant 0 : i32
      %dma_start3A_72 = tpu.memref_slice %arg8[%dma_start3A_70, %dma_start3A_71] : memref<88x128xf32, #tpu.memory_space<vmem>> -> memref<80x128xf32, #tpu.memory_space<vmem>>
      tpu.enqueue_dma source(%dma_start3A_72 : memref<80x128xf32, #tpu.memory_space<vmem>>) target(%dma_start3A_69 : memref<80x128xf32, #tpu.memory_space<vmem_shared>>) target_semaphore(%run_scoped3A : memref<!tpu.dma_semaphore, #tpu.memory_space<semaphore_mem>>)
      %dma_wait3A = arith.constant 0 : i32
      %dma_wait3A_73 = arith.constant 0 : i32
      %dma_wait3A_74 = tpu.memref_slice %arg8[%dma_wait3A, %dma_wait3A_73] : memref<88x128xf32, #tpu.memory_space<vmem>> -> memref<80x128xf32, #tpu.memory_space<vmem>>
      %dma_wait3A_75 = arith.constant 0 : i32
      %dma_wait3A_76 = tpu.memref_slice %arg10[%add3A_14, %dma_wait3A_75] : memref<10240x128xf32, #tpu.memory_space<vmem_shared>> -> memref<80x128xf32, #tpu.memory_space<vmem_shared>>
      %dma_wait3A_77 = arith.constant 0 : i32
      %dma_wait3A_78 = tpu.memref_slice %arg10[%add3A_14, %dma_wait3A_77] : memref<10240x128xf32, #tpu.memory_space<vmem_shared>> -> memref<80x128xf32, #tpu.memory_space<vmem_shared>>
      %dma_wait3A_79 = arith.constant 0 : i32
      %dma_wait3A_80 = arith.constant 0 : i32
      %dma_wait3A_81 = tpu.memref_slice %arg8[%dma_wait3A_79, %dma_wait3A_80] : memref<88x128xf32, #tpu.memory_space<vmem>> -> memref<80x128xf32, #tpu.memory_space<vmem>>
      tpu.wait_dma2 semaphore(%run_scoped3A : memref<!tpu.dma_semaphore, #tpu.memory_space<semaphore_mem>>) src(%dma_wait3A_81 : memref<80x128xf32, #tpu.memory_space<vmem>>) dst(%dma_wait3A_78 : memref<80x128xf32, #tpu.memory_space<vmem_shared>>)
      tpu.yield
    }) : () -> ()
    %mul3A_15 = arith.constant 640 : i32
    %mul3A_16 = arith.muli %arg1, %mul3A_15 : i32
    %add3A_17 = arith.constant 240 : i32
    %add3A_18 = arith.addi %mul3A_16, %add3A_17 : i32
    "tpu.region"() ({
      %run_scoped3A = tpu.sem_alloc : memref<!tpu.dma_semaphore, #tpu.memory_space<semaphore_mem>>
      %dma_start3A_63 = arith.constant 0 : i32
      %dma_start3A_64 = arith.constant 0 : i32
      %dma_start3A_65 = tpu.memref_slice %arg8[%dma_start3A_63, %dma_start3A_64] : memref<88x128xf32, #tpu.memory_space<vmem>> -> memref<80x128xf32, #tpu.memory_space<vmem>>
      %dma_start3A_66 = arith.constant 0 : i32
      %dma_start3A_67 = tpu.memref_slice %arg10[%add3A_18, %dma_start3A_66] : memref<10240x128xf32, #tpu.memory_space<vmem_shared>> -> memref<80x128xf32, #tpu.memory_space<vmem_shared>>
      %dma_start3A_68 = arith.constant 0 : i32
      %dma_start3A_69 = tpu.memref_slice %arg10[%add3A_18, %dma_start3A_68] : memref<10240x128xf32, #tpu.memory_space<vmem_shared>> -> memref<80x128xf32, #tpu.memory_space<vmem_shared>>
      %dma_start3A_70 = arith.constant 0 : i32
      %dma_start3A_71 = arith.constant 0 : i32
      %dma_start3A_72 = tpu.memref_slice %arg8[%dma_start3A_70, %dma_start3A_71] : memref<88x128xf32, #tpu.memory_space<vmem>> -> memref<80x128xf32, #tpu.memory_space<vmem>>
      tpu.enqueue_dma source(%dma_start3A_72 : memref<80x128xf32, #tpu.memory_space<vmem>>) target(%dma_start3A_69 : memref<80x128xf32, #tpu.memory_space<vmem_shared>>) target_semaphore(%run_scoped3A : memref<!tpu.dma_semaphore, #tpu.memory_space<semaphore_mem>>)
      %dma_wait3A = arith.constant 0 : i32
      %dma_wait3A_73 = arith.constant 0 : i32
      %dma_wait3A_74 = tpu.memref_slice %arg8[%dma_wait3A, %dma_wait3A_73] : memref<88x128xf32, #tpu.memory_space<vmem>> -> memref<80x128xf32, #tpu.memory_space<vmem>>
      %dma_wait3A_75 = arith.constant 0 : i32
      %dma_wait3A_76 = tpu.memref_slice %arg10[%add3A_18, %dma_wait3A_75] : memref<10240x128xf32, #tpu.memory_space<vmem_shared>> -> memref<80x128xf32, #tpu.memory_space<vmem_shared>>
      %dma_wait3A_77 = arith.constant 0 : i32
      %dma_wait3A_78 = tpu.memref_slice %arg10[%add3A_18, %dma_wait3A_77] : memref<10240x128xf32, #tpu.memory_space<vmem_shared>> -> memref<80x128xf32, #tpu.memory_space<vmem_shared>>
      %dma_wait3A_79 = arith.constant 0 : i32
      %dma_wait3A_80 = arith.constant 0 : i32
      %dma_wait3A_81 = tpu.memref_slice %arg8[%dma_wait3A_79, %dma_wait3A_80] : memref<88x128xf32, #tpu.memory_space<vmem>> -> memref<80x128xf32, #tpu.memory_space<vmem>>
      tpu.wait_dma2 semaphore(%run_scoped3A : memref<!tpu.dma_semaphore, #tpu.memory_space<semaphore_mem>>) src(%dma_wait3A_81 : memref<80x128xf32, #tpu.memory_space<vmem>>) dst(%dma_wait3A_78 : memref<80x128xf32, #tpu.memory_space<vmem_shared>>)
      tpu.yield
    }) : () -> ()
    %mul3A_19 = arith.constant 640 : i32
    %mul3A_20 = arith.muli %arg1, %mul3A_19 : i32
    %add3A_21 = arith.constant 320 : i32
    %add3A_22 = arith.addi %mul3A_20, %add3A_21 : i32
    "tpu.region"() ({
      %run_scoped3A = tpu.sem_alloc : memref<!tpu.dma_semaphore, #tpu.memory_space<semaphore_mem>>
      %dma_start3A_63 = arith.constant 0 : i32
      %dma_start3A_64 = arith.constant 0 : i32
      %dma_start3A_65 = tpu.memref_slice %arg8[%dma_start3A_63, %dma_start3A_64] : memref<88x128xf32, #tpu.memory_space<vmem>> -> memref<80x128xf32, #tpu.memory_space<vmem>>
      %dma_start3A_66 = arith.constant 0 : i32
      %dma_start3A_67 = tpu.memref_slice %arg10[%add3A_22, %dma_start3A_66] : memref<10240x128xf32, #tpu.memory_space<vmem_shared>> -> memref<80x128xf32, #tpu.memory_space<vmem_shared>>
      %dma_start3A_68 = arith.constant 0 : i32
      %dma_start3A_69 = tpu.memref_slice %arg10[%add3A_22, %dma_start3A_68] : memref<10240x128xf32, #tpu.memory_space<vmem_shared>> -> memref<80x128xf32, #tpu.memory_space<vmem_shared>>
      %dma_start3A_70 = arith.constant 0 : i32
      %dma_start3A_71 = arith.constant 0 : i32
      %dma_start3A_72 = tpu.memref_slice %arg8[%dma_start3A_70, %dma_start3A_71] : memref<88x128xf32, #tpu.memory_space<vmem>> -> memref<80x128xf32, #tpu.memory_space<vmem>>
      tpu.enqueue_dma source(%dma_start3A_72 : memref<80x128xf32, #tpu.memory_space<vmem>>) target(%dma_start3A_69 : memref<80x128xf32, #tpu.memory_space<vmem_shared>>) target_semaphore(%run_scoped3A : memref<!tpu.dma_semaphore, #tpu.memory_space<semaphore_mem>>)
      %dma_wait3A = arith.constant 0 : i32
      %dma_wait3A_73 = arith.constant 0 : i32
      %dma_wait3A_74 = tpu.memref_slice %arg8[%dma_wait3A, %dma_wait3A_73] : memref<88x128xf32, #tpu.memory_space<vmem>> -> memref<80x128xf32, #tpu.memory_space<vmem>>
      %dma_wait3A_75 = arith.constant 0 : i32
      %dma_wait3A_76 = tpu.memref_slice %arg10[%add3A_22, %dma_wait3A_75] : memref<10240x128xf32, #tpu.memory_space<vmem_shared>> -> memref<80x128xf32, #tpu.memory_space<vmem_shared>>
      %dma_wait3A_77 = arith.constant 0 : i32
      %dma_wait3A_78 = tpu.memref_slice %arg10[%add3A_22, %dma_wait3A_77] : memref<10240x128xf32, #tpu.memory_space<vmem_shared>> -> memref<80x128xf32, #tpu.memory_space<vmem_shared>>
      %dma_wait3A_79 = arith.constant 0 : i32
      %dma_wait3A_80 = arith.constant 0 : i32
      %dma_wait3A_81 = tpu.memref_slice %arg8[%dma_wait3A_79, %dma_wait3A_80] : memref<88x128xf32, #tpu.memory_space<vmem>> -> memref<80x128xf32, #tpu.memory_space<vmem>>
      tpu.wait_dma2 semaphore(%run_scoped3A : memref<!tpu.dma_semaphore, #tpu.memory_space<semaphore_mem>>) src(%dma_wait3A_81 : memref<80x128xf32, #tpu.memory_space<vmem>>) dst(%dma_wait3A_78 : memref<80x128xf32, #tpu.memory_space<vmem_shared>>)
      tpu.yield
    }) : () -> ()
    %mul3A_23 = arith.constant 640 : i32
    %mul3A_24 = arith.muli %arg1, %mul3A_23 : i32
    %add3A_25 = arith.constant 400 : i32
    %add3A_26 = arith.addi %mul3A_24, %add3A_25 : i32
    "tpu.region"() ({
      %run_scoped3A = tpu.sem_alloc : memref<!tpu.dma_semaphore, #tpu.memory_space<semaphore_mem>>
      %dma_start3A_63 = arith.constant 0 : i32
      %dma_start3A_64 = arith.constant 0 : i32
      %dma_start3A_65 = tpu.memref_slice %arg8[%dma_start3A_63, %dma_start3A_64] : memref<88x128xf32, #tpu.memory_space<vmem>> -> memref<80x128xf32, #tpu.memory_space<vmem>>
      %dma_start3A_66 = arith.constant 0 : i32
      %dma_start3A_67 = tpu.memref_slice %arg10[%add3A_26, %dma_start3A_66] : memref<10240x128xf32, #tpu.memory_space<vmem_shared>> -> memref<80x128xf32, #tpu.memory_space<vmem_shared>>
      %dma_start3A_68 = arith.constant 0 : i32
      %dma_start3A_69 = tpu.memref_slice %arg10[%add3A_26, %dma_start3A_68] : memref<10240x128xf32, #tpu.memory_space<vmem_shared>> -> memref<80x128xf32, #tpu.memory_space<vmem_shared>>
      %dma_start3A_70 = arith.constant 0 : i32
      %dma_start3A_71 = arith.constant 0 : i32
      %dma_start3A_72 = tpu.memref_slice %arg8[%dma_start3A_70, %dma_start3A_71] : memref<88x128xf32, #tpu.memory_space<vmem>> -> memref<80x128xf32, #tpu.memory_space<vmem>>
      tpu.enqueue_dma source(%dma_start3A_72 : memref<80x128xf32, #tpu.memory_space<vmem>>) target(%dma_start3A_69 : memref<80x128xf32, #tpu.memory_space<vmem_shared>>) target_semaphore(%run_scoped3A : memref<!tpu.dma_semaphore, #tpu.memory_space<semaphore_mem>>)
      %dma_wait3A = arith.constant 0 : i32
      %dma_wait3A_73 = arith.constant 0 : i32
      %dma_wait3A_74 = tpu.memref_slice %arg8[%dma_wait3A, %dma_wait3A_73] : memref<88x128xf32, #tpu.memory_space<vmem>> -> memref<80x128xf32, #tpu.memory_space<vmem>>
      %dma_wait3A_75 = arith.constant 0 : i32
      %dma_wait3A_76 = tpu.memref_slice %arg10[%add3A_26, %dma_wait3A_75] : memref<10240x128xf32, #tpu.memory_space<vmem_shared>> -> memref<80x128xf32, #tpu.memory_space<vmem_shared>>
      %dma_wait3A_77 = arith.constant 0 : i32
      %dma_wait3A_78 = tpu.memref_slice %arg10[%add3A_26, %dma_wait3A_77] : memref<10240x128xf32, #tpu.memory_space<vmem_shared>> -> memref<80x128xf32, #tpu.memory_space<vmem_shared>>
      %dma_wait3A_79 = arith.constant 0 : i32
      %dma_wait3A_80 = arith.constant 0 : i32
      %dma_wait3A_81 = tpu.memref_slice %arg8[%dma_wait3A_79, %dma_wait3A_80] : memref<88x128xf32, #tpu.memory_space<vmem>> -> memref<80x128xf32, #tpu.memory_space<vmem>>
      tpu.wait_dma2 semaphore(%run_scoped3A : memref<!tpu.dma_semaphore, #tpu.memory_space<semaphore_mem>>) src(%dma_wait3A_81 : memref<80x128xf32, #tpu.memory_space<vmem>>) dst(%dma_wait3A_78 : memref<80x128xf32, #tpu.memory_space<vmem_shared>>)
      tpu.yield
    }) : () -> ()
    %mul3A_27 = arith.constant 640 : i32
    %mul3A_28 = arith.muli %arg1, %mul3A_27 : i32
    %add3A_29 = arith.constant 480 : i32
    %add3A_30 = arith.addi %mul3A_28, %add3A_29 : i32
    "tpu.region"() ({
      %run_scoped3A = tpu.sem_alloc : memref<!tpu.dma_semaphore, #tpu.memory_space<semaphore_mem>>
      %dma_start3A_63 = arith.constant 0 : i32
      %dma_start3A_64 = arith.constant 0 : i32
      %dma_start3A_65 = tpu.memref_slice %arg8[%dma_start3A_63, %dma_start3A_64] : memref<88x128xf32, #tpu.memory_space<vmem>> -> memref<80x128xf32, #tpu.memory_space<vmem>>
      %dma_start3A_66 = arith.constant 0 : i32
      %dma_start3A_67 = tpu.memref_slice %arg10[%add3A_30, %dma_start3A_66] : memref<10240x128xf32, #tpu.memory_space<vmem_shared>> -> memref<80x128xf32, #tpu.memory_space<vmem_shared>>
      %dma_start3A_68 = arith.constant 0 : i32
      %dma_start3A_69 = tpu.memref_slice %arg10[%add3A_30, %dma_start3A_68] : memref<10240x128xf32, #tpu.memory_space<vmem_shared>> -> memref<80x128xf32, #tpu.memory_space<vmem_shared>>
      %dma_start3A_70 = arith.constant 0 : i32
      %dma_start3A_71 = arith.constant 0 : i32
      %dma_start3A_72 = tpu.memref_slice %arg8[%dma_start3A_70, %dma_start3A_71] : memref<88x128xf32, #tpu.memory_space<vmem>> -> memref<80x128xf32, #tpu.memory_space<vmem>>
      tpu.enqueue_dma source(%dma_start3A_72 : memref<80x128xf32, #tpu.memory_space<vmem>>) target(%dma_start3A_69 : memref<80x128xf32, #tpu.memory_space<vmem_shared>>) target_semaphore(%run_scoped3A : memref<!tpu.dma_semaphore, #tpu.memory_space<semaphore_mem>>)
      %dma_wait3A = arith.constant 0 : i32
      %dma_wait3A_73 = arith.constant 0 : i32
      %dma_wait3A_74 = tpu.memref_slice %arg8[%dma_wait3A, %dma_wait3A_73] : memref<88x128xf32, #tpu.memory_space<vmem>> -> memref<80x128xf32, #tpu.memory_space<vmem>>
      %dma_wait3A_75 = arith.constant 0 : i32
      %dma_wait3A_76 = tpu.memref_slice %arg10[%add3A_30, %dma_wait3A_75] : memref<10240x128xf32, #tpu.memory_space<vmem_shared>> -> memref<80x128xf32, #tpu.memory_space<vmem_shared>>
      %dma_wait3A_77 = arith.constant 0 : i32
      %dma_wait3A_78 = tpu.memref_slice %arg10[%add3A_30, %dma_wait3A_77] : memref<10240x128xf32, #tpu.memory_space<vmem_shared>> -> memref<80x128xf32, #tpu.memory_space<vmem_shared>>
      %dma_wait3A_79 = arith.constant 0 : i32
      %dma_wait3A_80 = arith.constant 0 : i32
      %dma_wait3A_81 = tpu.memref_slice %arg8[%dma_wait3A_79, %dma_wait3A_80] : memref<88x128xf32, #tpu.memory_space<vmem>> -> memref<80x128xf32, #tpu.memory_space<vmem>>
      tpu.wait_dma2 semaphore(%run_scoped3A : memref<!tpu.dma_semaphore, #tpu.memory_space<semaphore_mem>>) src(%dma_wait3A_81 : memref<80x128xf32, #tpu.memory_space<vmem>>) dst(%dma_wait3A_78 : memref<80x128xf32, #tpu.memory_space<vmem_shared>>)
      tpu.yield
    }) : () -> ()
    %mul3A_31 = arith.constant 640 : i32
    %mul3A_32 = arith.muli %arg1, %mul3A_31 : i32
    %add3A_33 = arith.constant 560 : i32
    %add3A_34 = arith.addi %mul3A_32, %add3A_33 : i32
    "tpu.region"() ({
      %run_scoped3A = tpu.sem_alloc : memref<!tpu.dma_semaphore, #tpu.memory_space<semaphore_mem>>
      %dma_start3A_63 = arith.constant 0 : i32
      %dma_start3A_64 = arith.constant 0 : i32
      %dma_start3A_65 = tpu.memref_slice %arg8[%dma_start3A_63, %dma_start3A_64] : memref<88x128xf32, #tpu.memory_space<vmem>> -> memref<80x128xf32, #tpu.memory_space<vmem>>
      %dma_start3A_66 = arith.constant 0 : i32
      %dma_start3A_67 = tpu.memref_slice %arg10[%add3A_34, %dma_start3A_66] : memref<10240x128xf32, #tpu.memory_space<vmem_shared>> -> memref<80x128xf32, #tpu.memory_space<vmem_shared>>
      %dma_start3A_68 = arith.constant 0 : i32
      %dma_start3A_69 = tpu.memref_slice %arg10[%add3A_34, %dma_start3A_68] : memref<10240x128xf32, #tpu.memory_space<vmem_shared>> -> memref<80x128xf32, #tpu.memory_space<vmem_shared>>
      %dma_start3A_70 = arith.constant 0 : i32
      %dma_start3A_71 = arith.constant 0 : i32
      %dma_start3A_72 = tpu.memref_slice %arg8[%dma_start3A_70, %dma_start3A_71] : memref<88x128xf32, #tpu.memory_space<vmem>> -> memref<80x128xf32, #tpu.memory_space<vmem>>
      tpu.enqueue_dma source(%dma_start3A_72 : memref<80x128xf32, #tpu.memory_space<vmem>>) target(%dma_start3A_69 : memref<80x128xf32, #tpu.memory_space<vmem_shared>>) target_semaphore(%run_scoped3A : memref<!tpu.dma_semaphore, #tpu.memory_space<semaphore_mem>>)
      %dma_wait3A = arith.constant 0 : i32
      %dma_wait3A_73 = arith.constant 0 : i32
      %dma_wait3A_74 = tpu.memref_slice %arg8[%dma_wait3A, %dma_wait3A_73] : memref<88x128xf32, #tpu.memory_space<vmem>> -> memref<80x128xf32, #tpu.memory_space<vmem>>
      %dma_wait3A_75 = arith.constant 0 : i32
      %dma_wait3A_76 = tpu.memref_slice %arg10[%add3A_34, %dma_wait3A_75] : memref<10240x128xf32, #tpu.memory_space<vmem_shared>> -> memref<80x128xf32, #tpu.memory_space<vmem_shared>>
      %dma_wait3A_77 = arith.constant 0 : i32
      %dma_wait3A_78 = tpu.memref_slice %arg10[%add3A_34, %dma_wait3A_77] : memref<10240x128xf32, #tpu.memory_space<vmem_shared>> -> memref<80x128xf32, #tpu.memory_space<vmem_shared>>
      %dma_wait3A_79 = arith.constant 0 : i32
      %dma_wait3A_80 = arith.constant 0 : i32
      %dma_wait3A_81 = tpu.memref_slice %arg8[%dma_wait3A_79, %dma_wait3A_80] : memref<88x128xf32, #tpu.memory_space<vmem>> -> memref<80x128xf32, #tpu.memory_space<vmem>>
      tpu.wait_dma2 semaphore(%run_scoped3A : memref<!tpu.dma_semaphore, #tpu.memory_space<semaphore_mem>>) src(%dma_wait3A_81 : memref<80x128xf32, #tpu.memory_space<vmem>>) dst(%dma_wait3A_78 : memref<80x128xf32, #tpu.memory_space<vmem_shared>>)
      tpu.yield
    }) : () -> ()
    "tpu.region"() ({
      %run_scoped3A = tpu.sem_alloc : memref<!tpu.dma_semaphore, #tpu.memory_space<semaphore_mem>>
      %dma_start3A_63 = arith.constant 0 : i32
      %dma_start3A_64 = tpu.memref_slice %arg3[%arg0, %arg1, %dma_start3A_63] : memref<2x16x10032xi32, #tpu.memory_space<hbm>> -> memref<1x1x10032xi32, #tpu.memory_space<hbm>>
      %dma_start3A_65 = tpu.memref_squeeze %dma_start3A_64 : memref<1x1x10032xi32, #tpu.memory_space<hbm>> -> memref<10032xi32, #tpu.memory_space<hbm>>
      %dma_start3A_66 = arith.constant 0 : i32
      %dma_start3A_67 = tpu.memref_slice %arg3[%arg0, %arg1, %dma_start3A_66] : memref<2x16x10032xi32, #tpu.memory_space<hbm>> -> memref<1x1x10032xi32, #tpu.memory_space<hbm>>
      %dma_start3A_68 = tpu.memref_squeeze %dma_start3A_67 : memref<1x1x10032xi32, #tpu.memory_space<hbm>> -> memref<10032xi32, #tpu.memory_space<hbm>>
      tpu.enqueue_dma source(%dma_start3A_68 : memref<10032xi32, #tpu.memory_space<hbm>>) target(%arg6 : memref<10032xi32, #tpu.memory_space<vmem>>) target_semaphore(%run_scoped3A : memref<!tpu.dma_semaphore, #tpu.memory_space<semaphore_mem>>)
      %dma_wait3A = arith.constant 0 : i32
      %dma_wait3A_69 = tpu.memref_slice %arg3[%arg0, %arg1, %dma_wait3A] : memref<2x16x10032xi32, #tpu.memory_space<hbm>> -> memref<1x1x10032xi32, #tpu.memory_space<hbm>>
      %dma_wait3A_70 = tpu.memref_squeeze %dma_wait3A_69 : memref<1x1x10032xi32, #tpu.memory_space<hbm>> -> memref<10032xi32, #tpu.memory_space<hbm>>
      %dma_wait3A_71 = arith.constant 0 : i32
      %dma_wait3A_72 = tpu.memref_slice %arg3[%arg0, %arg1, %dma_wait3A_71] : memref<2x16x10032xi32, #tpu.memory_space<hbm>> -> memref<1x1x10032xi32, #tpu.memory_space<hbm>>
      %dma_wait3A_73 = tpu.memref_squeeze %dma_wait3A_72 : memref<1x1x10032xi32, #tpu.memory_space<hbm>> -> memref<10032xi32, #tpu.memory_space<hbm>>
      tpu.wait_dma2 semaphore(%run_scoped3A : memref<!tpu.dma_semaphore, #tpu.memory_space<semaphore_mem>>) src(%dma_wait3A_73 : memref<10032xi32, #tpu.memory_space<hbm>>) dst(%arg6 : memref<10032xi32, #tpu.memory_space<vmem>>)
      tpu.yield
    }) : () -> ()
    "tpu.region"() ({
      %run_scoped3A = tpu.sem_alloc : memref<!tpu.dma_semaphore, #tpu.memory_space<semaphore_mem>>
      %dma_start3A_63 = arith.constant 0 : i32
      %dma_start3A_64 = arith.constant 0 : i32
      %dma_start3A_65 = tpu.memref_slice %arg4[%arg0, %arg1, %dma_start3A_63, %dma_start3A_64] : memref<2x16x114x88xi32, #tpu.memory_space<hbm>> -> memref<1x1x114x88xi32, #tpu.memory_space<hbm>>
      %dma_start3A_66 = tpu.memref_squeeze %dma_start3A_65 : memref<1x1x114x88xi32, #tpu.memory_space<hbm>> -> memref<114x88xi32, #tpu.memory_space<hbm>>
      %dma_start3A_67 = arith.constant 0 : i32
      %dma_start3A_68 = arith.constant 0 : i32
      %dma_start3A_69 = tpu.memref_slice %arg4[%arg0, %arg1, %dma_start3A_67, %dma_start3A_68] : memref<2x16x114x88xi32, #tpu.memory_space<hbm>> -> memref<1x1x114x88xi32, #tpu.memory_space<hbm>>
      %dma_start3A_70 = tpu.memref_squeeze %dma_start3A_69 : memref<1x1x114x88xi32, #tpu.memory_space<hbm>> -> memref<114x88xi32, #tpu.memory_space<hbm>>
      tpu.enqueue_dma source(%dma_start3A_70 : memref<114x88xi32, #tpu.memory_space<hbm>>) target(%arg7 : memref<114x88xi32, #tpu.memory_space<vmem>>) target_semaphore(%run_scoped3A : memref<!tpu.dma_semaphore, #tpu.memory_space<semaphore_mem>>)
      %dma_wait3A = arith.constant 0 : i32
      %dma_wait3A_71 = arith.constant 0 : i32
      %dma_wait3A_72 = tpu.memref_slice %arg4[%arg0, %arg1, %dma_wait3A, %dma_wait3A_71] : memref<2x16x114x88xi32, #tpu.memory_space<hbm>> -> memref<1x1x114x88xi32, #tpu.memory_space<hbm>>
      %dma_wait3A_73 = tpu.memref_squeeze %dma_wait3A_72 : memref<1x1x114x88xi32, #tpu.memory_space<hbm>> -> memref<114x88xi32, #tpu.memory_space<hbm>>
      %dma_wait3A_74 = arith.constant 0 : i32
      %dma_wait3A_75 = arith.constant 0 : i32
      %dma_wait3A_76 = tpu.memref_slice %arg4[%arg0, %arg1, %dma_wait3A_74, %dma_wait3A_75] : memref<2x16x114x88xi32, #tpu.memory_space<hbm>> -> memref<1x1x114x88xi32, #tpu.memory_space<hbm>>
      %dma_wait3A_77 = tpu.memref_squeeze %dma_wait3A_76 : memref<1x1x114x88xi32, #tpu.memory_space<hbm>> -> memref<114x88xi32, #tpu.memory_space<hbm>>
      tpu.wait_dma2 semaphore(%run_scoped3A : memref<!tpu.dma_semaphore, #tpu.memory_space<semaphore_mem>>) src(%dma_wait3A_77 : memref<114x88xi32, #tpu.memory_space<hbm>>) dst(%arg7 : memref<114x88xi32, #tpu.memory_space<vmem>>)
      tpu.yield
    }) : () -> ()
    %barrier3A = arith.constant 0 : index
    tpu.barrier barrier_id(%barrier3A)
    %dma_start3A = arith.constant 0 : i32
    %dma_start3A_35 = tpu.memref_slice %arg6[%dma_start3A] : memref<10032xi32, #tpu.memory_space<vmem>> -> memref<88xi32, #tpu.memory_space<vmem>>
    %dma_start3A_36 = arith.constant 0 : i32
    %dma_start3A_37 = arith.constant 0 : i32
    %dma_start3A_38 = tpu.memref_slice %arg2[%arg0, %dma_start3A_36, %dma_start3A_37] : memref<2x10000x128xf32, #tpu.memory_space<hbm>> -> memref<1x10000x128xf32, #tpu.memory_space<hbm>>
    %dma_start3A_39 = tpu.memref_squeeze %dma_start3A_38 : memref<1x10000x128xf32, #tpu.memory_space<hbm>> -> memref<10000x128xf32, #tpu.memory_space<hbm>>
    %dma_start3A_40 = arith.constant 0 : i32
    %dma_start3A_41 = arith.constant 0 : i32
    %dma_start3A_42 = tpu.memref_slice %dma_start3A_39[%dma_start3A_40, %dma_start3A_41] : memref<10000x128xf32, #tpu.memory_space<hbm>> -> memref<10000x128xf32, #tpu.memory_space<hbm>>
    tpu.enqueue_indirect_dma source(%dma_start3A_42 : memref<10000x128xf32, #tpu.memory_space<hbm>>) target(%arg8 : memref<88x128xf32, #tpu.memory_space<vmem>>) offsets(%dma_start3A_35 : memref<88xi32, #tpu.memory_space<vmem>>) semaphore(%arg11 : memref<!tpu.dma_semaphore, #tpu.memory_space<semaphore_mem>>)
    %dma_start3A_43 = arith.constant 88 : i32
    %dma_start3A_44 = tpu.memref_slice %arg6[%dma_start3A_43] : memref<10032xi32, #tpu.memory_space<vmem>> -> memref<88xi32, #tpu.memory_space<vmem>>
    %dma_start3A_45 = arith.constant 0 : i32
    %dma_start3A_46 = arith.constant 0 : i32
    %dma_start3A_47 = tpu.memref_slice %arg2[%arg0, %dma_start3A_45, %dma_start3A_46] : memref<2x10000x128xf32, #tpu.memory_space<hbm>> -> memref<1x10000x128xf32, #tpu.memory_space<hbm>>
    %dma_start3A_48 = tpu.memref_squeeze %dma_start3A_47 : memref<1x10000x128xf32, #tpu.memory_space<hbm>> -> memref<10000x128xf32, #tpu.memory_space<hbm>>
    %dma_start3A_49 = arith.constant 0 : i32
    %dma_start3A_50 = arith.constant 0 : i32
    %dma_start3A_51 = tpu.memref_slice %dma_start3A_48[%dma_start3A_49, %dma_start3A_50] : memref<10000x128xf32, #tpu.memory_space<hbm>> -> memref<10000x128xf32, #tpu.memory_space<hbm>>
    tpu.enqueue_indirect_dma source(%dma_start3A_51 : memref<10000x128xf32, #tpu.memory_space<hbm>>) target(%arg9 : memref<88x128xf32, #tpu.memory_space<vmem>>) offsets(%dma_start3A_44 : memref<88xi32, #tpu.memory_space<vmem>>) semaphore(%arg12 : memref<!tpu.dma_semaphore, #tpu.memory_space<semaphore_mem>>)
    %scan3A_52 = arith.constant 0 : i32
    %scan3A_53 = arith.constant 0 : i32
    %scan3A_54 = arith.constant 57 : i32
    %scan3A_55 = arith.addi %scan3A_53, %scan3A_54 : i32
    %scan3A_56 = arith.constant 1 : i32
    scf.for %scan3A_63 = %scan3A_53 to %scan3A_55 step %scan3A_56  : i32 {
      %mul3A_64 = arith.constant 2 : i32
      %mul3A_65 = arith.muli %scan3A_63, %mul3A_64 : i32
      %add3A_66 = arith.constant 0 : i32
      %add3A_67 = arith.addi %mul3A_65, %add3A_66 : i32
      %mul3A_68 = arith.constant 88 : i32
      %mul3A_69 = arith.muli %add3A_67, %mul3A_68 : i32
      %dma_wait3A = tpu.memref_slice %arg6[%mul3A_69] : memref<10032xi32, #tpu.memory_space<vmem>> -> memref<88xi32, #tpu.memory_space<vmem>>
      %dma_wait3A_70 = arith.constant 0 : i32
      %dma_wait3A_71 = arith.constant 0 : i32
      %dma_wait3A_72 = tpu.memref_slice %arg2[%arg0, %dma_wait3A_70, %dma_wait3A_71] : memref<2x10000x128xf32, #tpu.memory_space<hbm>> -> memref<1x10000x128xf32, #tpu.memory_space<hbm>>
      %dma_wait3A_73 = tpu.memref_squeeze %dma_wait3A_72 : memref<1x10000x128xf32, #tpu.memory_space<hbm>> -> memref<10000x128xf32, #tpu.memory_space<hbm>>
      %dma_wait3A_74 = arith.constant 0 : i32
      %dma_wait3A_75 = arith.constant 0 : i32
      %dma_wait3A_76 = tpu.memref_slice %dma_wait3A_73[%dma_wait3A_74, %dma_wait3A_75] : memref<10000x128xf32, #tpu.memory_space<hbm>> -> memref<10000x128xf32, #tpu.memory_space<hbm>>
      tpu.wait_indirect_dma semaphore(%arg11 : memref<!tpu.dma_semaphore, #tpu.memory_space<semaphore_mem>>) src(%dma_wait3A_76 : memref<10000x128xf32, #tpu.memory_space<hbm>>) dst(%arg8 : memref<88x128xf32, #tpu.memory_space<vmem>>)
      "tpu.region"() ({
        %run_scoped3A = tpu.sem_alloc : memref<!tpu.dma_semaphore, #tpu.memory_space<semaphore_mem>>
        %dma_start3A_100 = arith.constant 0 : i32
        %dma_start3A_101 = tpu.memref_slice %arg7[%add3A_67, %dma_start3A_100] : memref<114x88xi32, #tpu.memory_space<vmem>> -> memref<1x88xi32, #tpu.memory_space<vmem>>
        %dma_start3A_102 = tpu.memref_squeeze %dma_start3A_101 : memref<1x88xi32, #tpu.memory_space<vmem>> -> memref<88xi32, #tpu.memory_space<vmem>>
        %dma_start3A_103 = arith.constant 0 : i32
        %dma_start3A_104 = arith.constant 0 : i32
        %dma_start3A_105 = tpu.memref_slice %arg10[%dma_start3A_103, %dma_start3A_104] : memref<10240x128xf32, #tpu.memory_space<vmem_shared>> -> memref<10240x128xf32, #tpu.memory_space<vmem_shared>>
        tpu.enqueue_indirect_dma source(%arg8 : memref<88x128xf32, #tpu.memory_space<vmem>>) target(%dma_start3A_105 : memref<10240x128xf32, #tpu.memory_space<vmem_shared>>) offsets(%dma_start3A_102 : memref<88xi32, #tpu.memory_space<vmem>>) semaphore(%run_scoped3A : memref<!tpu.dma_semaphore, #tpu.memory_space<semaphore_mem>>) {add = true}
        %dma_wait3A_106 = arith.constant 0 : i32
        %dma_wait3A_107 = tpu.memref_slice %arg7[%add3A_67, %dma_wait3A_106] : memref<114x88xi32, #tpu.memory_space<vmem>> -> memref<1x88xi32, #tpu.memory_space<vmem>>
        %dma_wait3A_108 = tpu.memref_squeeze %dma_wait3A_107 : memref<1x88xi32, #tpu.memory_space<vmem>> -> memref<88xi32, #tpu.memory_space<vmem>>
        %dma_wait3A_109 = arith.constant 0 : i32
        %dma_wait3A_110 = arith.constant 0 : i32
        %dma_wait3A_111 = tpu.memref_slice %arg10[%dma_wait3A_109, %dma_wait3A_110] : memref<10240x128xf32, #tpu.memory_space<vmem_shared>> -> memref<10240x128xf32, #tpu.memory_space<vmem_shared>>
        tpu.wait_indirect_dma semaphore(%run_scoped3A : memref<!tpu.dma_semaphore, #tpu.memory_space<semaphore_mem>>) src(%arg8 : memref<88x128xf32, #tpu.memory_space<vmem>>) dst(%dma_wait3A_111 : memref<10240x128xf32, #tpu.memory_space<vmem_shared>>)
        tpu.yield
      }) : () -> ()
      %add3A_77 = arith.constant 2 : i32
      %add3A_78 = arith.addi %add3A_67, %add3A_77 : i32
      %lt3A = arith.constant 114 : i32
      %lt3A_79 = arith.cmpi slt, %add3A_78, %lt3A : i32
      %convert_element_type3A = arith.extui %lt3A_79 : i1 to i32
      %cond3A = arith.constant 0 : i32
      %cond3A_80 = arith.cmpi ne, %convert_element_type3A, %cond3A : i32
      scf.if %cond3A_80 {
        %add3A_100 = arith.constant 2 : i32
        %add3A_101 = arith.addi %add3A_67, %add3A_100 : i32
        %mul3A_102 = arith.constant 88 : i32
        %mul3A_103 = arith.muli %add3A_101, %mul3A_102 : i32
        %dma_start3A_104 = tpu.memref_slice %arg6[%mul3A_103] : memref<10032xi32, #tpu.memory_space<vmem>> -> memref<88xi32, #tpu.memory_space<vmem>>
        %dma_start3A_105 = arith.constant 0 : i32
        %dma_start3A_106 = arith.constant 0 : i32
        %dma_start3A_107 = tpu.memref_slice %arg2[%arg0, %dma_start3A_105, %dma_start3A_106] : memref<2x10000x128xf32, #tpu.memory_space<hbm>> -> memref<1x10000x128xf32, #tpu.memory_space<hbm>>
        %dma_start3A_108 = tpu.memref_squeeze %dma_start3A_107 : memref<1x10000x128xf32, #tpu.memory_space<hbm>> -> memref<10000x128xf32, #tpu.memory_space<hbm>>
        %dma_start3A_109 = arith.constant 0 : i32
        %dma_start3A_110 = arith.constant 0 : i32
        %dma_start3A_111 = tpu.memref_slice %dma_start3A_108[%dma_start3A_109, %dma_start3A_110] : memref<10000x128xf32, #tpu.memory_space<hbm>> -> memref<10000x128xf32, #tpu.memory_space<hbm>>
        tpu.enqueue_indirect_dma source(%dma_start3A_111 : memref<10000x128xf32, #tpu.memory_space<hbm>>) target(%arg8 : memref<88x128xf32, #tpu.memory_space<vmem>>) offsets(%dma_start3A_104 : memref<88xi32, #tpu.memory_space<vmem>>) semaphore(%arg11 : memref<!tpu.dma_semaphore, #tpu.memory_space<semaphore_mem>>)
      } else {
      }
      %add3A_81 = arith.constant 1 : i32
      %add3A_82 = arith.addi %mul3A_65, %add3A_81 : i32
      %mul3A_83 = arith.constant 88 : i32
      %mul3A_84 = arith.muli %add3A_82, %mul3A_83 : i32
      %dma_wait3A_85 = tpu.memref_slice %arg6[%mul3A_84] : memref<10032xi32, #tpu.memory_space<vmem>> -> memref<88xi32, #tpu.memory_space<vmem>>
      %dma_wait3A_86 = arith.constant 0 : i32
      %dma_wait3A_87 = arith.constant 0 : i32
      %dma_wait3A_88 = tpu.memref_slice %arg2[%arg0, %dma_wait3A_86, %dma_wait3A_87] : memref<2x10000x128xf32, #tpu.memory_space<hbm>> -> memref<1x10000x128xf32, #tpu.memory_space<hbm>>
      %dma_wait3A_89 = tpu.memref_squeeze %dma_wait3A_88 : memref<1x10000x128xf32, #tpu.memory_space<hbm>> -> memref<10000x128xf32, #tpu.memory_space<hbm>>
      %dma_wait3A_90 = arith.constant 0 : i32
      %dma_wait3A_91 = arith.constant 0 : i32
      %dma_wait3A_92 = tpu.memref_slice %dma_wait3A_89[%dma_wait3A_90, %dma_wait3A_91] : memref<10000x128xf32, #tpu.memory_space<hbm>> -> memref<10000x128xf32, #tpu.memory_space<hbm>>
      tpu.wait_indirect_dma semaphore(%arg12 : memref<!tpu.dma_semaphore, #tpu.memory_space<semaphore_mem>>) src(%dma_wait3A_92 : memref<10000x128xf32, #tpu.memory_space<hbm>>) dst(%arg9 : memref<88x128xf32, #tpu.memory_space<vmem>>)
      "tpu.region"() ({
        %run_scoped3A = tpu.sem_alloc : memref<!tpu.dma_semaphore, #tpu.memory_space<semaphore_mem>>
        %dma_start3A_100 = arith.constant 0 : i32
        %dma_start3A_101 = tpu.memref_slice %arg7[%add3A_82, %dma_start3A_100] : memref<114x88xi32, #tpu.memory_space<vmem>> -> memref<1x88xi32, #tpu.memory_space<vmem>>
        %dma_start3A_102 = tpu.memref_squeeze %dma_start3A_101 : memref<1x88xi32, #tpu.memory_space<vmem>> -> memref<88xi32, #tpu.memory_space<vmem>>
        %dma_start3A_103 = arith.constant 0 : i32
        %dma_start3A_104 = arith.constant 0 : i32
        %dma_start3A_105 = tpu.memref_slice %arg10[%dma_start3A_103, %dma_start3A_104] : memref<10240x128xf32, #tpu.memory_space<vmem_shared>> -> memref<10240x128xf32, #tpu.memory_space<vmem_shared>>
        tpu.enqueue_indirect_dma source(%arg9 : memref<88x128xf32, #tpu.memory_space<vmem>>) target(%dma_start3A_105 : memref<10240x128xf32, #tpu.memory_space<vmem_shared>>) offsets(%dma_start3A_102 : memref<88xi32, #tpu.memory_space<vmem>>) semaphore(%run_scoped3A : memref<!tpu.dma_semaphore, #tpu.memory_space<semaphore_mem>>) {add = true}
        %dma_wait3A_106 = arith.constant 0 : i32
        %dma_wait3A_107 = tpu.memref_slice %arg7[%add3A_82, %dma_wait3A_106] : memref<114x88xi32, #tpu.memory_space<vmem>> -> memref<1x88xi32, #tpu.memory_space<vmem>>
        %dma_wait3A_108 = tpu.memref_squeeze %dma_wait3A_107 : memref<1x88xi32, #tpu.memory_space<vmem>> -> memref<88xi32, #tpu.memory_space<vmem>>
        %dma_wait3A_109 = arith.constant 0 : i32
        %dma_wait3A_110 = arith.constant 0 : i32
        %dma_wait3A_111 = tpu.memref_slice %arg10[%dma_wait3A_109, %dma_wait3A_110] : memref<10240x128xf32, #tpu.memory_space<vmem_shared>> -> memref<10240x128xf32, #tpu.memory_space<vmem_shared>>
        tpu.wait_indirect_dma semaphore(%run_scoped3A : memref<!tpu.dma_semaphore, #tpu.memory_space<semaphore_mem>>) src(%arg9 : memref<88x128xf32, #tpu.memory_space<vmem>>) dst(%dma_wait3A_111 : memref<10240x128xf32, #tpu.memory_space<vmem_shared>>)
        tpu.yield
      }) : () -> ()
      %add3A_93 = arith.constant 2 : i32
      %add3A_94 = arith.addi %add3A_82, %add3A_93 : i32
      %lt3A_95 = arith.constant 114 : i32
      %lt3A_96 = arith.cmpi slt, %add3A_94, %lt3A_95 : i32
      %convert_element_type3A_97 = arith.extui %lt3A_96 : i1 to i32
      %cond3A_98 = arith.constant 0 : i32
      %cond3A_99 = arith.cmpi ne, %convert_element_type3A_97, %cond3A_98 : i32
      scf.if %cond3A_99 {
        %add3A_100 = arith.constant 2 : i32
        %add3A_101 = arith.addi %add3A_82, %add3A_100 : i32
        %mul3A_102 = arith.constant 88 : i32
        %mul3A_103 = arith.muli %add3A_101, %mul3A_102 : i32
        %dma_start3A_104 = tpu.memref_slice %arg6[%mul3A_103] : memref<10032xi32, #tpu.memory_space<vmem>> -> memref<88xi32, #tpu.memory_space<vmem>>
        %dma_start3A_105 = arith.constant 0 : i32
        %dma_start3A_106 = arith.constant 0 : i32
        %dma_start3A_107 = tpu.memref_slice %arg2[%arg0, %dma_start3A_105, %dma_start3A_106] : memref<2x10000x128xf32, #tpu.memory_space<hbm>> -> memref<1x10000x128xf32, #tpu.memory_space<hbm>>
        %dma_start3A_108 = tpu.memref_squeeze %dma_start3A_107 : memref<1x10000x128xf32, #tpu.memory_space<hbm>> -> memref<10000x128xf32, #tpu.memory_space<hbm>>
        %dma_start3A_109 = arith.constant 0 : i32
        %dma_start3A_110 = arith.constant 0 : i32
        %dma_start3A_111 = tpu.memref_slice %dma_start3A_108[%dma_start3A_109, %dma_start3A_110] : memref<10000x128xf32, #tpu.memory_space<hbm>> -> memref<10000x128xf32, #tpu.memory_space<hbm>>
        tpu.enqueue_indirect_dma source(%dma_start3A_111 : memref<10000x128xf32, #tpu.memory_space<hbm>>) target(%arg9 : memref<88x128xf32, #tpu.memory_space<vmem>>) offsets(%dma_start3A_104 : memref<88xi32, #tpu.memory_space<vmem>>) semaphore(%arg12 : memref<!tpu.dma_semaphore, #tpu.memory_space<semaphore_mem>>)
      } else {
      }
    }
    %scan3A_57 = arith.constant 57 : i32
    %barrier3A_58 = arith.constant 0 : index
    tpu.barrier barrier_id(%barrier3A_58)
    %mul3A_59 = arith.constant 640 : i32
    %mul3A_60 = arith.muli %arg1, %mul3A_59 : i32
    %mul3A_61 = arith.constant 640 : i32
    %mul3A_62 = arith.muli %arg1, %mul3A_61 : i32
    "tpu.region"() ({
      %run_scoped3A = tpu.sem_alloc : memref<!tpu.dma_semaphore, #tpu.memory_space<semaphore_mem>>
      %dma_start3A_63 = arith.constant 0 : i32
      %dma_start3A_64 = tpu.memref_slice %arg5[%arg0, %mul3A_62, %dma_start3A_63] : memref<2x10240x128xf32, #tpu.memory_space<hbm>> -> memref<1x640x128xf32, #tpu.memory_space<hbm>>
      %dma_start3A_65 = tpu.memref_squeeze %dma_start3A_64 : memref<1x640x128xf32, #tpu.memory_space<hbm>> -> memref<640x128xf32, #tpu.memory_space<hbm>>
      %dma_start3A_66 = arith.constant 0 : i32
      %dma_start3A_67 = tpu.memref_slice %arg10[%mul3A_60, %dma_start3A_66] : memref<10240x128xf32, #tpu.memory_space<vmem_shared>> -> memref<640x128xf32, #tpu.memory_space<vmem_shared>>
      tpu.enqueue_dma source(%dma_start3A_67 : memref<640x128xf32, #tpu.memory_space<vmem_shared>>) target(%dma_start3A_65 : memref<640x128xf32, #tpu.memory_space<hbm>>) target_semaphore(%run_scoped3A : memref<!tpu.dma_semaphore, #tpu.memory_space<semaphore_mem>>)
      %dma_wait3A = arith.constant 0 : i32
      %dma_wait3A_68 = tpu.memref_slice %arg5[%arg0, %mul3A_62, %dma_wait3A] : memref<2x10240x128xf32, #tpu.memory_space<hbm>> -> memref<1x640x128xf32, #tpu.memory_space<hbm>>
      %dma_wait3A_69 = tpu.memref_squeeze %dma_wait3A_68 : memref<1x640x128xf32, #tpu.memory_space<hbm>> -> memref<640x128xf32, #tpu.memory_space<hbm>>
      %dma_wait3A_70 = arith.constant 0 : i32
      %dma_wait3A_71 = tpu.memref_slice %arg10[%mul3A_60, %dma_wait3A_70] : memref<10240x128xf32, #tpu.memory_space<vmem_shared>> -> memref<640x128xf32, #tpu.memory_space<vmem_shared>>
      tpu.wait_dma2 semaphore(%run_scoped3A : memref<!tpu.dma_semaphore, #tpu.memory_space<semaphore_mem>>) src(%dma_wait3A_71 : memref<640x128xf32, #tpu.memory_space<vmem_shared>>) dst(%dma_wait3A_69 : memref<640x128xf32, #tpu.memory_space<hbm>>)
      tpu.yield
    }) : () -> ()
    return
  }
}

#map = affine_map<(d0, d1) -> (0, 0, 0)>
#map1 = affine_map<(d0, d1) -> (0, 0, 0, 0)>
module attributes {stable_mosaic.version = 14 : i64} {
  func.func @_agg_kernel(%arg0: i32, %arg1: i32, %arg2: memref<2x10000x128xf32, #tpu.memory_space<hbm>>, %arg3: memref<2x16x10032xi32, #tpu.memory_space<hbm>>, %arg4: memref<2x16x114x88xi32, #tpu.memory_space<hbm>>, %arg5: memref<2x10240x128xf32, #tpu.memory_space<hbm>>, %arg6: memref<10032xi32, #tpu.memory_space<vmem>>, %arg7: memref<114x88xi32, #tpu.memory_space<vmem>>, %arg8: memref<88x128xf32, #tpu.memory_space<vmem>>, %arg9: memref<88x128xf32, #tpu.memory_space<vmem>>, %arg10: memref<10240x128xf32, #tpu.memory_space<vmem_shared>>, %arg11: memref<!tpu.dma_semaphore, #tpu.memory_space<semaphore_mem>>, %arg12: memref<!tpu.dma_semaphore, #tpu.memory_space<semaphore_mem>>) attributes {dimension_semantics = [#tpu.dimension_semantics<core_parallel>, #tpu.dimension_semantics<subcore_parallel>], iteration_bounds = array<i64: 2, 16>, scalar_prefetch = 0 : i64, scratch_operands = 7 : i64, tpu.core_type = #tpu.core_type<sc_vector_subcore>, window_params = [{transform_indices = #map}, {transform_indices = #map}, {transform_indices = #map1}, {transform_indices = #map}]} {
    %scan3A = arith.constant 0 : i32
    %scan3A_0 = arith.constant 0 : i32
    %scan3A_1 = arith.constant 88 : i32
    %scan3A_2 = arith.addi %scan3A_0, %scan3A_1 : i32
    %scan3A_3 = arith.constant 1 : i32
    scf.for %scan3A_63 = %scan3A_0 to %scan3A_2 step %scan3A_3  : i32 {
      %broadcast_in_dim3A = arith.constant 0.000000e+00 : f32
      %broadcast_in_dim3A_64 = vector.broadcast %broadcast_in_dim3A : f32 to vector<16xf32>
      %swap3A = arith.index_cast %scan3A_63 : i32 to index
      %swap3A_65 = arith.constant 0 : index
      %swap3A_66 = tpu.vector_load %arg8[%swap3A, %swap3A_65] {strides = array<i32>} : memref<88x128xf32, #tpu.memory_space<vmem>>, vector<1x16xf32>,
      %swap3A_67 = vector.shape_cast %swap3A_66 : vector<1x16xf32> to vector<16xf32>
      %swap3A_68 = vector.shape_cast %broadcast_in_dim3A_64 : vector<16xf32> to vector<1x16xf32>
      tpu.vector_store %arg8[%swap3A, %swap3A_65], %swap3A_68 {strides = array<i32>} : memref<88x128xf32, #tpu.memory_space<vmem>>, vector<1x16xf32>,
      %broadcast_in_dim3A_69 = arith.constant 0.000000e+00 : f32
      %broadcast_in_dim3A_70 = vector.broadcast %broadcast_in_dim3A_69 : f32 to vector<16xf32>
      %swap3A_71 = arith.index_cast %scan3A_63 : i32 to index
      %swap3A_72 = arith.constant 16 : index
      %swap3A_73 = tpu.vector_load %arg8[%swap3A_71, %swap3A_72] {strides = array<i32>} : memref<88x128xf32, #tpu.memory_space<vmem>>, vector<1x16xf32>,
      %swap3A_74 = vector.shape_cast %swap3A_73 : vector<1x16xf32> to vector<16xf32>
      %swap3A_75 = vector.shape_cast %broadcast_in_dim3A_70 : vector<16xf32> to vector<1x16xf32>
      tpu.vector_store %arg8[%swap3A_71, %swap3A_72], %swap3A_75 {strides = array<i32>} : memref<88x128xf32, #tpu.memory_space<vmem>>, vector<1x16xf32>,
      %broadcast_in_dim3A_76 = arith.constant 0.000000e+00 : f32
      %broadcast_in_dim3A_77 = vector.broadcast %broadcast_in_dim3A_76 : f32 to vector<16xf32>
      %swap3A_78 = arith.index_cast %scan3A_63 : i32 to index
      %swap3A_79 = arith.constant 32 : index
      %swap3A_80 = tpu.vector_load %arg8[%swap3A_78, %swap3A_79] {strides = array<i32>} : memref<88x128xf32, #tpu.memory_space<vmem>>, vector<1x16xf32>,
      %swap3A_81 = vector.shape_cast %swap3A_80 : vector<1x16xf32> to vector<16xf32>
      %swap3A_82 = vector.shape_cast %broadcast_in_dim3A_77 : vector<16xf32> to vector<1x16xf32>
      tpu.vector_store %arg8[%swap3A_78, %swap3A_79], %swap3A_82 {strides = array<i32>} : memref<88x128xf32, #tpu.memory_space<vmem>>, vector<1x16xf32>,
      %broadcast_in_dim3A_83 = arith.constant 0.000000e+00 : f32
      %broadcast_in_dim3A_84 = vector.broadcast %broadcast_in_dim3A_83 : f32 to vector<16xf32>
      %swap3A_85 = arith.index_cast %scan3A_63 : i32 to index
      %swap3A_86 = arith.constant 48 : index
      %swap3A_87 = tpu.vector_load %arg8[%swap3A_85, %swap3A_86] {strides = array<i32>} : memref<88x128xf32, #tpu.memory_space<vmem>>, vector<1x16xf32>,
      %swap3A_88 = vector.shape_cast %swap3A_87 : vector<1x16xf32> to vector<16xf32>
      %swap3A_89 = vector.shape_cast %broadcast_in_dim3A_84 : vector<16xf32> to vector<1x16xf32>
      tpu.vector_store %arg8[%swap3A_85, %swap3A_86], %swap3A_89 {strides = array<i32>} : memref<88x128xf32, #tpu.memory_space<vmem>>, vector<1x16xf32>,
      %broadcast_in_dim3A_90 = arith.constant 0.000000e+00 : f32
      %broadcast_in_dim3A_91 = vector.broadcast %broadcast_in_dim3A_90 : f32 to vector<16xf32>
      %swap3A_92 = arith.index_cast %scan3A_63 : i32 to index
      %swap3A_93 = arith.constant 64 : index
      %swap3A_94 = tpu.vector_load %arg8[%swap3A_92, %swap3A_93] {strides = array<i32>} : memref<88x128xf32, #tpu.memory_space<vmem>>, vector<1x16xf32>,
      %swap3A_95 = vector.shape_cast %swap3A_94 : vector<1x16xf32> to vector<16xf32>
      %swap3A_96 = vector.shape_cast %broadcast_in_dim3A_91 : vector<16xf32> to vector<1x16xf32>
      tpu.vector_store %arg8[%swap3A_92, %swap3A_93], %swap3A_96 {strides = array<i32>} : memref<88x128xf32, #tpu.memory_space<vmem>>, vector<1x16xf32>,
      %broadcast_in_dim3A_97 = arith.constant 0.000000e+00 : f32
      %broadcast_in_dim3A_98 = vector.broadcast %broadcast_in_dim3A_97 : f32 to vector<16xf32>
      %swap3A_99 = arith.index_cast %scan3A_63 : i32 to index
      %swap3A_100 = arith.constant 80 : index
      %swap3A_101 = tpu.vector_load %arg8[%swap3A_99, %swap3A_100] {strides = array<i32>} : memref<88x128xf32, #tpu.memory_space<vmem>>, vector<1x16xf32>,
      %swap3A_102 = vector.shape_cast %swap3A_101 : vector<1x16xf32> to vector<16xf32>
      %swap3A_103 = vector.shape_cast %broadcast_in_dim3A_98 : vector<16xf32> to vector<1x16xf32>
      tpu.vector_store %arg8[%swap3A_99, %swap3A_100], %swap3A_103 {strides = array<i32>} : memref<88x128xf32, #tpu.memory_space<vmem>>, vector<1x16xf32>,
      %broadcast_in_dim3A_104 = arith.constant 0.000000e+00 : f32
      %broadcast_in_dim3A_105 = vector.broadcast %broadcast_in_dim3A_104 : f32 to vector<16xf32>
      %swap3A_106 = arith.index_cast %scan3A_63 : i32 to index
      %swap3A_107 = arith.constant 96 : index
      %swap3A_108 = tpu.vector_load %arg8[%swap3A_106, %swap3A_107] {strides = array<i32>} : memref<88x128xf32, #tpu.memory_space<vmem>>, vector<1x16xf32>,
      %swap3A_109 = vector.shape_cast %swap3A_108 : vector<1x16xf32> to vector<16xf32>
      %swap3A_110 = vector.shape_cast %broadcast_in_dim3A_105 : vector<16xf32> to vector<1x16xf32>
      tpu.vector_store %arg8[%swap3A_106, %swap3A_107], %swap3A_110 {strides = array<i32>} : memref<88x128xf32, #tpu.memory_space<vmem>>, vector<1x16xf32>,
      %broadcast_in_dim3A_111 = arith.constant 0.000000e+00 : f32
      %broadcast_in_dim3A_112 = vector.broadcast %broadcast_in_dim3A_111 : f32 to vector<16xf32>
      %swap3A_113 = arith.index_cast %scan3A_63 : i32 to index
      %swap3A_114 = arith.constant 112 : index
      %swap3A_115 = tpu.vector_load %arg8[%swap3A_113, %swap3A_114] {strides = array<i32>} : memref<88x128xf32, #tpu.memory_space<vmem>>, vector<1x16xf32>,
      %swap3A_116 = vector.shape_cast %swap3A_115 : vector<1x16xf32> to vector<16xf32>
      %swap3A_117 = vector.shape_cast %broadcast_in_dim3A_112 : vector<16xf32> to vector<1x16xf32>
      tpu.vector_store %arg8[%swap3A_113, %swap3A_114], %swap3A_117 {strides = array<i32>} : memref<88x128xf32, #tpu.memory_space<vmem>>, vector<1x16xf32>,
    }
    %scan3A_4 = arith.constant 88 : i32
    %mul3A = arith.constant 640 : i32
    %mul3A_5 = arith.muli %arg1, %mul3A : i32
    %add3A = arith.constant 0 : i32
    %add3A_6 = arith.addi %mul3A_5, %add3A : i32
    "tpu.region"() ({
      %run_scoped3A = tpu.sem_alloc : memref<!tpu.dma_semaphore, #tpu.memory_space<semaphore_mem>>
      %dma_start3A_63 = arith.constant 0 : i32
      %dma_start3A_64 = arith.constant 0 : i32
      %dma_start3A_65 = tpu.memref_slice %arg8[%dma_start3A_63, %dma_start3A_64] : memref<88x128xf32, #tpu.memory_space<vmem>> -> memref<80x128xf32, #tpu.memory_space<vmem>>
      %dma_start3A_66 = arith.constant 0 : i32
      %dma_start3A_67 = tpu.memref_slice %arg10[%add3A_6, %dma_start3A_66] : memref<10240x128xf32, #tpu.memory_space<vmem_shared>> -> memref<80x128xf32, #tpu.memory_space<vmem_shared>>
      %dma_start3A_68 = arith.constant 0 : i32
      %dma_start3A_69 = tpu.memref_slice %arg10[%add3A_6, %dma_start3A_68] : memref<10240x128xf32, #tpu.memory_space<vmem_shared>> -> memref<80x128xf32, #tpu.memory_space<vmem_shared>>
      %dma_start3A_70 = arith.constant 0 : i32
      %dma_start3A_71 = arith.constant 0 : i32
      %dma_start3A_72 = tpu.memref_slice %arg8[%dma_start3A_70, %dma_start3A_71] : memref<88x128xf32, #tpu.memory_space<vmem>> -> memref<80x128xf32, #tpu.memory_space<vmem>>
      tpu.enqueue_dma source(%dma_start3A_72 : memref<80x128xf32, #tpu.memory_space<vmem>>) target(%dma_start3A_69 : memref<80x128xf32, #tpu.memory_space<vmem_shared>>) target_semaphore(%run_scoped3A : memref<!tpu.dma_semaphore, #tpu.memory_space<semaphore_mem>>)
      %dma_wait3A = arith.constant 0 : i32
      %dma_wait3A_73 = arith.constant 0 : i32
      %dma_wait3A_74 = tpu.memref_slice %arg8[%dma_wait3A, %dma_wait3A_73] : memref<88x128xf32, #tpu.memory_space<vmem>> -> memref<80x128xf32, #tpu.memory_space<vmem>>
      %dma_wait3A_75 = arith.constant 0 : i32
      %dma_wait3A_76 = tpu.memref_slice %arg10[%add3A_6, %dma_wait3A_75] : memref<10240x128xf32, #tpu.memory_space<vmem_shared>> -> memref<80x128xf32, #tpu.memory_space<vmem_shared>>
      %dma_wait3A_77 = arith.constant 0 : i32
      %dma_wait3A_78 = tpu.memref_slice %arg10[%add3A_6, %dma_wait3A_77] : memref<10240x128xf32, #tpu.memory_space<vmem_shared>> -> memref<80x128xf32, #tpu.memory_space<vmem_shared>>
      %dma_wait3A_79 = arith.constant 0 : i32
      %dma_wait3A_80 = arith.constant 0 : i32
      %dma_wait3A_81 = tpu.memref_slice %arg8[%dma_wait3A_79, %dma_wait3A_80] : memref<88x128xf32, #tpu.memory_space<vmem>> -> memref<80x128xf32, #tpu.memory_space<vmem>>
      tpu.wait_dma2 semaphore(%run_scoped3A : memref<!tpu.dma_semaphore, #tpu.memory_space<semaphore_mem>>) src(%dma_wait3A_81 : memref<80x128xf32, #tpu.memory_space<vmem>>) dst(%dma_wait3A_78 : memref<80x128xf32, #tpu.memory_space<vmem_shared>>)
      tpu.yield
    }) : () -> ()
    %mul3A_7 = arith.constant 640 : i32
    %mul3A_8 = arith.muli %arg1, %mul3A_7 : i32
    %add3A_9 = arith.constant 80 : i32
    %add3A_10 = arith.addi %mul3A_8, %add3A_9 : i32
    "tpu.region"() ({
      %run_scoped3A = tpu.sem_alloc : memref<!tpu.dma_semaphore, #tpu.memory_space<semaphore_mem>>
      %dma_start3A_63 = arith.constant 0 : i32
      %dma_start3A_64 = arith.constant 0 : i32
      %dma_start3A_65 = tpu.memref_slice %arg8[%dma_start3A_63, %dma_start3A_64] : memref<88x128xf32, #tpu.memory_space<vmem>> -> memref<80x128xf32, #tpu.memory_space<vmem>>
      %dma_start3A_66 = arith.constant 0 : i32
      %dma_start3A_67 = tpu.memref_slice %arg10[%add3A_10, %dma_start3A_66] : memref<10240x128xf32, #tpu.memory_space<vmem_shared>> -> memref<80x128xf32, #tpu.memory_space<vmem_shared>>
      %dma_start3A_68 = arith.constant 0 : i32
      %dma_start3A_69 = tpu.memref_slice %arg10[%add3A_10, %dma_start3A_68] : memref<10240x128xf32, #tpu.memory_space<vmem_shared>> -> memref<80x128xf32, #tpu.memory_space<vmem_shared>>
      %dma_start3A_70 = arith.constant 0 : i32
      %dma_start3A_71 = arith.constant 0 : i32
      %dma_start3A_72 = tpu.memref_slice %arg8[%dma_start3A_70, %dma_start3A_71] : memref<88x128xf32, #tpu.memory_space<vmem>> -> memref<80x128xf32, #tpu.memory_space<vmem>>
      tpu.enqueue_dma source(%dma_start3A_72 : memref<80x128xf32, #tpu.memory_space<vmem>>) target(%dma_start3A_69 : memref<80x128xf32, #tpu.memory_space<vmem_shared>>) target_semaphore(%run_scoped3A : memref<!tpu.dma_semaphore, #tpu.memory_space<semaphore_mem>>)
      %dma_wait3A = arith.constant 0 : i32
      %dma_wait3A_73 = arith.constant 0 : i32
      %dma_wait3A_74 = tpu.memref_slice %arg8[%dma_wait3A, %dma_wait3A_73] : memref<88x128xf32, #tpu.memory_space<vmem>> -> memref<80x128xf32, #tpu.memory_space<vmem>>
      %dma_wait3A_75 = arith.constant 0 : i32
      %dma_wait3A_76 = tpu.memref_slice %arg10[%add3A_10, %dma_wait3A_75] : memref<10240x128xf32, #tpu.memory_space<vmem_shared>> -> memref<80x128xf32, #tpu.memory_space<vmem_shared>>
      %dma_wait3A_77 = arith.constant 0 : i32
      %dma_wait3A_78 = tpu.memref_slice %arg10[%add3A_10, %dma_wait3A_77] : memref<10240x128xf32, #tpu.memory_space<vmem_shared>> -> memref<80x128xf32, #tpu.memory_space<vmem_shared>>
      %dma_wait3A_79 = arith.constant 0 : i32
      %dma_wait3A_80 = arith.constant 0 : i32
      %dma_wait3A_81 = tpu.memref_slice %arg8[%dma_wait3A_79, %dma_wait3A_80] : memref<88x128xf32, #tpu.memory_space<vmem>> -> memref<80x128xf32, #tpu.memory_space<vmem>>
      tpu.wait_dma2 semaphore(%run_scoped3A : memref<!tpu.dma_semaphore, #tpu.memory_space<semaphore_mem>>) src(%dma_wait3A_81 : memref<80x128xf32, #tpu.memory_space<vmem>>) dst(%dma_wait3A_78 : memref<80x128xf32, #tpu.memory_space<vmem_shared>>)
      tpu.yield
    }) : () -> ()
    %mul3A_11 = arith.constant 640 : i32
    %mul3A_12 = arith.muli %arg1, %mul3A_11 : i32
    %add3A_13 = arith.constant 160 : i32
    %add3A_14 = arith.addi %mul3A_12, %add3A_13 : i32
    "tpu.region"() ({
      %run_scoped3A = tpu.sem_alloc : memref<!tpu.dma_semaphore, #tpu.memory_space<semaphore_mem>>
      %dma_start3A_63 = arith.constant 0 : i32
      %dma_start3A_64 = arith.constant 0 : i32
      %dma_start3A_65 = tpu.memref_slice %arg8[%dma_start3A_63, %dma_start3A_64] : memref<88x128xf32, #tpu.memory_space<vmem>> -> memref<80x128xf32, #tpu.memory_space<vmem>>
      %dma_start3A_66 = arith.constant 0 : i32
      %dma_start3A_67 = tpu.memref_slice %arg10[%add3A_14, %dma_start3A_66] : memref<10240x128xf32, #tpu.memory_space<vmem_shared>> -> memref<80x128xf32, #tpu.memory_space<vmem_shared>>
      %dma_start3A_68 = arith.constant 0 : i32
      %dma_start3A_69 = tpu.memref_slice %arg10[%add3A_14, %dma_start3A_68] : memref<10240x128xf32, #tpu.memory_space<vmem_shared>> -> memref<80x128xf32, #tpu.memory_space<vmem_shared>>
      %dma_start3A_70 = arith.constant 0 : i32
      %dma_start3A_71 = arith.constant 0 : i32
      %dma_start3A_72 = tpu.memref_slice %arg8[%dma_start3A_70, %dma_start3A_71] : memref<88x128xf32, #tpu.memory_space<vmem>> -> memref<80x128xf32, #tpu.memory_space<vmem>>
      tpu.enqueue_dma source(%dma_start3A_72 : memref<80x128xf32, #tpu.memory_space<vmem>>) target(%dma_start3A_69 : memref<80x128xf32, #tpu.memory_space<vmem_shared>>) target_semaphore(%run_scoped3A : memref<!tpu.dma_semaphore, #tpu.memory_space<semaphore_mem>>)
      %dma_wait3A = arith.constant 0 : i32
      %dma_wait3A_73 = arith.constant 0 : i32
      %dma_wait3A_74 = tpu.memref_slice %arg8[%dma_wait3A, %dma_wait3A_73] : memref<88x128xf32, #tpu.memory_space<vmem>> -> memref<80x128xf32, #tpu.memory_space<vmem>>
      %dma_wait3A_75 = arith.constant 0 : i32
      %dma_wait3A_76 = tpu.memref_slice %arg10[%add3A_14, %dma_wait3A_75] : memref<10240x128xf32, #tpu.memory_space<vmem_shared>> -> memref<80x128xf32, #tpu.memory_space<vmem_shared>>
      %dma_wait3A_77 = arith.constant 0 : i32
      %dma_wait3A_78 = tpu.memref_slice %arg10[%add3A_14, %dma_wait3A_77] : memref<10240x128xf32, #tpu.memory_space<vmem_shared>> -> memref<80x128xf32, #tpu.memory_space<vmem_shared>>
      %dma_wait3A_79 = arith.constant 0 : i32
      %dma_wait3A_80 = arith.constant 0 : i32
      %dma_wait3A_81 = tpu.memref_slice %arg8[%dma_wait3A_79, %dma_wait3A_80] : memref<88x128xf32, #tpu.memory_space<vmem>> -> memref<80x128xf32, #tpu.memory_space<vmem>>
      tpu.wait_dma2 semaphore(%run_scoped3A : memref<!tpu.dma_semaphore, #tpu.memory_space<semaphore_mem>>) src(%dma_wait3A_81 : memref<80x128xf32, #tpu.memory_space<vmem>>) dst(%dma_wait3A_78 : memref<80x128xf32, #tpu.memory_space<vmem_shared>>)
      tpu.yield
    }) : () -> ()
    %mul3A_15 = arith.constant 640 : i32
    %mul3A_16 = arith.muli %arg1, %mul3A_15 : i32
    %add3A_17 = arith.constant 240 : i32
    %add3A_18 = arith.addi %mul3A_16, %add3A_17 : i32
    "tpu.region"() ({
      %run_scoped3A = tpu.sem_alloc : memref<!tpu.dma_semaphore, #tpu.memory_space<semaphore_mem>>
      %dma_start3A_63 = arith.constant 0 : i32
      %dma_start3A_64 = arith.constant 0 : i32
      %dma_start3A_65 = tpu.memref_slice %arg8[%dma_start3A_63, %dma_start3A_64] : memref<88x128xf32, #tpu.memory_space<vmem>> -> memref<80x128xf32, #tpu.memory_space<vmem>>
      %dma_start3A_66 = arith.constant 0 : i32
      %dma_start3A_67 = tpu.memref_slice %arg10[%add3A_18, %dma_start3A_66] : memref<10240x128xf32, #tpu.memory_space<vmem_shared>> -> memref<80x128xf32, #tpu.memory_space<vmem_shared>>
      %dma_start3A_68 = arith.constant 0 : i32
      %dma_start3A_69 = tpu.memref_slice %arg10[%add3A_18, %dma_start3A_68] : memref<10240x128xf32, #tpu.memory_space<vmem_shared>> -> memref<80x128xf32, #tpu.memory_space<vmem_shared>>
      %dma_start3A_70 = arith.constant 0 : i32
      %dma_start3A_71 = arith.constant 0 : i32
      %dma_start3A_72 = tpu.memref_slice %arg8[%dma_start3A_70, %dma_start3A_71] : memref<88x128xf32, #tpu.memory_space<vmem>> -> memref<80x128xf32, #tpu.memory_space<vmem>>
      tpu.enqueue_dma source(%dma_start3A_72 : memref<80x128xf32, #tpu.memory_space<vmem>>) target(%dma_start3A_69 : memref<80x128xf32, #tpu.memory_space<vmem_shared>>) target_semaphore(%run_scoped3A : memref<!tpu.dma_semaphore, #tpu.memory_space<semaphore_mem>>)
      %dma_wait3A = arith.constant 0 : i32
      %dma_wait3A_73 = arith.constant 0 : i32
      %dma_wait3A_74 = tpu.memref_slice %arg8[%dma_wait3A, %dma_wait3A_73] : memref<88x128xf32, #tpu.memory_space<vmem>> -> memref<80x128xf32, #tpu.memory_space<vmem>>
      %dma_wait3A_75 = arith.constant 0 : i32
      %dma_wait3A_76 = tpu.memref_slice %arg10[%add3A_18, %dma_wait3A_75] : memref<10240x128xf32, #tpu.memory_space<vmem_shared>> -> memref<80x128xf32, #tpu.memory_space<vmem_shared>>
      %dma_wait3A_77 = arith.constant 0 : i32
      %dma_wait3A_78 = tpu.memref_slice %arg10[%add3A_18, %dma_wait3A_77] : memref<10240x128xf32, #tpu.memory_space<vmem_shared>> -> memref<80x128xf32, #tpu.memory_space<vmem_shared>>
      %dma_wait3A_79 = arith.constant 0 : i32
      %dma_wait3A_80 = arith.constant 0 : i32
      %dma_wait3A_81 = tpu.memref_slice %arg8[%dma_wait3A_79, %dma_wait3A_80] : memref<88x128xf32, #tpu.memory_space<vmem>> -> memref<80x128xf32, #tpu.memory_space<vmem>>
      tpu.wait_dma2 semaphore(%run_scoped3A : memref<!tpu.dma_semaphore, #tpu.memory_space<semaphore_mem>>) src(%dma_wait3A_81 : memref<80x128xf32, #tpu.memory_space<vmem>>) dst(%dma_wait3A_78 : memref<80x128xf32, #tpu.memory_space<vmem_shared>>)
      tpu.yield
    }) : () -> ()
    %mul3A_19 = arith.constant 640 : i32
    %mul3A_20 = arith.muli %arg1, %mul3A_19 : i32
    %add3A_21 = arith.constant 320 : i32
    %add3A_22 = arith.addi %mul3A_20, %add3A_21 : i32
    "tpu.region"() ({
      %run_scoped3A = tpu.sem_alloc : memref<!tpu.dma_semaphore, #tpu.memory_space<semaphore_mem>>
      %dma_start3A_63 = arith.constant 0 : i32
      %dma_start3A_64 = arith.constant 0 : i32
      %dma_start3A_65 = tpu.memref_slice %arg8[%dma_start3A_63, %dma_start3A_64] : memref<88x128xf32, #tpu.memory_space<vmem>> -> memref<80x128xf32, #tpu.memory_space<vmem>>
      %dma_start3A_66 = arith.constant 0 : i32
      %dma_start3A_67 = tpu.memref_slice %arg10[%add3A_22, %dma_start3A_66] : memref<10240x128xf32, #tpu.memory_space<vmem_shared>> -> memref<80x128xf32, #tpu.memory_space<vmem_shared>>
      %dma_start3A_68 = arith.constant 0 : i32
      %dma_start3A_69 = tpu.memref_slice %arg10[%add3A_22, %dma_start3A_68] : memref<10240x128xf32, #tpu.memory_space<vmem_shared>> -> memref<80x128xf32, #tpu.memory_space<vmem_shared>>
      %dma_start3A_70 = arith.constant 0 : i32
      %dma_start3A_71 = arith.constant 0 : i32
      %dma_start3A_72 = tpu.memref_slice %arg8[%dma_start3A_70, %dma_start3A_71] : memref<88x128xf32, #tpu.memory_space<vmem>> -> memref<80x128xf32, #tpu.memory_space<vmem>>
      tpu.enqueue_dma source(%dma_start3A_72 : memref<80x128xf32, #tpu.memory_space<vmem>>) target(%dma_start3A_69 : memref<80x128xf32, #tpu.memory_space<vmem_shared>>) target_semaphore(%run_scoped3A : memref<!tpu.dma_semaphore, #tpu.memory_space<semaphore_mem>>)
      %dma_wait3A = arith.constant 0 : i32
      %dma_wait3A_73 = arith.constant 0 : i32
      %dma_wait3A_74 = tpu.memref_slice %arg8[%dma_wait3A, %dma_wait3A_73] : memref<88x128xf32, #tpu.memory_space<vmem>> -> memref<80x128xf32, #tpu.memory_space<vmem>>
      %dma_wait3A_75 = arith.constant 0 : i32
      %dma_wait3A_76 = tpu.memref_slice %arg10[%add3A_22, %dma_wait3A_75] : memref<10240x128xf32, #tpu.memory_space<vmem_shared>> -> memref<80x128xf32, #tpu.memory_space<vmem_shared>>
      %dma_wait3A_77 = arith.constant 0 : i32
      %dma_wait3A_78 = tpu.memref_slice %arg10[%add3A_22, %dma_wait3A_77] : memref<10240x128xf32, #tpu.memory_space<vmem_shared>> -> memref<80x128xf32, #tpu.memory_space<vmem_shared>>
      %dma_wait3A_79 = arith.constant 0 : i32
      %dma_wait3A_80 = arith.constant 0 : i32
      %dma_wait3A_81 = tpu.memref_slice %arg8[%dma_wait3A_79, %dma_wait3A_80] : memref<88x128xf32, #tpu.memory_space<vmem>> -> memref<80x128xf32, #tpu.memory_space<vmem>>
      tpu.wait_dma2 semaphore(%run_scoped3A : memref<!tpu.dma_semaphore, #tpu.memory_space<semaphore_mem>>) src(%dma_wait3A_81 : memref<80x128xf32, #tpu.memory_space<vmem>>) dst(%dma_wait3A_78 : memref<80x128xf32, #tpu.memory_space<vmem_shared>>)
      tpu.yield
    }) : () -> ()
    %mul3A_23 = arith.constant 640 : i32
    %mul3A_24 = arith.muli %arg1, %mul3A_23 : i32
    %add3A_25 = arith.constant 400 : i32
    %add3A_26 = arith.addi %mul3A_24, %add3A_25 : i32
    "tpu.region"() ({
      %run_scoped3A = tpu.sem_alloc : memref<!tpu.dma_semaphore, #tpu.memory_space<semaphore_mem>>
      %dma_start3A_63 = arith.constant 0 : i32
      %dma_start3A_64 = arith.constant 0 : i32
      %dma_start3A_65 = tpu.memref_slice %arg8[%dma_start3A_63, %dma_start3A_64] : memref<88x128xf32, #tpu.memory_space<vmem>> -> memref<80x128xf32, #tpu.memory_space<vmem>>
      %dma_start3A_66 = arith.constant 0 : i32
      %dma_start3A_67 = tpu.memref_slice %arg10[%add3A_26, %dma_start3A_66] : memref<10240x128xf32, #tpu.memory_space<vmem_shared>> -> memref<80x128xf32, #tpu.memory_space<vmem_shared>>
      %dma_start3A_68 = arith.constant 0 : i32
      %dma_start3A_69 = tpu.memref_slice %arg10[%add3A_26, %dma_start3A_68] : memref<10240x128xf32, #tpu.memory_space<vmem_shared>> -> memref<80x128xf32, #tpu.memory_space<vmem_shared>>
      %dma_start3A_70 = arith.constant 0 : i32
      %dma_start3A_71 = arith.constant 0 : i32
      %dma_start3A_72 = tpu.memref_slice %arg8[%dma_start3A_70, %dma_start3A_71] : memref<88x128xf32, #tpu.memory_space<vmem>> -> memref<80x128xf32, #tpu.memory_space<vmem>>
      tpu.enqueue_dma source(%dma_start3A_72 : memref<80x128xf32, #tpu.memory_space<vmem>>) target(%dma_start3A_69 : memref<80x128xf32, #tpu.memory_space<vmem_shared>>) target_semaphore(%run_scoped3A : memref<!tpu.dma_semaphore, #tpu.memory_space<semaphore_mem>>)
      %dma_wait3A = arith.constant 0 : i32
      %dma_wait3A_73 = arith.constant 0 : i32
      %dma_wait3A_74 = tpu.memref_slice %arg8[%dma_wait3A, %dma_wait3A_73] : memref<88x128xf32, #tpu.memory_space<vmem>> -> memref<80x128xf32, #tpu.memory_space<vmem>>
      %dma_wait3A_75 = arith.constant 0 : i32
      %dma_wait3A_76 = tpu.memref_slice %arg10[%add3A_26, %dma_wait3A_75] : memref<10240x128xf32, #tpu.memory_space<vmem_shared>> -> memref<80x128xf32, #tpu.memory_space<vmem_shared>>
      %dma_wait3A_77 = arith.constant 0 : i32
      %dma_wait3A_78 = tpu.memref_slice %arg10[%add3A_26, %dma_wait3A_77] : memref<10240x128xf32, #tpu.memory_space<vmem_shared>> -> memref<80x128xf32, #tpu.memory_space<vmem_shared>>
      %dma_wait3A_79 = arith.constant 0 : i32
      %dma_wait3A_80 = arith.constant 0 : i32
      %dma_wait3A_81 = tpu.memref_slice %arg8[%dma_wait3A_79, %dma_wait3A_80] : memref<88x128xf32, #tpu.memory_space<vmem>> -> memref<80x128xf32, #tpu.memory_space<vmem>>
      tpu.wait_dma2 semaphore(%run_scoped3A : memref<!tpu.dma_semaphore, #tpu.memory_space<semaphore_mem>>) src(%dma_wait3A_81 : memref<80x128xf32, #tpu.memory_space<vmem>>) dst(%dma_wait3A_78 : memref<80x128xf32, #tpu.memory_space<vmem_shared>>)
      tpu.yield
    }) : () -> ()
    %mul3A_27 = arith.constant 640 : i32
    %mul3A_28 = arith.muli %arg1, %mul3A_27 : i32
    %add3A_29 = arith.constant 480 : i32
    %add3A_30 = arith.addi %mul3A_28, %add3A_29 : i32
    "tpu.region"() ({
      %run_scoped3A = tpu.sem_alloc : memref<!tpu.dma_semaphore, #tpu.memory_space<semaphore_mem>>
      %dma_start3A_63 = arith.constant 0 : i32
      %dma_start3A_64 = arith.constant 0 : i32
      %dma_start3A_65 = tpu.memref_slice %arg8[%dma_start3A_63, %dma_start3A_64] : memref<88x128xf32, #tpu.memory_space<vmem>> -> memref<80x128xf32, #tpu.memory_space<vmem>>
      %dma_start3A_66 = arith.constant 0 : i32
      %dma_start3A_67 = tpu.memref_slice %arg10[%add3A_30, %dma_start3A_66] : memref<10240x128xf32, #tpu.memory_space<vmem_shared>> -> memref<80x128xf32, #tpu.memory_space<vmem_shared>>
      %dma_start3A_68 = arith.constant 0 : i32
      %dma_start3A_69 = tpu.memref_slice %arg10[%add3A_30, %dma_start3A_68] : memref<10240x128xf32, #tpu.memory_space<vmem_shared>> -> memref<80x128xf32, #tpu.memory_space<vmem_shared>>
      %dma_start3A_70 = arith.constant 0 : i32
      %dma_start3A_71 = arith.constant 0 : i32
      %dma_start3A_72 = tpu.memref_slice %arg8[%dma_start3A_70, %dma_start3A_71] : memref<88x128xf32, #tpu.memory_space<vmem>> -> memref<80x128xf32, #tpu.memory_space<vmem>>
      tpu.enqueue_dma source(%dma_start3A_72 : memref<80x128xf32, #tpu.memory_space<vmem>>) target(%dma_start3A_69 : memref<80x128xf32, #tpu.memory_space<vmem_shared>>) target_semaphore(%run_scoped3A : memref<!tpu.dma_semaphore, #tpu.memory_space<semaphore_mem>>)
      %dma_wait3A = arith.constant 0 : i32
      %dma_wait3A_73 = arith.constant 0 : i32
      %dma_wait3A_74 = tpu.memref_slice %arg8[%dma_wait3A, %dma_wait3A_73] : memref<88x128xf32, #tpu.memory_space<vmem>> -> memref<80x128xf32, #tpu.memory_space<vmem>>
      %dma_wait3A_75 = arith.constant 0 : i32
      %dma_wait3A_76 = tpu.memref_slice %arg10[%add3A_30, %dma_wait3A_75] : memref<10240x128xf32, #tpu.memory_space<vmem_shared>> -> memref<80x128xf32, #tpu.memory_space<vmem_shared>>
      %dma_wait3A_77 = arith.constant 0 : i32
      %dma_wait3A_78 = tpu.memref_slice %arg10[%add3A_30, %dma_wait3A_77] : memref<10240x128xf32, #tpu.memory_space<vmem_shared>> -> memref<80x128xf32, #tpu.memory_space<vmem_shared>>
      %dma_wait3A_79 = arith.constant 0 : i32
      %dma_wait3A_80 = arith.constant 0 : i32
      %dma_wait3A_81 = tpu.memref_slice %arg8[%dma_wait3A_79, %dma_wait3A_80] : memref<88x128xf32, #tpu.memory_space<vmem>> -> memref<80x128xf32, #tpu.memory_space<vmem>>
      tpu.wait_dma2 semaphore(%run_scoped3A : memref<!tpu.dma_semaphore, #tpu.memory_space<semaphore_mem>>) src(%dma_wait3A_81 : memref<80x128xf32, #tpu.memory_space<vmem>>) dst(%dma_wait3A_78 : memref<80x128xf32, #tpu.memory_space<vmem_shared>>)
      tpu.yield
    }) : () -> ()
    %mul3A_31 = arith.constant 640 : i32
    %mul3A_32 = arith.muli %arg1, %mul3A_31 : i32
    %add3A_33 = arith.constant 560 : i32
    %add3A_34 = arith.addi %mul3A_32, %add3A_33 : i32
    "tpu.region"() ({
      %run_scoped3A = tpu.sem_alloc : memref<!tpu.dma_semaphore, #tpu.memory_space<semaphore_mem>>
      %dma_start3A_63 = arith.constant 0 : i32
      %dma_start3A_64 = arith.constant 0 : i32
      %dma_start3A_65 = tpu.memref_slice %arg8[%dma_start3A_63, %dma_start3A_64] : memref<88x128xf32, #tpu.memory_space<vmem>> -> memref<80x128xf32, #tpu.memory_space<vmem>>
      %dma_start3A_66 = arith.constant 0 : i32
      %dma_start3A_67 = tpu.memref_slice %arg10[%add3A_34, %dma_start3A_66] : memref<10240x128xf32, #tpu.memory_space<vmem_shared>> -> memref<80x128xf32, #tpu.memory_space<vmem_shared>>
      %dma_start3A_68 = arith.constant 0 : i32
      %dma_start3A_69 = tpu.memref_slice %arg10[%add3A_34, %dma_start3A_68] : memref<10240x128xf32, #tpu.memory_space<vmem_shared>> -> memref<80x128xf32, #tpu.memory_space<vmem_shared>>
      %dma_start3A_70 = arith.constant 0 : i32
      %dma_start3A_71 = arith.constant 0 : i32
      %dma_start3A_72 = tpu.memref_slice %arg8[%dma_start3A_70, %dma_start3A_71] : memref<88x128xf32, #tpu.memory_space<vmem>> -> memref<80x128xf32, #tpu.memory_space<vmem>>
      tpu.enqueue_dma source(%dma_start3A_72 : memref<80x128xf32, #tpu.memory_space<vmem>>) target(%dma_start3A_69 : memref<80x128xf32, #tpu.memory_space<vmem_shared>>) target_semaphore(%run_scoped3A : memref<!tpu.dma_semaphore, #tpu.memory_space<semaphore_mem>>)
      %dma_wait3A = arith.constant 0 : i32
      %dma_wait3A_73 = arith.constant 0 : i32
      %dma_wait3A_74 = tpu.memref_slice %arg8[%dma_wait3A, %dma_wait3A_73] : memref<88x128xf32, #tpu.memory_space<vmem>> -> memref<80x128xf32, #tpu.memory_space<vmem>>
      %dma_wait3A_75 = arith.constant 0 : i32
      %dma_wait3A_76 = tpu.memref_slice %arg10[%add3A_34, %dma_wait3A_75] : memref<10240x128xf32, #tpu.memory_space<vmem_shared>> -> memref<80x128xf32, #tpu.memory_space<vmem_shared>>
      %dma_wait3A_77 = arith.constant 0 : i32
      %dma_wait3A_78 = tpu.memref_slice %arg10[%add3A_34, %dma_wait3A_77] : memref<10240x128xf32, #tpu.memory_space<vmem_shared>> -> memref<80x128xf32, #tpu.memory_space<vmem_shared>>
      %dma_wait3A_79 = arith.constant 0 : i32
      %dma_wait3A_80 = arith.constant 0 : i32
      %dma_wait3A_81 = tpu.memref_slice %arg8[%dma_wait3A_79, %dma_wait3A_80] : memref<88x128xf32, #tpu.memory_space<vmem>> -> memref<80x128xf32, #tpu.memory_space<vmem>>
      tpu.wait_dma2 semaphore(%run_scoped3A : memref<!tpu.dma_semaphore, #tpu.memory_space<semaphore_mem>>) src(%dma_wait3A_81 : memref<80x128xf32, #tpu.memory_space<vmem>>) dst(%dma_wait3A_78 : memref<80x128xf32, #tpu.memory_space<vmem_shared>>)
      tpu.yield
    }) : () -> ()
    "tpu.region"() ({
      %run_scoped3A = tpu.sem_alloc : memref<!tpu.dma_semaphore, #tpu.memory_space<semaphore_mem>>
      %dma_start3A_63 = arith.constant 0 : i32
      %dma_start3A_64 = tpu.memref_slice %arg3[%arg0, %arg1, %dma_start3A_63] : memref<2x16x10032xi32, #tpu.memory_space<hbm>> -> memref<1x1x10032xi32, #tpu.memory_space<hbm>>
      %dma_start3A_65 = tpu.memref_squeeze %dma_start3A_64 : memref<1x1x10032xi32, #tpu.memory_space<hbm>> -> memref<10032xi32, #tpu.memory_space<hbm>>
      %dma_start3A_66 = arith.constant 0 : i32
      %dma_start3A_67 = tpu.memref_slice %arg3[%arg0, %arg1, %dma_start3A_66] : memref<2x16x10032xi32, #tpu.memory_space<hbm>> -> memref<1x1x10032xi32, #tpu.memory_space<hbm>>
      %dma_start3A_68 = tpu.memref_squeeze %dma_start3A_67 : memref<1x1x10032xi32, #tpu.memory_space<hbm>> -> memref<10032xi32, #tpu.memory_space<hbm>>
      tpu.enqueue_dma source(%dma_start3A_68 : memref<10032xi32, #tpu.memory_space<hbm>>) target(%arg6 : memref<10032xi32, #tpu.memory_space<vmem>>) target_semaphore(%run_scoped3A : memref<!tpu.dma_semaphore, #tpu.memory_space<semaphore_mem>>)
      %dma_wait3A = arith.constant 0 : i32
      %dma_wait3A_69 = tpu.memref_slice %arg3[%arg0, %arg1, %dma_wait3A] : memref<2x16x10032xi32, #tpu.memory_space<hbm>> -> memref<1x1x10032xi32, #tpu.memory_space<hbm>>
      %dma_wait3A_70 = tpu.memref_squeeze %dma_wait3A_69 : memref<1x1x10032xi32, #tpu.memory_space<hbm>> -> memref<10032xi32, #tpu.memory_space<hbm>>
      %dma_wait3A_71 = arith.constant 0 : i32
      %dma_wait3A_72 = tpu.memref_slice %arg3[%arg0, %arg1, %dma_wait3A_71] : memref<2x16x10032xi32, #tpu.memory_space<hbm>> -> memref<1x1x10032xi32, #tpu.memory_space<hbm>>
      %dma_wait3A_73 = tpu.memref_squeeze %dma_wait3A_72 : memref<1x1x10032xi32, #tpu.memory_space<hbm>> -> memref<10032xi32, #tpu.memory_space<hbm>>
      tpu.wait_dma2 semaphore(%run_scoped3A : memref<!tpu.dma_semaphore, #tpu.memory_space<semaphore_mem>>) src(%dma_wait3A_73 : memref<10032xi32, #tpu.memory_space<hbm>>) dst(%arg6 : memref<10032xi32, #tpu.memory_space<vmem>>)
      tpu.yield
    }) : () -> ()
    "tpu.region"() ({
      %run_scoped3A = tpu.sem_alloc : memref<!tpu.dma_semaphore, #tpu.memory_space<semaphore_mem>>
      %dma_start3A_63 = arith.constant 0 : i32
      %dma_start3A_64 = arith.constant 0 : i32
      %dma_start3A_65 = tpu.memref_slice %arg4[%arg0, %arg1, %dma_start3A_63, %dma_start3A_64] : memref<2x16x114x88xi32, #tpu.memory_space<hbm>> -> memref<1x1x114x88xi32, #tpu.memory_space<hbm>>
      %dma_start3A_66 = tpu.memref_squeeze %dma_start3A_65 : memref<1x1x114x88xi32, #tpu.memory_space<hbm>> -> memref<114x88xi32, #tpu.memory_space<hbm>>
      %dma_start3A_67 = arith.constant 0 : i32
      %dma_start3A_68 = arith.constant 0 : i32
      %dma_start3A_69 = tpu.memref_slice %arg4[%arg0, %arg1, %dma_start3A_67, %dma_start3A_68] : memref<2x16x114x88xi32, #tpu.memory_space<hbm>> -> memref<1x1x114x88xi32, #tpu.memory_space<hbm>>
      %dma_start3A_70 = tpu.memref_squeeze %dma_start3A_69 : memref<1x1x114x88xi32, #tpu.memory_space<hbm>> -> memref<114x88xi32, #tpu.memory_space<hbm>>
      tpu.enqueue_dma source(%dma_start3A_70 : memref<114x88xi32, #tpu.memory_space<hbm>>) target(%arg7 : memref<114x88xi32, #tpu.memory_space<vmem>>) target_semaphore(%run_scoped3A : memref<!tpu.dma_semaphore, #tpu.memory_space<semaphore_mem>>)
      %dma_wait3A = arith.constant 0 : i32
      %dma_wait3A_71 = arith.constant 0 : i32
      %dma_wait3A_72 = tpu.memref_slice %arg4[%arg0, %arg1, %dma_wait3A, %dma_wait3A_71] : memref<2x16x114x88xi32, #tpu.memory_space<hbm>> -> memref<1x1x114x88xi32, #tpu.memory_space<hbm>>
      %dma_wait3A_73 = tpu.memref_squeeze %dma_wait3A_72 : memref<1x1x114x88xi32, #tpu.memory_space<hbm>> -> memref<114x88xi32, #tpu.memory_space<hbm>>
      %dma_wait3A_74 = arith.constant 0 : i32
      %dma_wait3A_75 = arith.constant 0 : i32
      %dma_wait3A_76 = tpu.memref_slice %arg4[%arg0, %arg1, %dma_wait3A_74, %dma_wait3A_75] : memref<2x16x114x88xi32, #tpu.memory_space<hbm>> -> memref<1x1x114x88xi32, #tpu.memory_space<hbm>>
      %dma_wait3A_77 = tpu.memref_squeeze %dma_wait3A_76 : memref<1x1x114x88xi32, #tpu.memory_space<hbm>> -> memref<114x88xi32, #tpu.memory_space<hbm>>
      tpu.wait_dma2 semaphore(%run_scoped3A : memref<!tpu.dma_semaphore, #tpu.memory_space<semaphore_mem>>) src(%dma_wait3A_77 : memref<114x88xi32, #tpu.memory_space<hbm>>) dst(%arg7 : memref<114x88xi32, #tpu.memory_space<vmem>>)
      tpu.yield
    }) : () -> ()
    %barrier3A = arith.constant 0 : index
    tpu.barrier barrier_id(%barrier3A)
    %dma_start3A = arith.constant 0 : i32
    %dma_start3A_35 = tpu.memref_slice %arg6[%dma_start3A] : memref<10032xi32, #tpu.memory_space<vmem>> -> memref<88xi32, #tpu.memory_space<vmem>>
    %dma_start3A_36 = arith.constant 0 : i32
    %dma_start3A_37 = arith.constant 0 : i32
    %dma_start3A_38 = tpu.memref_slice %arg2[%arg0, %dma_start3A_36, %dma_start3A_37] : memref<2x10000x128xf32, #tpu.memory_space<hbm>> -> memref<1x10000x128xf32, #tpu.memory_space<hbm>>
    %dma_start3A_39 = tpu.memref_squeeze %dma_start3A_38 : memref<1x10000x128xf32, #tpu.memory_space<hbm>> -> memref<10000x128xf32, #tpu.memory_space<hbm>>
    %dma_start3A_40 = arith.constant 0 : i32
    %dma_start3A_41 = arith.constant 0 : i32
    %dma_start3A_42 = tpu.memref_slice %dma_start3A_39[%dma_start3A_40, %dma_start3A_41] : memref<10000x128xf32, #tpu.memory_space<hbm>> -> memref<10000x128xf32, #tpu.memory_space<hbm>>
    tpu.enqueue_indirect_dma source(%dma_start3A_42 : memref<10000x128xf32, #tpu.memory_space<hbm>>) target(%arg8 : memref<88x128xf32, #tpu.memory_space<vmem>>) offsets(%dma_start3A_35 : memref<88xi32, #tpu.memory_space<vmem>>) semaphore(%arg11 : memref<!tpu.dma_semaphore, #tpu.memory_space<semaphore_mem>>)
    %dma_start3A_43 = arith.constant 88 : i32
    %dma_start3A_44 = tpu.memref_slice %arg6[%dma_start3A_43] : memref<10032xi32, #tpu.memory_space<vmem>> -> memref<88xi32, #tpu.memory_space<vmem>>
    %dma_start3A_45 = arith.constant 0 : i32
    %dma_start3A_46 = arith.constant 0 : i32
    %dma_start3A_47 = tpu.memref_slice %arg2[%arg0, %dma_start3A_45, %dma_start3A_46] : memref<2x10000x128xf32, #tpu.memory_space<hbm>> -> memref<1x10000x128xf32, #tpu.memory_space<hbm>>
    %dma_start3A_48 = tpu.memref_squeeze %dma_start3A_47 : memref<1x10000x128xf32, #tpu.memory_space<hbm>> -> memref<10000x128xf32, #tpu.memory_space<hbm>>
    %dma_start3A_49 = arith.constant 0 : i32
    %dma_start3A_50 = arith.constant 0 : i32
    %dma_start3A_51 = tpu.memref_slice %dma_start3A_48[%dma_start3A_49, %dma_start3A_50] : memref<10000x128xf32, #tpu.memory_space<hbm>> -> memref<10000x128xf32, #tpu.memory_space<hbm>>
    tpu.enqueue_indirect_dma source(%dma_start3A_51 : memref<10000x128xf32, #tpu.memory_space<hbm>>) target(%arg9 : memref<88x128xf32, #tpu.memory_space<vmem>>) offsets(%dma_start3A_44 : memref<88xi32, #tpu.memory_space<vmem>>) semaphore(%arg12 : memref<!tpu.dma_semaphore, #tpu.memory_space<semaphore_mem>>)
    %scan3A_52 = arith.constant 0 : i32
    %scan3A_53 = arith.constant 0 : i32
    %scan3A_54 = arith.constant 57 : i32
    %scan3A_55 = arith.addi %scan3A_53, %scan3A_54 : i32
    %scan3A_56 = arith.constant 1 : i32
    scf.for %scan3A_63 = %scan3A_53 to %scan3A_55 step %scan3A_56  : i32 {
      %mul3A_64 = arith.constant 2 : i32
      %mul3A_65 = arith.muli %scan3A_63, %mul3A_64 : i32
      %add3A_66 = arith.constant 0 : i32
      %add3A_67 = arith.addi %mul3A_65, %add3A_66 : i32
      %mul3A_68 = arith.constant 88 : i32
      %mul3A_69 = arith.muli %add3A_67, %mul3A_68 : i32
      %dma_wait3A = tpu.memref_slice %arg6[%mul3A_69] : memref<10032xi32, #tpu.memory_space<vmem>> -> memref<88xi32, #tpu.memory_space<vmem>>
      %dma_wait3A_70 = arith.constant 0 : i32
      %dma_wait3A_71 = arith.constant 0 : i32
      %dma_wait3A_72 = tpu.memref_slice %arg2[%arg0, %dma_wait3A_70, %dma_wait3A_71] : memref<2x10000x128xf32, #tpu.memory_space<hbm>> -> memref<1x10000x128xf32, #tpu.memory_space<hbm>>
      %dma_wait3A_73 = tpu.memref_squeeze %dma_wait3A_72 : memref<1x10000x128xf32, #tpu.memory_space<hbm>> -> memref<10000x128xf32, #tpu.memory_space<hbm>>
      %dma_wait3A_74 = arith.constant 0 : i32
      %dma_wait3A_75 = arith.constant 0 : i32
      %dma_wait3A_76 = tpu.memref_slice %dma_wait3A_73[%dma_wait3A_74, %dma_wait3A_75] : memref<10000x128xf32, #tpu.memory_space<hbm>> -> memref<10000x128xf32, #tpu.memory_space<hbm>>
      tpu.wait_indirect_dma semaphore(%arg11 : memref<!tpu.dma_semaphore, #tpu.memory_space<semaphore_mem>>) src(%dma_wait3A_76 : memref<10000x128xf32, #tpu.memory_space<hbm>>) dst(%arg8 : memref<88x128xf32, #tpu.memory_space<vmem>>)
      "tpu.region"() ({
        %run_scoped3A = tpu.sem_alloc : memref<!tpu.dma_semaphore, #tpu.memory_space<semaphore_mem>>
        %dma_start3A_100 = arith.constant 0 : i32
        %dma_start3A_101 = tpu.memref_slice %arg7[%add3A_67, %dma_start3A_100] : memref<114x88xi32, #tpu.memory_space<vmem>> -> memref<1x88xi32, #tpu.memory_space<vmem>>
        %dma_start3A_102 = tpu.memref_squeeze %dma_start3A_101 : memref<1x88xi32, #tpu.memory_space<vmem>> -> memref<88xi32, #tpu.memory_space<vmem>>
        %dma_start3A_103 = arith.constant 0 : i32
        %dma_start3A_104 = arith.constant 0 : i32
        %dma_start3A_105 = tpu.memref_slice %arg10[%dma_start3A_103, %dma_start3A_104] : memref<10240x128xf32, #tpu.memory_space<vmem_shared>> -> memref<10240x128xf32, #tpu.memory_space<vmem_shared>>
        tpu.enqueue_indirect_dma source(%arg8 : memref<88x128xf32, #tpu.memory_space<vmem>>) target(%dma_start3A_105 : memref<10240x128xf32, #tpu.memory_space<vmem_shared>>) offsets(%dma_start3A_102 : memref<88xi32, #tpu.memory_space<vmem>>) semaphore(%run_scoped3A : memref<!tpu.dma_semaphore, #tpu.memory_space<semaphore_mem>>) {add = true}
        %dma_wait3A_106 = arith.constant 0 : i32
        %dma_wait3A_107 = tpu.memref_slice %arg7[%add3A_67, %dma_wait3A_106] : memref<114x88xi32, #tpu.memory_space<vmem>> -> memref<1x88xi32, #tpu.memory_space<vmem>>
        %dma_wait3A_108 = tpu.memref_squeeze %dma_wait3A_107 : memref<1x88xi32, #tpu.memory_space<vmem>> -> memref<88xi32, #tpu.memory_space<vmem>>
        %dma_wait3A_109 = arith.constant 0 : i32
        %dma_wait3A_110 = arith.constant 0 : i32
        %dma_wait3A_111 = tpu.memref_slice %arg10[%dma_wait3A_109, %dma_wait3A_110] : memref<10240x128xf32, #tpu.memory_space<vmem_shared>> -> memref<10240x128xf32, #tpu.memory_space<vmem_shared>>
        tpu.wait_indirect_dma semaphore(%run_scoped3A : memref<!tpu.dma_semaphore, #tpu.memory_space<semaphore_mem>>) src(%arg8 : memref<88x128xf32, #tpu.memory_space<vmem>>) dst(%dma_wait3A_111 : memref<10240x128xf32, #tpu.memory_space<vmem_shared>>)
        tpu.yield
      }) : () -> ()
      %add3A_77 = arith.constant 2 : i32
      %add3A_78 = arith.addi %add3A_67, %add3A_77 : i32
      %lt3A = arith.constant 114 : i32
      %lt3A_79 = arith.cmpi slt, %add3A_78, %lt3A : i32
      %convert_element_type3A = arith.extui %lt3A_79 : i1 to i32
      %cond3A = arith.constant 0 : i32
      %cond3A_80 = arith.cmpi ne, %convert_element_type3A, %cond3A : i32
      scf.if %cond3A_80 {
        %add3A_100 = arith.constant 2 : i32
        %add3A_101 = arith.addi %add3A_67, %add3A_100 : i32
        %mul3A_102 = arith.constant 88 : i32
        %mul3A_103 = arith.muli %add3A_101, %mul3A_102 : i32
        %dma_start3A_104 = tpu.memref_slice %arg6[%mul3A_103] : memref<10032xi32, #tpu.memory_space<vmem>> -> memref<88xi32, #tpu.memory_space<vmem>>
        %dma_start3A_105 = arith.constant 0 : i32
        %dma_start3A_106 = arith.constant 0 : i32
        %dma_start3A_107 = tpu.memref_slice %arg2[%arg0, %dma_start3A_105, %dma_start3A_106] : memref<2x10000x128xf32, #tpu.memory_space<hbm>> -> memref<1x10000x128xf32, #tpu.memory_space<hbm>>
        %dma_start3A_108 = tpu.memref_squeeze %dma_start3A_107 : memref<1x10000x128xf32, #tpu.memory_space<hbm>> -> memref<10000x128xf32, #tpu.memory_space<hbm>>
        %dma_start3A_109 = arith.constant 0 : i32
        %dma_start3A_110 = arith.constant 0 : i32
        %dma_start3A_111 = tpu.memref_slice %dma_start3A_108[%dma_start3A_109, %dma_start3A_110] : memref<10000x128xf32, #tpu.memory_space<hbm>> -> memref<10000x128xf32, #tpu.memory_space<hbm>>
        tpu.enqueue_indirect_dma source(%dma_start3A_111 : memref<10000x128xf32, #tpu.memory_space<hbm>>) target(%arg8 : memref<88x128xf32, #tpu.memory_space<vmem>>) offsets(%dma_start3A_104 : memref<88xi32, #tpu.memory_space<vmem>>) semaphore(%arg11 : memref<!tpu.dma_semaphore, #tpu.memory_space<semaphore_mem>>)
      } else {
      }
      %add3A_81 = arith.constant 1 : i32
      %add3A_82 = arith.addi %mul3A_65, %add3A_81 : i32
      %mul3A_83 = arith.constant 88 : i32
      %mul3A_84 = arith.muli %add3A_82, %mul3A_83 : i32
      %dma_wait3A_85 = tpu.memref_slice %arg6[%mul3A_84] : memref<10032xi32, #tpu.memory_space<vmem>> -> memref<88xi32, #tpu.memory_space<vmem>>
      %dma_wait3A_86 = arith.constant 0 : i32
      %dma_wait3A_87 = arith.constant 0 : i32
      %dma_wait3A_88 = tpu.memref_slice %arg2[%arg0, %dma_wait3A_86, %dma_wait3A_87] : memref<2x10000x128xf32, #tpu.memory_space<hbm>> -> memref<1x10000x128xf32, #tpu.memory_space<hbm>>
      %dma_wait3A_89 = tpu.memref_squeeze %dma_wait3A_88 : memref<1x10000x128xf32, #tpu.memory_space<hbm>> -> memref<10000x128xf32, #tpu.memory_space<hbm>>
      %dma_wait3A_90 = arith.constant 0 : i32
      %dma_wait3A_91 = arith.constant 0 : i32
      %dma_wait3A_92 = tpu.memref_slice %dma_wait3A_89[%dma_wait3A_90, %dma_wait3A_91] : memref<10000x128xf32, #tpu.memory_space<hbm>> -> memref<10000x128xf32, #tpu.memory_space<hbm>>
      tpu.wait_indirect_dma semaphore(%arg12 : memref<!tpu.dma_semaphore, #tpu.memory_space<semaphore_mem>>) src(%dma_wait3A_92 : memref<10000x128xf32, #tpu.memory_space<hbm>>) dst(%arg9 : memref<88x128xf32, #tpu.memory_space<vmem>>)
      "tpu.region"() ({
        %run_scoped3A = tpu.sem_alloc : memref<!tpu.dma_semaphore, #tpu.memory_space<semaphore_mem>>
        %dma_start3A_100 = arith.constant 0 : i32
        %dma_start3A_101 = tpu.memref_slice %arg7[%add3A_82, %dma_start3A_100] : memref<114x88xi32, #tpu.memory_space<vmem>> -> memref<1x88xi32, #tpu.memory_space<vmem>>
        %dma_start3A_102 = tpu.memref_squeeze %dma_start3A_101 : memref<1x88xi32, #tpu.memory_space<vmem>> -> memref<88xi32, #tpu.memory_space<vmem>>
        %dma_start3A_103 = arith.constant 0 : i32
        %dma_start3A_104 = arith.constant 0 : i32
        %dma_start3A_105 = tpu.memref_slice %arg10[%dma_start3A_103, %dma_start3A_104] : memref<10240x128xf32, #tpu.memory_space<vmem_shared>> -> memref<10240x128xf32, #tpu.memory_space<vmem_shared>>
        tpu.enqueue_indirect_dma source(%arg9 : memref<88x128xf32, #tpu.memory_space<vmem>>) target(%dma_start3A_105 : memref<10240x128xf32, #tpu.memory_space<vmem_shared>>) offsets(%dma_start3A_102 : memref<88xi32, #tpu.memory_space<vmem>>) semaphore(%run_scoped3A : memref<!tpu.dma_semaphore, #tpu.memory_space<semaphore_mem>>) {add = true}
        %dma_wait3A_106 = arith.constant 0 : i32
        %dma_wait3A_107 = tpu.memref_slice %arg7[%add3A_82, %dma_wait3A_106] : memref<114x88xi32, #tpu.memory_space<vmem>> -> memref<1x88xi32, #tpu.memory_space<vmem>>
        %dma_wait3A_108 = tpu.memref_squeeze %dma_wait3A_107 : memref<1x88xi32, #tpu.memory_space<vmem>> -> memref<88xi32, #tpu.memory_space<vmem>>
        %dma_wait3A_109 = arith.constant 0 : i32
        %dma_wait3A_110 = arith.constant 0 : i32
        %dma_wait3A_111 = tpu.memref_slice %arg10[%dma_wait3A_109, %dma_wait3A_110] : memref<10240x128xf32, #tpu.memory_space<vmem_shared>> -> memref<10240x128xf32, #tpu.memory_space<vmem_shared>>
        tpu.wait_indirect_dma semaphore(%run_scoped3A : memref<!tpu.dma_semaphore, #tpu.memory_space<semaphore_mem>>) src(%arg9 : memref<88x128xf32, #tpu.memory_space<vmem>>) dst(%dma_wait3A_111 : memref<10240x128xf32, #tpu.memory_space<vmem_shared>>)
        tpu.yield
      }) : () -> ()
      %add3A_93 = arith.constant 2 : i32
      %add3A_94 = arith.addi %add3A_82, %add3A_93 : i32
      %lt3A_95 = arith.constant 114 : i32
      %lt3A_96 = arith.cmpi slt, %add3A_94, %lt3A_95 : i32
      %convert_element_type3A_97 = arith.extui %lt3A_96 : i1 to i32
      %cond3A_98 = arith.constant 0 : i32
      %cond3A_99 = arith.cmpi ne, %convert_element_type3A_97, %cond3A_98 : i32
      scf.if %cond3A_99 {
        %add3A_100 = arith.constant 2 : i32
        %add3A_101 = arith.addi %add3A_82, %add3A_100 : i32
        %mul3A_102 = arith.constant 88 : i32
        %mul3A_103 = arith.muli %add3A_101, %mul3A_102 : i32
        %dma_start3A_104 = tpu.memref_slice %arg6[%mul3A_103] : memref<10032xi32, #tpu.memory_space<vmem>> -> memref<88xi32, #tpu.memory_space<vmem>>
        %dma_start3A_105 = arith.constant 0 : i32
        %dma_start3A_106 = arith.constant 0 : i32
        %dma_start3A_107 = tpu.memref_slice %arg2[%arg0, %dma_start3A_105, %dma_start3A_106] : memref<2x10000x128xf32, #tpu.memory_space<hbm>> -> memref<1x10000x128xf32, #tpu.memory_space<hbm>>
        %dma_start3A_108 = tpu.memref_squeeze %dma_start3A_107 : memref<1x10000x128xf32, #tpu.memory_space<hbm>> -> memref<10000x128xf32, #tpu.memory_space<hbm>>
        %dma_start3A_109 = arith.constant 0 : i32
        %dma_start3A_110 = arith.constant 0 : i32
        %dma_start3A_111 = tpu.memref_slice %dma_start3A_108[%dma_start3A_109, %dma_start3A_110] : memref<10000x128xf32, #tpu.memory_space<hbm>> -> memref<10000x128xf32, #tpu.memory_space<hbm>>
        tpu.enqueue_indirect_dma source(%dma_start3A_111 : memref<10000x128xf32, #tpu.memory_space<hbm>>) target(%arg9 : memref<88x128xf32, #tpu.memory_space<vmem>>) offsets(%dma_start3A_104 : memref<88xi32, #tpu.memory_space<vmem>>) semaphore(%arg12 : memref<!tpu.dma_semaphore, #tpu.memory_space<semaphore_mem>>)
      } else {
      }
    }
    %scan3A_57 = arith.constant 57 : i32
    %barrier3A_58 = arith.constant 0 : index
    tpu.barrier barrier_id(%barrier3A_58)
    %mul3A_59 = arith.constant 640 : i32
    %mul3A_60 = arith.muli %arg1, %mul3A_59 : i32
    %mul3A_61 = arith.constant 640 : i32
    %mul3A_62 = arith.muli %arg1, %mul3A_61 : i32
    "tpu.region"() ({
      %run_scoped3A = tpu.sem_alloc : memref<!tpu.dma_semaphore, #tpu.memory_space<semaphore_mem>>
      %dma_start3A_63 = arith.constant 0 : i32
      %dma_start3A_64 = tpu.memref_slice %arg5[%arg0, %mul3A_62, %dma_start3A_63] : memref<2x10240x128xf32, #tpu.memory_space<hbm>> -> memref<1x640x128xf32, #tpu.memory_space<hbm>>
      %dma_start3A_65 = tpu.memref_squeeze %dma_start3A_64 : memref<1x640x128xf32, #tpu.memory_space<hbm>> -> memref<640x128xf32, #tpu.memory_space<hbm>>
      %dma_start3A_66 = arith.constant 0 : i32
      %dma_start3A_67 = tpu.memref_slice %arg10[%mul3A_60, %dma_start3A_66] : memref<10240x128xf32, #tpu.memory_space<vmem_shared>> -> memref<640x128xf32, #tpu.memory_space<vmem_shared>>
      tpu.enqueue_dma source(%dma_start3A_67 : memref<640x128xf32, #tpu.memory_space<vmem_shared>>) target(%dma_start3A_65 : memref<640x128xf32, #tpu.memory_space<hbm>>) target_semaphore(%run_scoped3A : memref<!tpu.dma_semaphore, #tpu.memory_space<semaphore_mem>>)
      %dma_wait3A = arith.constant 0 : i32
      %dma_wait3A_68 = tpu.memref_slice %arg5[%arg0, %mul3A_62, %dma_wait3A] : memref<2x10240x128xf32, #tpu.memory_space<hbm>> -> memref<1x640x128xf32, #tpu.memory_space<hbm>>
      %dma_wait3A_69 = tpu.memref_squeeze %dma_wait3A_68 : memref<1x640x128xf32, #tpu.memory_space<hbm>> -> memref<640x128xf32, #tpu.memory_space<hbm>>
      %dma_wait3A_70 = arith.constant 0 : i32
      %dma_wait3A_71 = tpu.memref_slice %arg10[%mul3A_60, %dma_wait3A_70] : memref<10240x128xf32, #tpu.memory_space<vmem_shared>> -> memref<640x128xf32, #tpu.memory_space<vmem_shared>>
      tpu.wait_dma2 semaphore(%run_scoped3A : memref<!tpu.dma_semaphore, #tpu.memory_space<semaphore_mem>>) src(%dma_wait3A_71 : memref<640x128xf32, #tpu.memory_space<vmem_shared>>) dst(%dma_wait3A_69 : memref<640x128xf32, #tpu.memory_space<hbm>>)
      tpu.yield
    }) : () -> ()
    return
  }
}

module attributes {stable_mosaic.version = 14 : i64} {
  func.func @_dense1_body(%arg0: i32, %arg1: memref<1000x128xf32, #tpu.memory_space<vmem>>, %arg2: memref<128x128xf32, #tpu.memory_space<vmem>>, %arg3: memref<1x128xf32, #tpu.memory_space<vmem>>, %arg4: memref<1000x128xf32, #tpu.memory_space<vmem>>) attributes {dimension_semantics = [#tpu.dimension_semantics<arbitrary>], iteration_bounds = array<i64: 10>, scalar_prefetch = 0 : i64, scratch_operands = 0 : i64, tpu.core_type = #tpu.core_type<tc>, window_params = [{transform_indices = @transform_0, window_bounds = array<i64: 1000, 128>}, {pipeline_mode = #tpu.pipeline_mode<synchronous>, transform_indices = @transform_1, window_bounds = array<i64: 128, 128>}, {pipeline_mode = #tpu.pipeline_mode<synchronous>, transform_indices = @transform_2, window_bounds = array<i64: 1, 128>}, {transform_indices = @transform_3, window_bounds = array<i64: 1000, 128>}]} {
    %get3A = arith.constant 0 : index
    %get3A_0 = arith.constant 0 : index
    %get3A_1 = vector.load %arg1[%get3A, %get3A_0] : memref<1000x128xf32, #tpu.memory_space<vmem>>, vector<1000x128xf32>
    %get3A_2 = arith.constant 0 : index
    %get3A_3 = arith.constant 0 : index
    %get3A_4 = vector.load %arg2[%get3A_2, %get3A_3] : memref<128x128xf32, #tpu.memory_space<vmem>>, vector<128x128xf32>
    %dot_general3A = arith.constant dense<0.000000e+00> : vector<1000x128xf32>
    %dot_general3A_5 = tpu.matmul %get3A_1, %get3A_4, %dot_general3A {dimension_numbers = #tpu.dot_dimension_numbers<[1], [0], [0], [1], [0, 0, 1, 1], [], []>, transpose_lhs_hint = false} : vector<1000x128xf32>, vector<128x128xf32>, vector<1000x128xf32> -> vector<1000x128xf32>
    %get3A_6 = arith.constant 0 : index
    %get3A_7 = arith.constant 0 : index
    %get3A_8 = vector.load %arg3[%get3A_6, %get3A_7] : memref<1x128xf32, #tpu.memory_space<vmem>>, vector<1x128xf32>
    %add3A = vector.broadcast %get3A_8 : vector<1x128xf32> to vector<1000x128xf32>
    %add3A_9 = arith.addf %dot_general3A_5, %add3A : vector<1000x128xf32>
    %swap3A = arith.constant 0 : index
    %swap3A_10 = arith.constant 0 : index
    %swap3A_11 = vector.load %arg4[%swap3A, %swap3A_10] : memref<1000x128xf32, #tpu.memory_space<vmem>>, vector<1000x128xf32>
    tpu.vector_store %arg4[%swap3A, %swap3A_10], %add3A_9 {strides = array<i32>} : memref<1000x128xf32, #tpu.memory_space<vmem>>, vector<1000x128xf32>,
    return
  }
  func.func @transform_0(%arg0: i32) -> (i32, i32) {
    %c0_i32 = arith.constant 0 : i32
    %c0_i32_0 = arith.constant 0 : i32
    return %arg0, %c0_i32 : i32, i32
  }
  func.func @transform_1(%arg0: i32) -> (i32, i32) {
    %c0_i32 = arith.constant 0 : i32
    %c0_i32_0 = arith.constant 0 : i32
    %c0_i32_1 = arith.constant 0 : i32
    return %c0_i32, %c0_i32_0 : i32, i32
  }
  func.func @transform_2(%arg0: i32) -> (i32, i32) {
    %c0_i32 = arith.constant 0 : i32
    %c0_i32_0 = arith.constant 0 : i32
    %c0_i32_1 = arith.constant 0 : i32
    return %c0_i32, %c0_i32_0 : i32, i32
  }
  func.func @transform_3(%arg0: i32) -> (i32, i32) {
    %c0_i32 = arith.constant 0 : i32
    %c0_i32_0 = arith.constant 0 : i32
    return %arg0, %c0_i32 : i32, i32
  }
}

module attributes {stable_mosaic.version = 14 : i64} {
  func.func @_dinv_body(%arg0: memref<2x10240xf32, #tpu.memory_space<vmem>>, %arg1: memref<1x10240xf32, #tpu.memory_space<vmem>>) attributes {dimension_semantics = [], scalar_prefetch = 0 : i64, scratch_operands = 0 : i64, tpu.core_type = #tpu.core_type<tc>} {
    %get3A = arith.constant 0 : index
    %get3A_0 = arith.constant 0 : index
    %get3A_1 = vector.load %arg0[%get3A, %get3A_0] : memref<2x10240xf32, #tpu.memory_space<vmem>>, vector<1x10240xf32>
    %get3A_2 = arith.constant 1 : index
    %get3A_3 = arith.constant 0 : index
    %get3A_4 = vector.load %arg0[%get3A_2, %get3A_3] : memref<2x10240xf32, #tpu.memory_space<vmem>>, vector<1x10240xf32>
    %add3A = arith.addf %get3A_1, %get3A_4 : vector<1x10240xf32>
    %add3A_5 = arith.constant 1.000000e+00 : f32
    %add3A_6 = vector.broadcast %add3A_5 : f32 to vector<1x10240xf32>
    %add3A_7 = arith.addf %add3A, %add3A_6 : vector<1x10240xf32>
    %rsqrt3A = math.rsqrt %add3A_7 : vector<1x10240xf32>
    %swap3A = arith.constant 0 : index
    %swap3A_8 = arith.constant 0 : index
    %swap3A_9 = vector.load %arg1[%swap3A, %swap3A_8] : memref<1x10240xf32, #tpu.memory_space<vmem>>, vector<1x10240xf32>
    tpu.vector_store %arg1[%swap3A, %swap3A_8], %rsqrt3A {strides = array<i32>} : memref<1x10240xf32, #tpu.memory_space<vmem>>, vector<1x10240xf32>,
    return
  }
}

module attributes {stable_mosaic.version = 14 : i64} {
  func.func @_u0_body(%arg0: i32, %arg1: memref<1000x1xf32, #tpu.memory_space<vmem>>, %arg2: memref<1000x128xf32, #tpu.memory_space<vmem>>, %arg3: memref<2x1000x128xf32, #tpu.memory_space<vmem>>) attributes {dimension_semantics = [#tpu.dimension_semantics<arbitrary>], iteration_bounds = array<i64: 10>, scalar_prefetch = 0 : i64, scratch_operands = 0 : i64, tpu.core_type = #tpu.core_type<tc>, window_params = [{transform_indices = @transform_0, window_bounds = array<i64: 1000, 1>}, {transform_indices = @transform_1, window_bounds = array<i64: 1000, 128>}, {transform_indices = @transform_2, window_bounds = array<i64: 2, 1000, 128>}]} {
    %get3A = arith.constant 0 : index
    %get3A_0 = arith.constant 0 : index
    %get3A_1 = vector.load %arg1[%get3A, %get3A_0] : memref<1000x1xf32, #tpu.memory_space<vmem>>, vector<1000x1xf32>
    %get3A_2 = arith.constant 0 : index
    %get3A_3 = arith.constant 0 : index
    %get3A_4 = vector.load %arg2[%get3A_2, %get3A_3] : memref<1000x128xf32, #tpu.memory_space<vmem>>, vector<1000x128xf32>
    %mul3A = vector.broadcast %get3A_1 : vector<1000x1xf32> to vector<1000x128xf32>
    %mul3A_5 = arith.mulf %mul3A, %get3A_4 : vector<1000x128xf32>
    %swap3A = arith.constant 0 : index
    %swap3A_6 = arith.constant 0 : index
    %swap3A_7 = arith.constant 0 : index
    %swap3A_8 = vector.load %arg3[%swap3A, %swap3A_6, %swap3A_7] : memref<2x1000x128xf32, #tpu.memory_space<vmem>>, vector<1x1000x128xf32>
    %swap3A_9 = vector.shape_cast %swap3A_8 : vector<1x1000x128xf32> to vector<1000x128xf32>
    %swap3A_10 = vector.shape_cast %mul3A_5 : vector<1000x128xf32> to vector<1x1000x128xf32>
    tpu.vector_store %arg3[%swap3A, %swap3A_6, %swap3A_7], %swap3A_10 {strides = array<i32>} : memref<2x1000x128xf32, #tpu.memory_space<vmem>>, vector<1x1000x128xf32>,
    %swap3A_11 = arith.constant 1 : index
    %swap3A_12 = arith.constant 0 : index
    %swap3A_13 = arith.constant 0 : index
    %swap3A_14 = vector.load %arg3[%swap3A_11, %swap3A_12, %swap3A_13] : memref<2x1000x128xf32, #tpu.memory_space<vmem>>, vector<1x1000x128xf32>
    %swap3A_15 = vector.shape_cast %swap3A_14 : vector<1x1000x128xf32> to vector<1000x128xf32>
    %swap3A_16 = vector.shape_cast %mul3A_5 : vector<1000x128xf32> to vector<1x1000x128xf32>
    tpu.vector_store %arg3[%swap3A_11, %swap3A_12, %swap3A_13], %swap3A_16 {strides = array<i32>} : memref<2x1000x128xf32, #tpu.memory_space<vmem>>, vector<1x1000x128xf32>,
    return
  }
  func.func @transform_0(%arg0: i32) -> (i32, i32) {
    %c0_i32 = arith.constant 0 : i32
    %c0_i32_0 = arith.constant 0 : i32
    return %arg0, %c0_i32 : i32, i32
  }
  func.func @transform_1(%arg0: i32) -> (i32, i32) {
    %c0_i32 = arith.constant 0 : i32
    %c0_i32_0 = arith.constant 0 : i32
    return %arg0, %c0_i32 : i32, i32
  }
  func.func @transform_2(%arg0: i32) -> (i32, i32, i32) {
    %c0_i32 = arith.constant 0 : i32
    %c0_i32_0 = arith.constant 0 : i32
    %c0_i32_1 = arith.constant 0 : i32
    return %c0_i32, %arg0, %c0_i32_0 : i32, i32, i32
  }
}

module attributes {stable_mosaic.version = 14 : i64} {
  func.func @_combine_body(%arg0: i32, %arg1: memref<2x1000x128xf32, #tpu.memory_space<vmem>>, %arg2: memref<2x1000x128xf32, #tpu.memory_space<vmem>>, %arg3: memref<1000x128xf32, #tpu.memory_space<vmem>>, %arg4: memref<1000x1xf32, #tpu.memory_space<vmem>>, %arg5: memref<2x1000x128xf32, #tpu.memory_space<vmem>>) attributes {dimension_semantics = [#tpu.dimension_semantics<arbitrary>], iteration_bounds = array<i64: 10>, scalar_prefetch = 0 : i64, scratch_operands = 0 : i64, tpu.core_type = #tpu.core_type<tc>, window_params = [{transform_indices = @transform_0, window_bounds = array<i64: 2, 1000, 128>}, {transform_indices = @transform_1, window_bounds = array<i64: 2, 1000, 128>}, {transform_indices = @transform_2, window_bounds = array<i64: 1000, 128>}, {transform_indices = @transform_3, window_bounds = array<i64: 1000, 1>}, {transform_indices = @transform_4, window_bounds = array<i64: 2, 1000, 128>}]} {
    %get3A = arith.constant 0 : index
    %get3A_0 = arith.constant 0 : index
    %get3A_1 = vector.load %arg4[%get3A, %get3A_0] : memref<1000x1xf32, #tpu.memory_space<vmem>>, vector<1000x1xf32>
    %get3A_2 = arith.constant 0 : index
    %get3A_3 = arith.constant 0 : index
    %get3A_4 = arith.constant 0 : index
    %get3A_5 = vector.load %arg1[%get3A_2, %get3A_3, %get3A_4] : memref<2x1000x128xf32, #tpu.memory_space<vmem>>, vector<1x1000x128xf32>
    %get3A_6 = vector.shape_cast %get3A_5 : vector<1x1000x128xf32> to vector<1000x128xf32>
    %get3A_7 = arith.constant 1 : index
    %get3A_8 = arith.constant 0 : index
    %get3A_9 = arith.constant 0 : index
    %get3A_10 = vector.load %arg1[%get3A_7, %get3A_8, %get3A_9] : memref<2x1000x128xf32, #tpu.memory_space<vmem>>, vector<1x1000x128xf32>
    %get3A_11 = vector.shape_cast %get3A_10 : vector<1x1000x128xf32> to vector<1000x128xf32>
    %add3A = arith.addf %get3A_6, %get3A_11 : vector<1000x128xf32>
    %get3A_12 = arith.constant 0 : index
    %get3A_13 = arith.constant 0 : index
    %get3A_14 = arith.constant 0 : index
    %get3A_15 = vector.load %arg2[%get3A_12, %get3A_13, %get3A_14] : memref<2x1000x128xf32, #tpu.memory_space<vmem>>, vector<1x1000x128xf32>
    %get3A_16 = vector.shape_cast %get3A_15 : vector<1x1000x128xf32> to vector<1000x128xf32>
    %add3A_17 = arith.addf %add3A, %get3A_16 : vector<1000x128xf32>
    %mul3A = arith.constant 5.000000e-01 : f32
    %mul3A_18 = vector.broadcast %mul3A : f32 to vector<1000x1xf32>
    %mul3A_19 = arith.mulf %mul3A_18, %get3A_1 : vector<1000x1xf32>
    %mul3A_20 = vector.broadcast %get3A_1 : vector<1000x1xf32> to vector<1000x128xf32>
    %mul3A_21 = arith.mulf %mul3A_20, %add3A_17 : vector<1000x128xf32>
    %get3A_22 = arith.constant 0 : index
    %get3A_23 = arith.constant 0 : index
    %get3A_24 = vector.load %arg3[%get3A_22, %get3A_23] : memref<1000x128xf32, #tpu.memory_space<vmem>>, vector<1000x128xf32>
    %add3A_25 = arith.addf %mul3A_21, %get3A_24 : vector<1000x128xf32>
    %mul3A_26 = vector.broadcast %mul3A_19 : vector<1000x1xf32> to vector<1000x128xf32>
    %mul3A_27 = arith.mulf %mul3A_26, %add3A_25 : vector<1000x128xf32>
    %swap3A = arith.constant 0 : index
    %swap3A_28 = arith.constant 0 : index
    %swap3A_29 = arith.constant 0 : index
    %swap3A_30 = vector.load %arg5[%swap3A, %swap3A_28, %swap3A_29] : memref<2x1000x128xf32, #tpu.memory_space<vmem>>, vector<1x1000x128xf32>
    %swap3A_31 = vector.shape_cast %swap3A_30 : vector<1x1000x128xf32> to vector<1000x128xf32>
    %swap3A_32 = vector.shape_cast %mul3A_27 : vector<1000x128xf32> to vector<1x1000x128xf32>
    tpu.vector_store %arg5[%swap3A, %swap3A_28, %swap3A_29], %swap3A_32 {strides = array<i32>} : memref<2x1000x128xf32, #tpu.memory_space<vmem>>, vector<1x1000x128xf32>,
    %swap3A_33 = arith.constant 1 : index
    %swap3A_34 = arith.constant 0 : index
    %swap3A_35 = arith.constant 0 : index
    %swap3A_36 = vector.load %arg5[%swap3A_33, %swap3A_34, %swap3A_35] : memref<2x1000x128xf32, #tpu.memory_space<vmem>>, vector<1x1000x128xf32>
    %swap3A_37 = vector.shape_cast %swap3A_36 : vector<1x1000x128xf32> to vector<1000x128xf32>
    %swap3A_38 = vector.shape_cast %mul3A_27 : vector<1000x128xf32> to vector<1x1000x128xf32>
    tpu.vector_store %arg5[%swap3A_33, %swap3A_34, %swap3A_35], %swap3A_38 {strides = array<i32>} : memref<2x1000x128xf32, #tpu.memory_space<vmem>>, vector<1x1000x128xf32>,
    return
  }
  func.func @transform_0(%arg0: i32) -> (i32, i32, i32) {
    %c0_i32 = arith.constant 0 : i32
    %c0_i32_0 = arith.constant 0 : i32
    %c0_i32_1 = arith.constant 0 : i32
    return %c0_i32, %arg0, %c0_i32_0 : i32, i32, i32
  }
  func.func @transform_1(%arg0: i32) -> (i32, i32, i32) {
    %c0_i32 = arith.constant 0 : i32
    %c0_i32_0 = arith.constant 0 : i32
    %c0_i32_1 = arith.constant 0 : i32
    return %c0_i32, %arg0, %c0_i32_0 : i32, i32, i32
  }
  func.func @transform_2(%arg0: i32) -> (i32, i32) {
    %c0_i32 = arith.constant 0 : i32
    %c0_i32_0 = arith.constant 0 : i32
    return %arg0, %c0_i32 : i32, i32
  }
  func.func @transform_3(%arg0: i32) -> (i32, i32) {
    %c0_i32 = arith.constant 0 : i32
    %c0_i32_0 = arith.constant 0 : i32
    return %arg0, %c0_i32 : i32, i32
  }
  func.func @transform_4(%arg0: i32) -> (i32, i32, i32) {
    %c0_i32 = arith.constant 0 : i32
    %c0_i32_0 = arith.constant 0 : i32
    %c0_i32_1 = arith.constant 0 : i32
    return %c0_i32, %arg0, %c0_i32_0 : i32, i32, i32
  }
}

module attributes {stable_mosaic.version = 14 : i64} {
  func.func @_final_body(%arg0: i32, %arg1: memref<2x1000x128xf32, #tpu.memory_space<vmem>>, %arg2: memref<2x1000x128xf32, #tpu.memory_space<vmem>>, %arg3: memref<1000x128xf32, #tpu.memory_space<vmem>>, %arg4: memref<1000x1xf32, #tpu.memory_space<vmem>>, %arg5: memref<128x128xf32, #tpu.memory_space<vmem>>, %arg6: memref<1x128xf32, #tpu.memory_space<vmem>>, %arg7: memref<1000x128xf32, #tpu.memory_space<vmem>>) attributes {dimension_semantics = [#tpu.dimension_semantics<arbitrary>], iteration_bounds = array<i64: 10>, scalar_prefetch = 0 : i64, scratch_operands = 0 : i64, tpu.core_type = #tpu.core_type<tc>, window_params = [{transform_indices = @transform_0, window_bounds = array<i64: 2, 1000, 128>}, {transform_indices = @transform_1, window_bounds = array<i64: 2, 1000, 128>}, {transform_indices = @transform_2, window_bounds = array<i64: 1000, 128>}, {transform_indices = @transform_3, window_bounds = array<i64: 1000, 1>}, {pipeline_mode = #tpu.pipeline_mode<synchronous>, transform_indices = @transform_4, window_bounds = array<i64: 128, 128>}, {pipeline_mode = #tpu.pipeline_mode<synchronous>, transform_indices = @transform_5, window_bounds = array<i64: 1, 128>}, {transform_indices = @transform_6, window_bounds = array<i64: 1000, 128>}]} {
    %get3A = arith.constant 0 : index
    %get3A_0 = arith.constant 0 : index
    %get3A_1 = arith.constant 0 : index
    %get3A_2 = vector.load %arg1[%get3A, %get3A_0, %get3A_1] : memref<2x1000x128xf32, #tpu.memory_space<vmem>>, vector<1x1000x128xf32>
    %get3A_3 = vector.shape_cast %get3A_2 : vector<1x1000x128xf32> to vector<1000x128xf32>
    %get3A_4 = arith.constant 1 : index
    %get3A_5 = arith.constant 0 : index
    %get3A_6 = arith.constant 0 : index
    %get3A_7 = vector.load %arg1[%get3A_4, %get3A_5, %get3A_6] : memref<2x1000x128xf32, #tpu.memory_space<vmem>>, vector<1x1000x128xf32>
    %get3A_8 = vector.shape_cast %get3A_7 : vector<1x1000x128xf32> to vector<1000x128xf32>
    %add3A = arith.addf %get3A_3, %get3A_8 : vector<1000x128xf32>
    %get3A_9 = arith.constant 0 : index
    %get3A_10 = arith.constant 0 : index
    %get3A_11 = arith.constant 0 : index
    %get3A_12 = vector.load %arg2[%get3A_9, %get3A_10, %get3A_11] : memref<2x1000x128xf32, #tpu.memory_space<vmem>>, vector<1x1000x128xf32>
    %get3A_13 = vector.shape_cast %get3A_12 : vector<1x1000x128xf32> to vector<1000x128xf32>
    %add3A_14 = arith.addf %add3A, %get3A_13 : vector<1000x128xf32>
    %get3A_15 = arith.constant 0 : index
    %get3A_16 = arith.constant 0 : index
    %get3A_17 = vector.load %arg4[%get3A_15, %get3A_16] : memref<1000x1xf32, #tpu.memory_space<vmem>>, vector<1000x1xf32>
    %mul3A = vector.broadcast %get3A_17 : vector<1000x1xf32> to vector<1000x128xf32>
    %mul3A_18 = arith.mulf %mul3A, %add3A_14 : vector<1000x128xf32>
    %get3A_19 = arith.constant 0 : index
    %get3A_20 = arith.constant 0 : index
    %get3A_21 = vector.load %arg3[%get3A_19, %get3A_20] : memref<1000x128xf32, #tpu.memory_space<vmem>>, vector<1000x128xf32>
    %add3A_22 = arith.addf %mul3A_18, %get3A_21 : vector<1000x128xf32>
    %mul3A_23 = arith.constant 5.000000e-01 : f32
    %mul3A_24 = vector.broadcast %mul3A_23 : f32 to vector<1000x128xf32>
    %mul3A_25 = arith.mulf %mul3A_24, %add3A_22 : vector<1000x128xf32>
    %max3A = arith.constant 0.000000e+00 : f32
    %max3A_26 = vector.broadcast %max3A : f32 to vector<1000x128xf32>
    %max3A_27 = arith.maximumf %mul3A_25, %max3A_26 : vector<1000x128xf32>
    %get3A_28 = arith.constant 0 : index
    %get3A_29 = arith.constant 0 : index
    %get3A_30 = vector.load %arg5[%get3A_28, %get3A_29] : memref<128x128xf32, #tpu.memory_space<vmem>>, vector<128x128xf32>
    %dot_general3A = arith.constant dense<0.000000e+00> : vector<1000x128xf32>
    %dot_general3A_31 = tpu.matmul %max3A_27, %get3A_30, %dot_general3A {dimension_numbers = #tpu.dot_dimension_numbers<[1], [0], [0], [1], [0, 0, 1, 1], [], []>, transpose_lhs_hint = false} : vector<1000x128xf32>, vector<128x128xf32>, vector<1000x128xf32> -> vector<1000x128xf32>
    %get3A_32 = arith.constant 0 : index
    %get3A_33 = arith.constant 0 : index
    %get3A_34 = vector.load %arg6[%get3A_32, %get3A_33] : memref<1x128xf32, #tpu.memory_space<vmem>>, vector<1x128xf32>
    %add3A_35 = vector.broadcast %get3A_34 : vector<1x128xf32> to vector<1000x128xf32>
    %add3A_36 = arith.addf %dot_general3A_31, %add3A_35 : vector<1000x128xf32>
    %swap3A = arith.constant 0 : index
    %swap3A_37 = arith.constant 0 : index
    %swap3A_38 = vector.load %arg7[%swap3A, %swap3A_37] : memref<1000x128xf32, #tpu.memory_space<vmem>>, vector<1000x128xf32>
    tpu.vector_store %arg7[%swap3A, %swap3A_37], %add3A_36 {strides = array<i32>} : memref<1000x128xf32, #tpu.memory_space<vmem>>, vector<1000x128xf32>,
    return
  }
  func.func @transform_0(%arg0: i32) -> (i32, i32, i32) {
    %c0_i32 = arith.constant 0 : i32
    %c0_i32_0 = arith.constant 0 : i32
    %c0_i32_1 = arith.constant 0 : i32
    return %c0_i32, %arg0, %c0_i32_0 : i32, i32, i32
  }
  func.func @transform_1(%arg0: i32) -> (i32, i32, i32) {
    %c0_i32 = arith.constant 0 : i32
    %c0_i32_0 = arith.constant 0 : i32
    %c0_i32_1 = arith.constant 0 : i32
    return %c0_i32, %arg0, %c0_i32_0 : i32, i32, i32
  }
  func.func @transform_2(%arg0: i32) -> (i32, i32) {
    %c0_i32 = arith.constant 0 : i32
    %c0_i32_0 = arith.constant 0 : i32
    return %arg0, %c0_i32 : i32, i32
  }
  func.func @transform_3(%arg0: i32) -> (i32, i32) {
    %c0_i32 = arith.constant 0 : i32
    %c0_i32_0 = arith.constant 0 : i32
    return %arg0, %c0_i32 : i32, i32
  }
  func.func @transform_4(%arg0: i32) -> (i32, i32) {
    %c0_i32 = arith.constant 0 : i32
    %c0_i32_0 = arith.constant 0 : i32
    %c0_i32_1 = arith.constant 0 : i32
    return %c0_i32, %c0_i32_0 : i32, i32
  }
  func.func @transform_5(%arg0: i32) -> (i32, i32) {
    %c0_i32 = arith.constant 0 : i32
    %c0_i32_0 = arith.constant 0 : i32
    %c0_i32_1 = arith.constant 0 : i32
    return %c0_i32, %c0_i32_0 : i32, i32
  }
  func.func @transform_6(%arg0: i32) -> (i32, i32) {
    %c0_i32 = arith.constant 0 : i32
    %c0_i32_0 = arith.constant 0 : i32
    return %arg0, %c0_i32 : i32, i32
  }
}

</mosaic_0001>

<sc_bundles>
// kernel: kernel.16.cloned.1.call-start
scs
__scs_entry_jumppad:
0x0: {  	(pc) =	sbr.rel $0x88, $3  }
0x1: {  	(tag) =	ssettag $0x0;
	lr =	simm.s32 $0x1  }
0x2: {  	[smem:$0x3F9B] =	sst lr;
	_ =	strace $0xD0000000  }
0x3: {  	_ = 	snop  }
0x4: {  	_ = 	snop  }
0x5: {  	_ = 	snop  }
0x6: {  	_ = 	snop  }
0x7: {  	_ = 	snop  }
__scs_overlays_trampoline_lowered:
0x8: {  	[smem:$0x3FAA] =	sst s0  }
0x9: {  	[smem:$0x3FAB] =	sst s1  }
0xa: {  	[smem:$0x3FAC] =	sst s2  }
0xb: {  	[smem:$0x3FAD] =	sst s3  }
0xc: {  	[smem:$0x3FAE] =	sst s4  }
0xd: {  	[smem:$0x3FAF] =	sst s5  }
0xe: {  	[smem:$0x3FB0] =	sst s6  }
0xf: {  	[smem:$0x3FB1] =	sst s7  }
0x10: {  	[smem:$0x3FB2] =	sst s8  }
0x11: {  	[smem:$0x3FB3] =	sst s9;
	s0 =	simm.s32 @!p0 $0x0  }
0x12: {  	s1 =	sld [smem:$0x3F99];
	s0 =	simm.s32 @p0 $0x1  }
0x13: {  	[smem:$0x3FB4] =	sst s0;
	s0 =	simm.s32 @!p1 $0x0  }
0x14: {  	s2 =	sld [smem:$0x3F98];
	s0 =	simm.s32 @p1 $0x1  }
0x15: {  	[smem:$0x3FB5] =	sst s0;
	s0 =	simm.s32 @!p2 $0x0  }
0x16: {  	s3 =	sld [smem:$0x3FDB];
	s0 =	simm.s32 @p2 $0x1  }
0x17: {  	s4 =	simm.s32 $0x1BF5;
	[smem:$0x3FB7] =	sst s0  }
0x18: {  	s0 =	sld [smem:$0x3F9A];
	_ =	swait.ge [sflag:s4], $0x0  }
0x19: {  	s7 =	sld [smem:$0x3F9B]  }
0x1a: {  	s8 =	sadd.s32 $0xFFFFE003, lr  }
0x1b: {  	s9 =	sadd.s32 $0xFFFFFEF7, lr;
	s5 =	simm.s32 $0xFFFFFFFF;
	p2 =	slt.u32 s8, $0xFFFFF086  }
0x1c: {  	p1 =	slt.u32 s9, $0xF7A;
	s5 =	simm.s32 @!p2 $0x0  }
0x1d: {  	s5 =	simm.s32 @p1 $0x1;
	p0 =	seq.s32 s7, s2  }
0x1e: {  	s7 =	smul.u32 @!p0 $0xF7A, s2;
	p2 =	seq.s32 @!p0 s5, $0x0  }
0x1f: {  	s9 =	smul.u32 $0xF7A, s1;
	s8 =	simm.s32 @!p0 $0x1BF5;
	p2 =	por !p2, p0  }
0x20: {  	[sflag:s8] =	ssyncset.s32 @!p0 $0xFFFFF086;
	s6 =	sadd.s32 @!p0 s3, s7;
	s7 =	simm.s32 @!p0 $0x108  }
0x21: {  	s3 =	sadd.s32 s3, s9;
	s6 =	sadd.s32 @!p0 $0x88, s6;
	s7 =	simm.s32 @p2 $0x1082  }
0x22: {  	[simem:s7], [sflag:s8] =	dma.local @!p0 [hbm:s6], $0xF7A  }
0x23: {  	s9 =	sor.u32 $0xD0000000, s2;
	s6 =	simm.s32 $0x108;
	_ =	swait.ge @!p0 [sflag:s8], $0x0  }
0x24: {  	s3 =	sadd.s32 $0x88, s3;
	s6 =	simm.s32 @!p1 $0x1082;
	[sflag:s4] =	ssyncset.s32 $0xFFFFF086  }
0x25: {  	[simem:s6], [sflag:s4] =	dma.local [hbm:s3], $0xF7A  }
0x26: {  	[smem:$0x3F9B] =	sst s1;
	(tag) =	ssettag s2;
	_ =	strace s9  }
0x27: {  	s1 =	sld [smem:$0x3FAB]  }
0x28: {  	s2 =	sld [smem:$0x3FAC]  }
0x29: {  	s4 =	sld [smem:$0x3FAE]  }
0x2a: {  	p0 =	seq.s32 s5, $0x0;
	s5 =	sld [smem:$0x3FAF]  }
0x2b: {  	s6 =	sld [smem:$0x3FB0]  }
0x2c: {  	s7 =	sld [smem:$0x3FB1]  }
0x2d: {  	s3 =	simm.s32 $0x108;
	s8 =	sld [smem:$0x3FB2]  }
0x2e: {  	s3 =	simm.s32 @!p0 $0x1082;
	s9 =	sld [smem:$0x3FB3]  }
0x2f: {  	lr =	sadd.s32 s0, s3;
	s0 =	sld [smem:$0x3FAA]  }
0x30: {  	s3 =	sld [smem:$0x3FAD]  }
0x31: {  	[smem:$0x3FB6] =	sst s10  }
0x32: {  	s10 =	sld [smem:$0x3FB4];
	_ =	sdelay $0x3  }
0x33: {  	p0 =	seq.s32 s10, $0x1;
	s10 =	sld [smem:$0x3FB6];
	_ =	sdelay $0x3  }
0x34: {  	[smem:$0x3FB6] =	sst s10  }
0x35: {  	s10 =	sld [smem:$0x3FB5];
	_ =	sdelay $0x3  }
0x36: {  	p1 =	seq.s32 s10, $0x1;
	s10 =	sld [smem:$0x3FB6];
	_ =	sdelay $0x3  }
0x37: {  	[smem:$0x3FB6] =	sst s10  }
0x38: {  	s10 =	sld [smem:$0x3FB7]  }
0x39: {  	_ = 	snop;
	(pc) =	sbr.ind lr, $3  }
0x3a: {  	_ = 	snop  }
0x3b: {  	_ = 	snop  }
0x3c: {  	p2 =	seq.s32 s10, $0x1;
	s10 =	sld [smem:$0x3FB6]  }
0x3d: {  	_ =	shalt  }
0x3e: {  	_ =	shalt  }
0x3f: {  	_ =	shalt  }
0x40: {  	_ =	shalt  }
0x41: {  	_ =	shalt  }
0x42: {  	_ =	shalt  }
0x43: {  	_ =	shalt  }
0x44: {  	_ =	shalt  }
0x45: {  	_ =	shalt  }
0x46: {  	_ =	shalt  }
0x47: {  	_ =	shalt  }
0x48: {  	_ =	shalt  }
0x49: {  	_ =	shalt  }
0x4a: {  	_ =	shalt  }
0x4b: {  	_ =	shalt  }
0x4c: {  	_ =	shalt  }
0x4d: {  	_ =	shalt  }
0x4e: {  	_ =	shalt  }
0x4f: {  	_ =	shalt  }
0x50: {  	_ =	shalt  }
0x51: {  	_ =	shalt  }
0x52: {  	_ =	shalt  }
0x53: {  	_ =	shalt  }
0x54: {  	_ =	shalt  }
0x55: {  	_ =	shalt  }
0x56: {  	_ =	shalt  }
0x57: {  	_ =	shalt  }
0x58: {  	_ =	shalt  }
0x59: {  	_ =	shalt  }
0x5a: {  	_ =	shalt  }
0x5b: {  	_ =	shalt  }
0x5c: {  	_ =	shalt  }
0x5d: {  	_ =	shalt  }
0x5e: {  	_ =	shalt  }
0x5f: {  	_ =	shalt  }
0x60: {  	_ =	shalt  }
0x61: {  	_ =	shalt  }
0x62: {  	_ =	shalt  }
0x63: {  	_ =	shalt  }
0x64: {  	_ =	shalt  }
0x65: {  	_ =	shalt  }
0x66: {  	_ =	shalt  }
0x67: {  	_ =	shalt  }
0x68: {  	_ =	shalt  }
0x69: {  	_ =	shalt  }
0x6a: {  	_ =	shalt  }
0x6b: {  	_ =	shalt  }
0x6c: {  	_ =	shalt  }
0x6d: {  	_ =	shalt  }
0x6e: {  	_ =	shalt  }
0x6f: {  	_ =	shalt  }
0x70: {  	_ =	shalt  }
0x71: {  	_ =	shalt  }
0x72: {  	_ =	shalt  }
0x73: {  	_ =	shalt  }
0x74: {  	_ =	shalt  }
0x75: {  	_ =	shalt  }
0x76: {  	_ =	shalt  }
0x77: {  	_ =	shalt  }
0x78: {  	_ =	shalt  }
0x79: {  	_ =	shalt  }
0x7a: {  	_ =	shalt  }
0x7b: {  	_ =	shalt  }
0x7c: {  	_ =	shalt  }
0x7d: {  	_ =	shalt  }
0x7e: {  	_ =	shalt  }
0x7f: {  	_ =	shalt  }
0x80: {  	_ =	shalt  }
0x81: {  	_ =	shalt  }
0x82: {  	_ =	shalt  }
0x83: {  	_ =	shalt  }
0x84: {  	_ =	shalt  }
0x85: {  	_ =	shalt  }
0x86: {  	_ =	shalt  }
0x87: {  	_ =	shalt  }
.Lfunc_end0:
.L_simem_size_0:
called_computation_lowered:
.L_overlay_start_0:
0x88: {  	s2 =	sld [smem:$0x3FD9]  }
0x89: {  	s3 =	sld [smem:$0x3FFE];
	_ =	sdelay $0x1  }
0x8a: {  	s1 =	srdreg.scid  }
0x8b: {  	s0 =	sand.u32 $0x1, s1  }
0x8c: {  	s17 =	sshll.u32 s0, $0xA;
	s2 =	sadd.s32 s3, s2  }
0x8d: {  	s2 =	sadd.s32 s2, s17  }
0x8e: {  	[smem:$0x3FC2] =	sst s2  }
0x8f: {  	_ = 	snop  }
0x90: {  	s2 =	sld [smem:$0x3FD0];
	(tm) =	ssettm $0x1  }
0x91: {  	s18 =	sld [smem:$0x3FFB];
	_ =	sdelay $0x3  }
0x92: {  	_ =	strace s18  }
0x93: {  	s3 =	sld [smem:$0x3FFC];
	_ =	sdelay $0x3  }
0x94: {  	_ =	strace s3  }
0x95: {  	s3 =	sld [smem:$0x3FFD];
	_ =	sdelay $0x3  }
0x96: {  	_ =	strace s3  }
0x97: {  	_ =	strace $0x8FFFFFFF  }
0x98: {  	s19 =	sld [smem:$0x3FDB];
	_ =	sdelay $0x1  }
0x99: {  	s4 =	simm.s32 $_scs_section_size  }
0x9a: {  	s5 =	simm.s32 $_size__tile_overlayer_lowered;
	s6 =	simm.s32 $_tile_overlayer_lowered  }
0x9b: {  	s22 =	simm.s32 $0x1BFF;
	s21 =	sshll.u32 s6, $0x1;
	s3 =	sadd.s32 s4, s19  }
0x9c: {  	s7 =	simm.s32 $0x0;
	s20 =	sshll.u32 s5, $0x1;
	s5 =	sadd.s32 s21, s3  }
0x9d: {  	[timem:s7], [sflag:s22] =	dma.local [hbm:s5], s20  }
0x9e: {  	_ =	swait.ge [sflag:s22], s20  }
0x9f: {  	s4 =	ssub.s32 $0x0, s20;
	[sflag:s22] =	ssyncset.done $0x0  }
0xa0: {  	[sflag:s22] =	ssyncadd.s32 s4;
	_ =	sdelay $0x1  }
0xa1: {  	s23 =	simm.s32 $0x1B8B  }
0xa2: {  	_ =	swait.ge [sflag:s23], $0x1  }
0xa3: {  	[sflag:s23] =	ssyncset.done $0x0  }
0xa4: {  	s25 =	simm.s32 $0x1B8E;
	s24 =	sld [smem:$0x3FFE];
	[sflag:s23] =	ssyncadd.s32 $0xFFFFFFFF  }
0xa5: {  	s26 =	simm.s32 $execute0_lowered;
	[smem:$0x3FD2] =	sst s25  }
0xa6: {  	s5 =	sshll.u32 s26, $0x1;
	_ =	strace $0x80000046;
	[dreg:$0x1] =	wrdreg $0xFFFFFFFF  }
0xa7: {  	s28 =	simm.s32 $_size_execute0_lowered;
	s3 =	sadd.s32 s3, s5;
	[dreg:$0x0] =	wrdreg $0x0  }
0xa8: {  	s5 =	sshll.u32 s28, $0x1;
	[dreg:$0x2] =	wrdreg s3  }
0xa9: {  	[dreg:$0x3] =	wrdreg s5  }
0xaa: {  	[dreg:$0x4] =	wrdreg $0xC0  }
0xab: {  	_ =	task [dreg:s7], $0x5FFFF  }
0xac: {  	[dreg:$0x1] =	wrdreg $0xFFFFFFFF  }
0xad: {  	[dreg:$0x0] =	wrdreg $0x60  }
0xae: {  	[dreg:$0x2] =	wrdreg s2  }
0xaf: {  	[dreg:$0x3] =	wrdreg s24  }
0xb0: {  	[dreg:$0x4] =	wrdreg $0x43000  }
0xb1: {  	[dreg:$0x5] =	wrdreg $0x9  }
0xb2: {  	_ =	task.clear_ibuf [dreg:s7], $0x6FFFF;
	_ =	strace $0x90000046  }
0xb3: {  	s29 =	simm.s32 $0x9;
	_ =	strace $0x80000048  }
0xb4: {  	_ =	swait.ge [sflag:s29], $0x1  }
0xb5: {  	[sflag:s29] =	ssyncadd.s32 $0xFFFFFFFF  }
0xb6: {  	_ =	strace $0x90000048  }
0xb7: {  	_ =	sfence  }
0xb8: {  	s30 =	sld [smem:$0x0];
	_ =	sdelay $0x2  }
0xb9: {  	s31 =	sshll.u32 s1, $0xD;
	s1 =	sshrl.u32 s1, $0x2  }
0xba: {  	s3 =	sand.u32 $0x4000, s31;
	s1 =	sadd.s32 s1, s30  }
0xbb: {  	s0 =	sor.u32 s3, s0;
	s1 =	sshll.u32 s1, $0x11  }
0xbc: {  	s0 =	sor.u32 s1, s0  }
0xbd: {  	s0 =	sadd.s32 $0x8F2B, s0  }
0xbe: {  	[sflag:s0] =	ssyncadd.remote.s32 $0x1  }
0xbf: {  	_ =	sfence.sel $0xFFFF  }
0xc0: {  	[dreg:$0x0] =	wrdreg $0xFFFFFFFF;
	(pc) =	sbr.abs _section_cstart, $3  }
0xc1: {  	[dreg:$0x1] =	wrdreg $0xFFFFFFFF  }
0xc2: {  	_ =	task.clear_ibuf [dreg:s7], $0x2FFFF;
	_ =	strace $0x9FFFFFFF  }
0xc3: {  	(tm) =	ssettm $0x7FFFFFFF  }
tec
execute0_lowered:
.L_overlay_start_1:
0x0: {  	(tag) =	ssettag $0x1  }
0x1: {  	s4 =	rddreg [dreg:$0x0]  }
0x2: {  	s5 =	rddreg [dreg:$0x1]  }
0x3: {  	s2 =	rddreg [dreg:$0x2]  }
0x4: {  	s0 =	rddreg [dreg:$0x3]  }
0x5: {  	s6 =	srdreg.scid;
	s1 =	stileid.u32;
	s3 =	simm.s32 $0x0  }
0x6: {  	s11 =	simm.s32 $0x4000;
	s14 =	simm.s32 $0x20;
	s15 =	simm.s32 $0x10  }
0x7: {  	s16 =	simm.s32 $0x0;
	s6 =	sand.u32 $0x1, s6;
	s7 =	smul.u32 $0x500, s1  }
0x8: {  	[smem:$0x7FF] =	sst s3;
	s9 =	smul.u32 $0xA00, s1;
	s10 =	sshll.u32 s1, $0xB  }
0x9: {  	s12 =	sshll.u32 s1, $0x6;
	s8 =	sshll.u32 s6, $0x7;
	_ =	strace $0x80000047  }
0xa: {  	s30 =	ssub.s32 $0x2, s6;
	s6 =	sshll.u32 s6, $0xF;
	s4 =	sadd.s32 s4, s10  }
0xb: {  	s10 =	simm.s32 $0x50;
	s12 =	sor.u32 $0x1C01, s12;
	s7 =	sor.u32 s8, s7  }
0xc: {  	s31 =	sshrl.u32 s30, $0x1;
	s9 =	sshrl.u32 s9, $0x2;
	s7 =	sshrl.u32 s7, $0x3  }
0xd: {  	s4 =	sadd.s32 s6, s4;
	s8 =	ssub.s32 s30, s31;
	s7 =	sadd.s32 s7, s5  }
0xe: {  	s5 =	sadd.s32 s9, s2;
	s9 =	simm.s32 $0x4080;
	s6 =	sadd.s32 $0x2E00, s7  }
0xf: {  	v0 =	vimm.f32 $1.000000000e+00;
	v1 =	vimm.f32 $0.0e+00;
	s7 =	smax.u32 s8, $0x1;
	s8 =	simm.s32 $0x1;
	s13 =	sshrl.u32 s5, $0x3  }
.LBB2_1:
0x10: {  	[tilespmem:s3], [sflag:$0x1] =	stream.linear.gather [hbm4b:s4+s3], $0x3E80, $0x38;
	[tilespmem:$0x4580] =	vst v63  }
0x11: {  	_ =	swait.ge [sflag:s8], $0x3E80  }
0x12: {  	[sflag:s8] =	ssyncset.done $0x0  }
0x13: {  	[sflag:s8] =	ssyncadd.s32 $0xFFFFC180  }
0x14: {  	[tilespmem:$0x4000] =	vst v0  }
0x15: {  	[tilespmem:$0x4010] =	vst v0  }
0x16: {  	[tilespmem:$0x4020] =	vst v0  }
0x17: {  	[tilespmem:$0x4030] =	vst v0  }
0x18: {  	[tilespmem:$0x4040] =	vst v0  }
0x19: {  	[tilespmem:$0x4080] =	vst v1  }
0x1a: {  	[tilespmem:$0x4090] =	vst v1  }
0x1b: {  	[tilespmem:$0x40A0] =	vst v1  }
0x1c: {  	[tilespmem:$0x40B0] =	vst v1  }
0x1d: {  	[tilespmem:$0x40C0] =	vst v1  }
0x1e: {  	[tilespmem:$0x40D0] =	vst v1  }
0x1f: {  	[tilespmem:$0x40E0] =	vst v1  }
0x20: {  	[tilespmem:$0x40F0] =	vst v1  }
0x21: {  	[tilespmem:$0x4100] =	vst v1  }
0x22: {  	[tilespmem:$0x4110] =	vst v1  }
0x23: {  	[tilespmem:$0x4120] =	vst v1  }
0x24: {  	[tilespmem:$0x4130] =	vst v1  }
0x25: {  	[tilespmem:$0x4140] =	vst v1  }
0x26: {  	[tilespmem:$0x4150] =	vst v1  }
0x27: {  	[tilespmem:$0x4160] =	vst v1  }
0x28: {  	[tilespmem:$0x4170] =	vst v1  }
0x29: {  	[tilespmem:$0x4180] =	vst v1  }
0x2a: {  	[tilespmem:$0x4190] =	vst v1  }
0x2b: {  	[tilespmem:$0x41A0] =	vst v1  }
0x2c: {  	[tilespmem:$0x41B0] =	vst v1  }
0x2d: {  	[tilespmem:$0x41C0] =	vst v1  }
0x2e: {  	[tilespmem:$0x41D0] =	vst v1  }
0x2f: {  	[tilespmem:$0x41E0] =	vst v1  }
0x30: {  	[tilespmem:$0x41F0] =	vst v1  }
0x31: {  	[tilespmem:$0x4200] =	vst v1  }
0x32: {  	[tilespmem:$0x4210] =	vst v1  }
0x33: {  	[tilespmem:$0x4220] =	vst v1  }
0x34: {  	[tilespmem:$0x4230] =	vst v1  }
0x35: {  	[tilespmem:$0x4240] =	vst v1  }
0x36: {  	[tilespmem:$0x4250] =	vst v1  }
0x37: {  	[tilespmem:$0x4260] =	vst v1  }
0x38: {  	[tilespmem:$0x4270] =	vst v1  }
0x39: {  	[tilespmem:$0x4280] =	vst v1  }
0x3a: {  	[tilespmem:$0x4290] =	vst v1  }
0x3b: {  	[tilespmem:$0x42A0] =	vst v1  }
0x3c: {  	[tilespmem:$0x42B0] =	vst v1  }
0x3d: {  	[tilespmem:$0x42C0] =	vst v1  }
0x3e: {  	[tilespmem:$0x42D0] =	vst v1  }
0x3f: {  	[tilespmem:$0x42E0] =	vst v1  }
0x40: {  	[tilespmem:$0x42F0] =	vst v1  }
0x41: {  	[spmem:s5] =	stream.linear.scatter [tilespmem:s9], [sflag:$0x1], $0x280, $0x38;
	[tilespmem:$0x4580] =	vst v63  }
0x42: {  	_ =	swait.ge [sflag:s8], $0x280  }
0x43: {  	[sflag:s8] =	ssyncset.done $0x0  }
0x44: {  	[sflag:s8] =	ssyncadd.s32 $0xFFFFFD80  }
0x45: {  	s17 =	simm.s32 $0x0;
	[bflag:$0x0] =	sbarrier.arrive $0xFFFF  }
0x46: {  	[spmem:s2] =	stream.indirect.scatter.add.f32 [tilespmem:s11], [sflag:$0x1], $0x1, s17, s10, $0xb8;
	[tilespmem:$0x4580] =	vst v63  }
0x47: {  	_ =	swait.ge [sflag:s8], $0x50  }
0x48: {  	s17 =	simm.s32 $0x200;
	[sflag:s8] =	ssyncset.done $0x0  }
.LBB2_2:
0x49: {  	s18 =	sshra.s32 s17, $0x2;
	[sflag:s8] =	ssyncadd.s32 $0xFFFFFFB0;
	p0 =	sne.s32 s17, $0xF800  }
0x4a: {  	[spmem:s2] =	stream.indirect.scatter.add.f32 [tilespmem:s11], [sflag:$0x1], $0x1, s18, s10, $0xb8;
	[tilespmem:$0x4580] =	vst v63  }
.Ltmp0:
0x4b: {  	_ = 	snop;
	(pc) =	sbr.rel @p0 .LBB2_2-.Ltmp0, $4  }
0x4c: {  	_ = 	snop  }
0x4d: {  	s17 =	sadd.s32 $0x200, s17  }
0x4e: {  	_ =	swait.ge [sflag:s8], $0x50  }
0x4f: {  	[sflag:s8] =	ssyncset.done $0x0  }
0x50: {  	s16 =	sadd.s32 $0x1, s16  }
0x51: {  	[sflag:s8] =	ssyncadd.s32 $0xFFFFFFB0;
	p0 =	sne.s32 s16, s7  }
.Ltmp1:
0x52: {  	[bflag:$0x0] =	sbarrier.arrive $0xFFFF;
	(pc) =	sbr.rel @p0 .LBB2_1-.Ltmp1, $4  }
0x53: {  	[hbm:s6@s14], [sflag:s12] =	dma.strided [spmem:s13@s15], $0x50, s8, $0x10   }
0x54: {  	_ =	swait.ge [sflag:s8], $0x50  }
0x55: {  	[sflag:s8] =	ssyncset.done $0x0  }
0x56: {  	[sflag:s8] =	ssyncadd.s32 $0xFFFFFFB0  }
0x57: {  	_ =	sfence.sel $0x180000  }
0x58: {  	[bflag:$0x0] =	sbarrier.arrive $0xFFFF  }
0x59: {  	p0 =	sne.s32 s1, $0x0;
	_ =	strace $0x90000047  }
0x5a: {  	s0 =	sadd.s32 @!p0 $0x100000, s0;
	[bflag:$0x2] =	sbarrier.arrive $0xFFFF  }
0x5b: {  	[sflag:s0] =	ssyncadd.tile.s32 @!p0 $0x1;
	_ =	shalt  }
.Lfunc_end2:
_tile_overlayer_lowered:
.L_overlay_start_2:
0x5c: {  	(tag) =	ssettag $0x2  }
0x5d: {  	s0 =	rddreg [dreg:$0x0];
	s2 =	stileid.u32  }
0x5e: {  	s1 =	rddreg [dreg:$0x1];
	p0 =	sne.s32 s2, $0x0  }
0x5f: {  	s3 =	rddreg [dreg:$0x2];
	[bflag:$0x3] =	sbarrier.arrive $0xFFFF;
	s2 =	simm.s32 @!p0 $0x1C01  }
0x60: {  	[timem:s3], [sflag:s2] =	dma.local @!p0 [hbm:s0], s1  }
0x61: {  	s0 =	simm.s32 @!p0 $0x1  }
0x62: {  	_ =	swait.ge @!p0 [sflag:s0], s1  }
0x63: {  	s1 =	ssub.s32 @!p0 $0x0, s1;
	[sflag:s0] =	ssyncset.done @!p0 $0x0  }
0x64: {  	[sflag:s0] =	ssyncadd.s32 @!p0 s1  }
0x65: {  	[bflag:$0x3] =	sbarrier.arrive $0xFFFF  }
0x66: {  	_ =	shalt  }

// kernel: kernel.19.cloned.1.call-start
scs
__scs_entry_jumppad:
0x0: {  	(pc) =	sbr.rel $0x88, $3  }
0x1: {  	(tag) =	ssettag $0x0;
	lr =	simm.s32 $0x1  }
0x2: {  	[smem:$0x3F9B] =	sst lr;
	_ =	strace $0xD0000000  }
0x3: {  	_ = 	snop  }
0x4: {  	_ = 	snop  }
0x5: {  	_ = 	snop  }
0x6: {  	_ = 	snop  }
0x7: {  	_ = 	snop  }
__scs_overlays_trampoline_lowered:
0x8: {  	[smem:$0x3FAA] =	sst s0  }
0x9: {  	[smem:$0x3FAB] =	sst s1  }
0xa: {  	[smem:$0x3FAC] =	sst s2  }
0xb: {  	[smem:$0x3FAD] =	sst s3  }
0xc: {  	[smem:$0x3FAE] =	sst s4  }
0xd: {  	[smem:$0x3FAF] =	sst s5  }
0xe: {  	[smem:$0x3FB0] =	sst s6  }
0xf: {  	[smem:$0x3FB1] =	sst s7  }
0x10: {  	[smem:$0x3FB2] =	sst s8  }
0x11: {  	[smem:$0x3FB3] =	sst s9;
	s0 =	simm.s32 @!p0 $0x0  }
0x12: {  	s1 =	sld [smem:$0x3F99];
	s0 =	simm.s32 @p0 $0x1  }
0x13: {  	[smem:$0x3FB4] =	sst s0;
	s0 =	simm.s32 @!p1 $0x0  }
0x14: {  	s2 =	sld [smem:$0x3F98];
	s0 =	simm.s32 @p1 $0x1  }
0x15: {  	[smem:$0x3FB5] =	sst s0;
	s0 =	simm.s32 @!p2 $0x0  }
0x16: {  	s3 =	sld [smem:$0x3FDB];
	s0 =	simm.s32 @p2 $0x1  }
0x17: {  	s4 =	simm.s32 $0x1BF5;
	[smem:$0x3FB7] =	sst s0  }
0x18: {  	s0 =	sld [smem:$0x3F9A];
	_ =	swait.ge [sflag:s4], $0x0  }
0x19: {  	s7 =	sld [smem:$0x3F9B]  }
0x1a: {  	s8 =	sadd.s32 $0xFFFFE003, lr  }
0x1b: {  	s9 =	sadd.s32 $0xFFFFFEF7, lr;
	s5 =	simm.s32 $0xFFFFFFFF;
	p2 =	slt.u32 s8, $0xFFFFF086  }
0x1c: {  	p1 =	slt.u32 s9, $0xF7A;
	s5 =	simm.s32 @!p2 $0x0  }
0x1d: {  	s5 =	simm.s32 @p1 $0x1;
	p0 =	seq.s32 s7, s2  }
0x1e: {  	s7 =	smul.u32 @!p0 $0xF7A, s2;
	p2 =	seq.s32 @!p0 s5, $0x0  }
0x1f: {  	s9 =	smul.u32 $0xF7A, s1;
	s8 =	simm.s32 @!p0 $0x1BF5;
	p2 =	por !p2, p0  }
0x20: {  	[sflag:s8] =	ssyncset.s32 @!p0 $0xFFFFF086;
	s6 =	sadd.s32 @!p0 s3, s7;
	s7 =	simm.s32 @!p0 $0x108  }
0x21: {  	s3 =	sadd.s32 s3, s9;
	s6 =	sadd.s32 @!p0 $0x88, s6;
	s7 =	simm.s32 @p2 $0x1082  }
0x22: {  	[simem:s7], [sflag:s8] =	dma.local @!p0 [hbm:s6], $0xF7A  }
0x23: {  	s9 =	sor.u32 $0xD0000000, s2;
	s6 =	simm.s32 $0x108;
	_ =	swait.ge @!p0 [sflag:s8], $0x0  }
0x24: {  	s3 =	sadd.s32 $0x88, s3;
	s6 =	simm.s32 @!p1 $0x1082;
	[sflag:s4] =	ssyncset.s32 $0xFFFFF086  }
0x25: {  	[simem:s6], [sflag:s4] =	dma.local [hbm:s3], $0xF7A  }
0x26: {  	[smem:$0x3F9B] =	sst s1;
	(tag) =	ssettag s2;
	_ =	strace s9  }
0x27: {  	s1 =	sld [smem:$0x3FAB]  }
0x28: {  	s2 =	sld [smem:$0x3FAC]  }
0x29: {  	s4 =	sld [smem:$0x3FAE]  }
0x2a: {  	p0 =	seq.s32 s5, $0x0;
	s5 =	sld [smem:$0x3FAF]  }
0x2b: {  	s6 =	sld [smem:$0x3FB0]  }
0x2c: {  	s7 =	sld [smem:$0x3FB1]  }
0x2d: {  	s3 =	simm.s32 $0x108;
	s8 =	sld [smem:$0x3FB2]  }
0x2e: {  	s3 =	simm.s32 @!p0 $0x1082;
	s9 =	sld [smem:$0x3FB3]  }
0x2f: {  	lr =	sadd.s32 s0, s3;
	s0 =	sld [smem:$0x3FAA]  }
0x30: {  	s3 =	sld [smem:$0x3FAD]  }
0x31: {  	[smem:$0x3FB6] =	sst s10  }
0x32: {  	s10 =	sld [smem:$0x3FB4];
	_ =	sdelay $0x3  }
0x33: {  	p0 =	seq.s32 s10, $0x1;
	s10 =	sld [smem:$0x3FB6];
	_ =	sdelay $0x3  }
0x34: {  	[smem:$0x3FB6] =	sst s10  }
0x35: {  	s10 =	sld [smem:$0x3FB5];
	_ =	sdelay $0x3  }
0x36: {  	p1 =	seq.s32 s10, $0x1;
	s10 =	sld [smem:$0x3FB6];
	_ =	sdelay $0x3  }
0x37: {  	[smem:$0x3FB6] =	sst s10  }
0x38: {  	s10 =	sld [smem:$0x3FB7]  }
0x39: {  	_ = 	snop;
	(pc) =	sbr.ind lr, $3  }
0x3a: {  	_ = 	snop  }
0x3b: {  	_ = 	snop  }
0x3c: {  	p2 =	seq.s32 s10, $0x1;
	s10 =	sld [smem:$0x3FB6]  }
0x3d: {  	_ =	shalt  }
0x3e: {  	_ =	shalt  }
0x3f: {  	_ =	shalt  }
0x40: {  	_ =	shalt  }
0x41: {  	_ =	shalt  }
0x42: {  	_ =	shalt  }
0x43: {  	_ =	shalt  }
0x44: {  	_ =	shalt  }
0x45: {  	_ =	shalt  }
0x46: {  	_ =	shalt  }
0x47: {  	_ =	shalt  }
0x48: {  	_ =	shalt  }
0x49: {  	_ =	shalt  }
0x4a: {  	_ =	shalt  }
0x4b: {  	_ =	shalt  }
0x4c: {  	_ =	shalt  }
0x4d: {  	_ =	shalt  }
0x4e: {  	_ =	shalt  }
0x4f: {  	_ =	shalt  }
0x50: {  	_ =	shalt  }
0x51: {  	_ =	shalt  }
0x52: {  	_ =	shalt  }
0x53: {  	_ =	shalt  }
0x54: {  	_ =	shalt  }
0x55: {  	_ =	shalt  }
0x56: {  	_ =	shalt  }
0x57: {  	_ =	shalt  }
0x58: {  	_ =	shalt  }
0x59: {  	_ =	shalt  }
0x5a: {  	_ =	shalt  }
0x5b: {  	_ =	shalt  }
0x5c: {  	_ =	shalt  }
0x5d: {  	_ =	shalt  }
0x5e: {  	_ =	shalt  }
0x5f: {  	_ =	shalt  }
0x60: {  	_ =	shalt  }
0x61: {  	_ =	shalt  }
0x62: {  	_ =	shalt  }
0x63: {  	_ =	shalt  }
0x64: {  	_ =	shalt  }
0x65: {  	_ =	shalt  }
0x66: {  	_ =	shalt  }
0x67: {  	_ =	shalt  }
0x68: {  	_ =	shalt  }
0x69: {  	_ =	shalt  }
0x6a: {  	_ =	shalt  }
0x6b: {  	_ =	shalt  }
0x6c: {  	_ =	shalt  }
0x6d: {  	_ =	shalt  }
0x6e: {  	_ =	shalt  }
0x6f: {  	_ =	shalt  }
0x70: {  	_ =	shalt  }
0x71: {  	_ =	shalt  }
0x72: {  	_ =	shalt  }
0x73: {  	_ =	shalt  }
0x74: {  	_ =	shalt  }
0x75: {  	_ =	shalt  }
0x76: {  	_ =	shalt  }
0x77: {  	_ =	shalt  }
0x78: {  	_ =	shalt  }
0x79: {  	_ =	shalt  }
0x7a: {  	_ =	shalt  }
0x7b: {  	_ =	shalt  }
0x7c: {  	_ =	shalt  }
0x7d: {  	_ =	shalt  }
0x7e: {  	_ =	shalt  }
0x7f: {  	_ =	shalt  }
0x80: {  	_ =	shalt  }
0x81: {  	_ =	shalt  }
0x82: {  	_ =	shalt  }
0x83: {  	_ =	shalt  }
0x84: {  	_ =	shalt  }
0x85: {  	_ =	shalt  }
0x86: {  	_ =	shalt  }
0x87: {  	_ =	shalt  }
.Lfunc_end0:
.L_simem_size_0:
called_computation.1_lowered:
.L_overlay_start_0:
0x88: {  	s2 =	sld [smem:$0x3FD9]  }
0x89: {  	s3 =	sld [smem:$0x3FFE];
	_ =	sdelay $0x1  }
0x8a: {  	s1 =	srdreg.scid  }
0x8b: {  	s0 =	sand.u32 $0x1, s1  }
0x8c: {  	s16 =	sshll.u32 s0, $0xA;
	s2 =	sadd.s32 s3, s2  }
0x8d: {  	s2 =	sadd.s32 s2, s16  }
0x8e: {  	[smem:$0x3FC2] =	sst s2  }
0x8f: {  	_ = 	snop  }
0x90: {  	(tm) =	ssettm $0x1  }
0x91: {  	s17 =	sld [smem:$0x3FFB];
	_ =	sdelay $0x3  }
0x92: {  	_ =	strace s17  }
0x93: {  	s2 =	sld [smem:$0x3FFC];
	_ =	sdelay $0x3  }
0x94: {  	_ =	strace s2  }
0x95: {  	s2 =	sld [smem:$0x3FFD];
	_ =	sdelay $0x3  }
0x96: {  	_ =	strace s2  }
0x97: {  	_ =	strace $0x8FFFFFFF  }
0x98: {  	s18 =	sld [smem:$0x3FDB];
	_ =	sdelay $0x1  }
0x99: {  	s19 =	simm.s32 $_scs_section_size  }
0x9a: {  	s4 =	simm.s32 $_size__tile_overlayer_lowered;
	s5 =	simm.s32 $_tile_overlayer_lowered  }
0x9b: {  	s22 =	simm.s32 $0x1BFF;
	s21 =	sshll.u32 s5, $0x1;
	s2 =	sadd.s32 s19, s18  }
0x9c: {  	s6 =	simm.s32 $0x0;
	s20 =	sshll.u32 s4, $0x1;
	s4 =	sadd.s32 s21, s2  }
0x9d: {  	[timem:s6], [sflag:s22] =	dma.local [hbm:s4], s20  }
0x9e: {  	_ =	swait.ge [sflag:s22], s20  }
0x9f: {  	s3 =	ssub.s32 $0x0, s20;
	[sflag:s22] =	ssyncset.done $0x0  }
0xa0: {  	[sflag:s22] =	ssyncadd.s32 s3;
	_ =	sdelay $0x1  }
0xa1: {  	s23 =	simm.s32 $0x1B8B  }
0xa2: {  	_ =	swait.ge [sflag:s23], $0x1  }
0xa3: {  	[sflag:s23] =	ssyncset.done $0x0  }
0xa4: {  	s25 =	simm.s32 $0x1B8E;
	s24 =	sld [smem:$0x3FFE];
	[sflag:s23] =	ssyncadd.s32 $0xFFFFFFFF  }
0xa5: {  	s26 =	simm.s32 $execute0_lowered;
	[smem:$0x3FD2] =	sst s25  }
0xa6: {  	s4 =	sshll.u32 s26, $0x1;
	_ =	strace $0x80000049;
	[dreg:$0x1] =	wrdreg $0xFFFFFFFF  }
0xa7: {  	s28 =	simm.s32 $_size_execute0_lowered;
	s2 =	sadd.s32 s2, s4;
	[dreg:$0x0] =	wrdreg $0x0  }
0xa8: {  	s4 =	sshll.u32 s28, $0x1;
	[dreg:$0x2] =	wrdreg s2  }
0xa9: {  	[dreg:$0x3] =	wrdreg s4  }
0xaa: {  	[dreg:$0x4] =	wrdreg $0xC0  }
0xab: {  	_ =	task [dreg:s6], $0x5FFFF  }
0xac: {  	[dreg:$0x1] =	wrdreg $0xFFFFFFFF  }
0xad: {  	[dreg:$0x0] =	wrdreg $0x60  }
0xae: {  	[dreg:$0x2] =	wrdreg s24  }
0xaf: {  	[dreg:$0x3] =	wrdreg $0xBB800  }
0xb0: {  	[dreg:$0x4] =	wrdreg $0x9  }
0xb1: {  	_ =	task.clear_ibuf [dreg:s6], $0x5FFFF;
	_ =	strace $0x90000049  }
0xb2: {  	s29 =	simm.s32 $0x9;
	_ =	strace $0x8000004B  }
0xb3: {  	_ =	swait.ge [sflag:s29], $0x1  }
0xb4: {  	[sflag:s29] =	ssyncadd.s32 $0xFFFFFFFF  }
0xb5: {  	_ =	strace $0x9000004B  }
0xb6: {  	_ =	sfence  }
0xb7: {  	s30 =	sld [smem:$0x0];
	_ =	sdelay $0x2  }
0xb8: {  	s31 =	sshll.u32 s1, $0xD;
	s1 =	sshrl.u32 s1, $0x2  }
0xb9: {  	s3 =	sand.u32 $0x4000, s31;
	s1 =	sadd.s32 s1, s30  }
0xba: {  	s0 =	sor.u32 s3, s0;
	s1 =	sshll.u32 s1, $0x11  }
0xbb: {  	s0 =	sor.u32 s1, s0  }
0xbc: {  	s0 =	sadd.s32 $0x8F2B, s0  }
0xbd: {  	[sflag:s0] =	ssyncadd.remote.s32 $0x1  }
0xbe: {  	_ =	sfence.sel $0xFFFF  }
0xbf: {  	[dreg:$0x0] =	wrdreg $0xFFFFFFFF;
	(pc) =	sbr.abs _section_cstart, $3  }
0xc0: {  	[dreg:$0x1] =	wrdreg $0xFFFFFFFF  }
0xc1: {  	_ =	task.clear_ibuf [dreg:s6], $0x2FFFF;
	_ =	strace $0x9FFFFFFF  }
0xc2: {  	(tm) =	ssettm $0x7FFFFFFF  }
0xc3: {  	_ =	shalt  }
tec
execute0_lowered:
.L_overlay_start_1:
0x0: {  	(tag) =	ssettag $0x1  }
0x1: {  	s4 =	rddreg [dreg:$0x0];
	s0 =	stileid.u32  }
0x2: {  	s1 =	rddreg [dreg:$0x1];
	s10 =	smul.u32 $0x3C00, s0  }
0x3: {  	s2 =	srdreg.scid;
	s3 =	simm.s32 $0x0;
	s25 =	smul.u32 $0x14000, s0  }
0x4: {  	s17 =	simm.s32 $0x6380;
	s5 =	sand.u32 $0x1, s2;
	s26 =	smul.u32 $0x50000, s0  }
0x5: {  	s18 =	simm.s32 $0x3;
	s19 =	simm.s32 $0x80;
	s6 =	smul.u32 $0x27100, s5  }
0x6: {  	s20 =	simm.s32 $0x400;
	s8 =	sshrl.u32 s0, $0x3;
	s7 =	smul.u32 $0x27800, s5  }
0x7: {  	s21 =	simm.s32 $0x2780;
	s28 =	simm.s32 $0x6000;
	s8 =	smul.u32 $0x13C00, s8  }
0x8: {  	[smem:$0x7FF] =	sst s3;
	s22 =	sshll.u32 s0, $0x7;
	s9 =	smul.u32 $0x3C000, s5  }
0x9: {  	_ =	strace $0x8000004A;
	s23 =	smul.u32 $0x140000, s5;
	s5 =	ssub.s32 $0x2, s5  }
0xa: {  	s30 =	sshrl.u32 s26, $0x2;
	s31 =	sshrl.u32 s5, $0x1;
	s26 =	simm.s32 $0x5F80  }
0xb: {  	s14 =	sadd.s32 s6, s4;
	s7 =	sadd.s32 s7, s8;
	s6 =	sand.u32 $0x380, s22  }
0xc: {  	s24 =	sadd.s32 s10, s9;
	s29 =	sadd.s32 s25, s23;
	s16 =	ssub.s32 s5, s31  }
0xd: {  	s22 =	simm.s32 $0x58;
	s23 =	simm.s32 $0x8F80;
	s25 =	simm.s32 $0x2  }
0xe: {  	s6 =	sor.u32 s6, s7;
	s7 =	sshrl.u32 s24, $0x3;
	s14 =	sadd.s32 $0x1C600, s14  }
0xf: {  	s16 =	smax.u32 s16, $0x1;
	s24 =	simm.s32 $0x1;
	s6 =	sshrl.u32 s6, $0x3  }
0x10: {  	s13 =	sadd.s32 s7, s4;
	s12 =	sadd.s32 s6, s4;
	s6 =	sshrl.u32 s29, $0x3  }
0x11: {  	s13 =	sadd.s32 $0x3800, s13;
	s15 =	sadd.s32 s6, s4;
	s4 =	sadd.s32 s30, s1  }
0x12: {  	s12 =	sadd.s32 $0x12800, s12;
	s5 =	sadd.s32 $0x2800, s4;
	s6 =	sadd.s32 $0x5000, s4  }
0x13: {  	s7 =	sadd.s32 $0x7800, s4;
	s8 =	sadd.s32 $0xA000, s4;
	s9 =	sadd.s32 $0xC800, s4  }
0x14: {  	v0 =	vimm.f32 $0.0e+00;
	s10 =	sadd.s32 $0xF000, s4;
	s11 =	sadd.s32 $0x11800, s4;
	s15 =	sadd.s32 $0x6A800, s15  }
.LBB2_1:
0x15: {  	s29 =	simm.s32 $0x0;
	s30 =	simm.s32 $0x200  }
.LBB2_2:
0x16: {  	p0 =	sne.s32 s30, $0xAE00;
	[tilespmem:s29+$0x63F0] =	vst v0  }
0x17: {  	[tilespmem:s29+$0x6380] =	vst v0  }
0x18: {  	[tilespmem:s29+$0x6390] =	vst v0  }
.Ltmp0:
0x19: {  	[tilespmem:s29+$0x63A0] =	vst v0;
	(pc) =	sbr.rel @p0 .LBB2_2-.Ltmp0, $4  }
0x1a: {  	[tilespmem:s29+$0x63B0] =	vst v0  }
0x1b: {  	[tilespmem:s29+$0x63C0] =	vst v0  }
0x1c: {  	[tilespmem:s29+$0x63D0] =	vst v0  }
0x1d: {  	[tilespmem:s29+$0x63E0] =	vst v0;
	s29 =	sshra.s32 s30, $0x2;
	s30 =	sadd.s32 $0x200, s30  }
0x1e: {  	[tilespmem:s29+$0x63F0] =	vst v0  }
0x1f: {  	[tilespmem:s29+$0x6380] =	vst v0  }
0x20: {  	[tilespmem:s29+$0x6390] =	vst v0  }
0x21: {  	[tilespmem:s29+$0x63A0] =	vst v0  }
0x22: {  	[tilespmem:s29+$0x63B0] =	vst v0  }
0x23: {  	[tilespmem:s29+$0x63C0] =	vst v0  }
0x24: {  	[tilespmem:s29+$0x63D0] =	vst v0  }
0x25: {  	[tilespmem:s29+$0x63E0] =	vst v0  }
0x26: {  	[spmem:s4] =	stream.linear.scatter [tilespmem:s17], [sflag:$0x3], $0x2800, $0x38;
	[tilespmem:$0x1FB80] =	vst v63  }
0x27: {  	_ =	swait.ge [sflag:s18], $0x2800  }
0x28: {  	[sflag:s18] =	ssyncset.done $0x0  }
0x29: {  	[sflag:s18] =	ssyncadd.s32 $0xFFFFD800  }
0x2a: {  	[spmem:s5] =	stream.linear.scatter [tilespmem:s17], [sflag:$0x3], $0x2800, $0x38;
	[tilespmem:$0x1FB80] =	vst v63  }
0x2b: {  	_ =	swait.ge [sflag:s18], $0x2800  }
0x2c: {  	[sflag:s18] =	ssyncset.done $0x0  }
0x2d: {  	[sflag:s18] =	ssyncadd.s32 $0xFFFFD800  }
0x2e: {  	[spmem:s6] =	stream.linear.scatter [tilespmem:s17], [sflag:$0x3], $0x2800, $0x38;
	[tilespmem:$0x1FB80] =	vst v63  }
0x2f: {  	_ =	swait.ge [sflag:s18], $0x2800  }
0x30: {  	[sflag:s18] =	ssyncset.done $0x0  }
0x31: {  	[sflag:s18] =	ssyncadd.s32 $0xFFFFD800  }
0x32: {  	[spmem:s7] =	stream.linear.scatter [tilespmem:s17], [sflag:$0x3], $0x2800, $0x38;
	[tilespmem:$0x1FB80] =	vst v63  }
0x33: {  	_ =	swait.ge [sflag:s18], $0x2800  }
0x34: {  	[sflag:s18] =	ssyncset.done $0x0  }
0x35: {  	[sflag:s18] =	ssyncadd.s32 $0xFFFFD800  }
0x36: {  	[spmem:s8] =	stream.linear.scatter [tilespmem:s17], [sflag:$0x3], $0x2800, $0x38;
	[tilespmem:$0x1FB80] =	vst v63  }
0x37: {  	_ =	swait.ge [sflag:s18], $0x2800  }
0x38: {  	[sflag:s18] =	ssyncset.done $0x0  }
0x39: {  	[sflag:s18] =	ssyncadd.s32 $0xFFFFD800  }
0x3a: {  	[spmem:s9] =	stream.linear.scatter [tilespmem:s17], [sflag:$0x3], $0x2800, $0x38;
	[tilespmem:$0x1FB80] =	vst v63  }
0x3b: {  	_ =	swait.ge [sflag:s18], $0x2800  }
0x3c: {  	[sflag:s18] =	ssyncset.done $0x0  }
0x3d: {  	[sflag:s18] =	ssyncadd.s32 $0xFFFFD800  }
0x3e: {  	[spmem:s10] =	stream.linear.scatter [tilespmem:s17], [sflag:$0x3], $0x2800, $0x38;
	[tilespmem:$0x1FB80] =	vst v63  }
0x3f: {  	_ =	swait.ge [sflag:s18], $0x2800  }
0x40: {  	[sflag:s18] =	ssyncset.done $0x0  }
0x41: {  	[sflag:s18] =	ssyncadd.s32 $0xFFFFD800  }
0x42: {  	[spmem:s11] =	stream.linear.scatter [tilespmem:s17], [sflag:$0x3], $0x2800, $0x38;
	[tilespmem:$0x1FB80] =	vst v63  }
0x43: {  	_ =	swait.ge [sflag:s18], $0x2800  }
0x44: {  	[sflag:s18] =	ssyncset.done $0x0  }
0x45: {  	s29 =	simm.s32 $0x0;
	[sflag:s18] =	ssyncadd.s32 $0xFFFFD800  }
0x46: {  	[tilespmem:s29], [sflag:$0x3] =	stream.strided.gather [hbm4b:s12+s19], $0x2780, s20, s19, $0x38;
	[tilespmem:$0x1FB80] =	vst v63  }
0x47: {  	_ =	swait.ge [sflag:s18], $0x2780  }
0x48: {  	[sflag:s18] =	ssyncset.done $0x0  }
0x49: {  	[sflag:s18] =	ssyncadd.s32 $0xFFFFD880  }
0x4a: {  	[tilespmem:s21], [sflag:$0x3] =	stream.linear.gather [hbm4b:s13+s29], $0x3900, $0x38;
	[tilespmem:$0x1FB80] =	vst v63  }
0x4b: {  	_ =	swait.ge [sflag:s18], $0x3900  }
0x4c: {  	[sflag:s18] =	ssyncset.done $0x0  }
0x4d: {  	[sflag:s18] =	ssyncadd.s32 $0xFFFFC700  }
0x4e: {  	[bflag:$0x0] =	sbarrier.arrive $0xFFFF  }
0x4f: {  	[tilespmem:s17], [sflag:$0x1] =	stream.indirect.gather [hbm4b:s14+s22], $0x80, s29, s22, $0xb8;
	[tilespmem:$0x1FB80] =	vst v63  }
0x50: {  	_ = 	snop  }
0x51: {  	[tilespmem:s23], [sflag:$0x2] =	stream.indirect.gather [hbm4b:s14+s22], $0x80, s22, s22, $0xb8;
	[tilespmem:$0x1FB80] =	vst v63  }
0x52: {  	_ =	swait.ge [sflag:s24], $0x2C00  }
0x53: {  	[sflag:s24] =	ssyncset.done $0x0  }
0x54: {  	s29 =	simm.s32 $0x2780;
	[sflag:s24] =	ssyncadd.s32 $0xFFFFD400  }
0x55: {  	[spmem:s1] =	stream.indirect.scatter.add.f32 [tilespmem:s17], [sflag:$0x3], $0x80, s29, s22, $0xb8;
	[tilespmem:$0x1FB80] =	vst v63  }
0x56: {  	_ =	swait.ge [sflag:s18], $0x2C00  }
0x57: {  	[sflag:s18] =	ssyncset.done $0x0  }
0x58: {  	s29 =	simm.s32 $0xB0;
	[sflag:s18] =	ssyncadd.s32 $0xFFFFD400  }
0x59: {  	[tilespmem:s17], [sflag:$0x1] =	stream.indirect.gather [hbm4b:s14+s22], $0x80, s29, s22, $0xb8;
	[tilespmem:$0x1FB80] =	vst v63  }
0x5a: {  	_ =	swait.ge [sflag:s25], $0x2C00  }
0x5b: {  	[sflag:s25] =	ssyncset.done $0x0  }
0x5c: {  	s29 =	simm.s32 $0x2800;
	[sflag:s25] =	ssyncadd.s32 $0xFFFFD400  }
0x5d: {  	[spmem:s1] =	stream.indirect.scatter.add.f32 [tilespmem:s23], [sflag:$0x3], $0x80, s29, s22, $0xb8;
	[tilespmem:$0x1FB80] =	vst v63  }
0x5e: {  	_ =	swait.ge [sflag:s18], $0x2C00  }
0x5f: {  	s30 =	simm.s32 $0x400;
	[sflag:s18] =	ssyncset.done $0x0  }
0x60: {  	s31 =	simm.s32 $0x1B8;
	s29 =	simm.s32 $0x108;
	[sflag:s18] =	ssyncadd.s32 $0xFFFFD400  }
.LBB2_4:
0x61: {  	[tilespmem:s23], [sflag:$0x2] =	stream.indirect.gather [hbm4b:s14+s22], $0x80, s29, s22, $0xb8;
	[tilespmem:$0x1FB80] =	vst v63  }
0x62: {  	s0 =	smov.u32 s30;
	s29 =	smov.u32 s31  }
0x63: {  	p0 =	sne.s32 s30, $0xDC00;
	s30 =	sadd.s32 $0x400, s30;
	_ =	swait.ge [sflag:s24], $0x2C00  }
0x64: {  	s0 =	sshra.s32 s0, $0x2;
	[sflag:s24] =	ssyncset.done $0x0  }
0x65: {  	s2 =	sadd.s32 $0x2780, s0;
	[sflag:s24] =	ssyncadd.s32 $0xFFFFD400  }
0x66: {  	[spmem:s1] =	stream.indirect.scatter.add.f32 [tilespmem:s17], [sflag:$0x3], $0x80, s2, s22, $0xb8;
	[tilespmem:$0x1FB80] =	vst v63  }
0x67: {  	_ =	swait.ge [sflag:s18], $0x2C00  }
0x68: {  	[sflag:s18] =	ssyncset.done $0x0  }
0x69: {  	s2 =	sadd.s32 $0xFFFFFFA8, s31;
	[sflag:s18] =	ssyncadd.s32 $0xFFFFD400  }
0x6a: {  	[tilespmem:s17], [sflag:$0x1] =	stream.indirect.gather [hbm4b:s14+s22], $0x80, s2, s22, $0xb8;
	[tilespmem:$0x1FB80] =	vst v63  }
0x6b: {  	_ =	swait.ge [sflag:s25], $0x2C00  }
0x6c: {  	[sflag:s25] =	ssyncset.done $0x0  }
.Ltmp1:
0x6d: {  	s0 =	sadd.s32 $0x2800, s0;
	[sflag:s25] =	ssyncadd.s32 $0xFFFFD400;
	(pc) =	sbr.rel @p0 .LBB2_4-.Ltmp1, $4  }
0x6e: {  	[spmem:s1] =	stream.indirect.scatter.add.f32 [tilespmem:s23], [sflag:$0x3], $0x80, s0, s22, $0xb8;
	[tilespmem:$0x1FB80] =	vst v63  }
0x6f: {  	_ =	swait.ge [sflag:s18], $0x2C00  }
0x70: {  	[sflag:s18] =	ssyncset.done $0x0  }
0x71: {  	s31 =	sadd.s32 $0xB0, s31;
	[sflag:s18] =	ssyncadd.s32 $0xFFFFD400  }
0x72: {  	[tilespmem:s23], [sflag:$0x2] =	stream.indirect.gather [hbm4b:s14+s22], $0x80, s29, s22, $0xb8;
	[tilespmem:$0x1FB80] =	vst v63  }
0x73: {  	_ =	swait.ge [sflag:s24], $0x2C00  }
0x74: {  	[sflag:s24] =	ssyncset.done $0x0  }
0x75: {  	[sflag:s24] =	ssyncadd.s32 $0xFFFFD400  }
0x76: {  	[spmem:s1] =	stream.indirect.scatter.add.f32 [tilespmem:s17], [sflag:$0x3], $0x80, s26, s22, $0xb8;
	[tilespmem:$0x1FB80] =	vst v63  }
0x77: {  	_ =	swait.ge [sflag:s18], $0x2C00  }
0x78: {  	[sflag:s18] =	ssyncset.done $0x0  }
0x79: {  	[sflag:s18] =	ssyncadd.s32 $0xFFFFD400  }
0x7a: {  	_ =	swait.ge [sflag:s25], $0x2C00  }
0x7b: {  	[sflag:s25] =	ssyncset.done $0x0  }
0x7c: {  	[sflag:s25] =	ssyncadd.s32 $0xFFFFD400  }
0x7d: {  	[spmem:s1] =	stream.indirect.scatter.add.f32 [tilespmem:s23], [sflag:$0x3], $0x80, s28, s22, $0xb8;
	[tilespmem:$0x1FB80] =	vst v63  }
0x7e: {  	s0 =	stileid.u32;
	_ =	swait.ge [sflag:s18], $0x2C00  }
0x7f: {  	s2 =	sshrl.u32 s4, $0x3;
	s3 =	sadd.s32 $0x1, s3;
	[sflag:s18] =	ssyncset.done $0x0  }
0x80: {  	s0 =	sshll.u32 s0, $0x6;
	p0 =	sne.s32 s3, s16;
	[sflag:s18] =	ssyncadd.s32 $0xFFFFD400  }
.Ltmp2:
0x81: {  	s0 =	sor.u32 $0x1C03, s0;
	[bflag:$0x0] =	sbarrier.arrive $0xFFFF;
	(pc) =	sbr.rel @p0 .LBB2_1-.Ltmp2, $4  }
0x82: {  	[hbm:s15], [sflag:s0] =	dma.local [spmem:s2], $0x2800  }
0x83: {  	_ =	swait.ge [sflag:s18], $0x2800  }
0x84: {  	[sflag:s18] =	ssyncset.done $0x0  }
0x85: {  	[sflag:s18] =	ssyncadd.s32 $0xFFFFD800  }
0x86: {  	_ =	sfence.sel $0x180000  }
0x87: {  	[bflag:$0x0] =	sbarrier.arrive $0xFFFF  }
0x88: {  	_ =	strace $0x9000004A  }
0x89: {  	s0 =	stileid.u32;
	[bflag:$0x2] =	sbarrier.arrive $0xFFFF  }
0x8a: {  	p0 =	sne.s32 s0, $0x0;
	s0 =	rddreg [dreg:$0x2]  }
0x8b: {  	s0 =	sadd.s32 @!p0 $0x100000, s0  }
0x8c: {  	[sflag:s0] =	ssyncadd.tile.s32 @!p0 $0x1;
	_ =	shalt  }
.Lfunc_end2:
_tile_overlayer_lowered:
.L_overlay_start_2:
0x8d: {  	(tag) =	ssettag $0x2  }
0x8e: {  	s0 =	rddreg [dreg:$0x0];
	s2 =	stileid.u32  }
0x8f: {  	s1 =	rddreg [dreg:$0x1];
	p0 =	sne.s32 s2, $0x0  }
0x90: {  	s3 =	rddreg [dreg:$0x2];
	[bflag:$0x3] =	sbarrier.arrive $0xFFFF;
	s2 =	simm.s32 @!p0 $0x1C03  }
0x91: {  	[timem:s3], [sflag:s2] =	dma.local @!p0 [hbm:s0], s1  }
0x92: {  	s0 =	simm.s32 @!p0 $0x3  }
0x93: {  	_ =	swait.ge @!p0 [sflag:s0], s1  }
0x94: {  	s1 =	ssub.s32 @!p0 $0x0, s1;
	[sflag:s0] =	ssyncset.done @!p0 $0x0  }
0x95: {  	[sflag:s0] =	ssyncadd.s32 @!p0 s1  }
0x96: {  	[bflag:$0x3] =	sbarrier.arrive $0xFFFF  }
0x97: {  	_ =	shalt  }

// kernel: kernel.22.cloned.1.call-start
scs
__scs_entry_jumppad:
0x0: {  	(pc) =	sbr.rel $0x88, $3  }
0x1: {  	(tag) =	ssettag $0x0;
	lr =	simm.s32 $0x1  }
0x2: {  	[smem:$0x3F9B] =	sst lr;
	_ =	strace $0xD0000000  }
0x3: {  	_ = 	snop  }
0x4: {  	_ = 	snop  }
0x5: {  	_ = 	snop  }
0x6: {  	_ = 	snop  }
0x7: {  	_ = 	snop  }
__scs_overlays_trampoline_lowered:
0x8: {  	[smem:$0x3FAA] =	sst s0  }
0x9: {  	[smem:$0x3FAB] =	sst s1  }
0xa: {  	[smem:$0x3FAC] =	sst s2  }
0xb: {  	[smem:$0x3FAD] =	sst s3  }
0xc: {  	[smem:$0x3FAE] =	sst s4  }
0xd: {  	[smem:$0x3FAF] =	sst s5  }
0xe: {  	[smem:$0x3FB0] =	sst s6  }
0xf: {  	[smem:$0x3FB1] =	sst s7  }
0x10: {  	[smem:$0x3FB2] =	sst s8  }
0x11: {  	[smem:$0x3FB3] =	sst s9;
	s0 =	simm.s32 @!p0 $0x0  }
0x12: {  	s1 =	sld [smem:$0x3F99];
	s0 =	simm.s32 @p0 $0x1  }
0x13: {  	[smem:$0x3FB4] =	sst s0;
	s0 =	simm.s32 @!p1 $0x0  }
0x14: {  	s2 =	sld [smem:$0x3F98];
	s0 =	simm.s32 @p1 $0x1  }
0x15: {  	[smem:$0x3FB5] =	sst s0;
	s0 =	simm.s32 @!p2 $0x0  }
0x16: {  	s3 =	sld [smem:$0x3FDB];
	s0 =	simm.s32 @p2 $0x1  }
0x17: {  	s4 =	simm.s32 $0x1BF5;
	[smem:$0x3FB7] =	sst s0  }
0x18: {  	s0 =	sld [smem:$0x3F9A];
	_ =	swait.ge [sflag:s4], $0x0  }
0x19: {  	s7 =	sld [smem:$0x3F9B]  }
0x1a: {  	s8 =	sadd.s32 $0xFFFFE003, lr  }
0x1b: {  	s9 =	sadd.s32 $0xFFFFFEF7, lr;
	s5 =	simm.s32 $0xFFFFFFFF;
	p2 =	slt.u32 s8, $0xFFFFF086  }
0x1c: {  	p1 =	slt.u32 s9, $0xF7A;
	s5 =	simm.s32 @!p2 $0x0  }
0x1d: {  	s5 =	simm.s32 @p1 $0x1;
	p0 =	seq.s32 s7, s2  }
0x1e: {  	s7 =	smul.u32 @!p0 $0xF7A, s2;
	p2 =	seq.s32 @!p0 s5, $0x0  }
0x1f: {  	s9 =	smul.u32 $0xF7A, s1;
	s8 =	simm.s32 @!p0 $0x1BF5;
	p2 =	por !p2, p0  }
0x20: {  	[sflag:s8] =	ssyncset.s32 @!p0 $0xFFFFF086;
	s6 =	sadd.s32 @!p0 s3, s7;
	s7 =	simm.s32 @!p0 $0x108  }
0x21: {  	s3 =	sadd.s32 s3, s9;
	s6 =	sadd.s32 @!p0 $0x88, s6;
	s7 =	simm.s32 @p2 $0x1082  }
0x22: {  	[simem:s7], [sflag:s8] =	dma.local @!p0 [hbm:s6], $0xF7A  }
0x23: {  	s9 =	sor.u32 $0xD0000000, s2;
	s6 =	simm.s32 $0x108;
	_ =	swait.ge @!p0 [sflag:s8], $0x0  }
0x24: {  	s3 =	sadd.s32 $0x88, s3;
	s6 =	simm.s32 @!p1 $0x1082;
	[sflag:s4] =	ssyncset.s32 $0xFFFFF086  }
0x25: {  	[simem:s6], [sflag:s4] =	dma.local [hbm:s3], $0xF7A  }
0x26: {  	[smem:$0x3F9B] =	sst s1;
	(tag) =	ssettag s2;
	_ =	strace s9  }
0x27: {  	s1 =	sld [smem:$0x3FAB]  }
0x28: {  	s2 =	sld [smem:$0x3FAC]  }
0x29: {  	s4 =	sld [smem:$0x3FAE]  }
0x2a: {  	p0 =	seq.s32 s5, $0x0;
	s5 =	sld [smem:$0x3FAF]  }
0x2b: {  	s6 =	sld [smem:$0x3FB0]  }
0x2c: {  	s7 =	sld [smem:$0x3FB1]  }
0x2d: {  	s3 =	simm.s32 $0x108;
	s8 =	sld [smem:$0x3FB2]  }
0x2e: {  	s3 =	simm.s32 @!p0 $0x1082;
	s9 =	sld [smem:$0x3FB3]  }
0x2f: {  	lr =	sadd.s32 s0, s3;
	s0 =	sld [smem:$0x3FAA]  }
0x30: {  	s3 =	sld [smem:$0x3FAD]  }
0x31: {  	[smem:$0x3FB6] =	sst s10  }
0x32: {  	s10 =	sld [smem:$0x3FB4];
	_ =	sdelay $0x3  }
0x33: {  	p0 =	seq.s32 s10, $0x1;
	s10 =	sld [smem:$0x3FB6];
	_ =	sdelay $0x3  }
0x34: {  	[smem:$0x3FB6] =	sst s10  }
0x35: {  	s10 =	sld [smem:$0x3FB5];
	_ =	sdelay $0x3  }
0x36: {  	p1 =	seq.s32 s10, $0x1;
	s10 =	sld [smem:$0x3FB6];
	_ =	sdelay $0x3  }
0x37: {  	[smem:$0x3FB6] =	sst s10  }
0x38: {  	s10 =	sld [smem:$0x3FB7]  }
0x39: {  	_ = 	snop;
	(pc) =	sbr.ind lr, $3  }
0x3a: {  	_ = 	snop  }
0x3b: {  	_ = 	snop  }
0x3c: {  	p2 =	seq.s32 s10, $0x1;
	s10 =	sld [smem:$0x3FB6]  }
0x3d: {  	_ =	shalt  }
0x3e: {  	_ =	shalt  }
0x3f: {  	_ =	shalt  }
0x40: {  	_ =	shalt  }
0x41: {  	_ =	shalt  }
0x42: {  	_ =	shalt  }
0x43: {  	_ =	shalt  }
0x44: {  	_ =	shalt  }
0x45: {  	_ =	shalt  }
0x46: {  	_ =	shalt  }
0x47: {  	_ =	shalt  }
0x48: {  	_ =	shalt  }
0x49: {  	_ =	shalt  }
0x4a: {  	_ =	shalt  }
0x4b: {  	_ =	shalt  }
0x4c: {  	_ =	shalt  }
0x4d: {  	_ =	shalt  }
0x4e: {  	_ =	shalt  }
0x4f: {  	_ =	shalt  }
0x50: {  	_ =	shalt  }
0x51: {  	_ =	shalt  }
0x52: {  	_ =	shalt  }
0x53: {  	_ =	shalt  }
0x54: {  	_ =	shalt  }
0x55: {  	_ =	shalt  }
0x56: {  	_ =	shalt  }
0x57: {  	_ =	shalt  }
0x58: {  	_ =	shalt  }
0x59: {  	_ =	shalt  }
0x5a: {  	_ =	shalt  }
0x5b: {  	_ =	shalt  }
0x5c: {  	_ =	shalt  }
0x5d: {  	_ =	shalt  }
0x5e: {  	_ =	shalt  }
0x5f: {  	_ =	shalt  }
0x60: {  	_ =	shalt  }
0x61: {  	_ =	shalt  }
0x62: {  	_ =	shalt  }
0x63: {  	_ =	shalt  }
0x64: {  	_ =	shalt  }
0x65: {  	_ =	shalt  }
0x66: {  	_ =	shalt  }
0x67: {  	_ =	shalt  }
0x68: {  	_ =	shalt  }
0x69: {  	_ =	shalt  }
0x6a: {  	_ =	shalt  }
0x6b: {  	_ =	shalt  }
0x6c: {  	_ =	shalt  }
0x6d: {  	_ =	shalt  }
0x6e: {  	_ =	shalt  }
0x6f: {  	_ =	shalt  }
0x70: {  	_ =	shalt  }
0x71: {  	_ =	shalt  }
0x72: {  	_ =	shalt  }
0x73: {  	_ =	shalt  }
0x74: {  	_ =	shalt  }
0x75: {  	_ =	shalt  }
0x76: {  	_ =	shalt  }
0x77: {  	_ =	shalt  }
0x78: {  	_ =	shalt  }
0x79: {  	_ =	shalt  }
0x7a: {  	_ =	shalt  }
0x7b: {  	_ =	shalt  }
0x7c: {  	_ =	shalt  }
0x7d: {  	_ =	shalt  }
0x7e: {  	_ =	shalt  }
0x7f: {  	_ =	shalt  }
0x80: {  	_ =	shalt  }
0x81: {  	_ =	shalt  }
0x82: {  	_ =	shalt  }
0x83: {  	_ =	shalt  }
0x84: {  	_ =	shalt  }
0x85: {  	_ =	shalt  }
0x86: {  	_ =	shalt  }
0x87: {  	_ =	shalt  }
.Lfunc_end0:
.L_simem_size_0:
called_computation.2_lowered:
.L_overlay_start_0:
0x88: {  	s2 =	sld [smem:$0x3FD9]  }
0x89: {  	s3 =	sld [smem:$0x3FFE];
	_ =	sdelay $0x1  }
0x8a: {  	s1 =	srdreg.scid  }
0x8b: {  	s0 =	sand.u32 $0x1, s1  }
0x8c: {  	s16 =	sshll.u32 s0, $0xA;
	s2 =	sadd.s32 s3, s2  }
0x8d: {  	s2 =	sadd.s32 s2, s16  }
0x8e: {  	[smem:$0x3FC2] =	sst s2  }
0x8f: {  	_ = 	snop  }
0x90: {  	(tm) =	ssettm $0x1  }
0x91: {  	s17 =	sld [smem:$0x3FFB];
	_ =	sdelay $0x3  }
0x92: {  	_ =	strace s17  }
0x93: {  	s2 =	sld [smem:$0x3FFC];
	_ =	sdelay $0x3  }
0x94: {  	_ =	strace s2  }
0x95: {  	s2 =	sld [smem:$0x3FFD];
	_ =	sdelay $0x3  }
0x96: {  	_ =	strace s2  }
0x97: {  	_ =	strace $0x8FFFFFFF  }
0x98: {  	s18 =	sld [smem:$0x3FDB];
	_ =	sdelay $0x1  }
0x99: {  	s19 =	simm.s32 $_scs_section_size  }
0x9a: {  	s4 =	simm.s32 $_size__tile_overlayer_lowered;
	s5 =	simm.s32 $_tile_overlayer_lowered  }
0x9b: {  	s22 =	simm.s32 $0x1BFF;
	s21 =	sshll.u32 s5, $0x1;
	s2 =	sadd.s32 s19, s18  }
0x9c: {  	s6 =	simm.s32 $0x0;
	s20 =	sshll.u32 s4, $0x1;
	s4 =	sadd.s32 s21, s2  }
0x9d: {  	[timem:s6], [sflag:s22] =	dma.local [hbm:s4], s20  }
0x9e: {  	_ =	swait.ge [sflag:s22], s20  }
0x9f: {  	s3 =	ssub.s32 $0x0, s20;
	[sflag:s22] =	ssyncset.done $0x0  }
0xa0: {  	[sflag:s22] =	ssyncadd.s32 s3;
	_ =	sdelay $0x1  }
0xa1: {  	s23 =	simm.s32 $0x1B8B  }
0xa2: {  	_ =	swait.ge [sflag:s23], $0x1  }
0xa3: {  	[sflag:s23] =	ssyncset.done $0x0  }
0xa4: {  	s25 =	simm.s32 $0x1B8E;
	s24 =	sld [smem:$0x3FFE];
	[sflag:s23] =	ssyncadd.s32 $0xFFFFFFFF  }
0xa5: {  	s26 =	simm.s32 $execute0_lowered;
	[smem:$0x3FD2] =	sst s25  }
0xa6: {  	s4 =	sshll.u32 s26, $0x1;
	_ =	strace $0x8000004C;
	[dreg:$0x1] =	wrdreg $0xFFFFFFFF  }
0xa7: {  	s28 =	simm.s32 $_size_execute0_lowered;
	s2 =	sadd.s32 s2, s4;
	[dreg:$0x0] =	wrdreg $0x0  }
0xa8: {  	s4 =	sshll.u32 s28, $0x1;
	[dreg:$0x2] =	wrdreg s2  }
0xa9: {  	[dreg:$0x3] =	wrdreg s4  }
0xaa: {  	[dreg:$0x4] =	wrdreg $0xC0  }
0xab: {  	_ =	task [dreg:s6], $0x5FFFF  }
0xac: {  	[dreg:$0x1] =	wrdreg $0xFFFFFFFF  }
0xad: {  	[dreg:$0x0] =	wrdreg $0x60  }
0xae: {  	[dreg:$0x2] =	wrdreg s24  }
0xaf: {  	[dreg:$0x3] =	wrdreg $0xBB800  }
0xb0: {  	[dreg:$0x4] =	wrdreg $0x9  }
0xb1: {  	_ =	task.clear_ibuf [dreg:s6], $0x5FFFF;
	_ =	strace $0x9000004C  }
0xb2: {  	s29 =	simm.s32 $0x9;
	_ =	strace $0x8000004E  }
0xb3: {  	_ =	swait.ge [sflag:s29], $0x1  }
0xb4: {  	[sflag:s29] =	ssyncadd.s32 $0xFFFFFFFF  }
0xb5: {  	_ =	strace $0x9000004E  }
0xb6: {  	_ =	sfence  }
0xb7: {  	s30 =	sld [smem:$0x0];
	_ =	sdelay $0x2  }
0xb8: {  	s31 =	sshll.u32 s1, $0xD;
	s1 =	sshrl.u32 s1, $0x2  }
0xb9: {  	s3 =	sand.u32 $0x4000, s31;
	s1 =	sadd.s32 s1, s30  }
0xba: {  	s0 =	sor.u32 s3, s0;
	s1 =	sshll.u32 s1, $0x11  }
0xbb: {  	s0 =	sor.u32 s1, s0  }
0xbc: {  	s0 =	sadd.s32 $0x8F2B, s0  }
0xbd: {  	[sflag:s0] =	ssyncadd.remote.s32 $0x1  }
0xbe: {  	_ =	sfence.sel $0xFFFF  }
0xbf: {  	[dreg:$0x0] =	wrdreg $0xFFFFFFFF;
	(pc) =	sbr.abs _section_cstart, $3  }
0xc0: {  	[dreg:$0x1] =	wrdreg $0xFFFFFFFF  }
0xc1: {  	_ =	task.clear_ibuf [dreg:s6], $0x2FFFF;
	_ =	strace $0x9FFFFFFF  }
0xc2: {  	(tm) =	ssettm $0x7FFFFFFF  }
0xc3: {  	_ =	shalt  }
tec
execute0_lowered:
.L_overlay_start_1:
0x0: {  	(tag) =	ssettag $0x1  }
0x1: {  	s4 =	rddreg [dreg:$0x0];
	s0 =	stileid.u32  }
0x2: {  	s1 =	rddreg [dreg:$0x1];
	s10 =	smul.u32 $0x3C00, s0  }
0x3: {  	s2 =	srdreg.scid;
	s3 =	simm.s32 $0x0;
	s25 =	smul.u32 $0x14000, s0  }
0x4: {  	s17 =	simm.s32 $0x6380;
	s5 =	sand.u32 $0x1, s2;
	s26 =	smul.u32 $0x50000, s0  }
0x5: {  	s18 =	simm.s32 $0x3;
	s19 =	simm.s32 $0x80;
	s6 =	smul.u32 $0x27100, s5  }
0x6: {  	s20 =	simm.s32 $0x400;
	s8 =	sshrl.u32 s0, $0x3;
	s7 =	smul.u32 $0x27800, s5  }
0x7: {  	s21 =	simm.s32 $0x2780;
	s28 =	simm.s32 $0x6000;
	s8 =	smul.u32 $0x13C00, s8  }
0x8: {  	[smem:$0x7FF] =	sst s3;
	s22 =	sshll.u32 s0, $0x7;
	s9 =	smul.u32 $0x3C000, s5  }
0x9: {  	_ =	strace $0x8000004D;
	s23 =	smul.u32 $0x140000, s5;
	s5 =	ssub.s32 $0x2, s5  }
0xa: {  	s30 =	sshrl.u32 s26, $0x2;
	s31 =	sshrl.u32 s5, $0x1;
	s26 =	simm.s32 $0x5F80  }
0xb: {  	s14 =	sadd.s32 s6, s4;
	s7 =	sadd.s32 s7, s8;
	s6 =	sand.u32 $0x380, s22  }
0xc: {  	s24 =	sadd.s32 s10, s9;
	s29 =	sadd.s32 s25, s23;
	s16 =	ssub.s32 s5, s31  }
0xd: {  	s22 =	simm.s32 $0x58;
	s23 =	simm.s32 $0x8F80;
	s25 =	simm.s32 $0x2  }
0xe: {  	s6 =	sor.u32 s6, s7;
	s7 =	sshrl.u32 s24, $0x3;
	s14 =	sadd.s32 $0x1C600, s14  }
0xf: {  	s16 =	smax.u32 s16, $0x1;
	s24 =	simm.s32 $0x1;
	s6 =	sshrl.u32 s6, $0x3  }
0x10: {  	s13 =	sadd.s32 s7, s4;
	s12 =	sadd.s32 s6, s4;
	s6 =	sshrl.u32 s29, $0x3  }
0x11: {  	s13 =	sadd.s32 $0x3800, s13;
	s15 =	sadd.s32 s6, s4;
	s4 =	sadd.s32 s30, s1  }
0x12: {  	s12 =	sadd.s32 $0x12800, s12;
	s5 =	sadd.s32 $0x2800, s4;
	s6 =	sadd.s32 $0x5000, s4  }
0x13: {  	s7 =	sadd.s32 $0x7800, s4;
	s8 =	sadd.s32 $0xA000, s4;
	s9 =	sadd.s32 $0xC800, s4  }
0x14: {  	v0 =	vimm.f32 $0.0e+00;
	s10 =	sadd.s32 $0xF000, s4;
	s11 =	sadd.s32 $0x11800, s4;
	s15 =	sadd.s32 $0x6A800, s15  }
.LBB2_1:
0x15: {  	s29 =	simm.s32 $0x0;
	s30 =	simm.s32 $0x200  }
.LBB2_2:
0x16: {  	p0 =	sne.s32 s30, $0xAE00;
	[tilespmem:s29+$0x63F0] =	vst v0  }
0x17: {  	[tilespmem:s29+$0x6380] =	vst v0  }
0x18: {  	[tilespmem:s29+$0x6390] =	vst v0  }
.Ltmp0:
0x19: {  	[tilespmem:s29+$0x63A0] =	vst v0;
	(pc) =	sbr.rel @p0 .LBB2_2-.Ltmp0, $4  }
0x1a: {  	[tilespmem:s29+$0x63B0] =	vst v0  }
0x1b: {  	[tilespmem:s29+$0x63C0] =	vst v0  }
0x1c: {  	[tilespmem:s29+$0x63D0] =	vst v0  }
0x1d: {  	[tilespmem:s29+$0x63E0] =	vst v0;
	s29 =	sshra.s32 s30, $0x2;
	s30 =	sadd.s32 $0x200, s30  }
0x1e: {  	[tilespmem:s29+$0x63F0] =	vst v0  }
0x1f: {  	[tilespmem:s29+$0x6380] =	vst v0  }
0x20: {  	[tilespmem:s29+$0x6390] =	vst v0  }
0x21: {  	[tilespmem:s29+$0x63A0] =	vst v0  }
0x22: {  	[tilespmem:s29+$0x63B0] =	vst v0  }
0x23: {  	[tilespmem:s29+$0x63C0] =	vst v0  }
0x24: {  	[tilespmem:s29+$0x63D0] =	vst v0  }
0x25: {  	[tilespmem:s29+$0x63E0] =	vst v0  }
0x26: {  	[spmem:s4] =	stream.linear.scatter [tilespmem:s17], [sflag:$0x3], $0x2800, $0x38;
	[tilespmem:$0x1FB80] =	vst v63  }
0x27: {  	_ =	swait.ge [sflag:s18], $0x2800  }
0x28: {  	[sflag:s18] =	ssyncset.done $0x0  }
0x29: {  	[sflag:s18] =	ssyncadd.s32 $0xFFFFD800  }
0x2a: {  	[spmem:s5] =	stream.linear.scatter [tilespmem:s17], [sflag:$0x3], $0x2800, $0x38;
	[tilespmem:$0x1FB80] =	vst v63  }
0x2b: {  	_ =	swait.ge [sflag:s18], $0x2800  }
0x2c: {  	[sflag:s18] =	ssyncset.done $0x0  }
0x2d: {  	[sflag:s18] =	ssyncadd.s32 $0xFFFFD800  }
0x2e: {  	[spmem:s6] =	stream.linear.scatter [tilespmem:s17], [sflag:$0x3], $0x2800, $0x38;
	[tilespmem:$0x1FB80] =	vst v63  }
0x2f: {  	_ =	swait.ge [sflag:s18], $0x2800  }
0x30: {  	[sflag:s18] =	ssyncset.done $0x0  }
0x31: {  	[sflag:s18] =	ssyncadd.s32 $0xFFFFD800  }
0x32: {  	[spmem:s7] =	stream.linear.scatter [tilespmem:s17], [sflag:$0x3], $0x2800, $0x38;
	[tilespmem:$0x1FB80] =	vst v63  }
0x33: {  	_ =	swait.ge [sflag:s18], $0x2800  }
0x34: {  	[sflag:s18] =	ssyncset.done $0x0  }
0x35: {  	[sflag:s18] =	ssyncadd.s32 $0xFFFFD800  }
0x36: {  	[spmem:s8] =	stream.linear.scatter [tilespmem:s17], [sflag:$0x3], $0x2800, $0x38;
	[tilespmem:$0x1FB80] =	vst v63  }
0x37: {  	_ =	swait.ge [sflag:s18], $0x2800  }
0x38: {  	[sflag:s18] =	ssyncset.done $0x0  }
0x39: {  	[sflag:s18] =	ssyncadd.s32 $0xFFFFD800  }
0x3a: {  	[spmem:s9] =	stream.linear.scatter [tilespmem:s17], [sflag:$0x3], $0x2800, $0x38;
	[tilespmem:$0x1FB80] =	vst v63  }
0x3b: {  	_ =	swait.ge [sflag:s18], $0x2800  }
0x3c: {  	[sflag:s18] =	ssyncset.done $0x0  }
0x3d: {  	[sflag:s18] =	ssyncadd.s32 $0xFFFFD800  }
0x3e: {  	[spmem:s10] =	stream.linear.scatter [tilespmem:s17], [sflag:$0x3], $0x2800, $0x38;
	[tilespmem:$0x1FB80] =	vst v63  }
0x3f: {  	_ =	swait.ge [sflag:s18], $0x2800  }
0x40: {  	[sflag:s18] =	ssyncset.done $0x0  }
0x41: {  	[sflag:s18] =	ssyncadd.s32 $0xFFFFD800  }
0x42: {  	[spmem:s11] =	stream.linear.scatter [tilespmem:s17], [sflag:$0x3], $0x2800, $0x38;
	[tilespmem:$0x1FB80] =	vst v63  }
0x43: {  	_ =	swait.ge [sflag:s18], $0x2800  }
0x44: {  	[sflag:s18] =	ssyncset.done $0x0  }
0x45: {  	s29 =	simm.s32 $0x0;
	[sflag:s18] =	ssyncadd.s32 $0xFFFFD800  }
0x46: {  	[tilespmem:s29], [sflag:$0x3] =	stream.strided.gather [hbm4b:s12+s19], $0x2780, s20, s19, $0x38;
	[tilespmem:$0x1FB80] =	vst v63  }
0x47: {  	_ =	swait.ge [sflag:s18], $0x2780  }
0x48: {  	[sflag:s18] =	ssyncset.done $0x0  }
0x49: {  	[sflag:s18] =	ssyncadd.s32 $0xFFFFD880  }
0x4a: {  	[tilespmem:s21], [sflag:$0x3] =	stream.linear.gather [hbm4b:s13+s29], $0x3900, $0x38;
	[tilespmem:$0x1FB80] =	vst v63  }
0x4b: {  	_ =	swait.ge [sflag:s18], $0x3900  }
0x4c: {  	[sflag:s18] =	ssyncset.done $0x0  }
0x4d: {  	[sflag:s18] =	ssyncadd.s32 $0xFFFFC700  }
0x4e: {  	[bflag:$0x0] =	sbarrier.arrive $0xFFFF  }
0x4f: {  	[tilespmem:s17], [sflag:$0x1] =	stream.indirect.gather [hbm4b:s14+s22], $0x80, s29, s22, $0xb8;
	[tilespmem:$0x1FB80] =	vst v63  }
0x50: {  	_ = 	snop  }
0x51: {  	[tilespmem:s23], [sflag:$0x2] =	stream.indirect.gather [hbm4b:s14+s22], $0x80, s22, s22, $0xb8;
	[tilespmem:$0x1FB80] =	vst v63  }
0x52: {  	_ =	swait.ge [sflag:s24], $0x2C00  }
0x53: {  	[sflag:s24] =	ssyncset.done $0x0  }
0x54: {  	s29 =	simm.s32 $0x2780;
	[sflag:s24] =	ssyncadd.s32 $0xFFFFD400  }
0x55: {  	[spmem:s1] =	stream.indirect.scatter.add.f32 [tilespmem:s17], [sflag:$0x3], $0x80, s29, s22, $0xb8;
	[tilespmem:$0x1FB80] =	vst v63  }
0x56: {  	_ =	swait.ge [sflag:s18], $0x2C00  }
0x57: {  	[sflag:s18] =	ssyncset.done $0x0  }
0x58: {  	s29 =	simm.s32 $0xB0;
	[sflag:s18] =	ssyncadd.s32 $0xFFFFD400  }
0x59: {  	[tilespmem:s17], [sflag:$0x1] =	stream.indirect.gather [hbm4b:s14+s22], $0x80, s29, s22, $0xb8;
	[tilespmem:$0x1FB80] =	vst v63  }
0x5a: {  	_ =	swait.ge [sflag:s25], $0x2C00  }
0x5b: {  	[sflag:s25] =	ssyncset.done $0x0  }
0x5c: {  	s29 =	simm.s32 $0x2800;
	[sflag:s25] =	ssyncadd.s32 $0xFFFFD400  }
0x5d: {  	[spmem:s1] =	stream.indirect.scatter.add.f32 [tilespmem:s23], [sflag:$0x3], $0x80, s29, s22, $0xb8;
	[tilespmem:$0x1FB80] =	vst v63  }
0x5e: {  	_ =	swait.ge [sflag:s18], $0x2C00  }
0x5f: {  	s30 =	simm.s32 $0x400;
	[sflag:s18] =	ssyncset.done $0x0  }
0x60: {  	s31 =	simm.s32 $0x1B8;
	s29 =	simm.s32 $0x108;
	[sflag:s18] =	ssyncadd.s32 $0xFFFFD400  }
.LBB2_4:
0x61: {  	[tilespmem:s23], [sflag:$0x2] =	stream.indirect.gather [hbm4b:s14+s22], $0x80, s29, s22, $0xb8;
	[tilespmem:$0x1FB80] =	vst v63  }
0x62: {  	s0 =	smov.u32 s30;
	s29 =	smov.u32 s31  }
0x63: {  	p0 =	sne.s32 s30, $0xDC00;
	s30 =	sadd.s32 $0x400, s30;
	_ =	swait.ge [sflag:s24], $0x2C00  }
0x64: {  	s0 =	sshra.s32 s0, $0x2;
	[sflag:s24] =	ssyncset.done $0x0  }
0x65: {  	s2 =	sadd.s32 $0x2780, s0;
	[sflag:s24] =	ssyncadd.s32 $0xFFFFD400  }
0x66: {  	[spmem:s1] =	stream.indirect.scatter.add.f32 [tilespmem:s17], [sflag:$0x3], $0x80, s2, s22, $0xb8;
	[tilespmem:$0x1FB80] =	vst v63  }
0x67: {  	_ =	swait.ge [sflag:s18], $0x2C00  }
0x68: {  	[sflag:s18] =	ssyncset.done $0x0  }
0x69: {  	s2 =	sadd.s32 $0xFFFFFFA8, s31;
	[sflag:s18] =	ssyncadd.s32 $0xFFFFD400  }
0x6a: {  	[tilespmem:s17], [sflag:$0x1] =	stream.indirect.gather [hbm4b:s14+s22], $0x80, s2, s22, $0xb8;
	[tilespmem:$0x1FB80] =	vst v63  }
0x6b: {  	_ =	swait.ge [sflag:s25], $0x2C00  }
0x6c: {  	[sflag:s25] =	ssyncset.done $0x0  }
.Ltmp1:
0x6d: {  	s0 =	sadd.s32 $0x2800, s0;
	[sflag:s25] =	ssyncadd.s32 $0xFFFFD400;
	(pc) =	sbr.rel @p0 .LBB2_4-.Ltmp1, $4  }
0x6e: {  	[spmem:s1] =	stream.indirect.scatter.add.f32 [tilespmem:s23], [sflag:$0x3], $0x80, s0, s22, $0xb8;
	[tilespmem:$0x1FB80] =	vst v63  }
0x6f: {  	_ =	swait.ge [sflag:s18], $0x2C00  }
0x70: {  	[sflag:s18] =	ssyncset.done $0x0  }
0x71: {  	s31 =	sadd.s32 $0xB0, s31;
	[sflag:s18] =	ssyncadd.s32 $0xFFFFD400  }
0x72: {  	[tilespmem:s23], [sflag:$0x2] =	stream.indirect.gather [hbm4b:s14+s22], $0x80, s29, s22, $0xb8;
	[tilespmem:$0x1FB80] =	vst v63  }
0x73: {  	_ =	swait.ge [sflag:s24], $0x2C00  }
0x74: {  	[sflag:s24] =	ssyncset.done $0x0  }
0x75: {  	[sflag:s24] =	ssyncadd.s32 $0xFFFFD400  }
0x76: {  	[spmem:s1] =	stream.indirect.scatter.add.f32 [tilespmem:s17], [sflag:$0x3], $0x80, s26, s22, $0xb8;
	[tilespmem:$0x1FB80] =	vst v63  }
0x77: {  	_ =	swait.ge [sflag:s18], $0x2C00  }
0x78: {  	[sflag:s18] =	ssyncset.done $0x0  }
0x79: {  	[sflag:s18] =	ssyncadd.s32 $0xFFFFD400  }
0x7a: {  	_ =	swait.ge [sflag:s25], $0x2C00  }
0x7b: {  	[sflag:s25] =	ssyncset.done $0x0  }
0x7c: {  	[sflag:s25] =	ssyncadd.s32 $0xFFFFD400  }
0x7d: {  	[spmem:s1] =	stream.indirect.scatter.add.f32 [tilespmem:s23], [sflag:$0x3], $0x80, s28, s22, $0xb8;
	[tilespmem:$0x1FB80] =	vst v63  }
0x7e: {  	s0 =	stileid.u32;
	_ =	swait.ge [sflag:s18], $0x2C00  }
0x7f: {  	s2 =	sshrl.u32 s4, $0x3;
	s3 =	sadd.s32 $0x1, s3;
	[sflag:s18] =	ssyncset.done $0x0  }
0x80: {  	s0 =	sshll.u32 s0, $0x6;
	p0 =	sne.s32 s3, s16;
	[sflag:s18] =	ssyncadd.s32 $0xFFFFD400  }
.Ltmp2:
0x81: {  	s0 =	sor.u32 $0x1C03, s0;
	[bflag:$0x0] =	sbarrier.arrive $0xFFFF;
	(pc) =	sbr.rel @p0 .LBB2_1-.Ltmp2, $4  }
0x82: {  	[hbm:s15], [sflag:s0] =	dma.local [spmem:s2], $0x2800  }
0x83: {  	_ =	swait.ge [sflag:s18], $0x2800  }
0x84: {  	[sflag:s18] =	ssyncset.done $0x0  }
0x85: {  	[sflag:s18] =	ssyncadd.s32 $0xFFFFD800  }
0x86: {  	_ =	sfence.sel $0x180000  }
0x87: {  	[bflag:$0x0] =	sbarrier.arrive $0xFFFF  }
0x88: {  	_ =	strace $0x9000004D  }
0x89: {  	s0 =	stileid.u32;
	[bflag:$0x2] =	sbarrier.arrive $0xFFFF  }
0x8a: {  	p0 =	sne.s32 s0, $0x0;
	s0 =	rddreg [dreg:$0x2]  }
0x8b: {  	s0 =	sadd.s32 @!p0 $0x100000, s0  }
0x8c: {  	[sflag:s0] =	ssyncadd.tile.s32 @!p0 $0x1;
	_ =	shalt  }
.Lfunc_end2:
_tile_overlayer_lowered:
.L_overlay_start_2:
0x8d: {  	(tag) =	ssettag $0x2  }
0x8e: {  	s0 =	rddreg [dreg:$0x0];
	s2 =	stileid.u32  }
0x8f: {  	s1 =	rddreg [dreg:$0x1];
	p0 =	sne.s32 s2, $0x0  }
0x90: {  	s3 =	rddreg [dreg:$0x2];
	[bflag:$0x3] =	sbarrier.arrive $0xFFFF;
	s2 =	simm.s32 @!p0 $0x1C03  }
0x91: {  	[timem:s3], [sflag:s2] =	dma.local @!p0 [hbm:s0], s1  }
0x92: {  	s0 =	simm.s32 @!p0 $0x3  }
0x93: {  	_ =	swait.ge @!p0 [sflag:s0], s1  }
0x94: {  	s1 =	ssub.s32 @!p0 $0x0, s1;
	[sflag:s0] =	ssyncset.done @!p0 $0x0  }
0x95: {  	[sflag:s0] =	ssyncadd.s32 @!p0 s1  }
0x96: {  	[bflag:$0x3] =	sbarrier.arrive $0xFFFF  }
0x97: {  	_ =	shalt  }

// kernel: kernel.25.cloned.1.call-start
scs
__scs_entry_jumppad:
0x0: {  	(pc) =	sbr.rel $0x88, $3  }
0x1: {  	(tag) =	ssettag $0x0;
	lr =	simm.s32 $0x1  }
0x2: {  	[smem:$0x3F9B] =	sst lr;
	_ =	strace $0xD0000000  }
0x3: {  	_ = 	snop  }
0x4: {  	_ = 	snop  }
0x5: {  	_ = 	snop  }
0x6: {  	_ = 	snop  }
0x7: {  	_ = 	snop  }
__scs_overlays_trampoline_lowered:
0x8: {  	[smem:$0x3FAA] =	sst s0  }
0x9: {  	[smem:$0x3FAB] =	sst s1  }
0xa: {  	[smem:$0x3FAC] =	sst s2  }
0xb: {  	[smem:$0x3FAD] =	sst s3  }
0xc: {  	[smem:$0x3FAE] =	sst s4  }
0xd: {  	[smem:$0x3FAF] =	sst s5  }
0xe: {  	[smem:$0x3FB0] =	sst s6  }
0xf: {  	[smem:$0x3FB1] =	sst s7  }
0x10: {  	[smem:$0x3FB2] =	sst s8  }
0x11: {  	[smem:$0x3FB3] =	sst s9;
	s0 =	simm.s32 @!p0 $0x0  }
0x12: {  	s1 =	sld [smem:$0x3F99];
	s0 =	simm.s32 @p0 $0x1  }
0x13: {  	[smem:$0x3FB4] =	sst s0;
	s0 =	simm.s32 @!p1 $0x0  }
0x14: {  	s2 =	sld [smem:$0x3F98];
	s0 =	simm.s32 @p1 $0x1  }
0x15: {  	[smem:$0x3FB5] =	sst s0;
	s0 =	simm.s32 @!p2 $0x0  }
0x16: {  	s3 =	sld [smem:$0x3FDB];
	s0 =	simm.s32 @p2 $0x1  }
0x17: {  	s4 =	simm.s32 $0x1BF5;
	[smem:$0x3FB7] =	sst s0  }
0x18: {  	s0 =	sld [smem:$0x3F9A];
	_ =	swait.ge [sflag:s4], $0x0  }
0x19: {  	s7 =	sld [smem:$0x3F9B]  }
0x1a: {  	s8 =	sadd.s32 $0xFFFFE003, lr  }
0x1b: {  	s9 =	sadd.s32 $0xFFFFFEF7, lr;
	s5 =	simm.s32 $0xFFFFFFFF;
	p2 =	slt.u32 s8, $0xFFFFF086  }
0x1c: {  	p1 =	slt.u32 s9, $0xF7A;
	s5 =	simm.s32 @!p2 $0x0  }
0x1d: {  	s5 =	simm.s32 @p1 $0x1;
	p0 =	seq.s32 s7, s2  }
0x1e: {  	s7 =	smul.u32 @!p0 $0xF7A, s2;
	p2 =	seq.s32 @!p0 s5, $0x0  }
0x1f: {  	s9 =	smul.u32 $0xF7A, s1;
	s8 =	simm.s32 @!p0 $0x1BF5;
	p2 =	por !p2, p0  }
0x20: {  	[sflag:s8] =	ssyncset.s32 @!p0 $0xFFFFF086;
	s6 =	sadd.s32 @!p0 s3, s7;
	s7 =	simm.s32 @!p0 $0x108  }
0x21: {  	s3 =	sadd.s32 s3, s9;
	s6 =	sadd.s32 @!p0 $0x88, s6;
	s7 =	simm.s32 @p2 $0x1082  }
0x22: {  	[simem:s7], [sflag:s8] =	dma.local @!p0 [hbm:s6], $0xF7A  }
0x23: {  	s9 =	sor.u32 $0xD0000000, s2;
	s6 =	simm.s32 $0x108;
	_ =	swait.ge @!p0 [sflag:s8], $0x0  }
0x24: {  	s3 =	sadd.s32 $0x88, s3;
	s6 =	simm.s32 @!p1 $0x1082;
	[sflag:s4] =	ssyncset.s32 $0xFFFFF086  }
0x25: {  	[simem:s6], [sflag:s4] =	dma.local [hbm:s3], $0xF7A  }
0x26: {  	[smem:$0x3F9B] =	sst s1;
	(tag) =	ssettag s2;
	_ =	strace s9  }
0x27: {  	s1 =	sld [smem:$0x3FAB]  }
0x28: {  	s2 =	sld [smem:$0x3FAC]  }
0x29: {  	s4 =	sld [smem:$0x3FAE]  }
0x2a: {  	p0 =	seq.s32 s5, $0x0;
	s5 =	sld [smem:$0x3FAF]  }
0x2b: {  	s6 =	sld [smem:$0x3FB0]  }
0x2c: {  	s7 =	sld [smem:$0x3FB1]  }
0x2d: {  	s3 =	simm.s32 $0x108;
	s8 =	sld [smem:$0x3FB2]  }
0x2e: {  	s3 =	simm.s32 @!p0 $0x1082;
	s9 =	sld [smem:$0x3FB3]  }
0x2f: {  	lr =	sadd.s32 s0, s3;
	s0 =	sld [smem:$0x3FAA]  }
0x30: {  	s3 =	sld [smem:$0x3FAD]  }
0x31: {  	[smem:$0x3FB6] =	sst s10  }
0x32: {  	s10 =	sld [smem:$0x3FB4];
	_ =	sdelay $0x3  }
0x33: {  	p0 =	seq.s32 s10, $0x1;
	s10 =	sld [smem:$0x3FB6];
	_ =	sdelay $0x3  }
0x34: {  	[smem:$0x3FB6] =	sst s10  }
0x35: {  	s10 =	sld [smem:$0x3FB5];
	_ =	sdelay $0x3  }
0x36: {  	p1 =	seq.s32 s10, $0x1;
	s10 =	sld [smem:$0x3FB6];
	_ =	sdelay $0x3  }
0x37: {  	[smem:$0x3FB6] =	sst s10  }
0x38: {  	s10 =	sld [smem:$0x3FB7]  }
0x39: {  	_ = 	snop;
	(pc) =	sbr.ind lr, $3  }
0x3a: {  	_ = 	snop  }
0x3b: {  	_ = 	snop  }
0x3c: {  	p2 =	seq.s32 s10, $0x1;
	s10 =	sld [smem:$0x3FB6]  }
0x3d: {  	_ =	shalt  }
0x3e: {  	_ =	shalt  }
0x3f: {  	_ =	shalt  }
0x40: {  	_ =	shalt  }
0x41: {  	_ =	shalt  }
0x42: {  	_ =	shalt  }
0x43: {  	_ =	shalt  }
0x44: {  	_ =	shalt  }
0x45: {  	_ =	shalt  }
0x46: {  	_ =	shalt  }
0x47: {  	_ =	shalt  }
0x48: {  	_ =	shalt  }
0x49: {  	_ =	shalt  }
0x4a: {  	_ =	shalt  }
0x4b: {  	_ =	shalt  }
0x4c: {  	_ =	shalt  }
0x4d: {  	_ =	shalt  }
0x4e: {  	_ =	shalt  }
0x4f: {  	_ =	shalt  }
0x50: {  	_ =	shalt  }
0x51: {  	_ =	shalt  }
0x52: {  	_ =	shalt  }
0x53: {  	_ =	shalt  }
0x54: {  	_ =	shalt  }
0x55: {  	_ =	shalt  }
0x56: {  	_ =	shalt  }
0x57: {  	_ =	shalt  }
0x58: {  	_ =	shalt  }
0x59: {  	_ =	shalt  }
0x5a: {  	_ =	shalt  }
0x5b: {  	_ =	shalt  }
0x5c: {  	_ =	shalt  }
0x5d: {  	_ =	shalt  }
0x5e: {  	_ =	shalt  }
0x5f: {  	_ =	shalt  }
0x60: {  	_ =	shalt  }
0x61: {  	_ =	shalt  }
0x62: {  	_ =	shalt  }
0x63: {  	_ =	shalt  }
0x64: {  	_ =	shalt  }
0x65: {  	_ =	shalt  }
0x66: {  	_ =	shalt  }
0x67: {  	_ =	shalt  }
0x68: {  	_ =	shalt  }
0x69: {  	_ =	shalt  }
0x6a: {  	_ =	shalt  }
0x6b: {  	_ =	shalt  }
0x6c: {  	_ =	shalt  }
0x6d: {  	_ =	shalt  }
0x6e: {  	_ =	shalt  }
0x6f: {  	_ =	shalt  }
0x70: {  	_ =	shalt  }
0x71: {  	_ =	shalt  }
0x72: {  	_ =	shalt  }
0x73: {  	_ =	shalt  }
0x74: {  	_ =	shalt  }
0x75: {  	_ =	shalt  }
0x76: {  	_ =	shalt  }
0x77: {  	_ =	shalt  }
0x78: {  	_ =	shalt  }
0x79: {  	_ =	shalt  }
0x7a: {  	_ =	shalt  }
0x7b: {  	_ =	shalt  }
0x7c: {  	_ =	shalt  }
0x7d: {  	_ =	shalt  }
0x7e: {  	_ =	shalt  }
0x7f: {  	_ =	shalt  }
0x80: {  	_ =	shalt  }
0x81: {  	_ =	shalt  }
0x82: {  	_ =	shalt  }
0x83: {  	_ =	shalt  }
0x84: {  	_ =	shalt  }
0x85: {  	_ =	shalt  }
0x86: {  	_ =	shalt  }
0x87: {  	_ =	shalt  }
.Lfunc_end0:
.L_simem_size_0:
called_computation.3_lowered:
.L_overlay_start_0:
0x88: {  	s2 =	sld [smem:$0x3FD9]  }
0x89: {  	s3 =	sld [smem:$0x3FFE];
	_ =	sdelay $0x1  }
0x8a: {  	s1 =	srdreg.scid  }
0x8b: {  	s0 =	sand.u32 $0x1, s1  }
0x8c: {  	s16 =	sshll.u32 s0, $0xA;
	s2 =	sadd.s32 s3, s2  }
0x8d: {  	s2 =	sadd.s32 s2, s16  }
0x8e: {  	[smem:$0x3FC2] =	sst s2  }
0x8f: {  	_ = 	snop  }
0x90: {  	(tm) =	ssettm $0x1  }
0x91: {  	s17 =	sld [smem:$0x3FFB];
	_ =	sdelay $0x3  }
0x92: {  	_ =	strace s17  }
0x93: {  	s2 =	sld [smem:$0x3FFC];
	_ =	sdelay $0x3  }
0x94: {  	_ =	strace s2  }
0x95: {  	s2 =	sld [smem:$0x3FFD];
	_ =	sdelay $0x3  }
0x96: {  	_ =	strace s2  }
0x97: {  	_ =	strace $0x8FFFFFFF  }
0x98: {  	s18 =	sld [smem:$0x3FDB];
	_ =	sdelay $0x1  }
0x99: {  	s19 =	simm.s32 $_scs_section_size  }
0x9a: {  	s4 =	simm.s32 $_size__tile_overlayer_lowered;
	s5 =	simm.s32 $_tile_overlayer_lowered  }
0x9b: {  	s22 =	simm.s32 $0x1BFF;
	s21 =	sshll.u32 s5, $0x1;
	s2 =	sadd.s32 s19, s18  }
0x9c: {  	s6 =	simm.s32 $0x0;
	s20 =	sshll.u32 s4, $0x1;
	s4 =	sadd.s32 s21, s2  }
0x9d: {  	[timem:s6], [sflag:s22] =	dma.local [hbm:s4], s20  }
0x9e: {  	_ =	swait.ge [sflag:s22], s20  }
0x9f: {  	s3 =	ssub.s32 $0x0, s20;
	[sflag:s22] =	ssyncset.done $0x0  }
0xa0: {  	[sflag:s22] =	ssyncadd.s32 s3;
	_ =	sdelay $0x1  }
0xa1: {  	s23 =	simm.s32 $0x1B8B  }
0xa2: {  	_ =	swait.ge [sflag:s23], $0x1  }
0xa3: {  	[sflag:s23] =	ssyncset.done $0x0  }
0xa4: {  	s25 =	simm.s32 $0x1B8E;
	s24 =	sld [smem:$0x3FFE];
	[sflag:s23] =	ssyncadd.s32 $0xFFFFFFFF  }
0xa5: {  	s26 =	simm.s32 $execute0_lowered;
	[smem:$0x3FD2] =	sst s25  }
0xa6: {  	s4 =	sshll.u32 s26, $0x1;
	_ =	strace $0x8000004F;
	[dreg:$0x1] =	wrdreg $0xFFFFFFFF  }
0xa7: {  	s28 =	simm.s32 $_size_execute0_lowered;
	s2 =	sadd.s32 s2, s4;
	[dreg:$0x0] =	wrdreg $0x0  }
0xa8: {  	s4 =	sshll.u32 s28, $0x1;
	[dreg:$0x2] =	wrdreg s2  }
0xa9: {  	[dreg:$0x3] =	wrdreg s4  }
0xaa: {  	[dreg:$0x4] =	wrdreg $0xC0  }
0xab: {  	_ =	task [dreg:s6], $0x5FFFF  }
0xac: {  	[dreg:$0x1] =	wrdreg $0xFFFFFFFF  }
0xad: {  	[dreg:$0x0] =	wrdreg $0x60  }
0xae: {  	[dreg:$0x2] =	wrdreg s24  }
0xaf: {  	[dreg:$0x3] =	wrdreg $0xBB800  }
0xb0: {  	[dreg:$0x4] =	wrdreg $0x9  }
0xb1: {  	_ =	task.clear_ibuf [dreg:s6], $0x5FFFF;
	_ =	strace $0x9000004F  }
0xb2: {  	s29 =	simm.s32 $0x9;
	_ =	strace $0x80000051  }
0xb3: {  	_ =	swait.ge [sflag:s29], $0x1  }
0xb4: {  	[sflag:s29] =	ssyncadd.s32 $0xFFFFFFFF  }
0xb5: {  	_ =	strace $0x90000051  }
0xb6: {  	_ =	sfence  }
0xb7: {  	s30 =	sld [smem:$0x0];
	_ =	sdelay $0x2  }
0xb8: {  	s31 =	sshll.u32 s1, $0xD;
	s1 =	sshrl.u32 s1, $0x2  }
0xb9: {  	s3 =	sand.u32 $0x4000, s31;
	s1 =	sadd.s32 s1, s30  }
0xba: {  	s0 =	sor.u32 s3, s0;
	s1 =	sshll.u32 s1, $0x11  }
0xbb: {  	s0 =	sor.u32 s1, s0  }
0xbc: {  	s0 =	sadd.s32 $0x8F2B, s0  }
0xbd: {  	[sflag:s0] =	ssyncadd.remote.s32 $0x1  }
0xbe: {  	_ =	sfence.sel $0xFFFF  }
0xbf: {  	[dreg:$0x0] =	wrdreg $0xFFFFFFFF;
	(pc) =	sbr.abs _section_cstart, $3  }
0xc0: {  	[dreg:$0x1] =	wrdreg $0xFFFFFFFF  }
0xc1: {  	_ =	task.clear_ibuf [dreg:s6], $0x2FFFF;
	_ =	strace $0x9FFFFFFF  }
0xc2: {  	(tm) =	ssettm $0x7FFFFFFF  }
0xc3: {  	_ =	shalt  }
tec
execute0_lowered:
.L_overlay_start_1:
0x0: {  	(tag) =	ssettag $0x1  }
0x1: {  	s4 =	rddreg [dreg:$0x0];
	s0 =	stileid.u32  }
0x2: {  	s1 =	rddreg [dreg:$0x1];
	s10 =	smul.u32 $0x3C00, s0  }
0x3: {  	s2 =	srdreg.scid;
	s3 =	simm.s32 $0x0;
	s25 =	smul.u32 $0x14000, s0  }
0x4: {  	s17 =	simm.s32 $0x6380;
	s5 =	sand.u32 $0x1, s2;
	s26 =	smul.u32 $0x50000, s0  }
0x5: {  	s18 =	simm.s32 $0x3;
	s19 =	simm.s32 $0x80;
	s6 =	smul.u32 $0x27100, s5  }
0x6: {  	s20 =	simm.s32 $0x400;
	s8 =	sshrl.u32 s0, $0x3;
	s7 =	smul.u32 $0x27800, s5  }
0x7: {  	s21 =	simm.s32 $0x2780;
	s28 =	simm.s32 $0x6000;
	s8 =	smul.u32 $0x13C00, s8  }
0x8: {  	[smem:$0x7FF] =	sst s3;
	s22 =	sshll.u32 s0, $0x7;
	s9 =	smul.u32 $0x3C000, s5  }
0x9: {  	_ =	strace $0x80000050;
	s23 =	smul.u32 $0x140000, s5;
	s5 =	ssub.s32 $0x2, s5  }
0xa: {  	s30 =	sshrl.u32 s26, $0x2;
	s31 =	sshrl.u32 s5, $0x1;
	s26 =	simm.s32 $0x5F80  }
0xb: {  	s14 =	sadd.s32 s6, s4;
	s7 =	sadd.s32 s7, s8;
	s6 =	sand.u32 $0x380, s22  }
0xc: {  	s24 =	sadd.s32 s10, s9;
	s29 =	sadd.s32 s25, s23;
	s16 =	ssub.s32 s5, s31  }
0xd: {  	s22 =	simm.s32 $0x58;
	s23 =	simm.s32 $0x8F80;
	s25 =	simm.s32 $0x2  }
0xe: {  	s6 =	sor.u32 s6, s7;
	s7 =	sshrl.u32 s24, $0x3;
	s14 =	sadd.s32 $0x1C600, s14  }
0xf: {  	s16 =	smax.u32 s16, $0x1;
	s24 =	simm.s32 $0x1;
	s6 =	sshrl.u32 s6, $0x3  }
0x10: {  	s13 =	sadd.s32 s7, s4;
	s12 =	sadd.s32 s6, s4;
	s6 =	sshrl.u32 s29, $0x3  }
0x11: {  	s13 =	sadd.s32 $0x3800, s13;
	s15 =	sadd.s32 s6, s4;
	s4 =	sadd.s32 s30, s1  }
0x12: {  	s12 =	sadd.s32 $0x12800, s12;
	s5 =	sadd.s32 $0x2800, s4;
	s6 =	sadd.s32 $0x5000, s4  }
0x13: {  	s7 =	sadd.s32 $0x7800, s4;
	s8 =	sadd.s32 $0xA000, s4;
	s9 =	sadd.s32 $0xC800, s4  }
0x14: {  	v0 =	vimm.f32 $0.0e+00;
	s10 =	sadd.s32 $0xF000, s4;
	s11 =	sadd.s32 $0x11800, s4;
	s15 =	sadd.s32 $0x6A800, s15  }
.LBB2_1:
0x15: {  	s29 =	simm.s32 $0x0;
	s30 =	simm.s32 $0x200  }
.LBB2_2:
0x16: {  	p0 =	sne.s32 s30, $0xAE00;
	[tilespmem:s29+$0x63F0] =	vst v0  }
0x17: {  	[tilespmem:s29+$0x6380] =	vst v0  }
0x18: {  	[tilespmem:s29+$0x6390] =	vst v0  }
.Ltmp0:
0x19: {  	[tilespmem:s29+$0x63A0] =	vst v0;
	(pc) =	sbr.rel @p0 .LBB2_2-.Ltmp0, $4  }
0x1a: {  	[tilespmem:s29+$0x63B0] =	vst v0  }
0x1b: {  	[tilespmem:s29+$0x63C0] =	vst v0  }
0x1c: {  	[tilespmem:s29+$0x63D0] =	vst v0  }
0x1d: {  	[tilespmem:s29+$0x63E0] =	vst v0;
	s29 =	sshra.s32 s30, $0x2;
	s30 =	sadd.s32 $0x200, s30  }
0x1e: {  	[tilespmem:s29+$0x63F0] =	vst v0  }
0x1f: {  	[tilespmem:s29+$0x6380] =	vst v0  }
0x20: {  	[tilespmem:s29+$0x6390] =	vst v0  }
0x21: {  	[tilespmem:s29+$0x63A0] =	vst v0  }
0x22: {  	[tilespmem:s29+$0x63B0] =	vst v0  }
0x23: {  	[tilespmem:s29+$0x63C0] =	vst v0  }
0x24: {  	[tilespmem:s29+$0x63D0] =	vst v0  }
0x25: {  	[tilespmem:s29+$0x63E0] =	vst v0  }
0x26: {  	[spmem:s4] =	stream.linear.scatter [tilespmem:s17], [sflag:$0x3], $0x2800, $0x38;
	[tilespmem:$0x1FB80] =	vst v63  }
0x27: {  	_ =	swait.ge [sflag:s18], $0x2800  }
0x28: {  	[sflag:s18] =	ssyncset.done $0x0  }
0x29: {  	[sflag:s18] =	ssyncadd.s32 $0xFFFFD800  }
0x2a: {  	[spmem:s5] =	stream.linear.scatter [tilespmem:s17], [sflag:$0x3], $0x2800, $0x38;
	[tilespmem:$0x1FB80] =	vst v63  }
0x2b: {  	_ =	swait.ge [sflag:s18], $0x2800  }
0x2c: {  	[sflag:s18] =	ssyncset.done $0x0  }
0x2d: {  	[sflag:s18] =	ssyncadd.s32 $0xFFFFD800  }
0x2e: {  	[spmem:s6] =	stream.linear.scatter [tilespmem:s17], [sflag:$0x3], $0x2800, $0x38;
	[tilespmem:$0x1FB80] =	vst v63  }
0x2f: {  	_ =	swait.ge [sflag:s18], $0x2800  }
0x30: {  	[sflag:s18] =	ssyncset.done $0x0  }
0x31: {  	[sflag:s18] =	ssyncadd.s32 $0xFFFFD800  }
0x32: {  	[spmem:s7] =	stream.linear.scatter [tilespmem:s17], [sflag:$0x3], $0x2800, $0x38;
	[tilespmem:$0x1FB80] =	vst v63  }
0x33: {  	_ =	swait.ge [sflag:s18], $0x2800  }
0x34: {  	[sflag:s18] =	ssyncset.done $0x0  }
0x35: {  	[sflag:s18] =	ssyncadd.s32 $0xFFFFD800  }
0x36: {  	[spmem:s8] =	stream.linear.scatter [tilespmem:s17], [sflag:$0x3], $0x2800, $0x38;
	[tilespmem:$0x1FB80] =	vst v63  }
0x37: {  	_ =	swait.ge [sflag:s18], $0x2800  }
0x38: {  	[sflag:s18] =	ssyncset.done $0x0  }
0x39: {  	[sflag:s18] =	ssyncadd.s32 $0xFFFFD800  }
0x3a: {  	[spmem:s9] =	stream.linear.scatter [tilespmem:s17], [sflag:$0x3], $0x2800, $0x38;
	[tilespmem:$0x1FB80] =	vst v63  }
0x3b: {  	_ =	swait.ge [sflag:s18], $0x2800  }
0x3c: {  	[sflag:s18] =	ssyncset.done $0x0  }
0x3d: {  	[sflag:s18] =	ssyncadd.s32 $0xFFFFD800  }
0x3e: {  	[spmem:s10] =	stream.linear.scatter [tilespmem:s17], [sflag:$0x3], $0x2800, $0x38;
	[tilespmem:$0x1FB80] =	vst v63  }
0x3f: {  	_ =	swait.ge [sflag:s18], $0x2800  }
0x40: {  	[sflag:s18] =	ssyncset.done $0x0  }
0x41: {  	[sflag:s18] =	ssyncadd.s32 $0xFFFFD800  }
0x42: {  	[spmem:s11] =	stream.linear.scatter [tilespmem:s17], [sflag:$0x3], $0x2800, $0x38;
	[tilespmem:$0x1FB80] =	vst v63  }
0x43: {  	_ =	swait.ge [sflag:s18], $0x2800  }
0x44: {  	[sflag:s18] =	ssyncset.done $0x0  }
0x45: {  	s29 =	simm.s32 $0x0;
	[sflag:s18] =	ssyncadd.s32 $0xFFFFD800  }
0x46: {  	[tilespmem:s29], [sflag:$0x3] =	stream.strided.gather [hbm4b:s12+s19], $0x2780, s20, s19, $0x38;
	[tilespmem:$0x1FB80] =	vst v63  }
0x47: {  	_ =	swait.ge [sflag:s18], $0x2780  }
0x48: {  	[sflag:s18] =	ssyncset.done $0x0  }
0x49: {  	[sflag:s18] =	ssyncadd.s32 $0xFFFFD880  }
0x4a: {  	[tilespmem:s21], [sflag:$0x3] =	stream.linear.gather [hbm4b:s13+s29], $0x3900, $0x38;
	[tilespmem:$0x1FB80] =	vst v63  }
0x4b: {  	_ =	swait.ge [sflag:s18], $0x3900  }
0x4c: {  	[sflag:s18] =	ssyncset.done $0x0  }
0x4d: {  	[sflag:s18] =	ssyncadd.s32 $0xFFFFC700  }
0x4e: {  	[bflag:$0x0] =	sbarrier.arrive $0xFFFF  }
0x4f: {  	[tilespmem:s17], [sflag:$0x1] =	stream.indirect.gather [hbm4b:s14+s22], $0x80, s29, s22, $0xb8;
	[tilespmem:$0x1FB80] =	vst v63  }
0x50: {  	_ = 	snop  }
0x51: {  	[tilespmem:s23], [sflag:$0x2] =	stream.indirect.gather [hbm4b:s14+s22], $0x80, s22, s22, $0xb8;
	[tilespmem:$0x1FB80] =	vst v63  }
0x52: {  	_ =	swait.ge [sflag:s24], $0x2C00  }
0x53: {  	[sflag:s24] =	ssyncset.done $0x0  }
0x54: {  	s29 =	simm.s32 $0x2780;
	[sflag:s24] =	ssyncadd.s32 $0xFFFFD400  }
0x55: {  	[spmem:s1] =	stream.indirect.scatter.add.f32 [tilespmem:s17], [sflag:$0x3], $0x80, s29, s22, $0xb8;
	[tilespmem:$0x1FB80] =	vst v63  }
0x56: {  	_ =	swait.ge [sflag:s18], $0x2C00  }
0x57: {  	[sflag:s18] =	ssyncset.done $0x0  }
0x58: {  	s29 =	simm.s32 $0xB0;
	[sflag:s18] =	ssyncadd.s32 $0xFFFFD400  }
0x59: {  	[tilespmem:s17], [sflag:$0x1] =	stream.indirect.gather [hbm4b:s14+s22], $0x80, s29, s22, $0xb8;
	[tilespmem:$0x1FB80] =	vst v63  }
0x5a: {  	_ =	swait.ge [sflag:s25], $0x2C00  }
0x5b: {  	[sflag:s25] =	ssyncset.done $0x0  }
0x5c: {  	s29 =	simm.s32 $0x2800;
	[sflag:s25] =	ssyncadd.s32 $0xFFFFD400  }
0x5d: {  	[spmem:s1] =	stream.indirect.scatter.add.f32 [tilespmem:s23], [sflag:$0x3], $0x80, s29, s22, $0xb8;
	[tilespmem:$0x1FB80] =	vst v63  }
0x5e: {  	_ =	swait.ge [sflag:s18], $0x2C00  }
0x5f: {  	s30 =	simm.s32 $0x400;
	[sflag:s18] =	ssyncset.done $0x0  }
0x60: {  	s31 =	simm.s32 $0x1B8;
	s29 =	simm.s32 $0x108;
	[sflag:s18] =	ssyncadd.s32 $0xFFFFD400  }
.LBB2_4:
0x61: {  	[tilespmem:s23], [sflag:$0x2] =	stream.indirect.gather [hbm4b:s14+s22], $0x80, s29, s22, $0xb8;
	[tilespmem:$0x1FB80] =	vst v63  }
0x62: {  	s0 =	smov.u32 s30;
	s29 =	smov.u32 s31  }
0x63: {  	p0 =	sne.s32 s30, $0xDC00;
	s30 =	sadd.s32 $0x400, s30;
	_ =	swait.ge [sflag:s24], $0x2C00  }
0x64: {  	s0 =	sshra.s32 s0, $0x2;
	[sflag:s24] =	ssyncset.done $0x0  }
0x65: {  	s2 =	sadd.s32 $0x2780, s0;
	[sflag:s24] =	ssyncadd.s32 $0xFFFFD400  }
0x66: {  	[spmem:s1] =	stream.indirect.scatter.add.f32 [tilespmem:s17], [sflag:$0x3], $0x80, s2, s22, $0xb8;
	[tilespmem:$0x1FB80] =	vst v63  }
0x67: {  	_ =	swait.ge [sflag:s18], $0x2C00  }
0x68: {  	[sflag:s18] =	ssyncset.done $0x0  }
0x69: {  	s2 =	sadd.s32 $0xFFFFFFA8, s31;
	[sflag:s18] =	ssyncadd.s32 $0xFFFFD400  }
0x6a: {  	[tilespmem:s17], [sflag:$0x1] =	stream.indirect.gather [hbm4b:s14+s22], $0x80, s2, s22, $0xb8;
	[tilespmem:$0x1FB80] =	vst v63  }
0x6b: {  	_ =	swait.ge [sflag:s25], $0x2C00  }
0x6c: {  	[sflag:s25] =	ssyncset.done $0x0  }
.Ltmp1:
0x6d: {  	s0 =	sadd.s32 $0x2800, s0;
	[sflag:s25] =	ssyncadd.s32 $0xFFFFD400;
	(pc) =	sbr.rel @p0 .LBB2_4-.Ltmp1, $4  }
0x6e: {  	[spmem:s1] =	stream.indirect.scatter.add.f32 [tilespmem:s23], [sflag:$0x3], $0x80, s0, s22, $0xb8;
	[tilespmem:$0x1FB80] =	vst v63  }
0x6f: {  	_ =	swait.ge [sflag:s18], $0x2C00  }
0x70: {  	[sflag:s18] =	ssyncset.done $0x0  }
0x71: {  	s31 =	sadd.s32 $0xB0, s31;
	[sflag:s18] =	ssyncadd.s32 $0xFFFFD400  }
0x72: {  	[tilespmem:s23], [sflag:$0x2] =	stream.indirect.gather [hbm4b:s14+s22], $0x80, s29, s22, $0xb8;
	[tilespmem:$0x1FB80] =	vst v63  }
0x73: {  	_ =	swait.ge [sflag:s24], $0x2C00  }
0x74: {  	[sflag:s24] =	ssyncset.done $0x0  }
0x75: {  	[sflag:s24] =	ssyncadd.s32 $0xFFFFD400  }
0x76: {  	[spmem:s1] =	stream.indirect.scatter.add.f32 [tilespmem:s17], [sflag:$0x3], $0x80, s26, s22, $0xb8;
	[tilespmem:$0x1FB80] =	vst v63  }
0x77: {  	_ =	swait.ge [sflag:s18], $0x2C00  }
0x78: {  	[sflag:s18] =	ssyncset.done $0x0  }
0x79: {  	[sflag:s18] =	ssyncadd.s32 $0xFFFFD400  }
0x7a: {  	_ =	swait.ge [sflag:s25], $0x2C00  }
0x7b: {  	[sflag:s25] =	ssyncset.done $0x0  }
0x7c: {  	[sflag:s25] =	ssyncadd.s32 $0xFFFFD400  }
0x7d: {  	[spmem:s1] =	stream.indirect.scatter.add.f32 [tilespmem:s23], [sflag:$0x3], $0x80, s28, s22, $0xb8;
	[tilespmem:$0x1FB80] =	vst v63  }
0x7e: {  	s0 =	stileid.u32;
	_ =	swait.ge [sflag:s18], $0x2C00  }
0x7f: {  	s2 =	sshrl.u32 s4, $0x3;
	s3 =	sadd.s32 $0x1, s3;
	[sflag:s18] =	ssyncset.done $0x0  }
0x80: {  	s0 =	sshll.u32 s0, $0x6;
	p0 =	sne.s32 s3, s16;
	[sflag:s18] =	ssyncadd.s32 $0xFFFFD400  }
.Ltmp2:
0x81: {  	s0 =	sor.u32 $0x1C03, s0;
	[bflag:$0x0] =	sbarrier.arrive $0xFFFF;
	(pc) =	sbr.rel @p0 .LBB2_1-.Ltmp2, $4  }
0x82: {  	[hbm:s15], [sflag:s0] =	dma.local [spmem:s2], $0x2800  }
0x83: {  	_ =	swait.ge [sflag:s18], $0x2800  }
0x84: {  	[sflag:s18] =	ssyncset.done $0x0  }
0x85: {  	[sflag:s18] =	ssyncadd.s32 $0xFFFFD800  }
0x86: {  	_ =	sfence.sel $0x180000  }
0x87: {  	[bflag:$0x0] =	sbarrier.arrive $0xFFFF  }
0x88: {  	_ =	strace $0x90000050  }
0x89: {  	s0 =	stileid.u32;
	[bflag:$0x2] =	sbarrier.arrive $0xFFFF  }
0x8a: {  	p0 =	sne.s32 s0, $0x0;
	s0 =	rddreg [dreg:$0x2]  }
0x8b: {  	s0 =	sadd.s32 @!p0 $0x100000, s0  }
0x8c: {  	[sflag:s0] =	ssyncadd.tile.s32 @!p0 $0x1;
	_ =	shalt  }
.Lfunc_end2:
_tile_overlayer_lowered:
.L_overlay_start_2:
0x8d: {  	(tag) =	ssettag $0x2  }
0x8e: {  	s0 =	rddreg [dreg:$0x0];
	s2 =	stileid.u32  }
0x8f: {  	s1 =	rddreg [dreg:$0x1];
	p0 =	sne.s32 s2, $0x0  }
0x90: {  	s3 =	rddreg [dreg:$0x2];
	[bflag:$0x3] =	sbarrier.arrive $0xFFFF;
	s2 =	simm.s32 @!p0 $0x1C03  }
0x91: {  	[timem:s3], [sflag:s2] =	dma.local @!p0 [hbm:s0], s1  }
0x92: {  	s0 =	simm.s32 @!p0 $0x3  }
0x93: {  	_ =	swait.ge @!p0 [sflag:s0], s1  }
0x94: {  	s1 =	ssub.s32 @!p0 $0x0, s1;
	[sflag:s0] =	ssyncset.done @!p0 $0x0  }
0x95: {  	[sflag:s0] =	ssyncadd.s32 @!p0 s1  }
0x96: {  	[bflag:$0x3] =	sbarrier.arrive $0xFFFF  }
0x97: {  	_ =	shalt  }

// kernel: kernel.28.cloned.1.call-start
scs
__scs_entry_jumppad:
0x0: {  	(pc) =	sbr.rel $0x88, $3  }
0x1: {  	(tag) =	ssettag $0x0;
	lr =	simm.s32 $0x1  }
0x2: {  	[smem:$0x3F9B] =	sst lr;
	_ =	strace $0xD0000000  }
0x3: {  	_ = 	snop  }
0x4: {  	_ = 	snop  }
0x5: {  	_ = 	snop  }
0x6: {  	_ = 	snop  }
0x7: {  	_ = 	snop  }
__scs_overlays_trampoline_lowered:
0x8: {  	[smem:$0x3FAA] =	sst s0  }
0x9: {  	[smem:$0x3FAB] =	sst s1  }
0xa: {  	[smem:$0x3FAC] =	sst s2  }
0xb: {  	[smem:$0x3FAD] =	sst s3  }
0xc: {  	[smem:$0x3FAE] =	sst s4  }
0xd: {  	[smem:$0x3FAF] =	sst s5  }
0xe: {  	[smem:$0x3FB0] =	sst s6  }
0xf: {  	[smem:$0x3FB1] =	sst s7  }
0x10: {  	[smem:$0x3FB2] =	sst s8  }
0x11: {  	[smem:$0x3FB3] =	sst s9;
	s0 =	simm.s32 @!p0 $0x0  }
0x12: {  	s1 =	sld [smem:$0x3F99];
	s0 =	simm.s32 @p0 $0x1  }
0x13: {  	[smem:$0x3FB4] =	sst s0;
	s0 =	simm.s32 @!p1 $0x0  }
0x14: {  	s2 =	sld [smem:$0x3F98];
	s0 =	simm.s32 @p1 $0x1  }
0x15: {  	[smem:$0x3FB5] =	sst s0;
	s0 =	simm.s32 @!p2 $0x0  }
0x16: {  	s3 =	sld [smem:$0x3FDB];
	s0 =	simm.s32 @p2 $0x1  }
0x17: {  	s4 =	simm.s32 $0x1BF5;
	[smem:$0x3FB7] =	sst s0  }
0x18: {  	s0 =	sld [smem:$0x3F9A];
	_ =	swait.ge [sflag:s4], $0x0  }
0x19: {  	s7 =	sld [smem:$0x3F9B]  }
0x1a: {  	s8 =	sadd.s32 $0xFFFFE003, lr  }
0x1b: {  	s9 =	sadd.s32 $0xFFFFFEF7, lr;
	s5 =	simm.s32 $0xFFFFFFFF;
	p2 =	slt.u32 s8, $0xFFFFF086  }
0x1c: {  	p1 =	slt.u32 s9, $0xF7A;
	s5 =	simm.s32 @!p2 $0x0  }
0x1d: {  	s5 =	simm.s32 @p1 $0x1;
	p0 =	seq.s32 s7, s2  }
0x1e: {  	s7 =	smul.u32 @!p0 $0xF7A, s2;
	p2 =	seq.s32 @!p0 s5, $0x0  }
0x1f: {  	s9 =	smul.u32 $0xF7A, s1;
	s8 =	simm.s32 @!p0 $0x1BF5;
	p2 =	por !p2, p0  }
0x20: {  	[sflag:s8] =	ssyncset.s32 @!p0 $0xFFFFF086;
	s6 =	sadd.s32 @!p0 s3, s7;
	s7 =	simm.s32 @!p0 $0x108  }
0x21: {  	s3 =	sadd.s32 s3, s9;
	s6 =	sadd.s32 @!p0 $0x88, s6;
	s7 =	simm.s32 @p2 $0x1082  }
0x22: {  	[simem:s7], [sflag:s8] =	dma.local @!p0 [hbm:s6], $0xF7A  }
0x23: {  	s9 =	sor.u32 $0xD0000000, s2;
	s6 =	simm.s32 $0x108;
	_ =	swait.ge @!p0 [sflag:s8], $0x0  }
0x24: {  	s3 =	sadd.s32 $0x88, s3;
	s6 =	simm.s32 @!p1 $0x1082;
	[sflag:s4] =	ssyncset.s32 $0xFFFFF086  }
0x25: {  	[simem:s6], [sflag:s4] =	dma.local [hbm:s3], $0xF7A  }
0x26: {  	[smem:$0x3F9B] =	sst s1;
	(tag) =	ssettag s2;
	_ =	strace s9  }
0x27: {  	s1 =	sld [smem:$0x3FAB]  }
0x28: {  	s2 =	sld [smem:$0x3FAC]  }
0x29: {  	s4 =	sld [smem:$0x3FAE]  }
0x2a: {  	p0 =	seq.s32 s5, $0x0;
	s5 =	sld [smem:$0x3FAF]  }
0x2b: {  	s6 =	sld [smem:$0x3FB0]  }
0x2c: {  	s7 =	sld [smem:$0x3FB1]  }
0x2d: {  	s3 =	simm.s32 $0x108;
	s8 =	sld [smem:$0x3FB2]  }
0x2e: {  	s3 =	simm.s32 @!p0 $0x1082;
	s9 =	sld [smem:$0x3FB3]  }
0x2f: {  	lr =	sadd.s32 s0, s3;
	s0 =	sld [smem:$0x3FAA]  }
0x30: {  	s3 =	sld [smem:$0x3FAD]  }
0x31: {  	[smem:$0x3FB6] =	sst s10  }
0x32: {  	s10 =	sld [smem:$0x3FB4];
	_ =	sdelay $0x3  }
0x33: {  	p0 =	seq.s32 s10, $0x1;
	s10 =	sld [smem:$0x3FB6];
	_ =	sdelay $0x3  }
0x34: {  	[smem:$0x3FB6] =	sst s10  }
0x35: {  	s10 =	sld [smem:$0x3FB5];
	_ =	sdelay $0x3  }
0x36: {  	p1 =	seq.s32 s10, $0x1;
	s10 =	sld [smem:$0x3FB6];
	_ =	sdelay $0x3  }
0x37: {  	[smem:$0x3FB6] =	sst s10  }
0x38: {  	s10 =	sld [smem:$0x3FB7]  }
0x39: {  	_ = 	snop;
	(pc) =	sbr.ind lr, $3  }
0x3a: {  	_ = 	snop  }
0x3b: {  	_ = 	snop  }
0x3c: {  	p2 =	seq.s32 s10, $0x1;
	s10 =	sld [smem:$0x3FB6]  }
0x3d: {  	_ =	shalt  }
0x3e: {  	_ =	shalt  }
0x3f: {  	_ =	shalt  }
0x40: {  	_ =	shalt  }
0x41: {  	_ =	shalt  }
0x42: {  	_ =	shalt  }
0x43: {  	_ =	shalt  }
0x44: {  	_ =	shalt  }
0x45: {  	_ =	shalt  }
0x46: {  	_ =	shalt  }
0x47: {  	_ =	shalt  }
0x48: {  	_ =	shalt  }
0x49: {  	_ =	shalt  }
0x4a: {  	_ =	shalt  }
0x4b: {  	_ =	shalt  }
0x4c: {  	_ =	shalt  }
0x4d: {  	_ =	shalt  }
0x4e: {  	_ =	shalt  }
0x4f: {  	_ =	shalt  }
0x50: {  	_ =	shalt  }
0x51: {  	_ =	shalt  }
0x52: {  	_ =	shalt  }
0x53: {  	_ =	shalt  }
0x54: {  	_ =	shalt  }
0x55: {  	_ =	shalt  }
0x56: {  	_ =	shalt  }
0x57: {  	_ =	shalt  }
0x58: {  	_ =	shalt  }
0x59: {  	_ =	shalt  }
0x5a: {  	_ =	shalt  }
0x5b: {  	_ =	shalt  }
0x5c: {  	_ =	shalt  }
0x5d: {  	_ =	shalt  }
0x5e: {  	_ =	shalt  }
0x5f: {  	_ =	shalt  }
0x60: {  	_ =	shalt  }
0x61: {  	_ =	shalt  }
0x62: {  	_ =	shalt  }
0x63: {  	_ =	shalt  }
0x64: {  	_ =	shalt  }
0x65: {  	_ =	shalt  }
0x66: {  	_ =	shalt  }
0x67: {  	_ =	shalt  }
0x68: {  	_ =	shalt  }
0x69: {  	_ =	shalt  }
0x6a: {  	_ =	shalt  }
0x6b: {  	_ =	shalt  }
0x6c: {  	_ =	shalt  }
0x6d: {  	_ =	shalt  }
0x6e: {  	_ =	shalt  }
0x6f: {  	_ =	shalt  }
0x70: {  	_ =	shalt  }
0x71: {  	_ =	shalt  }
0x72: {  	_ =	shalt  }
0x73: {  	_ =	shalt  }
0x74: {  	_ =	shalt  }
0x75: {  	_ =	shalt  }
0x76: {  	_ =	shalt  }
0x77: {  	_ =	shalt  }
0x78: {  	_ =	shalt  }
0x79: {  	_ =	shalt  }
0x7a: {  	_ =	shalt  }
0x7b: {  	_ =	shalt  }
0x7c: {  	_ =	shalt  }
0x7d: {  	_ =	shalt  }
0x7e: {  	_ =	shalt  }
0x7f: {  	_ =	shalt  }
0x80: {  	_ =	shalt  }
0x81: {  	_ =	shalt  }
0x82: {  	_ =	shalt  }
0x83: {  	_ =	shalt  }
0x84: {  	_ =	shalt  }
0x85: {  	_ =	shalt  }
0x86: {  	_ =	shalt  }
0x87: {  	_ =	shalt  }
.Lfunc_end0:
.L_simem_size_0:
called_computation.4_lowered:
.L_overlay_start_0:
0x88: {  	s2 =	sld [smem:$0x3FD9]  }
0x89: {  	s3 =	sld [smem:$0x3FFE];
	_ =	sdelay $0x1  }
0x8a: {  	s1 =	srdreg.scid  }
0x8b: {  	s0 =	sand.u32 $0x1, s1  }
0x8c: {  	s16 =	sshll.u32 s0, $0xA;
	s2 =	sadd.s32 s3, s2  }
0x8d: {  	s2 =	sadd.s32 s2, s16  }
0x8e: {  	[smem:$0x3FC2] =	sst s2  }
0x8f: {  	_ = 	snop  }
0x90: {  	(tm) =	ssettm $0x1  }
0x91: {  	s17 =	sld [smem:$0x3FFB];
	_ =	sdelay $0x3  }
0x92: {  	_ =	strace s17  }
0x93: {  	s2 =	sld [smem:$0x3FFC];
	_ =	sdelay $0x3  }
0x94: {  	_ =	strace s2  }
0x95: {  	s2 =	sld [smem:$0x3FFD];
	_ =	sdelay $0x3  }
0x96: {  	_ =	strace s2  }
0x97: {  	_ =	strace $0x8FFFFFFF  }
0x98: {  	s18 =	sld [smem:$0x3FDB];
	_ =	sdelay $0x1  }
0x99: {  	s19 =	simm.s32 $_scs_section_size  }
0x9a: {  	s4 =	simm.s32 $_size__tile_overlayer_lowered;
	s5 =	simm.s32 $_tile_overlayer_lowered  }
0x9b: {  	s22 =	simm.s32 $0x1BFF;
	s21 =	sshll.u32 s5, $0x1;
	s2 =	sadd.s32 s19, s18  }
0x9c: {  	s6 =	simm.s32 $0x0;
	s20 =	sshll.u32 s4, $0x1;
	s4 =	sadd.s32 s21, s2  }
0x9d: {  	[timem:s6], [sflag:s22] =	dma.local [hbm:s4], s20  }
0x9e: {  	_ =	swait.ge [sflag:s22], s20  }
0x9f: {  	s3 =	ssub.s32 $0x0, s20;
	[sflag:s22] =	ssyncset.done $0x0  }
0xa0: {  	[sflag:s22] =	ssyncadd.s32 s3;
	_ =	sdelay $0x1  }
0xa1: {  	s23 =	simm.s32 $0x1B8B  }
0xa2: {  	_ =	swait.ge [sflag:s23], $0x1  }
0xa3: {  	[sflag:s23] =	ssyncset.done $0x0  }
0xa4: {  	s25 =	simm.s32 $0x1B8E;
	s24 =	sld [smem:$0x3FFE];
	[sflag:s23] =	ssyncadd.s32 $0xFFFFFFFF  }
0xa5: {  	s26 =	simm.s32 $execute0_lowered;
	[smem:$0x3FD2] =	sst s25  }
0xa6: {  	s4 =	sshll.u32 s26, $0x1;
	_ =	strace $0x80000052;
	[dreg:$0x1] =	wrdreg $0xFFFFFFFF  }
0xa7: {  	s28 =	simm.s32 $_size_execute0_lowered;
	s2 =	sadd.s32 s2, s4;
	[dreg:$0x0] =	wrdreg $0x0  }
0xa8: {  	s4 =	sshll.u32 s28, $0x1;
	[dreg:$0x2] =	wrdreg s2  }
0xa9: {  	[dreg:$0x3] =	wrdreg s4  }
0xaa: {  	[dreg:$0x4] =	wrdreg $0xC0  }
0xab: {  	_ =	task [dreg:s6], $0x5FFFF  }
0xac: {  	[dreg:$0x1] =	wrdreg $0xFFFFFFFF  }
0xad: {  	[dreg:$0x0] =	wrdreg $0x60  }
0xae: {  	[dreg:$0x2] =	wrdreg s24  }
0xaf: {  	[dreg:$0x3] =	wrdreg $0xBB800  }
0xb0: {  	[dreg:$0x4] =	wrdreg $0x9  }
0xb1: {  	_ =	task.clear_ibuf [dreg:s6], $0x5FFFF;
	_ =	strace $0x90000052  }
0xb2: {  	s29 =	simm.s32 $0x9;
	_ =	strace $0x80000054  }
0xb3: {  	_ =	swait.ge [sflag:s29], $0x1  }
0xb4: {  	[sflag:s29] =	ssyncadd.s32 $0xFFFFFFFF  }
0xb5: {  	_ =	strace $0x90000054  }
0xb6: {  	_ =	sfence  }
0xb7: {  	s30 =	sld [smem:$0x0];
	_ =	sdelay $0x2  }
0xb8: {  	s31 =	sshll.u32 s1, $0xD;
	s1 =	sshrl.u32 s1, $0x2  }
0xb9: {  	s3 =	sand.u32 $0x4000, s31;
	s1 =	sadd.s32 s1, s30  }
0xba: {  	s0 =	sor.u32 s3, s0;
	s1 =	sshll.u32 s1, $0x11  }
0xbb: {  	s0 =	sor.u32 s1, s0  }
0xbc: {  	s0 =	sadd.s32 $0x8F2B, s0  }
0xbd: {  	[sflag:s0] =	ssyncadd.remote.s32 $0x1  }
0xbe: {  	_ =	sfence.sel $0xFFFF  }
0xbf: {  	[dreg:$0x0] =	wrdreg $0xFFFFFFFF;
	(pc) =	sbr.abs _section_cstart, $3  }
0xc0: {  	[dreg:$0x1] =	wrdreg $0xFFFFFFFF  }
0xc1: {  	_ =	task.clear_ibuf [dreg:s6], $0x2FFFF;
	_ =	strace $0x9FFFFFFF  }
0xc2: {  	(tm) =	ssettm $0x7FFFFFFF  }
0xc3: {  	_ =	shalt  }
tec
execute0_lowered:
.L_overlay_start_1:
0x0: {  	(tag) =	ssettag $0x1  }
0x1: {  	s4 =	rddreg [dreg:$0x0];
	s0 =	stileid.u32  }
0x2: {  	s1 =	rddreg [dreg:$0x1];
	s10 =	smul.u32 $0x3C00, s0  }
0x3: {  	s2 =	srdreg.scid;
	s3 =	simm.s32 $0x0;
	s25 =	smul.u32 $0x14000, s0  }
0x4: {  	s17 =	simm.s32 $0x6380;
	s5 =	sand.u32 $0x1, s2;
	s26 =	smul.u32 $0x50000, s0  }
0x5: {  	s18 =	simm.s32 $0x3;
	s19 =	simm.s32 $0x80;
	s6 =	smul.u32 $0x27100, s5  }
0x6: {  	s20 =	simm.s32 $0x400;
	s8 =	sshrl.u32 s0, $0x3;
	s7 =	smul.u32 $0x27800, s5  }
0x7: {  	s21 =	simm.s32 $0x2780;
	s28 =	simm.s32 $0x6000;
	s8 =	smul.u32 $0x13C00, s8  }
0x8: {  	[smem:$0x7FF] =	sst s3;
	s22 =	sshll.u32 s0, $0x7;
	s9 =	smul.u32 $0x3C000, s5  }
0x9: {  	_ =	strace $0x80000053;
	s23 =	smul.u32 $0x140000, s5;
	s5 =	ssub.s32 $0x2, s5  }
0xa: {  	s30 =	sshrl.u32 s26, $0x2;
	s31 =	sshrl.u32 s5, $0x1;
	s26 =	simm.s32 $0x5F80  }
0xb: {  	s14 =	sadd.s32 s6, s4;
	s7 =	sadd.s32 s7, s8;
	s6 =	sand.u32 $0x380, s22  }
0xc: {  	s24 =	sadd.s32 s10, s9;
	s29 =	sadd.s32 s25, s23;
	s16 =	ssub.s32 s5, s31  }
0xd: {  	s22 =	simm.s32 $0x58;
	s23 =	simm.s32 $0x8F80;
	s25 =	simm.s32 $0x2  }
0xe: {  	s6 =	sor.u32 s6, s7;
	s7 =	sshrl.u32 s24, $0x3;
	s14 =	sadd.s32 $0x1C600, s14  }
0xf: {  	s16 =	smax.u32 s16, $0x1;
	s24 =	simm.s32 $0x1;
	s6 =	sshrl.u32 s6, $0x3  }
0x10: {  	s13 =	sadd.s32 s7, s4;
	s12 =	sadd.s32 s6, s4;
	s6 =	sshrl.u32 s29, $0x3  }
0x11: {  	s13 =	sadd.s32 $0x3800, s13;
	s15 =	sadd.s32 s6, s4;
	s4 =	sadd.s32 s30, s1  }
0x12: {  	s12 =	sadd.s32 $0x12800, s12;
	s5 =	sadd.s32 $0x2800, s4;
	s6 =	sadd.s32 $0x5000, s4  }
0x13: {  	s7 =	sadd.s32 $0x7800, s4;
	s8 =	sadd.s32 $0xA000, s4;
	s9 =	sadd.s32 $0xC800, s4  }
0x14: {  	v0 =	vimm.f32 $0.0e+00;
	s10 =	sadd.s32 $0xF000, s4;
	s11 =	sadd.s32 $0x11800, s4;
	s15 =	sadd.s32 $0x6A800, s15  }
.LBB2_1:
0x15: {  	s29 =	simm.s32 $0x0;
	s30 =	simm.s32 $0x200  }
.LBB2_2:
0x16: {  	p0 =	sne.s32 s30, $0xAE00;
	[tilespmem:s29+$0x63F0] =	vst v0  }
0x17: {  	[tilespmem:s29+$0x6380] =	vst v0  }
0x18: {  	[tilespmem:s29+$0x6390] =	vst v0  }
.Ltmp0:
0x19: {  	[tilespmem:s29+$0x63A0] =	vst v0;
	(pc) =	sbr.rel @p0 .LBB2_2-.Ltmp0, $4  }
0x1a: {  	[tilespmem:s29+$0x63B0] =	vst v0  }
0x1b: {  	[tilespmem:s29+$0x63C0] =	vst v0  }
0x1c: {  	[tilespmem:s29+$0x63D0] =	vst v0  }
0x1d: {  	[tilespmem:s29+$0x63E0] =	vst v0;
	s29 =	sshra.s32 s30, $0x2;
	s30 =	sadd.s32 $0x200, s30  }
0x1e: {  	[tilespmem:s29+$0x63F0] =	vst v0  }
0x1f: {  	[tilespmem:s29+$0x6380] =	vst v0  }
0x20: {  	[tilespmem:s29+$0x6390] =	vst v0  }
0x21: {  	[tilespmem:s29+$0x63A0] =	vst v0  }
0x22: {  	[tilespmem:s29+$0x63B0] =	vst v0  }
0x23: {  	[tilespmem:s29+$0x63C0] =	vst v0  }
0x24: {  	[tilespmem:s29+$0x63D0] =	vst v0  }
0x25: {  	[tilespmem:s29+$0x63E0] =	vst v0  }
0x26: {  	[spmem:s4] =	stream.linear.scatter [tilespmem:s17], [sflag:$0x3], $0x2800, $0x38;
	[tilespmem:$0x1FB80] =	vst v63  }
0x27: {  	_ =	swait.ge [sflag:s18], $0x2800  }
0x28: {  	[sflag:s18] =	ssyncset.done $0x0  }
0x29: {  	[sflag:s18] =	ssyncadd.s32 $0xFFFFD800  }
0x2a: {  	[spmem:s5] =	stream.linear.scatter [tilespmem:s17], [sflag:$0x3], $0x2800, $0x38;
	[tilespmem:$0x1FB80] =	vst v63  }
0x2b: {  	_ =	swait.ge [sflag:s18], $0x2800  }
0x2c: {  	[sflag:s18] =	ssyncset.done $0x0  }
0x2d: {  	[sflag:s18] =	ssyncadd.s32 $0xFFFFD800  }
0x2e: {  	[spmem:s6] =	stream.linear.scatter [tilespmem:s17], [sflag:$0x3], $0x2800, $0x38;
	[tilespmem:$0x1FB80] =	vst v63  }
0x2f: {  	_ =	swait.ge [sflag:s18], $0x2800  }
0x30: {  	[sflag:s18] =	ssyncset.done $0x0  }
0x31: {  	[sflag:s18] =	ssyncadd.s32 $0xFFFFD800  }
0x32: {  	[spmem:s7] =	stream.linear.scatter [tilespmem:s17], [sflag:$0x3], $0x2800, $0x38;
	[tilespmem:$0x1FB80] =	vst v63  }
0x33: {  	_ =	swait.ge [sflag:s18], $0x2800  }
0x34: {  	[sflag:s18] =	ssyncset.done $0x0  }
0x35: {  	[sflag:s18] =	ssyncadd.s32 $0xFFFFD800  }
0x36: {  	[spmem:s8] =	stream.linear.scatter [tilespmem:s17], [sflag:$0x3], $0x2800, $0x38;
	[tilespmem:$0x1FB80] =	vst v63  }
0x37: {  	_ =	swait.ge [sflag:s18], $0x2800  }
0x38: {  	[sflag:s18] =	ssyncset.done $0x0  }
0x39: {  	[sflag:s18] =	ssyncadd.s32 $0xFFFFD800  }
0x3a: {  	[spmem:s9] =	stream.linear.scatter [tilespmem:s17], [sflag:$0x3], $0x2800, $0x38;
	[tilespmem:$0x1FB80] =	vst v63  }
0x3b: {  	_ =	swait.ge [sflag:s18], $0x2800  }
0x3c: {  	[sflag:s18] =	ssyncset.done $0x0  }
0x3d: {  	[sflag:s18] =	ssyncadd.s32 $0xFFFFD800  }
0x3e: {  	[spmem:s10] =	stream.linear.scatter [tilespmem:s17], [sflag:$0x3], $0x2800, $0x38;
	[tilespmem:$0x1FB80] =	vst v63  }
0x3f: {  	_ =	swait.ge [sflag:s18], $0x2800  }
0x40: {  	[sflag:s18] =	ssyncset.done $0x0  }
0x41: {  	[sflag:s18] =	ssyncadd.s32 $0xFFFFD800  }
0x42: {  	[spmem:s11] =	stream.linear.scatter [tilespmem:s17], [sflag:$0x3], $0x2800, $0x38;
	[tilespmem:$0x1FB80] =	vst v63  }
0x43: {  	_ =	swait.ge [sflag:s18], $0x2800  }
0x44: {  	[sflag:s18] =	ssyncset.done $0x0  }
0x45: {  	s29 =	simm.s32 $0x0;
	[sflag:s18] =	ssyncadd.s32 $0xFFFFD800  }
0x46: {  	[tilespmem:s29], [sflag:$0x3] =	stream.strided.gather [hbm4b:s12+s19], $0x2780, s20, s19, $0x38;
	[tilespmem:$0x1FB80] =	vst v63  }
0x47: {  	_ =	swait.ge [sflag:s18], $0x2780  }
0x48: {  	[sflag:s18] =	ssyncset.done $0x0  }
0x49: {  	[sflag:s18] =	ssyncadd.s32 $0xFFFFD880  }
0x4a: {  	[tilespmem:s21], [sflag:$0x3] =	stream.linear.gather [hbm4b:s13+s29], $0x3900, $0x38;
	[tilespmem:$0x1FB80] =	vst v63  }
0x4b: {  	_ =	swait.ge [sflag:s18], $0x3900  }
0x4c: {  	[sflag:s18] =	ssyncset.done $0x0  }
0x4d: {  	[sflag:s18] =	ssyncadd.s32 $0xFFFFC700  }
0x4e: {  	[bflag:$0x0] =	sbarrier.arrive $0xFFFF  }
0x4f: {  	[tilespmem:s17], [sflag:$0x1] =	stream.indirect.gather [hbm4b:s14+s22], $0x80, s29, s22, $0xb8;
	[tilespmem:$0x1FB80] =	vst v63  }
0x50: {  	_ = 	snop  }
0x51: {  	[tilespmem:s23], [sflag:$0x2] =	stream.indirect.gather [hbm4b:s14+s22], $0x80, s22, s22, $0xb8;
	[tilespmem:$0x1FB80] =	vst v63  }
0x52: {  	_ =	swait.ge [sflag:s24], $0x2C00  }
0x53: {  	[sflag:s24] =	ssyncset.done $0x0  }
0x54: {  	s29 =	simm.s32 $0x2780;
	[sflag:s24] =	ssyncadd.s32 $0xFFFFD400  }
0x55: {  	[spmem:s1] =	stream.indirect.scatter.add.f32 [tilespmem:s17], [sflag:$0x3], $0x80, s29, s22, $0xb8;
	[tilespmem:$0x1FB80] =	vst v63  }
0x56: {  	_ =	swait.ge [sflag:s18], $0x2C00  }
0x57: {  	[sflag:s18] =	ssyncset.done $0x0  }
0x58: {  	s29 =	simm.s32 $0xB0;
	[sflag:s18] =	ssyncadd.s32 $0xFFFFD400  }
0x59: {  	[tilespmem:s17], [sflag:$0x1] =	stream.indirect.gather [hbm4b:s14+s22], $0x80, s29, s22, $0xb8;
	[tilespmem:$0x1FB80] =	vst v63  }
0x5a: {  	_ =	swait.ge [sflag:s25], $0x2C00  }
0x5b: {  	[sflag:s25] =	ssyncset.done $0x0  }
0x5c: {  	s29 =	simm.s32 $0x2800;
	[sflag:s25] =	ssyncadd.s32 $0xFFFFD400  }
0x5d: {  	[spmem:s1] =	stream.indirect.scatter.add.f32 [tilespmem:s23], [sflag:$0x3], $0x80, s29, s22, $0xb8;
	[tilespmem:$0x1FB80] =	vst v63  }
0x5e: {  	_ =	swait.ge [sflag:s18], $0x2C00  }
0x5f: {  	s30 =	simm.s32 $0x400;
	[sflag:s18] =	ssyncset.done $0x0  }
0x60: {  	s31 =	simm.s32 $0x1B8;
	s29 =	simm.s32 $0x108;
	[sflag:s18] =	ssyncadd.s32 $0xFFFFD400  }
.LBB2_4:
0x61: {  	[tilespmem:s23], [sflag:$0x2] =	stream.indirect.gather [hbm4b:s14+s22], $0x80, s29, s22, $0xb8;
	[tilespmem:$0x1FB80] =	vst v63  }
0x62: {  	s0 =	smov.u32 s30;
	s29 =	smov.u32 s31  }
0x63: {  	p0 =	sne.s32 s30, $0xDC00;
	s30 =	sadd.s32 $0x400, s30;
	_ =	swait.ge [sflag:s24], $0x2C00  }
0x64: {  	s0 =	sshra.s32 s0, $0x2;
	[sflag:s24] =	ssyncset.done $0x0  }
0x65: {  	s2 =	sadd.s32 $0x2780, s0;
	[sflag:s24] =	ssyncadd.s32 $0xFFFFD400  }
0x66: {  	[spmem:s1] =	stream.indirect.scatter.add.f32 [tilespmem:s17], [sflag:$0x3], $0x80, s2, s22, $0xb8;
	[tilespmem:$0x1FB80] =	vst v63  }
0x67: {  	_ =	swait.ge [sflag:s18], $0x2C00  }
0x68: {  	[sflag:s18] =	ssyncset.done $0x0  }
0x69: {  	s2 =	sadd.s32 $0xFFFFFFA8, s31;
	[sflag:s18] =	ssyncadd.s32 $0xFFFFD400  }
0x6a: {  	[tilespmem:s17], [sflag:$0x1] =	stream.indirect.gather [hbm4b:s14+s22], $0x80, s2, s22, $0xb8;
	[tilespmem:$0x1FB80] =	vst v63  }
0x6b: {  	_ =	swait.ge [sflag:s25], $0x2C00  }
0x6c: {  	[sflag:s25] =	ssyncset.done $0x0  }
.Ltmp1:
0x6d: {  	s0 =	sadd.s32 $0x2800, s0;
	[sflag:s25] =	ssyncadd.s32 $0xFFFFD400;
	(pc) =	sbr.rel @p0 .LBB2_4-.Ltmp1, $4  }
0x6e: {  	[spmem:s1] =	stream.indirect.scatter.add.f32 [tilespmem:s23], [sflag:$0x3], $0x80, s0, s22, $0xb8;
	[tilespmem:$0x1FB80] =	vst v63  }
0x6f: {  	_ =	swait.ge [sflag:s18], $0x2C00  }
0x70: {  	[sflag:s18] =	ssyncset.done $0x0  }
0x71: {  	s31 =	sadd.s32 $0xB0, s31;
	[sflag:s18] =	ssyncadd.s32 $0xFFFFD400  }
0x72: {  	[tilespmem:s23], [sflag:$0x2] =	stream.indirect.gather [hbm4b:s14+s22], $0x80, s29, s22, $0xb8;
	[tilespmem:$0x1FB80] =	vst v63  }
0x73: {  	_ =	swait.ge [sflag:s24], $0x2C00  }
0x74: {  	[sflag:s24] =	ssyncset.done $0x0  }
0x75: {  	[sflag:s24] =	ssyncadd.s32 $0xFFFFD400  }
0x76: {  	[spmem:s1] =	stream.indirect.scatter.add.f32 [tilespmem:s17], [sflag:$0x3], $0x80, s26, s22, $0xb8;
	[tilespmem:$0x1FB80] =	vst v63  }
0x77: {  	_ =	swait.ge [sflag:s18], $0x2C00  }
0x78: {  	[sflag:s18] =	ssyncset.done $0x0  }
0x79: {  	[sflag:s18] =	ssyncadd.s32 $0xFFFFD400  }
0x7a: {  	_ =	swait.ge [sflag:s25], $0x2C00  }
0x7b: {  	[sflag:s25] =	ssyncset.done $0x0  }
0x7c: {  	[sflag:s25] =	ssyncadd.s32 $0xFFFFD400  }
0x7d: {  	[spmem:s1] =	stream.indirect.scatter.add.f32 [tilespmem:s23], [sflag:$0x3], $0x80, s28, s22, $0xb8;
	[tilespmem:$0x1FB80] =	vst v63  }
0x7e: {  	s0 =	stileid.u32;
	_ =	swait.ge [sflag:s18], $0x2C00  }
0x7f: {  	s2 =	sshrl.u32 s4, $0x3;
	s3 =	sadd.s32 $0x1, s3;
	[sflag:s18] =	ssyncset.done $0x0  }
0x80: {  	s0 =	sshll.u32 s0, $0x6;
	p0 =	sne.s32 s3, s16;
	[sflag:s18] =	ssyncadd.s32 $0xFFFFD400  }
.Ltmp2:
0x81: {  	s0 =	sor.u32 $0x1C03, s0;
	[bflag:$0x0] =	sbarrier.arrive $0xFFFF;
	(pc) =	sbr.rel @p0 .LBB2_1-.Ltmp2, $4  }
0x82: {  	[hbm:s15], [sflag:s0] =	dma.local [spmem:s2], $0x2800  }
0x83: {  	_ =	swait.ge [sflag:s18], $0x2800  }
0x84: {  	[sflag:s18] =	ssyncset.done $0x0  }
0x85: {  	[sflag:s18] =	ssyncadd.s32 $0xFFFFD800  }
0x86: {  	_ =	sfence.sel $0x180000  }
0x87: {  	[bflag:$0x0] =	sbarrier.arrive $0xFFFF  }
0x88: {  	_ =	strace $0x90000053  }
0x89: {  	s0 =	stileid.u32;
	[bflag:$0x2] =	sbarrier.arrive $0xFFFF  }
0x8a: {  	p0 =	sne.s32 s0, $0x0;
	s0 =	rddreg [dreg:$0x2]  }
0x8b: {  	s0 =	sadd.s32 @!p0 $0x100000, s0  }
0x8c: {  	[sflag:s0] =	ssyncadd.tile.s32 @!p0 $0x1;
	_ =	shalt  }
.Lfunc_end2:
_tile_overlayer_lowered:
.L_overlay_start_2:
0x8d: {  	(tag) =	ssettag $0x2  }
0x8e: {  	s0 =	rddreg [dreg:$0x0];
	s2 =	stileid.u32  }
0x8f: {  	s1 =	rddreg [dreg:$0x1];
	p0 =	sne.s32 s2, $0x0  }
0x90: {  	s3 =	rddreg [dreg:$0x2];
	[bflag:$0x3] =	sbarrier.arrive $0xFFFF;
	s2 =	simm.s32 @!p0 $0x1C03  }
0x91: {  	[timem:s3], [sflag:s2] =	dma.local @!p0 [hbm:s0], s1  }
0x92: {  	s0 =	simm.s32 @!p0 $0x3  }
0x93: {  	_ =	swait.ge @!p0 [sflag:s0], s1  }
0x94: {  	s1 =	ssub.s32 @!p0 $0x0, s1;
	[sflag:s0] =	ssyncset.done @!p0 $0x0  }
0x95: {  	[sflag:s0] =	ssyncadd.s32 @!p0 s1  }
0x96: {  	[bflag:$0x3] =	sbarrier.arrive $0xFFFF  }
0x97: {  	_ =	shalt  }

// kernel: kernel.31.cloned.1.call-start
scs
__scs_entry_jumppad:
0x0: {  	(pc) =	sbr.rel $0x88, $3  }
0x1: {  	(tag) =	ssettag $0x0;
	lr =	simm.s32 $0x1  }
0x2: {  	[smem:$0x3F9B] =	sst lr;
	_ =	strace $0xD0000000  }
0x3: {  	_ = 	snop  }
0x4: {  	_ = 	snop  }
0x5: {  	_ = 	snop  }
0x6: {  	_ = 	snop  }
0x7: {  	_ = 	snop  }
__scs_overlays_trampoline_lowered:
0x8: {  	[smem:$0x3FAA] =	sst s0  }
0x9: {  	[smem:$0x3FAB] =	sst s1  }
0xa: {  	[smem:$0x3FAC] =	sst s2  }
0xb: {  	[smem:$0x3FAD] =	sst s3  }
0xc: {  	[smem:$0x3FAE] =	sst s4  }
0xd: {  	[smem:$0x3FAF] =	sst s5  }
0xe: {  	[smem:$0x3FB0] =	sst s6  }
0xf: {  	[smem:$0x3FB1] =	sst s7  }
0x10: {  	[smem:$0x3FB2] =	sst s8  }
0x11: {  	[smem:$0x3FB3] =	sst s9;
	s0 =	simm.s32 @!p0 $0x0  }
0x12: {  	s1 =	sld [smem:$0x3F99];
	s0 =	simm.s32 @p0 $0x1  }
0x13: {  	[smem:$0x3FB4] =	sst s0;
	s0 =	simm.s32 @!p1 $0x0  }
0x14: {  	s2 =	sld [smem:$0x3F98];
	s0 =	simm.s32 @p1 $0x1  }
0x15: {  	[smem:$0x3FB5] =	sst s0;
	s0 =	simm.s32 @!p2 $0x0  }
0x16: {  	s3 =	sld [smem:$0x3FDB];
	s0 =	simm.s32 @p2 $0x1  }
0x17: {  	s4 =	simm.s32 $0x1BF5;
	[smem:$0x3FB7] =	sst s0  }
0x18: {  	s0 =	sld [smem:$0x3F9A];
	_ =	swait.ge [sflag:s4], $0x0  }
0x19: {  	s7 =	sld [smem:$0x3F9B]  }
0x1a: {  	s8 =	sadd.s32 $0xFFFFE003, lr  }
0x1b: {  	s9 =	sadd.s32 $0xFFFFFEF7, lr;
	s5 =	simm.s32 $0xFFFFFFFF;
	p2 =	slt.u32 s8, $0xFFFFF086  }
0x1c: {  	p1 =	slt.u32 s9, $0xF7A;
	s5 =	simm.s32 @!p2 $0x0  }
0x1d: {  	s5 =	simm.s32 @p1 $0x1;
	p0 =	seq.s32 s7, s2  }
0x1e: {  	s7 =	smul.u32 @!p0 $0xF7A, s2;
	p2 =	seq.s32 @!p0 s5, $0x0  }
0x1f: {  	s9 =	smul.u32 $0xF7A, s1;
	s8 =	simm.s32 @!p0 $0x1BF5;
	p2 =	por !p2, p0  }
0x20: {  	[sflag:s8] =	ssyncset.s32 @!p0 $0xFFFFF086;
	s6 =	sadd.s32 @!p0 s3, s7;
	s7 =	simm.s32 @!p0 $0x108  }
0x21: {  	s3 =	sadd.s32 s3, s9;
	s6 =	sadd.s32 @!p0 $0x88, s6;
	s7 =	simm.s32 @p2 $0x1082  }
0x22: {  	[simem:s7], [sflag:s8] =	dma.local @!p0 [hbm:s6], $0xF7A  }
0x23: {  	s9 =	sor.u32 $0xD0000000, s2;
	s6 =	simm.s32 $0x108;
	_ =	swait.ge @!p0 [sflag:s8], $0x0  }
0x24: {  	s3 =	sadd.s32 $0x88, s3;
	s6 =	simm.s32 @!p1 $0x1082;
	[sflag:s4] =	ssyncset.s32 $0xFFFFF086  }
0x25: {  	[simem:s6], [sflag:s4] =	dma.local [hbm:s3], $0xF7A  }
0x26: {  	[smem:$0x3F9B] =	sst s1;
	(tag) =	ssettag s2;
	_ =	strace s9  }
0x27: {  	s1 =	sld [smem:$0x3FAB]  }
0x28: {  	s2 =	sld [smem:$0x3FAC]  }
0x29: {  	s4 =	sld [smem:$0x3FAE]  }
0x2a: {  	p0 =	seq.s32 s5, $0x0;
	s5 =	sld [smem:$0x3FAF]  }
0x2b: {  	s6 =	sld [smem:$0x3FB0]  }
0x2c: {  	s7 =	sld [smem:$0x3FB1]  }
0x2d: {  	s3 =	simm.s32 $0x108;
	s8 =	sld [smem:$0x3FB2]  }
0x2e: {  	s3 =	simm.s32 @!p0 $0x1082;
	s9 =	sld [smem:$0x3FB3]  }
0x2f: {  	lr =	sadd.s32 s0, s3;
	s0 =	sld [smem:$0x3FAA]  }
0x30: {  	s3 =	sld [smem:$0x3FAD]  }
0x31: {  	[smem:$0x3FB6] =	sst s10  }
0x32: {  	s10 =	sld [smem:$0x3FB4];
	_ =	sdelay $0x3  }
0x33: {  	p0 =	seq.s32 s10, $0x1;
	s10 =	sld [smem:$0x3FB6];
	_ =	sdelay $0x3  }
0x34: {  	[smem:$0x3FB6] =	sst s10  }
0x35: {  	s10 =	sld [smem:$0x3FB5];
	_ =	sdelay $0x3  }
0x36: {  	p1 =	seq.s32 s10, $0x1;
	s10 =	sld [smem:$0x3FB6];
	_ =	sdelay $0x3  }
0x37: {  	[smem:$0x3FB6] =	sst s10  }
0x38: {  	s10 =	sld [smem:$0x3FB7]  }
0x39: {  	_ = 	snop;
	(pc) =	sbr.ind lr, $3  }
0x3a: {  	_ = 	snop  }
0x3b: {  	_ = 	snop  }
0x3c: {  	p2 =	seq.s32 s10, $0x1;
	s10 =	sld [smem:$0x3FB6]  }
0x3d: {  	_ =	shalt  }
0x3e: {  	_ =	shalt  }
0x3f: {  	_ =	shalt  }
0x40: {  	_ =	shalt  }
0x41: {  	_ =	shalt  }
0x42: {  	_ =	shalt  }
0x43: {  	_ =	shalt  }
0x44: {  	_ =	shalt  }
0x45: {  	_ =	shalt  }
0x46: {  	_ =	shalt  }
0x47: {  	_ =	shalt  }
0x48: {  	_ =	shalt  }
0x49: {  	_ =	shalt  }
0x4a: {  	_ =	shalt  }
0x4b: {  	_ =	shalt  }
0x4c: {  	_ =	shalt  }
0x4d: {  	_ =	shalt  }
0x4e: {  	_ =	shalt  }
0x4f: {  	_ =	shalt  }
0x50: {  	_ =	shalt  }
0x51: {  	_ =	shalt  }
0x52: {  	_ =	shalt  }
0x53: {  	_ =	shalt  }
0x54: {  	_ =	shalt  }
0x55: {  	_ =	shalt  }
0x56: {  	_ =	shalt  }
0x57: {  	_ =	shalt  }
0x58: {  	_ =	shalt  }
0x59: {  	_ =	shalt  }
0x5a: {  	_ =	shalt  }
0x5b: {  	_ =	shalt  }
0x5c: {  	_ =	shalt  }
0x5d: {  	_ =	shalt  }
0x5e: {  	_ =	shalt  }
0x5f: {  	_ =	shalt  }
0x60: {  	_ =	shalt  }
0x61: {  	_ =	shalt  }
0x62: {  	_ =	shalt  }
0x63: {  	_ =	shalt  }
0x64: {  	_ =	shalt  }
0x65: {  	_ =	shalt  }
0x66: {  	_ =	shalt  }
0x67: {  	_ =	shalt  }
0x68: {  	_ =	shalt  }
0x69: {  	_ =	shalt  }
0x6a: {  	_ =	shalt  }
0x6b: {  	_ =	shalt  }
0x6c: {  	_ =	shalt  }
0x6d: {  	_ =	shalt  }
0x6e: {  	_ =	shalt  }
0x6f: {  	_ =	shalt  }
0x70: {  	_ =	shalt  }
0x71: {  	_ =	shalt  }
0x72: {  	_ =	shalt  }
0x73: {  	_ =	shalt  }
0x74: {  	_ =	shalt  }
0x75: {  	_ =	shalt  }
0x76: {  	_ =	shalt  }
0x77: {  	_ =	shalt  }
0x78: {  	_ =	shalt  }
0x79: {  	_ =	shalt  }
0x7a: {  	_ =	shalt  }
0x7b: {  	_ =	shalt  }
0x7c: {  	_ =	shalt  }
0x7d: {  	_ =	shalt  }
0x7e: {  	_ =	shalt  }
0x7f: {  	_ =	shalt  }
0x80: {  	_ =	shalt  }
0x81: {  	_ =	shalt  }
0x82: {  	_ =	shalt  }
0x83: {  	_ =	shalt  }
0x84: {  	_ =	shalt  }
0x85: {  	_ =	shalt  }
0x86: {  	_ =	shalt  }
0x87: {  	_ =	shalt  }
.Lfunc_end0:
.L_simem_size_0:
called_computation.5_lowered:
.L_overlay_start_0:
0x88: {  	s2 =	sld [smem:$0x3FD9]  }
0x89: {  	s3 =	sld [smem:$0x3FFE];
	_ =	sdelay $0x1  }
0x8a: {  	s1 =	srdreg.scid  }
0x8b: {  	s0 =	sand.u32 $0x1, s1  }
0x8c: {  	s16 =	sshll.u32 s0, $0xA;
	s2 =	sadd.s32 s3, s2  }
0x8d: {  	s2 =	sadd.s32 s2, s16  }
0x8e: {  	[smem:$0x3FC2] =	sst s2  }
0x8f: {  	_ = 	snop  }
0x90: {  	(tm) =	ssettm $0x1  }
0x91: {  	s17 =	sld [smem:$0x3FFB];
	_ =	sdelay $0x3  }
0x92: {  	_ =	strace s17  }
0x93: {  	s2 =	sld [smem:$0x3FFC];
	_ =	sdelay $0x3  }
0x94: {  	_ =	strace s2  }
0x95: {  	s2 =	sld [smem:$0x3FFD];
	_ =	sdelay $0x3  }
0x96: {  	_ =	strace s2  }
0x97: {  	_ =	strace $0x8FFFFFFF  }
0x98: {  	s18 =	sld [smem:$0x3FDB];
	_ =	sdelay $0x1  }
0x99: {  	s19 =	simm.s32 $_scs_section_size  }
0x9a: {  	s4 =	simm.s32 $_size__tile_overlayer_lowered;
	s5 =	simm.s32 $_tile_overlayer_lowered  }
0x9b: {  	s22 =	simm.s32 $0x1BFF;
	s21 =	sshll.u32 s5, $0x1;
	s2 =	sadd.s32 s19, s18  }
0x9c: {  	s6 =	simm.s32 $0x0;
	s20 =	sshll.u32 s4, $0x1;
	s4 =	sadd.s32 s21, s2  }
0x9d: {  	[timem:s6], [sflag:s22] =	dma.local [hbm:s4], s20  }
0x9e: {  	_ =	swait.ge [sflag:s22], s20  }
0x9f: {  	s3 =	ssub.s32 $0x0, s20;
	[sflag:s22] =	ssyncset.done $0x0  }
0xa0: {  	[sflag:s22] =	ssyncadd.s32 s3;
	_ =	sdelay $0x1  }
0xa1: {  	s23 =	simm.s32 $0x1B8B  }
0xa2: {  	_ =	swait.ge [sflag:s23], $0x1  }
0xa3: {  	[sflag:s23] =	ssyncset.done $0x0  }
0xa4: {  	s25 =	simm.s32 $0x1B8E;
	s24 =	sld [smem:$0x3FFE];
	[sflag:s23] =	ssyncadd.s32 $0xFFFFFFFF  }
0xa5: {  	s26 =	simm.s32 $execute0_lowered;
	[smem:$0x3FD2] =	sst s25  }
0xa6: {  	s4 =	sshll.u32 s26, $0x1;
	_ =	strace $0x80000055;
	[dreg:$0x1] =	wrdreg $0xFFFFFFFF  }
0xa7: {  	s28 =	simm.s32 $_size_execute0_lowered;
	s2 =	sadd.s32 s2, s4;
	[dreg:$0x0] =	wrdreg $0x0  }
0xa8: {  	s4 =	sshll.u32 s28, $0x1;
	[dreg:$0x2] =	wrdreg s2  }
0xa9: {  	[dreg:$0x3] =	wrdreg s4  }
0xaa: {  	[dreg:$0x4] =	wrdreg $0xC0  }
0xab: {  	_ =	task [dreg:s6], $0x5FFFF  }
0xac: {  	[dreg:$0x1] =	wrdreg $0xFFFFFFFF  }
0xad: {  	[dreg:$0x0] =	wrdreg $0x60  }
0xae: {  	[dreg:$0x2] =	wrdreg s24  }
0xaf: {  	[dreg:$0x3] =	wrdreg $0xBB800  }
0xb0: {  	[dreg:$0x4] =	wrdreg $0x9  }
0xb1: {  	_ =	task.clear_ibuf [dreg:s6], $0x5FFFF;
	_ =	strace $0x90000055  }
0xb2: {  	s29 =	simm.s32 $0x9;
	_ =	strace $0x80000057  }
0xb3: {  	_ =	swait.ge [sflag:s29], $0x1  }
0xb4: {  	[sflag:s29] =	ssyncadd.s32 $0xFFFFFFFF  }
0xb5: {  	_ =	strace $0x90000057  }
0xb6: {  	_ =	sfence  }
0xb7: {  	s30 =	sld [smem:$0x0];
	_ =	sdelay $0x2  }
0xb8: {  	s31 =	sshll.u32 s1, $0xD;
	s1 =	sshrl.u32 s1, $0x2  }
0xb9: {  	s3 =	sand.u32 $0x4000, s31;
	s1 =	sadd.s32 s1, s30  }
0xba: {  	s0 =	sor.u32 s3, s0;
	s1 =	sshll.u32 s1, $0x11  }
0xbb: {  	s0 =	sor.u32 s1, s0  }
0xbc: {  	s0 =	sadd.s32 $0x8F2B, s0  }
0xbd: {  	[sflag:s0] =	ssyncadd.remote.s32 $0x1  }
0xbe: {  	_ =	sfence.sel $0xFFFF  }
0xbf: {  	[dreg:$0x0] =	wrdreg $0xFFFFFFFF;
	(pc) =	sbr.abs _section_cstart, $3  }
0xc0: {  	[dreg:$0x1] =	wrdreg $0xFFFFFFFF  }
0xc1: {  	_ =	task.clear_ibuf [dreg:s6], $0x2FFFF;
	_ =	strace $0x9FFFFFFF  }
0xc2: {  	(tm) =	ssettm $0x7FFFFFFF  }
0xc3: {  	_ =	shalt  }
tec
execute0_lowered:
.L_overlay_start_1:
0x0: {  	(tag) =	ssettag $0x1  }
0x1: {  	s4 =	rddreg [dreg:$0x0];
	s0 =	stileid.u32  }
0x2: {  	s1 =	rddreg [dreg:$0x1];
	s10 =	smul.u32 $0x3C00, s0  }
0x3: {  	s2 =	srdreg.scid;
	s3 =	simm.s32 $0x0;
	s25 =	smul.u32 $0x14000, s0  }
0x4: {  	s17 =	simm.s32 $0x6380;
	s5 =	sand.u32 $0x1, s2;
	s26 =	smul.u32 $0x50000, s0  }
0x5: {  	s18 =	simm.s32 $0x3;
	s19 =	simm.s32 $0x80;
	s6 =	smul.u32 $0x27100, s5  }
0x6: {  	s20 =	simm.s32 $0x400;
	s8 =	sshrl.u32 s0, $0x3;
	s7 =	smul.u32 $0x27800, s5  }
0x7: {  	s21 =	simm.s32 $0x2780;
	s28 =	simm.s32 $0x6000;
	s8 =	smul.u32 $0x13C00, s8  }
0x8: {  	[smem:$0x7FF] =	sst s3;
	s22 =	sshll.u32 s0, $0x7;
	s9 =	smul.u32 $0x3C000, s5  }
0x9: {  	_ =	strace $0x80000056;
	s23 =	smul.u32 $0x140000, s5;
	s5 =	ssub.s32 $0x2, s5  }
0xa: {  	s30 =	sshrl.u32 s26, $0x2;
	s31 =	sshrl.u32 s5, $0x1;
	s26 =	simm.s32 $0x5F80  }
0xb: {  	s14 =	sadd.s32 s6, s4;
	s7 =	sadd.s32 s7, s8;
	s6 =	sand.u32 $0x380, s22  }
0xc: {  	s24 =	sadd.s32 s10, s9;
	s29 =	sadd.s32 s25, s23;
	s16 =	ssub.s32 s5, s31  }
0xd: {  	s22 =	simm.s32 $0x58;
	s23 =	simm.s32 $0x8F80;
	s25 =	simm.s32 $0x2  }
0xe: {  	s6 =	sor.u32 s6, s7;
	s7 =	sshrl.u32 s24, $0x3;
	s14 =	sadd.s32 $0x1C600, s14  }
0xf: {  	s16 =	smax.u32 s16, $0x1;
	s24 =	simm.s32 $0x1;
	s6 =	sshrl.u32 s6, $0x3  }
0x10: {  	s13 =	sadd.s32 s7, s4;
	s12 =	sadd.s32 s6, s4;
	s6 =	sshrl.u32 s29, $0x3  }
0x11: {  	s13 =	sadd.s32 $0x3800, s13;
	s15 =	sadd.s32 s6, s4;
	s4 =	sadd.s32 s30, s1  }
0x12: {  	s12 =	sadd.s32 $0x12800, s12;
	s5 =	sadd.s32 $0x2800, s4;
	s6 =	sadd.s32 $0x5000, s4  }
0x13: {  	s7 =	sadd.s32 $0x7800, s4;
	s8 =	sadd.s32 $0xA000, s4;
	s9 =	sadd.s32 $0xC800, s4  }
0x14: {  	v0 =	vimm.f32 $0.0e+00;
	s10 =	sadd.s32 $0xF000, s4;
	s11 =	sadd.s32 $0x11800, s4;
	s15 =	sadd.s32 $0x6A800, s15  }
.LBB2_1:
0x15: {  	s29 =	simm.s32 $0x0;
	s30 =	simm.s32 $0x200  }
.LBB2_2:
0x16: {  	p0 =	sne.s32 s30, $0xAE00;
	[tilespmem:s29+$0x63F0] =	vst v0  }
0x17: {  	[tilespmem:s29+$0x6380] =	vst v0  }
0x18: {  	[tilespmem:s29+$0x6390] =	vst v0  }
.Ltmp0:
0x19: {  	[tilespmem:s29+$0x63A0] =	vst v0;
	(pc) =	sbr.rel @p0 .LBB2_2-.Ltmp0, $4  }
0x1a: {  	[tilespmem:s29+$0x63B0] =	vst v0  }
0x1b: {  	[tilespmem:s29+$0x63C0] =	vst v0  }
0x1c: {  	[tilespmem:s29+$0x63D0] =	vst v0  }
0x1d: {  	[tilespmem:s29+$0x63E0] =	vst v0;
	s29 =	sshra.s32 s30, $0x2;
	s30 =	sadd.s32 $0x200, s30  }
0x1e: {  	[tilespmem:s29+$0x63F0] =	vst v0  }
0x1f: {  	[tilespmem:s29+$0x6380] =	vst v0  }
0x20: {  	[tilespmem:s29+$0x6390] =	vst v0  }
0x21: {  	[tilespmem:s29+$0x63A0] =	vst v0  }
0x22: {  	[tilespmem:s29+$0x63B0] =	vst v0  }
0x23: {  	[tilespmem:s29+$0x63C0] =	vst v0  }
0x24: {  	[tilespmem:s29+$0x63D0] =	vst v0  }
0x25: {  	[tilespmem:s29+$0x63E0] =	vst v0  }
0x26: {  	[spmem:s4] =	stream.linear.scatter [tilespmem:s17], [sflag:$0x3], $0x2800, $0x38;
	[tilespmem:$0x1FB80] =	vst v63  }
0x27: {  	_ =	swait.ge [sflag:s18], $0x2800  }
0x28: {  	[sflag:s18] =	ssyncset.done $0x0  }
0x29: {  	[sflag:s18] =	ssyncadd.s32 $0xFFFFD800  }
0x2a: {  	[spmem:s5] =	stream.linear.scatter [tilespmem:s17], [sflag:$0x3], $0x2800, $0x38;
	[tilespmem:$0x1FB80] =	vst v63  }
0x2b: {  	_ =	swait.ge [sflag:s18], $0x2800  }
0x2c: {  	[sflag:s18] =	ssyncset.done $0x0  }
0x2d: {  	[sflag:s18] =	ssyncadd.s32 $0xFFFFD800  }
0x2e: {  	[spmem:s6] =	stream.linear.scatter [tilespmem:s17], [sflag:$0x3], $0x2800, $0x38;
	[tilespmem:$0x1FB80] =	vst v63  }
0x2f: {  	_ =	swait.ge [sflag:s18], $0x2800  }
0x30: {  	[sflag:s18] =	ssyncset.done $0x0  }
0x31: {  	[sflag:s18] =	ssyncadd.s32 $0xFFFFD800  }
0x32: {  	[spmem:s7] =	stream.linear.scatter [tilespmem:s17], [sflag:$0x3], $0x2800, $0x38;
	[tilespmem:$0x1FB80] =	vst v63  }
0x33: {  	_ =	swait.ge [sflag:s18], $0x2800  }
0x34: {  	[sflag:s18] =	ssyncset.done $0x0  }
0x35: {  	[sflag:s18] =	ssyncadd.s32 $0xFFFFD800  }
0x36: {  	[spmem:s8] =	stream.linear.scatter [tilespmem:s17], [sflag:$0x3], $0x2800, $0x38;
	[tilespmem:$0x1FB80] =	vst v63  }
0x37: {  	_ =	swait.ge [sflag:s18], $0x2800  }
0x38: {  	[sflag:s18] =	ssyncset.done $0x0  }
0x39: {  	[sflag:s18] =	ssyncadd.s32 $0xFFFFD800  }
0x3a: {  	[spmem:s9] =	stream.linear.scatter [tilespmem:s17], [sflag:$0x3], $0x2800, $0x38;
	[tilespmem:$0x1FB80] =	vst v63  }
0x3b: {  	_ =	swait.ge [sflag:s18], $0x2800  }
0x3c: {  	[sflag:s18] =	ssyncset.done $0x0  }
0x3d: {  	[sflag:s18] =	ssyncadd.s32 $0xFFFFD800  }
0x3e: {  	[spmem:s10] =	stream.linear.scatter [tilespmem:s17], [sflag:$0x3], $0x2800, $0x38;
	[tilespmem:$0x1FB80] =	vst v63  }
0x3f: {  	_ =	swait.ge [sflag:s18], $0x2800  }
0x40: {  	[sflag:s18] =	ssyncset.done $0x0  }
0x41: {  	[sflag:s18] =	ssyncadd.s32 $0xFFFFD800  }
0x42: {  	[spmem:s11] =	stream.linear.scatter [tilespmem:s17], [sflag:$0x3], $0x2800, $0x38;
	[tilespmem:$0x1FB80] =	vst v63  }
0x43: {  	_ =	swait.ge [sflag:s18], $0x2800  }
0x44: {  	[sflag:s18] =	ssyncset.done $0x0  }
0x45: {  	s29 =	simm.s32 $0x0;
	[sflag:s18] =	ssyncadd.s32 $0xFFFFD800  }
0x46: {  	[tilespmem:s29], [sflag:$0x3] =	stream.strided.gather [hbm4b:s12+s19], $0x2780, s20, s19, $0x38;
	[tilespmem:$0x1FB80] =	vst v63  }
0x47: {  	_ =	swait.ge [sflag:s18], $0x2780  }
0x48: {  	[sflag:s18] =	ssyncset.done $0x0  }
0x49: {  	[sflag:s18] =	ssyncadd.s32 $0xFFFFD880  }
0x4a: {  	[tilespmem:s21], [sflag:$0x3] =	stream.linear.gather [hbm4b:s13+s29], $0x3900, $0x38;
	[tilespmem:$0x1FB80] =	vst v63  }
0x4b: {  	_ =	swait.ge [sflag:s18], $0x3900  }
0x4c: {  	[sflag:s18] =	ssyncset.done $0x0  }
0x4d: {  	[sflag:s18] =	ssyncadd.s32 $0xFFFFC700  }
0x4e: {  	[bflag:$0x0] =	sbarrier.arrive $0xFFFF  }
0x4f: {  	[tilespmem:s17], [sflag:$0x1] =	stream.indirect.gather [hbm4b:s14+s22], $0x80, s29, s22, $0xb8;
	[tilespmem:$0x1FB80] =	vst v63  }
0x50: {  	_ = 	snop  }
0x51: {  	[tilespmem:s23], [sflag:$0x2] =	stream.indirect.gather [hbm4b:s14+s22], $0x80, s22, s22, $0xb8;
	[tilespmem:$0x1FB80] =	vst v63  }
0x52: {  	_ =	swait.ge [sflag:s24], $0x2C00  }
0x53: {  	[sflag:s24] =	ssyncset.done $0x0  }
0x54: {  	s29 =	simm.s32 $0x2780;
	[sflag:s24] =	ssyncadd.s32 $0xFFFFD400  }
0x55: {  	[spmem:s1] =	stream.indirect.scatter.add.f32 [tilespmem:s17], [sflag:$0x3], $0x80, s29, s22, $0xb8;
	[tilespmem:$0x1FB80] =	vst v63  }
0x56: {  	_ =	swait.ge [sflag:s18], $0x2C00  }
0x57: {  	[sflag:s18] =	ssyncset.done $0x0  }
0x58: {  	s29 =	simm.s32 $0xB0;
	[sflag:s18] =	ssyncadd.s32 $0xFFFFD400  }
0x59: {  	[tilespmem:s17], [sflag:$0x1] =	stream.indirect.gather [hbm4b:s14+s22], $0x80, s29, s22, $0xb8;
	[tilespmem:$0x1FB80] =	vst v63  }
0x5a: {  	_ =	swait.ge [sflag:s25], $0x2C00  }
0x5b: {  	[sflag:s25] =	ssyncset.done $0x0  }
0x5c: {  	s29 =	simm.s32 $0x2800;
	[sflag:s25] =	ssyncadd.s32 $0xFFFFD400  }
0x5d: {  	[spmem:s1] =	stream.indirect.scatter.add.f32 [tilespmem:s23], [sflag:$0x3], $0x80, s29, s22, $0xb8;
	[tilespmem:$0x1FB80] =	vst v63  }
0x5e: {  	_ =	swait.ge [sflag:s18], $0x2C00  }
0x5f: {  	s30 =	simm.s32 $0x400;
	[sflag:s18] =	ssyncset.done $0x0  }
0x60: {  	s31 =	simm.s32 $0x1B8;
	s29 =	simm.s32 $0x108;
	[sflag:s18] =	ssyncadd.s32 $0xFFFFD400  }
.LBB2_4:
0x61: {  	[tilespmem:s23], [sflag:$0x2] =	stream.indirect.gather [hbm4b:s14+s22], $0x80, s29, s22, $0xb8;
	[tilespmem:$0x1FB80] =	vst v63  }
0x62: {  	s0 =	smov.u32 s30;
	s29 =	smov.u32 s31  }
0x63: {  	p0 =	sne.s32 s30, $0xDC00;
	s30 =	sadd.s32 $0x400, s30;
	_ =	swait.ge [sflag:s24], $0x2C00  }
0x64: {  	s0 =	sshra.s32 s0, $0x2;
	[sflag:s24] =	ssyncset.done $0x0  }
0x65: {  	s2 =	sadd.s32 $0x2780, s0;
	[sflag:s24] =	ssyncadd.s32 $0xFFFFD400  }
0x66: {  	[spmem:s1] =	stream.indirect.scatter.add.f32 [tilespmem:s17], [sflag:$0x3], $0x80, s2, s22, $0xb8;
	[tilespmem:$0x1FB80] =	vst v63  }
0x67: {  	_ =	swait.ge [sflag:s18], $0x2C00  }
0x68: {  	[sflag:s18] =	ssyncset.done $0x0  }
0x69: {  	s2 =	sadd.s32 $0xFFFFFFA8, s31;
	[sflag:s18] =	ssyncadd.s32 $0xFFFFD400  }
0x6a: {  	[tilespmem:s17], [sflag:$0x1] =	stream.indirect.gather [hbm4b:s14+s22], $0x80, s2, s22, $0xb8;
	[tilespmem:$0x1FB80] =	vst v63  }
0x6b: {  	_ =	swait.ge [sflag:s25], $0x2C00  }
0x6c: {  	[sflag:s25] =	ssyncset.done $0x0  }
.Ltmp1:
0x6d: {  	s0 =	sadd.s32 $0x2800, s0;
	[sflag:s25] =	ssyncadd.s32 $0xFFFFD400;
	(pc) =	sbr.rel @p0 .LBB2_4-.Ltmp1, $4  }
0x6e: {  	[spmem:s1] =	stream.indirect.scatter.add.f32 [tilespmem:s23], [sflag:$0x3], $0x80, s0, s22, $0xb8;
	[tilespmem:$0x1FB80] =	vst v63  }
0x6f: {  	_ =	swait.ge [sflag:s18], $0x2C00  }
0x70: {  	[sflag:s18] =	ssyncset.done $0x0  }
0x71: {  	s31 =	sadd.s32 $0xB0, s31;
	[sflag:s18] =	ssyncadd.s32 $0xFFFFD400  }
0x72: {  	[tilespmem:s23], [sflag:$0x2] =	stream.indirect.gather [hbm4b:s14+s22], $0x80, s29, s22, $0xb8;
	[tilespmem:$0x1FB80] =	vst v63  }
0x73: {  	_ =	swait.ge [sflag:s24], $0x2C00  }
0x74: {  	[sflag:s24] =	ssyncset.done $0x0  }
0x75: {  	[sflag:s24] =	ssyncadd.s32 $0xFFFFD400  }
0x76: {  	[spmem:s1] =	stream.indirect.scatter.add.f32 [tilespmem:s17], [sflag:$0x3], $0x80, s26, s22, $0xb8;
	[tilespmem:$0x1FB80] =	vst v63  }
0x77: {  	_ =	swait.ge [sflag:s18], $0x2C00  }
0x78: {  	[sflag:s18] =	ssyncset.done $0x0  }
0x79: {  	[sflag:s18] =	ssyncadd.s32 $0xFFFFD400  }
0x7a: {  	_ =	swait.ge [sflag:s25], $0x2C00  }
0x7b: {  	[sflag:s25] =	ssyncset.done $0x0  }
0x7c: {  	[sflag:s25] =	ssyncadd.s32 $0xFFFFD400  }
0x7d: {  	[spmem:s1] =	stream.indirect.scatter.add.f32 [tilespmem:s23], [sflag:$0x3], $0x80, s28, s22, $0xb8;
	[tilespmem:$0x1FB80] =	vst v63  }
0x7e: {  	s0 =	stileid.u32;
	_ =	swait.ge [sflag:s18], $0x2C00  }
0x7f: {  	s2 =	sshrl.u32 s4, $0x3;
	s3 =	sadd.s32 $0x1, s3;
	[sflag:s18] =	ssyncset.done $0x0  }
0x80: {  	s0 =	sshll.u32 s0, $0x6;
	p0 =	sne.s32 s3, s16;
	[sflag:s18] =	ssyncadd.s32 $0xFFFFD400  }
.Ltmp2:
0x81: {  	s0 =	sor.u32 $0x1C03, s0;
	[bflag:$0x0] =	sbarrier.arrive $0xFFFF;
	(pc) =	sbr.rel @p0 .LBB2_1-.Ltmp2, $4  }
0x82: {  	[hbm:s15], [sflag:s0] =	dma.local [spmem:s2], $0x2800  }
0x83: {  	_ =	swait.ge [sflag:s18], $0x2800  }
0x84: {  	[sflag:s18] =	ssyncset.done $0x0  }
0x85: {  	[sflag:s18] =	ssyncadd.s32 $0xFFFFD800  }
0x86: {  	_ =	sfence.sel $0x180000  }
0x87: {  	[bflag:$0x0] =	sbarrier.arrive $0xFFFF  }
0x88: {  	_ =	strace $0x90000056  }
0x89: {  	s0 =	stileid.u32;
	[bflag:$0x2] =	sbarrier.arrive $0xFFFF  }
0x8a: {  	p0 =	sne.s32 s0, $0x0;
	s0 =	rddreg [dreg:$0x2]  }
0x8b: {  	s0 =	sadd.s32 @!p0 $0x100000, s0  }
0x8c: {  	[sflag:s0] =	ssyncadd.tile.s32 @!p0 $0x1;
	_ =	shalt  }
.Lfunc_end2:
_tile_overlayer_lowered:
.L_overlay_start_2:
0x8d: {  	(tag) =	ssettag $0x2  }
0x8e: {  	s0 =	rddreg [dreg:$0x0];
	s2 =	stileid.u32  }
0x8f: {  	s1 =	rddreg [dreg:$0x1];
	p0 =	sne.s32 s2, $0x0  }
0x90: {  	s3 =	rddreg [dreg:$0x2];
	[bflag:$0x3] =	sbarrier.arrive $0xFFFF;
	s2 =	simm.s32 @!p0 $0x1C03  }
0x91: {  	[timem:s3], [sflag:s2] =	dma.local @!p0 [hbm:s0], s1  }
0x92: {  	s0 =	simm.s32 @!p0 $0x3  }
0x93: {  	_ =	swait.ge @!p0 [sflag:s0], s1  }
0x94: {  	s1 =	ssub.s32 @!p0 $0x0, s1;
	[sflag:s0] =	ssyncset.done @!p0 $0x0  }
0x95: {  	[sflag:s0] =	ssyncadd.s32 @!p0 s1  }
0x96: {  	[bflag:$0x3] =	sbarrier.arrive $0xFFFF  }
0x97: {  	_ =	shalt  }

</sc_bundles>
